<compile_context>
chip_gen: v7x
topology: tpu7x:2x2x1
jax: 0.10.2.dev20260603
libtpu: 0.0.44.dev20260713+nightly
codegen_flags: <defaults>
</compile_context>

<pallas_src>
import jax
import jax.numpy as jnp
from jax import lax
from jax.experimental import pallas as pl
from jax.experimental.pallas import tpu as pltpu
from jax.experimental.pallas import tpu_sc as plsc

N = 10000
D = 128
NC = 2
NS = 16
NW = NC * NS
LANES = 16

CHUNK = 128
CPT = 80
STG = 8
NSTG = CPT // STG
EPT = CPT * CHUNK
EPAD = NW * EPT
NPAD = 10240
RPT = NPAD // NS
RCH = RPT // CHUNK
BLK = 128
GRID = NPAD // BLK

_mesh = plsc.VectorSubcoreMesh(
    core_axis_name="c", subcore_axis_name="s", num_cores=NC, num_subcores=NS
)


def _deg_body(dst_hbm, out_hbm, dstv, cnt):
    c = lax.axis_index("c")
    s = lax.axis_index("s")
    wid = s * NC + c
    pltpu.sync_copy(dst_hbm.at[wid], dstv)

    zv = jnp.zeros((LANES,), jnp.float32)
    ones = jnp.ones((LANES,), jnp.float32)

    @pl.loop(0, NPAD // LANES)
    def _zero(i):
        cnt[pl.ds(i * LANES, LANES)] = zv

    @pl.loop(0, EPT // LANES)
    def _count(k):
        idx = dstv[pl.ds(k * LANES, LANES)]
        plsc.addupdate_scatter(cnt, [idx], ones)

    pltpu.sync_copy(cnt, out_hbm.at[wid])


_sc_params = pltpu.CompilerParams(needs_layout_passes=False)

_deg_call = pl.kernel(
    _deg_body,
    out_type=jax.ShapeDtypeStruct((NW, NPAD), jnp.float32),
    mesh=_mesh,
    compiler_params=_sc_params,
    scratch_types=[
        pltpu.VMEM((EPT,), jnp.int32),
        pltpu.VMEM((NPAD,), jnp.float32),
    ],
)


def _agg_body(table_hbm, src_hbm, dst_hbm, out_hbm,
              sidx, didx, rows, agg, sem0, sem1):
    c = lax.axis_index("c")
    s = lax.axis_index("s")
    wid = s * NC + c

    zv = jnp.zeros((LANES,), jnp.float32)

    @pl.loop(0, CHUNK)
    def _zrow(i):
        for col in range(D // LANES):
            rows[0, i, pl.ds(col * LANES, LANES)] = zv

    for t in range(RCH):
        pltpu.sync_copy(rows.at[0], agg.at[pl.ds(s * RPT + t * CHUNK, CHUNK)])

    plsc.subcore_barrier()

    sems = [sem0, sem1]

    @pl.loop(0, NSTG)
    def _stage(st):
        pltpu.sync_copy(src_hbm.at[wid, pl.ds(st * STG, STG)], sidx)
        pltpu.sync_copy(dst_hbm.at[wid, pl.ds(st * STG, STG)], didx)
        pltpu.async_copy(table_hbm.at[sidx.at[0]], rows.at[0], sems[0])
        for cc in range(STG):
            if cc + 1 < STG:
                pltpu.async_copy(table_hbm.at[sidx.at[cc + 1]],
                                 rows.at[(cc + 1) % 2], sems[(cc + 1) % 2])
            pltpu.make_async_copy(table_hbm.at[sidx.at[cc]],
                                  rows.at[cc % 2], sems[cc % 2]).wait()
            pltpu.sync_copy(rows.at[cc % 2], agg.at[didx.at[cc]], add=True)

    plsc.subcore_barrier()
    pltpu.sync_copy(agg.at[pl.ds(s * RPT, RPT)],
                    out_hbm.at[c, pl.ds(s * RPT, RPT)])


_agg_call = pl.kernel(
    _agg_body,
    out_type=jax.ShapeDtypeStruct((NC, NPAD, D), jnp.float32),
    mesh=_mesh,
    compiler_params=_sc_params,
    scratch_types=[
        pltpu.VMEM((STG, CHUNK), jnp.int32),
        pltpu.VMEM((STG, CHUNK), jnp.int32),
        pltpu.VMEM((2, CHUNK, D), jnp.float32),
        pltpu.VMEM_SHARED((NPAD, D), jnp.float32),
        pltpu.SemaphoreType.DMA,
        pltpu.SemaphoreType.DMA,
    ],
)


def _dis_block(cnt_ref):
    deg = 1.0 + jnp.sum(cnt_ref[...], axis=0)
    return lax.rsqrt(deg)


def _pre_body(cnt_ref, x_ref, w_ref, hp_ref):
    dis = _dis_block(cnt_ref)
    h = jnp.dot(x_ref[...], w_ref[...], preferred_element_type=jnp.float32)
    hp_ref[...] = dis[:, None] * h


def _mid_body(cnt_ref, p_ref, hp_ref, b_ref, w_ref, hpn_ref):
    dis = _dis_block(cnt_ref)
    tot = p_ref[0] + p_ref[1] + hp_ref[...]
    z = jnp.maximum(dis[:, None] * tot + b_ref[...], 0.0)
    h = jnp.dot(z, w_ref[...], preferred_element_type=jnp.float32)
    hpn_ref[...] = dis[:, None] * h


def _fin_body(cnt_ref, p_ref, hp_ref, b_ref, out_ref):
    dis = _dis_block(cnt_ref)
    o = dis[:, None] * (p_ref[0] + p_ref[1] + hp_ref[...]) + b_ref[...]
    m = jnp.max(o, axis=1, keepdims=True)
    e = jnp.exp(o - m)
    lse = jnp.log(jnp.sum(e, axis=1, keepdims=True))
    out_ref[...] = o - m - lse


_cnt_spec = pl.BlockSpec((NW, BLK), lambda i: (0, i))
_row_spec = pl.BlockSpec((BLK, D), lambda i: (i, 0))
_w_spec = pl.BlockSpec((D, D), lambda i: (0, 0))
_b_spec = pl.BlockSpec((1, D), lambda i: (0, 0))
_p_spec = pl.BlockSpec((NC, BLK, D), lambda i: (0, i, 0))
_out_struct = jax.ShapeDtypeStruct((NPAD, D), jnp.float32)

_pre_call = pl.pallas_call(
    _pre_body, grid=(GRID,),
    in_specs=[_cnt_spec, _row_spec, _w_spec],
    out_specs=_row_spec, out_shape=_out_struct,
)
_mid_call = pl.pallas_call(
    _mid_body, grid=(GRID,),
    in_specs=[_cnt_spec, _p_spec, _row_spec, _b_spec, _w_spec],
    out_specs=_row_spec, out_shape=_out_struct,
)
_fin_call = pl.pallas_call(
    _fin_body, grid=(GRID,),
    in_specs=[_cnt_spec, _p_spec, _row_spec, _b_spec],
    out_specs=_row_spec, out_shape=_out_struct,
)


def kernel(x, edge_index, W1, b1, W2, b2, W3, b3):
    src = edge_index[0]
    dst = edge_index[1]
    e = src.shape[0]
    pad = EPAD - e
    src_p = jnp.concatenate(
        [src, jnp.full((pad,), N, jnp.int32)]).reshape(NW, CPT, CHUNK)
    dst_p = jnp.concatenate(
        [dst, jnp.full((pad,), N, jnp.int32)]).reshape(NW, CPT, CHUNK)
    xp = jnp.zeros((NPAD, D), x.dtype).at[:N].set(x)

    counts = _deg_call(dst_p.reshape(NW, EPT))

    b1r = b1.reshape(1, D)
    b2r = b2.reshape(1, D)
    b3r = b3.reshape(1, D)

    hp1 = _pre_call(counts, xp, W1)
    p1 = _agg_call(hp1, src_p, dst_p)
    hp2 = _mid_call(counts, p1, hp1, b1r, W2)
    p2 = _agg_call(hp2, src_p, dst_p)
    hp3 = _mid_call(counts, p2, hp2, b2r, W3)
    p3 = _agg_call(hp3, src_p, dst_p)
    out = _fin_call(counts, p3, hp3, b3r)
    return out[:N]

# --- scband reference (transcript-rebuilt; emitter-appended) ---
"""Pipeline reference for scband-gcn-26182120636970 (READ-ONLY COPY).

The authoritative reference and input builder live on the scoring server;
editing this copy changes nothing except your own understanding.
"""

import jax, jax.numpy as jnp
import numpy as np

N = 10000
E = 320000
D_IN = 128
D_HID = 128
D_OUT = 128


def setup_inputs(seed: int = 0) -> dict:
    key = jax.random.key(seed)
    ks = jax.random.split(key, 9)
    x = jax.random.normal(ks[0], (N, D_IN), dtype=jnp.float32)
    edge_index = jax.random.randint(ks[1], (2, E), 0, N, dtype=jnp.int32)
    W1 = jax.random.normal(ks[2], (D_IN, D_HID), dtype=jnp.float32) * (1.0 / np.sqrt(D_IN))
    b1 = jax.random.normal(ks[3], (D_HID,), dtype=jnp.float32) * 0.01
    W2 = jax.random.normal(ks[4], (D_HID, D_HID), dtype=jnp.float32) * (1.0 / np.sqrt(D_HID))
    b2 = jax.random.normal(ks[5], (D_HID,), dtype=jnp.float32) * 0.01
    W3 = jax.random.normal(ks[6], (D_HID, D_OUT), dtype=jnp.float32) * (1.0 / np.sqrt(D_HID))
    b3 = jax.random.normal(ks[7], (D_OUT,), dtype=jnp.float32) * 0.01
    return {"x": x, "edge_index": edge_index, "W1": W1, "b1": b1, "W2": W2, "b2": b2, "W3": W3, "b3": b3}


def gcn_conv(x, edge_index, W, b, n_nodes):
    # GCNConv: linear transform, add self-loops, symmetric normalization, scatter-add aggregate
    h = x @ W
    src = edge_index[0]
    dst = edge_index[1]
    loop = jnp.arange(n_nodes, dtype=src.dtype)
    src = jnp.concatenate([src, loop])
    dst = jnp.concatenate([dst, loop])
    ones = jnp.ones(src.shape[0], dtype=h.dtype)
    deg = jnp.zeros((n_nodes,), dtype=h.dtype).at[dst].add(ones)
    deg_inv_sqrt = jnp.where(deg > 0, jax.lax.rsqrt(jnp.maximum(deg, 1e-12)), 0.0)
    norm = deg_inv_sqrt[src] * deg_inv_sqrt[dst]
    msgs = h[src] * norm[:, None]
    out = jnp.zeros((n_nodes, h.shape[1]), dtype=h.dtype).at[dst].add(msgs)
    return out + b


def reference(x, edge_index, W1, b1, W2, b2, W3, b3):
    # dropout is identity in eval mode
    h = gcn_conv(x, edge_index, W1, b1, N)
    h = jax.nn.relu(h)
    h = gcn_conv(h, edge_index, W2, b2, N)
    h = jax.nn.relu(h)
    h = gcn_conv(h, edge_index, W3, b3, N)
    return jax.nn.log_softmax(h, axis=1)

if __name__ == "__main__":
    import jax
    _d = setup_inputs()
    print(jax.jit(kernel)(*tuple(_d.values())))

</pallas_src>

<mosaic_0001>
#map = affine_map<(d0, d1) -> (0, 0)>
#map1 = affine_map<(d0, d1) -> (0, 0, 0)>
module attributes {stable_mosaic.version = 14 : i64} {
  func.func @_agg_body(%arg0: i32, %arg1: i32, %arg2: memref<10240x128xf32, #tpu.memory_space<hbm>>, %arg3: memref<32x80x128xi32, #tpu.memory_space<hbm>>, %arg4: memref<32x80x128xi32, #tpu.memory_space<hbm>>, %arg5: memref<2x10240x128xf32, #tpu.memory_space<hbm>>, %arg6: memref<8x128xi32, #tpu.memory_space<vmem>>, %arg7: memref<8x128xi32, #tpu.memory_space<vmem>>, %arg8: memref<2x128x128xf32, #tpu.memory_space<vmem>>, %arg9: memref<10240x128xf32, #tpu.memory_space<vmem_shared>>, %arg10: memref<!tpu.dma_semaphore, #tpu.memory_space<semaphore_mem>>, %arg11: memref<!tpu.dma_semaphore, #tpu.memory_space<semaphore_mem>>) attributes {dimension_semantics = [#tpu.dimension_semantics<core_parallel>, #tpu.dimension_semantics<subcore_parallel>], iteration_bounds = array<i64: 2, 16>, scalar_prefetch = 0 : i64, scratch_operands = 6 : i64, tpu.core_type = #tpu.core_type<sc_vector_subcore>, window_params = [{transform_indices = #map}, {transform_indices = #map1}, {transform_indices = #map1}, {transform_indices = #map1}]} {
    %mul3A = arith.constant 2 : i32
    %mul3A_0 = arith.muli %arg1, %mul3A : i32
    %add3A = arith.addi %mul3A_0, %arg0 : i32
    %broadcast_in_dim3A = arith.constant 0.000000e+00 : f32
    %broadcast_in_dim3A_1 = vector.broadcast %broadcast_in_dim3A : f32 to vector<16xf32>
    %scan3A = arith.constant 0 : i32
    %scan3A_2 = arith.constant 128 : i32
    %scan3A_3 = arith.addi %scan3A, %scan3A_2 : i32
    %scan3A_4 = arith.constant 1 : i32
    scf.for %scan3A_40 = %scan3A to %scan3A_3 step %scan3A_4  : i32 {
      %mul3A_41 = arith.constant 1 : i32
      %mul3A_42 = arith.muli %scan3A_40, %mul3A_41 : i32
      %add3A_43 = arith.constant 0 : i32
      %add3A_44 = arith.addi %add3A_43, %mul3A_42 : i32
      %swap3A = arith.constant 0 : i32
      %swap3A_45 = arith.index_cast %swap3A : i32 to index
      %swap3A_46 = arith.index_cast %add3A_44 : i32 to index
      %swap3A_47 = arith.constant 0 : index
      %swap3A_48 = tpu.vector_load %arg8[%swap3A_45, %swap3A_46, %swap3A_47] {strides = array<i32>} : memref<2x128x128xf32, #tpu.memory_space<vmem>>, vector<16xf32>,
      tpu.vector_store %arg8[%swap3A_45, %swap3A_46, %swap3A_47], %broadcast_in_dim3A_1 {strides = array<i32>} : memref<2x128x128xf32, #tpu.memory_space<vmem>>, vector<16xf32>,
      %swap3A_49 = arith.constant 0 : i32
      %swap3A_50 = arith.index_cast %swap3A_49 : i32 to index
      %swap3A_51 = arith.index_cast %add3A_44 : i32 to index
      %swap3A_52 = arith.constant 16 : index
      %swap3A_53 = tpu.vector_load %arg8[%swap3A_50, %swap3A_51, %swap3A_52] {strides = array<i32>} : memref<2x128x128xf32, #tpu.memory_space<vmem>>, vector<16xf32>,
      tpu.vector_store %arg8[%swap3A_50, %swap3A_51, %swap3A_52], %broadcast_in_dim3A_1 {strides = array<i32>} : memref<2x128x128xf32, #tpu.memory_space<vmem>>, vector<16xf32>,
      %swap3A_54 = arith.constant 0 : i32
      %swap3A_55 = arith.index_cast %swap3A_54 : i32 to index
      %swap3A_56 = arith.index_cast %add3A_44 : i32 to index
      %swap3A_57 = arith.constant 32 : index
      %swap3A_58 = tpu.vector_load %arg8[%swap3A_55, %swap3A_56, %swap3A_57] {strides = array<i32>} : memref<2x128x128xf32, #tpu.memory_space<vmem>>, vector<16xf32>,
      tpu.vector_store %arg8[%swap3A_55, %swap3A_56, %swap3A_57], %broadcast_in_dim3A_1 {strides = array<i32>} : memref<2x128x128xf32, #tpu.memory_space<vmem>>, vector<16xf32>,
      %swap3A_59 = arith.constant 0 : i32
      %swap3A_60 = arith.index_cast %swap3A_59 : i32 to index
      %swap3A_61 = arith.index_cast %add3A_44 : i32 to index
      %swap3A_62 = arith.constant 48 : index
      %swap3A_63 = tpu.vector_load %arg8[%swap3A_60, %swap3A_61, %swap3A_62] {strides = array<i32>} : memref<2x128x128xf32, #tpu.memory_space<vmem>>, vector<16xf32>,
      tpu.vector_store %arg8[%swap3A_60, %swap3A_61, %swap3A_62], %broadcast_in_dim3A_1 {strides = array<i32>} : memref<2x128x128xf32, #tpu.memory_space<vmem>>, vector<16xf32>,
      %swap3A_64 = arith.constant 0 : i32
      %swap3A_65 = arith.index_cast %swap3A_64 : i32 to index
      %swap3A_66 = arith.index_cast %add3A_44 : i32 to index
      %swap3A_67 = arith.constant 64 : index
      %swap3A_68 = tpu.vector_load %arg8[%swap3A_65, %swap3A_66, %swap3A_67] {strides = array<i32>} : memref<2x128x128xf32, #tpu.memory_space<vmem>>, vector<16xf32>,
      tpu.vector_store %arg8[%swap3A_65, %swap3A_66, %swap3A_67], %broadcast_in_dim3A_1 {strides = array<i32>} : memref<2x128x128xf32, #tpu.memory_space<vmem>>, vector<16xf32>,
      %swap3A_69 = arith.constant 0 : i32
      %swap3A_70 = arith.index_cast %swap3A_69 : i32 to index
      %swap3A_71 = arith.index_cast %add3A_44 : i32 to index
      %swap3A_72 = arith.constant 80 : index
      %swap3A_73 = tpu.vector_load %arg8[%swap3A_70, %swap3A_71, %swap3A_72] {strides = array<i32>} : memref<2x128x128xf32, #tpu.memory_space<vmem>>, vector<16xf32>,
      tpu.vector_store %arg8[%swap3A_70, %swap3A_71, %swap3A_72], %broadcast_in_dim3A_1 {strides = array<i32>} : memref<2x128x128xf32, #tpu.memory_space<vmem>>, vector<16xf32>,
      %swap3A_74 = arith.constant 0 : i32
      %swap3A_75 = arith.index_cast %swap3A_74 : i32 to index
      %swap3A_76 = arith.index_cast %add3A_44 : i32 to index
      %swap3A_77 = arith.constant 96 : index
      %swap3A_78 = tpu.vector_load %arg8[%swap3A_75, %swap3A_76, %swap3A_77] {strides = array<i32>} : memref<2x128x128xf32, #tpu.memory_space<vmem>>, vector<16xf32>,
      tpu.vector_store %arg8[%swap3A_75, %swap3A_76, %swap3A_77], %broadcast_in_dim3A_1 {strides = array<i32>} : memref<2x128x128xf32, #tpu.memory_space<vmem>>, vector<16xf32>,
      %swap3A_79 = arith.constant 0 : i32
      %swap3A_80 = arith.index_cast %swap3A_79 : i32 to index
      %swap3A_81 = arith.index_cast %add3A_44 : i32 to index
      %swap3A_82 = arith.constant 112 : index
      %swap3A_83 = tpu.vector_load %arg8[%swap3A_80, %swap3A_81, %swap3A_82] {strides = array<i32>} : memref<2x128x128xf32, #tpu.memory_space<vmem>>, vector<16xf32>,
      tpu.vector_store %arg8[%swap3A_80, %swap3A_81, %swap3A_82], %broadcast_in_dim3A_1 {strides = array<i32>} : memref<2x128x128xf32, #tpu.memory_space<vmem>>, vector<16xf32>,
    }
    %scan3A_5 = arith.constant 128 : i32
    %mul3A_6 = arith.constant 640 : i32
    %mul3A_7 = arith.muli %arg1, %mul3A_6 : i32
    %add3A_8 = arith.constant 0 : i32
    %add3A_9 = arith.addi %mul3A_7, %add3A_8 : i32
    %run_scoped3A = arith.constant 0 : i32
    "tpu.region"() ({
      %run_scoped3A_40 = tpu.sem_alloc : memref<!tpu.dma_semaphore, #tpu.memory_space<semaphore_mem>>
      %dma_start3A = arith.constant 0 : i32
      %dma_start3A_41 = arith.constant 0 : i32
      %dma_start3A_42 = tpu.memref_slice %arg8[%run_scoped3A, %dma_start3A, %dma_start3A_41] : memref<2x128x128xf32, #tpu.memory_space<vmem>> -> memref<1x128x128xf32, #tpu.memory_space<vmem>>
      %dma_start3A_43 = tpu.memref_squeeze %dma_start3A_42 : memref<1x128x128xf32, #tpu.memory_space<vmem>> -> memref<128x128xf32, #tpu.memory_space<vmem>>
      %dma_start3A_44 = arith.constant 0 : i32
      %dma_start3A_45 = tpu.memref_slice %arg9[%add3A_9, %dma_start3A_44] : memref<10240x128xf32, #tpu.memory_space<vmem_shared>> -> memref<128x128xf32, #tpu.memory_space<vmem_shared>>
      %dma_start3A_46 = arith.constant 0 : i32
      %dma_start3A_47 = tpu.memref_slice %arg9[%add3A_9, %dma_start3A_46] : memref<10240x128xf32, #tpu.memory_space<vmem_shared>> -> memref<128x128xf32, #tpu.memory_space<vmem_shared>>
      %dma_start3A_48 = arith.constant 0 : i32
      %dma_start3A_49 = arith.constant 0 : i32
      %dma_start3A_50 = tpu.memref_slice %arg8[%run_scoped3A, %dma_start3A_48, %dma_start3A_49] : memref<2x128x128xf32, #tpu.memory_space<vmem>> -> memref<1x128x128xf32, #tpu.memory_space<vmem>>
      %dma_start3A_51 = tpu.memref_squeeze %dma_start3A_50 : memref<1x128x128xf32, #tpu.memory_space<vmem>> -> memref<128x128xf32, #tpu.memory_space<vmem>>
      tpu.enqueue_dma source(%dma_start3A_51 : memref<128x128xf32, #tpu.memory_space<vmem>>) target(%dma_start3A_47 : memref<128x128xf32, #tpu.memory_space<vmem_shared>>) target_semaphore(%run_scoped3A_40 : memref<!tpu.dma_semaphore, #tpu.memory_space<semaphore_mem>>)
      %dma_wait3A = arith.constant 0 : i32
      %dma_wait3A_52 = arith.constant 0 : i32
      %dma_wait3A_53 = tpu.memref_slice %arg8[%run_scoped3A, %dma_wait3A, %dma_wait3A_52] : memref<2x128x128xf32, #tpu.memory_space<vmem>> -> memref<1x128x128xf32, #tpu.memory_space<vmem>>
      %dma_wait3A_54 = tpu.memref_squeeze %dma_wait3A_53 : memref<1x128x128xf32, #tpu.memory_space<vmem>> -> memref<128x128xf32, #tpu.memory_space<vmem>>
      %dma_wait3A_55 = arith.constant 0 : i32
      %dma_wait3A_56 = tpu.memref_slice %arg9[%add3A_9, %dma_wait3A_55] : memref<10240x128xf32, #tpu.memory_space<vmem_shared>> -> memref<128x128xf32, #tpu.memory_space<vmem_shared>>
      %dma_wait3A_57 = arith.constant 0 : i32
      %dma_wait3A_58 = tpu.memref_slice %arg9[%add3A_9, %dma_wait3A_57] : memref<10240x128xf32, #tpu.memory_space<vmem_shared>> -> memref<128x128xf32, #tpu.memory_space<vmem_shared>>
      %dma_wait3A_59 = arith.constant 0 : i32
      %dma_wait3A_60 = arith.constant 0 : i32
      %dma_wait3A_61 = tpu.memref_slice %arg8[%run_scoped3A, %dma_wait3A_59, %dma_wait3A_60] : memref<2x128x128xf32, #tpu.memory_space<vmem>> -> memref<1x128x128xf32, #tpu.memory_space<vmem>>
      %dma_wait3A_62 = tpu.memref_squeeze %dma_wait3A_61 : memref<1x128x128xf32, #tpu.memory_space<vmem>> -> memref<128x128xf32, #tpu.memory_space<vmem>>
      tpu.wait_dma2 semaphore(%run_scoped3A_40 : memref<!tpu.dma_semaphore, #tpu.memory_space<semaphore_mem>>) src(%dma_wait3A_62 : memref<128x128xf32, #tpu.memory_space<vmem>>) dst(%dma_wait3A_58 : memref<128x128xf32, #tpu.memory_space<vmem_shared>>)
      tpu.yield
    }) : () -> ()
    %mul3A_10 = arith.constant 640 : i32
    %mul3A_11 = arith.muli %arg1, %mul3A_10 : i32
    %add3A_12 = arith.constant 128 : i32
    %add3A_13 = arith.addi %mul3A_11, %add3A_12 : i32
    %run_scoped3A_14 = arith.constant 0 : i32
    "tpu.region"() ({
      %run_scoped3A_40 = tpu.sem_alloc : memref<!tpu.dma_semaphore, #tpu.memory_space<semaphore_mem>>
      %dma_start3A = arith.constant 0 : i32
      %dma_start3A_41 = arith.constant 0 : i32
      %dma_start3A_42 = tpu.memref_slice %arg8[%run_scoped3A_14, %dma_start3A, %dma_start3A_41] : memref<2x128x128xf32, #tpu.memory_space<vmem>> -> memref<1x128x128xf32, #tpu.memory_space<vmem>>
      %dma_start3A_43 = tpu.memref_squeeze %dma_start3A_42 : memref<1x128x128xf32, #tpu.memory_space<vmem>> -> memref<128x128xf32, #tpu.memory_space<vmem>>
      %dma_start3A_44 = arith.constant 0 : i32
      %dma_start3A_45 = tpu.memref_slice %arg9[%add3A_13, %dma_start3A_44] : memref<10240x128xf32, #tpu.memory_space<vmem_shared>> -> memref<128x128xf32, #tpu.memory_space<vmem_shared>>
      %dma_start3A_46 = arith.constant 0 : i32
      %dma_start3A_47 = tpu.memref_slice %arg9[%add3A_13, %dma_start3A_46] : memref<10240x128xf32, #tpu.memory_space<vmem_shared>> -> memref<128x128xf32, #tpu.memory_space<vmem_shared>>
      %dma_start3A_48 = arith.constant 0 : i32
      %dma_start3A_49 = arith.constant 0 : i32
      %dma_start3A_50 = tpu.memref_slice %arg8[%run_scoped3A_14, %dma_start3A_48, %dma_start3A_49] : memref<2x128x128xf32, #tpu.memory_space<vmem>> -> memref<1x128x128xf32, #tpu.memory_space<vmem>>
      %dma_start3A_51 = tpu.memref_squeeze %dma_start3A_50 : memref<1x128x128xf32, #tpu.memory_space<vmem>> -> memref<128x128xf32, #tpu.memory_space<vmem>>
      tpu.enqueue_dma source(%dma_start3A_51 : memref<128x128xf32, #tpu.memory_space<vmem>>) target(%dma_start3A_47 : memref<128x128xf32, #tpu.memory_space<vmem_shared>>) target_semaphore(%run_scoped3A_40 : memref<!tpu.dma_semaphore, #tpu.memory_space<semaphore_mem>>)
      %dma_wait3A = arith.constant 0 : i32
      %dma_wait3A_52 = arith.constant 0 : i32
      %dma_wait3A_53 = tpu.memref_slice %arg8[%run_scoped3A_14, %dma_wait3A, %dma_wait3A_52] : memref<2x128x128xf32, #tpu.memory_space<vmem>> -> memref<1x128x128xf32, #tpu.memory_space<vmem>>
      %dma_wait3A_54 = tpu.memref_squeeze %dma_wait3A_53 : memref<1x128x128xf32, #tpu.memory_space<vmem>> -> memref<128x128xf32, #tpu.memory_space<vmem>>
      %dma_wait3A_55 = arith.constant 0 : i32
      %dma_wait3A_56 = tpu.memref_slice %arg9[%add3A_13, %dma_wait3A_55] : memref<10240x128xf32, #tpu.memory_space<vmem_shared>> -> memref<128x128xf32, #tpu.memory_space<vmem_shared>>
      %dma_wait3A_57 = arith.constant 0 : i32
      %dma_wait3A_58 = tpu.memref_slice %arg9[%add3A_13, %dma_wait3A_57] : memref<10240x128xf32, #tpu.memory_space<vmem_shared>> -> memref<128x128xf32, #tpu.memory_space<vmem_shared>>
      %dma_wait3A_59 = arith.constant 0 : i32
      %dma_wait3A_60 = arith.constant 0 : i32
      %dma_wait3A_61 = tpu.memref_slice %arg8[%run_scoped3A_14, %dma_wait3A_59, %dma_wait3A_60] : memref<2x128x128xf32, #tpu.memory_space<vmem>> -> memref<1x128x128xf32, #tpu.memory_space<vmem>>
      %dma_wait3A_62 = tpu.memref_squeeze %dma_wait3A_61 : memref<1x128x128xf32, #tpu.memory_space<vmem>> -> memref<128x128xf32, #tpu.memory_space<vmem>>
      tpu.wait_dma2 semaphore(%run_scoped3A_40 : memref<!tpu.dma_semaphore, #tpu.memory_space<semaphore_mem>>) src(%dma_wait3A_62 : memref<128x128xf32, #tpu.memory_space<vmem>>) dst(%dma_wait3A_58 : memref<128x128xf32, #tpu.memory_space<vmem_shared>>)
      tpu.yield
    }) : () -> ()
    %mul3A_15 = arith.constant 640 : i32
    %mul3A_16 = arith.muli %arg1, %mul3A_15 : i32
    %add3A_17 = arith.constant 256 : i32
    %add3A_18 = arith.addi %mul3A_16, %add3A_17 : i32
    %run_scoped3A_19 = arith.constant 0 : i32
    "tpu.region"() ({
      %run_scoped3A_40 = tpu.sem_alloc : memref<!tpu.dma_semaphore, #tpu.memory_space<semaphore_mem>>
      %dma_start3A = arith.constant 0 : i32
      %dma_start3A_41 = arith.constant 0 : i32
      %dma_start3A_42 = tpu.memref_slice %arg8[%run_scoped3A_19, %dma_start3A, %dma_start3A_41] : memref<2x128x128xf32, #tpu.memory_space<vmem>> -> memref<1x128x128xf32, #tpu.memory_space<vmem>>
      %dma_start3A_43 = tpu.memref_squeeze %dma_start3A_42 : memref<1x128x128xf32, #tpu.memory_space<vmem>> -> memref<128x128xf32, #tpu.memory_space<vmem>>
      %dma_start3A_44 = arith.constant 0 : i32
      %dma_start3A_45 = tpu.memref_slice %arg9[%add3A_18, %dma_start3A_44] : memref<10240x128xf32, #tpu.memory_space<vmem_shared>> -> memref<128x128xf32, #tpu.memory_space<vmem_shared>>
      %dma_start3A_46 = arith.constant 0 : i32
      %dma_start3A_47 = tpu.memref_slice %arg9[%add3A_18, %dma_start3A_46] : memref<10240x128xf32, #tpu.memory_space<vmem_shared>> -> memref<128x128xf32, #tpu.memory_space<vmem_shared>>
      %dma_start3A_48 = arith.constant 0 : i32
      %dma_start3A_49 = arith.constant 0 : i32
      %dma_start3A_50 = tpu.memref_slice %arg8[%run_scoped3A_19, %dma_start3A_48, %dma_start3A_49] : memref<2x128x128xf32, #tpu.memory_space<vmem>> -> memref<1x128x128xf32, #tpu.memory_space<vmem>>
      %dma_start3A_51 = tpu.memref_squeeze %dma_start3A_50 : memref<1x128x128xf32, #tpu.memory_space<vmem>> -> memref<128x128xf32, #tpu.memory_space<vmem>>
      tpu.enqueue_dma source(%dma_start3A_51 : memref<128x128xf32, #tpu.memory_space<vmem>>) target(%dma_start3A_47 : memref<128x128xf32, #tpu.memory_space<vmem_shared>>) target_semaphore(%run_scoped3A_40 : memref<!tpu.dma_semaphore, #tpu.memory_space<semaphore_mem>>)
      %dma_wait3A = arith.constant 0 : i32
      %dma_wait3A_52 = arith.constant 0 : i32
      %dma_wait3A_53 = tpu.memref_slice %arg8[%run_scoped3A_19, %dma_wait3A, %dma_wait3A_52] : memref<2x128x128xf32, #tpu.memory_space<vmem>> -> memref<1x128x128xf32, #tpu.memory_space<vmem>>
      %dma_wait3A_54 = tpu.memref_squeeze %dma_wait3A_53 : memref<1x128x128xf32, #tpu.memory_space<vmem>> -> memref<128x128xf32, #tpu.memory_space<vmem>>
      %dma_wait3A_55 = arith.constant 0 : i32
      %dma_wait3A_56 = tpu.memref_slice %arg9[%add3A_18, %dma_wait3A_55] : memref<10240x128xf32, #tpu.memory_space<vmem_shared>> -> memref<128x128xf32, #tpu.memory_space<vmem_shared>>
      %dma_wait3A_57 = arith.constant 0 : i32
      %dma_wait3A_58 = tpu.memref_slice %arg9[%add3A_18, %dma_wait3A_57] : memref<10240x128xf32, #tpu.memory_space<vmem_shared>> -> memref<128x128xf32, #tpu.memory_space<vmem_shared>>
      %dma_wait3A_59 = arith.constant 0 : i32
      %dma_wait3A_60 = arith.constant 0 : i32
      %dma_wait3A_61 = tpu.memref_slice %arg8[%run_scoped3A_19, %dma_wait3A_59, %dma_wait3A_60] : memref<2x128x128xf32, #tpu.memory_space<vmem>> -> memref<1x128x128xf32, #tpu.memory_space<vmem>>
      %dma_wait3A_62 = tpu.memref_squeeze %dma_wait3A_61 : memref<1x128x128xf32, #tpu.memory_space<vmem>> -> memref<128x128xf32, #tpu.memory_space<vmem>>
      tpu.wait_dma2 semaphore(%run_scoped3A_40 : memref<!tpu.dma_semaphore, #tpu.memory_space<semaphore_mem>>) src(%dma_wait3A_62 : memref<128x128xf32, #tpu.memory_space<vmem>>) dst(%dma_wait3A_58 : memref<128x128xf32, #tpu.memory_space<vmem_shared>>)
      tpu.yield
    }) : () -> ()
    %mul3A_20 = arith.constant 640 : i32
    %mul3A_21 = arith.muli %arg1, %mul3A_20 : i32
    %add3A_22 = arith.constant 384 : i32
    %add3A_23 = arith.addi %mul3A_21, %add3A_22 : i32
    %run_scoped3A_24 = arith.constant 0 : i32
    "tpu.region"() ({
      %run_scoped3A_40 = tpu.sem_alloc : memref<!tpu.dma_semaphore, #tpu.memory_space<semaphore_mem>>
      %dma_start3A = arith.constant 0 : i32
      %dma_start3A_41 = arith.constant 0 : i32
      %dma_start3A_42 = tpu.memref_slice %arg8[%run_scoped3A_24, %dma_start3A, %dma_start3A_41] : memref<2x128x128xf32, #tpu.memory_space<vmem>> -> memref<1x128x128xf32, #tpu.memory_space<vmem>>
      %dma_start3A_43 = tpu.memref_squeeze %dma_start3A_42 : memref<1x128x128xf32, #tpu.memory_space<vmem>> -> memref<128x128xf32, #tpu.memory_space<vmem>>
      %dma_start3A_44 = arith.constant 0 : i32
      %dma_start3A_45 = tpu.memref_slice %arg9[%add3A_23, %dma_start3A_44] : memref<10240x128xf32, #tpu.memory_space<vmem_shared>> -> memref<128x128xf32, #tpu.memory_space<vmem_shared>>
      %dma_start3A_46 = arith.constant 0 : i32
      %dma_start3A_47 = tpu.memref_slice %arg9[%add3A_23, %dma_start3A_46] : memref<10240x128xf32, #tpu.memory_space<vmem_shared>> -> memref<128x128xf32, #tpu.memory_space<vmem_shared>>
      %dma_start3A_48 = arith.constant 0 : i32
      %dma_start3A_49 = arith.constant 0 : i32
      %dma_start3A_50 = tpu.memref_slice %arg8[%run_scoped3A_24, %dma_start3A_48, %dma_start3A_49] : memref<2x128x128xf32, #tpu.memory_space<vmem>> -> memref<1x128x128xf32, #tpu.memory_space<vmem>>
      %dma_start3A_51 = tpu.memref_squeeze %dma_start3A_50 : memref<1x128x128xf32, #tpu.memory_space<vmem>> -> memref<128x128xf32, #tpu.memory_space<vmem>>
      tpu.enqueue_dma source(%dma_start3A_51 : memref<128x128xf32, #tpu.memory_space<vmem>>) target(%dma_start3A_47 : memref<128x128xf32, #tpu.memory_space<vmem_shared>>) target_semaphore(%run_scoped3A_40 : memref<!tpu.dma_semaphore, #tpu.memory_space<semaphore_mem>>)
      %dma_wait3A = arith.constant 0 : i32
      %dma_wait3A_52 = arith.constant 0 : i32
      %dma_wait3A_53 = tpu.memref_slice %arg8[%run_scoped3A_24, %dma_wait3A, %dma_wait3A_52] : memref<2x128x128xf32, #tpu.memory_space<vmem>> -> memref<1x128x128xf32, #tpu.memory_space<vmem>>
      %dma_wait3A_54 = tpu.memref_squeeze %dma_wait3A_53 : memref<1x128x128xf32, #tpu.memory_space<vmem>> -> memref<128x128xf32, #tpu.memory_space<vmem>>
      %dma_wait3A_55 = arith.constant 0 : i32
      %dma_wait3A_56 = tpu.memref_slice %arg9[%add3A_23, %dma_wait3A_55] : memref<10240x128xf32, #tpu.memory_space<vmem_shared>> -> memref<128x128xf32, #tpu.memory_space<vmem_shared>>
      %dma_wait3A_57 = arith.constant 0 : i32
      %dma_wait3A_58 = tpu.memref_slice %arg9[%add3A_23, %dma_wait3A_57] : memref<10240x128xf32, #tpu.memory_space<vmem_shared>> -> memref<128x128xf32, #tpu.memory_space<vmem_shared>>
      %dma_wait3A_59 = arith.constant 0 : i32
      %dma_wait3A_60 = arith.constant 0 : i32
      %dma_wait3A_61 = tpu.memref_slice %arg8[%run_scoped3A_24, %dma_wait3A_59, %dma_wait3A_60] : memref<2x128x128xf32, #tpu.memory_space<vmem>> -> memref<1x128x128xf32, #tpu.memory_space<vmem>>
      %dma_wait3A_62 = tpu.memref_squeeze %dma_wait3A_61 : memref<1x128x128xf32, #tpu.memory_space<vmem>> -> memref<128x128xf32, #tpu.memory_space<vmem>>
      tpu.wait_dma2 semaphore(%run_scoped3A_40 : memref<!tpu.dma_semaphore, #tpu.memory_space<semaphore_mem>>) src(%dma_wait3A_62 : memref<128x128xf32, #tpu.memory_space<vmem>>) dst(%dma_wait3A_58 : memref<128x128xf32, #tpu.memory_space<vmem_shared>>)
      tpu.yield
    }) : () -> ()
    %mul3A_25 = arith.constant 640 : i32
    %mul3A_26 = arith.muli %arg1, %mul3A_25 : i32
    %add3A_27 = arith.constant 512 : i32
    %add3A_28 = arith.addi %mul3A_26, %add3A_27 : i32
    %run_scoped3A_29 = arith.constant 0 : i32
    "tpu.region"() ({
      %run_scoped3A_40 = tpu.sem_alloc : memref<!tpu.dma_semaphore, #tpu.memory_space<semaphore_mem>>
      %dma_start3A = arith.constant 0 : i32
      %dma_start3A_41 = arith.constant 0 : i32
      %dma_start3A_42 = tpu.memref_slice %arg8[%run_scoped3A_29, %dma_start3A, %dma_start3A_41] : memref<2x128x128xf32, #tpu.memory_space<vmem>> -> memref<1x128x128xf32, #tpu.memory_space<vmem>>
      %dma_start3A_43 = tpu.memref_squeeze %dma_start3A_42 : memref<1x128x128xf32, #tpu.memory_space<vmem>> -> memref<128x128xf32, #tpu.memory_space<vmem>>
      %dma_start3A_44 = arith.constant 0 : i32
      %dma_start3A_45 = tpu.memref_slice %arg9[%add3A_28, %dma_start3A_44] : memref<10240x128xf32, #tpu.memory_space<vmem_shared>> -> memref<128x128xf32, #tpu.memory_space<vmem_shared>>
      %dma_start3A_46 = arith.constant 0 : i32
      %dma_start3A_47 = tpu.memref_slice %arg9[%add3A_28, %dma_start3A_46] : memref<10240x128xf32, #tpu.memory_space<vmem_shared>> -> memref<128x128xf32, #tpu.memory_space<vmem_shared>>
      %dma_start3A_48 = arith.constant 0 : i32
      %dma_start3A_49 = arith.constant 0 : i32
      %dma_start3A_50 = tpu.memref_slice %arg8[%run_scoped3A_29, %dma_start3A_48, %dma_start3A_49] : memref<2x128x128xf32, #tpu.memory_space<vmem>> -> memref<1x128x128xf32, #tpu.memory_space<vmem>>
      %dma_start3A_51 = tpu.memref_squeeze %dma_start3A_50 : memref<1x128x128xf32, #tpu.memory_space<vmem>> -> memref<128x128xf32, #tpu.memory_space<vmem>>
      tpu.enqueue_dma source(%dma_start3A_51 : memref<128x128xf32, #tpu.memory_space<vmem>>) target(%dma_start3A_47 : memref<128x128xf32, #tpu.memory_space<vmem_shared>>) target_semaphore(%run_scoped3A_40 : memref<!tpu.dma_semaphore, #tpu.memory_space<semaphore_mem>>)
      %dma_wait3A = arith.constant 0 : i32
      %dma_wait3A_52 = arith.constant 0 : i32
      %dma_wait3A_53 = tpu.memref_slice %arg8[%run_scoped3A_29, %dma_wait3A, %dma_wait3A_52] : memref<2x128x128xf32, #tpu.memory_space<vmem>> -> memref<1x128x128xf32, #tpu.memory_space<vmem>>
      %dma_wait3A_54 = tpu.memref_squeeze %dma_wait3A_53 : memref<1x128x128xf32, #tpu.memory_space<vmem>> -> memref<128x128xf32, #tpu.memory_space<vmem>>
      %dma_wait3A_55 = arith.constant 0 : i32
      %dma_wait3A_56 = tpu.memref_slice %arg9[%add3A_28, %dma_wait3A_55] : memref<10240x128xf32, #tpu.memory_space<vmem_shared>> -> memref<128x128xf32, #tpu.memory_space<vmem_shared>>
      %dma_wait3A_57 = arith.constant 0 : i32
      %dma_wait3A_58 = tpu.memref_slice %arg9[%add3A_28, %dma_wait3A_57] : memref<10240x128xf32, #tpu.memory_space<vmem_shared>> -> memref<128x128xf32, #tpu.memory_space<vmem_shared>>
      %dma_wait3A_59 = arith.constant 0 : i32
      %dma_wait3A_60 = arith.constant 0 : i32
      %dma_wait3A_61 = tpu.memref_slice %arg8[%run_scoped3A_29, %dma_wait3A_59, %dma_wait3A_60] : memref<2x128x128xf32, #tpu.memory_space<vmem>> -> memref<1x128x128xf32, #tpu.memory_space<vmem>>
      %dma_wait3A_62 = tpu.memref_squeeze %dma_wait3A_61 : memref<1x128x128xf32, #tpu.memory_space<vmem>> -> memref<128x128xf32, #tpu.memory_space<vmem>>
      tpu.wait_dma2 semaphore(%run_scoped3A_40 : memref<!tpu.dma_semaphore, #tpu.memory_space<semaphore_mem>>) src(%dma_wait3A_62 : memref<128x128xf32, #tpu.memory_space<vmem>>) dst(%dma_wait3A_58 : memref<128x128xf32, #tpu.memory_space<vmem_shared>>)
      tpu.yield
    }) : () -> ()
    %barrier3A = arith.constant 0 : index
    tpu.barrier barrier_id(%barrier3A)
    %scan3A_30 = arith.constant 0 : i32
    %scan3A_31 = arith.constant 10 : i32
    %scan3A_32 = arith.addi %scan3A_30, %scan3A_31 : i32
    %scan3A_33 = arith.constant 1 : i32
    scf.for %scan3A_40 = %scan3A_30 to %scan3A_32 step %scan3A_33  : i32 {
      %mul3A_41 = arith.constant 1 : i32
      %mul3A_42 = arith.muli %scan3A_40, %mul3A_41 : i32
      %add3A_43 = arith.constant 0 : i32
      %add3A_44 = arith.addi %add3A_43, %mul3A_42 : i32
      %mul3A_45 = arith.constant 8 : i32
      %mul3A_46 = arith.muli %add3A_44, %mul3A_45 : i32
      "tpu.region"() ({
        %run_scoped3A_255 = tpu.sem_alloc : memref<!tpu.dma_semaphore, #tpu.memory_space<semaphore_mem>>
        %dma_start3A_256 = arith.constant 0 : i32
        %dma_start3A_257 = tpu.memref_slice %arg3[%add3A, %mul3A_46, %dma_start3A_256] : memref<32x80x128xi32, #tpu.memory_space<hbm>> -> memref<1x8x128xi32, #tpu.memory_space<hbm>>
        %dma_start3A_258 = tpu.memref_squeeze %dma_start3A_257 : memref<1x8x128xi32, #tpu.memory_space<hbm>> -> memref<8x128xi32, #tpu.memory_space<hbm>>
        %dma_start3A_259 = arith.constant 0 : i32
        %dma_start3A_260 = tpu.memref_slice %arg3[%add3A, %mul3A_46, %dma_start3A_259] : memref<32x80x128xi32, #tpu.memory_space<hbm>> -> memref<1x8x128xi32, #tpu.memory_space<hbm>>
        %dma_start3A_261 = tpu.memref_squeeze %dma_start3A_260 : memref<1x8x128xi32, #tpu.memory_space<hbm>> -> memref<8x128xi32, #tpu.memory_space<hbm>>
        tpu.enqueue_dma source(%dma_start3A_261 : memref<8x128xi32, #tpu.memory_space<hbm>>) target(%arg6 : memref<8x128xi32, #tpu.memory_space<vmem>>) target_semaphore(%run_scoped3A_255 : memref<!tpu.dma_semaphore, #tpu.memory_space<semaphore_mem>>)
        %dma_wait3A_262 = arith.constant 0 : i32
        %dma_wait3A_263 = tpu.memref_slice %arg3[%add3A, %mul3A_46, %dma_wait3A_262] : memref<32x80x128xi32, #tpu.memory_space<hbm>> -> memref<1x8x128xi32, #tpu.memory_space<hbm>>
        %dma_wait3A_264 = tpu.memref_squeeze %dma_wait3A_263 : memref<1x8x128xi32, #tpu.memory_space<hbm>> -> memref<8x128xi32, #tpu.memory_space<hbm>>
        %dma_wait3A_265 = arith.constant 0 : i32
        %dma_wait3A_266 = tpu.memref_slice %arg3[%add3A, %mul3A_46, %dma_wait3A_265] : memref<32x80x128xi32, #tpu.memory_space<hbm>> -> memref<1x8x128xi32, #tpu.memory_space<hbm>>
        %dma_wait3A_267 = tpu.memref_squeeze %dma_wait3A_266 : memref<1x8x128xi32, #tpu.memory_space<hbm>> -> memref<8x128xi32, #tpu.memory_space<hbm>>
        tpu.wait_dma2 semaphore(%run_scoped3A_255 : memref<!tpu.dma_semaphore, #tpu.memory_space<semaphore_mem>>) src(%dma_wait3A_267 : memref<8x128xi32, #tpu.memory_space<hbm>>) dst(%arg6 : memref<8x128xi32, #tpu.memory_space<vmem>>)
        tpu.yield
      }) : () -> ()
      %mul3A_47 = arith.constant 8 : i32
      %mul3A_48 = arith.muli %add3A_44, %mul3A_47 : i32
      "tpu.region"() ({
        %run_scoped3A_255 = tpu.sem_alloc : memref<!tpu.dma_semaphore, #tpu.memory_space<semaphore_mem>>
        %dma_start3A_256 = arith.constant 0 : i32
        %dma_start3A_257 = tpu.memref_slice %arg4[%add3A, %mul3A_48, %dma_start3A_256] : memref<32x80x128xi32, #tpu.memory_space<hbm>> -> memref<1x8x128xi32, #tpu.memory_space<hbm>>
        %dma_start3A_258 = tpu.memref_squeeze %dma_start3A_257 : memref<1x8x128xi32, #tpu.memory_space<hbm>> -> memref<8x128xi32, #tpu.memory_space<hbm>>
        %dma_start3A_259 = arith.constant 0 : i32
        %dma_start3A_260 = tpu.memref_slice %arg4[%add3A, %mul3A_48, %dma_start3A_259] : memref<32x80x128xi32, #tpu.memory_space<hbm>> -> memref<1x8x128xi32, #tpu.memory_space<hbm>>
        %dma_start3A_261 = tpu.memref_squeeze %dma_start3A_260 : memref<1x8x128xi32, #tpu.memory_space<hbm>> -> memref<8x128xi32, #tpu.memory_space<hbm>>
        tpu.enqueue_dma source(%dma_start3A_261 : memref<8x128xi32, #tpu.memory_space<hbm>>) target(%arg7 : memref<8x128xi32, #tpu.memory_space<vmem>>) target_semaphore(%run_scoped3A_255 : memref<!tpu.dma_semaphore, #tpu.memory_space<semaphore_mem>>)
        %dma_wait3A_262 = arith.constant 0 : i32
        %dma_wait3A_263 = tpu.memref_slice %arg4[%add3A, %mul3A_48, %dma_wait3A_262] : memref<32x80x128xi32, #tpu.memory_space<hbm>> -> memref<1x8x128xi32, #tpu.memory_space<hbm>>
        %dma_wait3A_264 = tpu.memref_squeeze %dma_wait3A_263 : memref<1x8x128xi32, #tpu.memory_space<hbm>> -> memref<8x128xi32, #tpu.memory_space<hbm>>
        %dma_wait3A_265 = arith.constant 0 : i32
        %dma_wait3A_266 = tpu.memref_slice %arg4[%add3A, %mul3A_48, %dma_wait3A_265] : memref<32x80x128xi32, #tpu.memory_space<hbm>> -> memref<1x8x128xi32, #tpu.memory_space<hbm>>
        %dma_wait3A_267 = tpu.memref_squeeze %dma_wait3A_266 : memref<1x8x128xi32, #tpu.memory_space<hbm>> -> memref<8x128xi32, #tpu.memory_space<hbm>>
        tpu.wait_dma2 semaphore(%run_scoped3A_255 : memref<!tpu.dma_semaphore, #tpu.memory_space<semaphore_mem>>) src(%dma_wait3A_267 : memref<8x128xi32, #tpu.memory_space<hbm>>) dst(%arg7 : memref<8x128xi32, #tpu.memory_space<vmem>>)
        tpu.yield
      }) : () -> ()
      %dma_start3A = arith.constant 0 : i32
      %dma_start3A_49 = arith.constant 0 : i32
      %dma_start3A_50 = arith.constant 0 : i32
      %dma_start3A_51 = arith.constant 0 : i32
      %dma_start3A_52 = tpu.memref_slice %arg8[%dma_start3A_49, %dma_start3A_50, %dma_start3A_51] : memref<2x128x128xf32, #tpu.memory_space<vmem>> -> memref<1x128x128xf32, #tpu.memory_space<vmem>>
      %dma_start3A_53 = tpu.memref_squeeze %dma_start3A_52 : memref<1x128x128xf32, #tpu.memory_space<vmem>> -> memref<128x128xf32, #tpu.memory_space<vmem>>
      %dma_start3A_54 = arith.constant 0 : i32
      %dma_start3A_55 = tpu.memref_slice %arg6[%dma_start3A, %dma_start3A_54] : memref<8x128xi32, #tpu.memory_space<vmem>> -> memref<1x128xi32, #tpu.memory_space<vmem>>
      %dma_start3A_56 = tpu.memref_squeeze %dma_start3A_55 : memref<1x128xi32, #tpu.memory_space<vmem>> -> memref<128xi32, #tpu.memory_space<vmem>>
      %dma_start3A_57 = arith.constant 0 : i32
      %dma_start3A_58 = arith.constant 0 : i32
      %dma_start3A_59 = tpu.memref_slice %arg2[%dma_start3A_57, %dma_start3A_58] : memref<10240x128xf32, #tpu.memory_space<hbm>> -> memref<10240x128xf32, #tpu.memory_space<hbm>>
      tpu.enqueue_indirect_dma source(%dma_start3A_59 : memref<10240x128xf32, #tpu.memory_space<hbm>>) target(%dma_start3A_53 : memref<128x128xf32, #tpu.memory_space<vmem>>) offsets(%dma_start3A_56 : memref<128xi32, #tpu.memory_space<vmem>>) semaphore(%arg10 : memref<!tpu.dma_semaphore, #tpu.memory_space<semaphore_mem>>)
      %dma_start3A_60 = arith.constant 1 : i32
      %dma_start3A_61 = arith.constant 1 : i32
      %dma_start3A_62 = arith.constant 0 : i32
      %dma_start3A_63 = arith.constant 0 : i32
      %dma_start3A_64 = tpu.memref_slice %arg8[%dma_start3A_61, %dma_start3A_62, %dma_start3A_63] : memref<2x128x128xf32, #tpu.memory_space<vmem>> -> memref<1x128x128xf32, #tpu.memory_space<vmem>>
      %dma_start3A_65 = tpu.memref_squeeze %dma_start3A_64 : memref<1x128x128xf32, #tpu.memory_space<vmem>> -> memref<128x128xf32, #tpu.memory_space<vmem>>
      %dma_start3A_66 = arith.constant 0 : i32
      %dma_start3A_67 = tpu.memref_slice %arg6[%dma_start3A_60, %dma_start3A_66] : memref<8x128xi32, #tpu.memory_space<vmem>> -> memref<1x128xi32, #tpu.memory_space<vmem>>
      %dma_start3A_68 = tpu.memref_squeeze %dma_start3A_67 : memref<1x128xi32, #tpu.memory_space<vmem>> -> memref<128xi32, #tpu.memory_space<vmem>>
      %dma_start3A_69 = arith.constant 0 : i32
      %dma_start3A_70 = arith.constant 0 : i32
      %dma_start3A_71 = tpu.memref_slice %arg2[%dma_start3A_69, %dma_start3A_70] : memref<10240x128xf32, #tpu.memory_space<hbm>> -> memref<10240x128xf32, #tpu.memory_space<hbm>>
      tpu.enqueue_indirect_dma source(%dma_start3A_71 : memref<10240x128xf32, #tpu.memory_space<hbm>>) target(%dma_start3A_65 : memref<128x128xf32, #tpu.memory_space<vmem>>) offsets(%dma_start3A_68 : memref<128xi32, #tpu.memory_space<vmem>>) semaphore(%arg11 : memref<!tpu.dma_semaphore, #tpu.memory_space<semaphore_mem>>)
      %dma_wait3A = arith.constant 0 : i32
      %dma_wait3A_72 = arith.constant 0 : i32
      %dma_wait3A_73 = arith.constant 0 : i32
      %dma_wait3A_74 = arith.constant 0 : i32
      %dma_wait3A_75 = tpu.memref_slice %arg8[%dma_wait3A_72, %dma_wait3A_73, %dma_wait3A_74] : memref<2x128x128xf32, #tpu.memory_space<vmem>> -> memref<1x128x128xf32, #tpu.memory_space<vmem>>
      %dma_wait3A_76 = tpu.memref_squeeze %dma_wait3A_75 : memref<1x128x128xf32, #tpu.memory_space<vmem>> -> memref<128x128xf32, #tpu.memory_space<vmem>>
      %dma_wait3A_77 = arith.constant 0 : i32
      %dma_wait3A_78 = tpu.memref_slice %arg6[%dma_wait3A, %dma_wait3A_77] : memref<8x128xi32, #tpu.memory_space<vmem>> -> memref<1x128xi32, #tpu.memory_space<vmem>>
      %dma_wait3A_79 = tpu.memref_squeeze %dma_wait3A_78 : memref<1x128xi32, #tpu.memory_space<vmem>> -> memref<128xi32, #tpu.memory_space<vmem>>
      %dma_wait3A_80 = arith.constant 0 : i32
      %dma_wait3A_81 = arith.constant 0 : i32
      %dma_wait3A_82 = tpu.memref_slice %arg2[%dma_wait3A_80, %dma_wait3A_81] : memref<10240x128xf32, #tpu.memory_space<hbm>> -> memref<10240x128xf32, #tpu.memory_space<hbm>>
      tpu.wait_indirect_dma semaphore(%arg10 : memref<!tpu.dma_semaphore, #tpu.memory_space<semaphore_mem>>) src(%dma_wait3A_82 : memref<10240x128xf32, #tpu.memory_space<hbm>>) dst(%dma_wait3A_76 : memref<128x128xf32, #tpu.memory_space<vmem>>)
      %run_scoped3A_83 = arith.constant 0 : i32
      %run_scoped3A_84 = arith.constant 0 : i32
      "tpu.region"() ({
        %run_scoped3A_255 = tpu.sem_alloc : memref<!tpu.dma_semaphore, #tpu.memory_space<semaphore_mem>>
        %dma_start3A_256 = arith.constant 0 : i32
        %dma_start3A_257 = arith.constant 0 : i32
        %dma_start3A_258 = tpu.memref_slice %arg8[%run_scoped3A_83, %dma_start3A_256, %dma_start3A_257] : memref<2x128x128xf32, #tpu.memory_space<vmem>> -> memref<1x128x128xf32, #tpu.memory_space<vmem>>
        %dma_start3A_259 = tpu.memref_squeeze %dma_start3A_258 : memref<1x128x128xf32, #tpu.memory_space<vmem>> -> memref<128x128xf32, #tpu.memory_space<vmem>>
        %dma_start3A_260 = arith.constant 0 : i32
        %dma_start3A_261 = tpu.memref_slice %arg7[%run_scoped3A_84, %dma_start3A_260] : memref<8x128xi32, #tpu.memory_space<vmem>> -> memref<1x128xi32, #tpu.memory_space<vmem>>
        %dma_start3A_262 = tpu.memref_squeeze %dma_start3A_261 : memref<1x128xi32, #tpu.memory_space<vmem>> -> memref<128xi32, #tpu.memory_space<vmem>>
        %dma_start3A_263 = arith.constant 0 : i32
        %dma_start3A_264 = arith.constant 0 : i32
        %dma_start3A_265 = tpu.memref_slice %arg9[%dma_start3A_263, %dma_start3A_264] : memref<10240x128xf32, #tpu.memory_space<vmem_shared>> -> memref<10240x128xf32, #tpu.memory_space<vmem_shared>>
        tpu.enqueue_indirect_dma source(%dma_start3A_259 : memref<128x128xf32, #tpu.memory_space<vmem>>) target(%dma_start3A_265 : memref<10240x128xf32, #tpu.memory_space<vmem_shared>>) offsets(%dma_start3A_262 : memref<128xi32, #tpu.memory_space<vmem>>) semaphore(%run_scoped3A_255 : memref<!tpu.dma_semaphore, #tpu.memory_space<semaphore_mem>>) {add = true}
        %dma_wait3A_266 = arith.constant 0 : i32
        %dma_wait3A_267 = arith.constant 0 : i32
        %dma_wait3A_268 = tpu.memref_slice %arg8[%run_scoped3A_83, %dma_wait3A_266, %dma_wait3A_267] : memref<2x128x128xf32, #tpu.memory_space<vmem>> -> memref<1x128x128xf32, #tpu.memory_space<vmem>>
        %dma_wait3A_269 = tpu.memref_squeeze %dma_wait3A_268 : memref<1x128x128xf32, #tpu.memory_space<vmem>> -> memref<128x128xf32, #tpu.memory_space<vmem>>
        %dma_wait3A_270 = arith.constant 0 : i32
        %dma_wait3A_271 = tpu.memref_slice %arg7[%run_scoped3A_84, %dma_wait3A_270] : memref<8x128xi32, #tpu.memory_space<vmem>> -> memref<1x128xi32, #tpu.memory_space<vmem>>
        %dma_wait3A_272 = tpu.memref_squeeze %dma_wait3A_271 : memref<1x128xi32, #tpu.memory_space<vmem>> -> memref<128xi32, #tpu.memory_space<vmem>>
        %dma_wait3A_273 = arith.constant 0 : i32
        %dma_wait3A_274 = arith.constant 0 : i32
        %dma_wait3A_275 = tpu.memref_slice %arg9[%dma_wait3A_273, %dma_wait3A_274] : memref<10240x128xf32, #tpu.memory_space<vmem_shared>> -> memref<10240x128xf32, #tpu.memory_space<vmem_shared>>
        tpu.wait_indirect_dma semaphore(%run_scoped3A_255 : memref<!tpu.dma_semaphore, #tpu.memory_space<semaphore_mem>>) src(%dma_wait3A_269 : memref<128x128xf32, #tpu.memory_space<vmem>>) dst(%dma_wait3A_275 : memref<10240x128xf32, #tpu.memory_space<vmem_shared>>)
        tpu.yield
      }) : () -> ()
      %dma_start3A_85 = arith.constant 2 : i32
      %dma_start3A_86 = arith.constant 0 : i32
      %dma_start3A_87 = arith.constant 0 : i32
      %dma_start3A_88 = arith.constant 0 : i32
      %dma_start3A_89 = tpu.memref_slice %arg8[%dma_start3A_86, %dma_start3A_87, %dma_start3A_88] : memref<2x128x128xf32, #tpu.memory_space<vmem>> -> memref<1x128x128xf32, #tpu.memory_space<vmem>>
      %dma_start3A_90 = tpu.memref_squeeze %dma_start3A_89 : memref<1x128x128xf32, #tpu.memory_space<vmem>> -> memref<128x128xf32, #tpu.memory_space<vmem>>
      %dma_start3A_91 = arith.constant 0 : i32
      %dma_start3A_92 = tpu.memref_slice %arg6[%dma_start3A_85, %dma_start3A_91] : memref<8x128xi32, #tpu.memory_space<vmem>> -> memref<1x128xi32, #tpu.memory_space<vmem>>
      %dma_start3A_93 = tpu.memref_squeeze %dma_start3A_92 : memref<1x128xi32, #tpu.memory_space<vmem>> -> memref<128xi32, #tpu.memory_space<vmem>>
      %dma_start3A_94 = arith.constant 0 : i32
      %dma_start3A_95 = arith.constant 0 : i32
      %dma_start3A_96 = tpu.memref_slice %arg2[%dma_start3A_94, %dma_start3A_95] : memref<10240x128xf32, #tpu.memory_space<hbm>> -> memref<10240x128xf32, #tpu.memory_space<hbm>>
      tpu.enqueue_indirect_dma source(%dma_start3A_96 : memref<10240x128xf32, #tpu.memory_space<hbm>>) target(%dma_start3A_90 : memref<128x128xf32, #tpu.memory_space<vmem>>) offsets(%dma_start3A_93 : memref<128xi32, #tpu.memory_space<vmem>>) semaphore(%arg10 : memref<!tpu.dma_semaphore, #tpu.memory_space<semaphore_mem>>)
      %dma_wait3A_97 = arith.constant 1 : i32
      %dma_wait3A_98 = arith.constant 1 : i32
      %dma_wait3A_99 = arith.constant 0 : i32
      %dma_wait3A_100 = arith.constant 0 : i32
      %dma_wait3A_101 = tpu.memref_slice %arg8[%dma_wait3A_98, %dma_wait3A_99, %dma_wait3A_100] : memref<2x128x128xf32, #tpu.memory_space<vmem>> -> memref<1x128x128xf32, #tpu.memory_space<vmem>>
      %dma_wait3A_102 = tpu.memref_squeeze %dma_wait3A_101 : memref<1x128x128xf32, #tpu.memory_space<vmem>> -> memref<128x128xf32, #tpu.memory_space<vmem>>
      %dma_wait3A_103 = arith.constant 0 : i32
      %dma_wait3A_104 = tpu.memref_slice %arg6[%dma_wait3A_97, %dma_wait3A_103] : memref<8x128xi32, #tpu.memory_space<vmem>> -> memref<1x128xi32, #tpu.memory_space<vmem>>
      %dma_wait3A_105 = tpu.memref_squeeze %dma_wait3A_104 : memref<1x128xi32, #tpu.memory_space<vmem>> -> memref<128xi32, #tpu.memory_space<vmem>>
      %dma_wait3A_106 = arith.constant 0 : i32
      %dma_wait3A_107 = arith.constant 0 : i32
      %dma_wait3A_108 = tpu.memref_slice %arg2[%dma_wait3A_106, %dma_wait3A_107] : memref<10240x128xf32, #tpu.memory_space<hbm>> -> memref<10240x128xf32, #tpu.memory_space<hbm>>
      tpu.wait_indirect_dma semaphore(%arg11 : memref<!tpu.dma_semaphore, #tpu.memory_space<semaphore_mem>>) src(%dma_wait3A_108 : memref<10240x128xf32, #tpu.memory_space<hbm>>) dst(%dma_wait3A_102 : memref<128x128xf32, #tpu.memory_space<vmem>>)
      %run_scoped3A_109 = arith.constant 1 : i32
      %run_scoped3A_110 = arith.constant 1 : i32
      "tpu.region"() ({
        %run_scoped3A_255 = tpu.sem_alloc : memref<!tpu.dma_semaphore, #tpu.memory_space<semaphore_mem>>
        %dma_start3A_256 = arith.constant 0 : i32
        %dma_start3A_257 = arith.constant 0 : i32
        %dma_start3A_258 = tpu.memref_slice %arg8[%run_scoped3A_109, %dma_start3A_256, %dma_start3A_257] : memref<2x128x128xf32, #tpu.memory_space<vmem>> -> memref<1x128x128xf32, #tpu.memory_space<vmem>>
        %dma_start3A_259 = tpu.memref_squeeze %dma_start3A_258 : memref<1x128x128xf32, #tpu.memory_space<vmem>> -> memref<128x128xf32, #tpu.memory_space<vmem>>
        %dma_start3A_260 = arith.constant 0 : i32
        %dma_start3A_261 = tpu.memref_slice %arg7[%run_scoped3A_110, %dma_start3A_260] : memref<8x128xi32, #tpu.memory_space<vmem>> -> memref<1x128xi32, #tpu.memory_space<vmem>>
        %dma_start3A_262 = tpu.memref_squeeze %dma_start3A_261 : memref<1x128xi32, #tpu.memory_space<vmem>> -> memref<128xi32, #tpu.memory_space<vmem>>
        %dma_start3A_263 = arith.constant 0 : i32
        %dma_start3A_264 = arith.constant 0 : i32
        %dma_start3A_265 = tpu.memref_slice %arg9[%dma_start3A_263, %dma_start3A_264] : memref<10240x128xf32, #tpu.memory_space<vmem_shared>> -> memref<10240x128xf32, #tpu.memory_space<vmem_shared>>
        tpu.enqueue_indirect_dma source(%dma_start3A_259 : memref<128x128xf32, #tpu.memory_space<vmem>>) target(%dma_start3A_265 : memref<10240x128xf32, #tpu.memory_space<vmem_shared>>) offsets(%dma_start3A_262 : memref<128xi32, #tpu.memory_space<vmem>>) semaphore(%run_scoped3A_255 : memref<!tpu.dma_semaphore, #tpu.memory_space<semaphore_mem>>) {add = true}
        %dma_wait3A_266 = arith.constant 0 : i32
        %dma_wait3A_267 = arith.constant 0 : i32
        %dma_wait3A_268 = tpu.memref_slice %arg8[%run_scoped3A_109, %dma_wait3A_266, %dma_wait3A_267] : memref<2x128x128xf32, #tpu.memory_space<vmem>> -> memref<1x128x128xf32, #tpu.memory_space<vmem>>
        %dma_wait3A_269 = tpu.memref_squeeze %dma_wait3A_268 : memref<1x128x128xf32, #tpu.memory_space<vmem>> -> memref<128x128xf32, #tpu.memory_space<vmem>>
        %dma_wait3A_270 = arith.constant 0 : i32
        %dma_wait3A_271 = tpu.memref_slice %arg7[%run_scoped3A_110, %dma_wait3A_270] : memref<8x128xi32, #tpu.memory_space<vmem>> -> memref<1x128xi32, #tpu.memory_space<vmem>>
        %dma_wait3A_272 = tpu.memref_squeeze %dma_wait3A_271 : memref<1x128xi32, #tpu.memory_space<vmem>> -> memref<128xi32, #tpu.memory_space<vmem>>
        %dma_wait3A_273 = arith.constant 0 : i32
        %dma_wait3A_274 = arith.constant 0 : i32
        %dma_wait3A_275 = tpu.memref_slice %arg9[%dma_wait3A_273, %dma_wait3A_274] : memref<10240x128xf32, #tpu.memory_space<vmem_shared>> -> memref<10240x128xf32, #tpu.memory_space<vmem_shared>>
        tpu.wait_indirect_dma semaphore(%run_scoped3A_255 : memref<!tpu.dma_semaphore, #tpu.memory_space<semaphore_mem>>) src(%dma_wait3A_269 : memref<128x128xf32, #tpu.memory_space<vmem>>) dst(%dma_wait3A_275 : memref<10240x128xf32, #tpu.memory_space<vmem_shared>>)
        tpu.yield
      }) : () -> ()
      %dma_start3A_111 = arith.constant 3 : i32
      %dma_start3A_112 = arith.constant 1 : i32
      %dma_start3A_113 = arith.constant 0 : i32
      %dma_start3A_114 = arith.constant 0 : i32
      %dma_start3A_115 = tpu.memref_slice %arg8[%dma_start3A_112, %dma_start3A_113, %dma_start3A_114] : memref<2x128x128xf32, #tpu.memory_space<vmem>> -> memref<1x128x128xf32, #tpu.memory_space<vmem>>
      %dma_start3A_116 = tpu.memref_squeeze %dma_start3A_115 : memref<1x128x128xf32, #tpu.memory_space<vmem>> -> memref<128x128xf32, #tpu.memory_space<vmem>>
      %dma_start3A_117 = arith.constant 0 : i32
      %dma_start3A_118 = tpu.memref_slice %arg6[%dma_start3A_111, %dma_start3A_117] : memref<8x128xi32, #tpu.memory_space<vmem>> -> memref<1x128xi32, #tpu.memory_space<vmem>>
      %dma_start3A_119 = tpu.memref_squeeze %dma_start3A_118 : memref<1x128xi32, #tpu.memory_space<vmem>> -> memref<128xi32, #tpu.memory_space<vmem>>
      %dma_start3A_120 = arith.constant 0 : i32
      %dma_start3A_121 = arith.constant 0 : i32
      %dma_start3A_122 = tpu.memref_slice %arg2[%dma_start3A_120, %dma_start3A_121] : memref<10240x128xf32, #tpu.memory_space<hbm>> -> memref<10240x128xf32, #tpu.memory_space<hbm>>
      tpu.enqueue_indirect_dma source(%dma_start3A_122 : memref<10240x128xf32, #tpu.memory_space<hbm>>) target(%dma_start3A_116 : memref<128x128xf32, #tpu.memory_space<vmem>>) offsets(%dma_start3A_119 : memref<128xi32, #tpu.memory_space<vmem>>) semaphore(%arg11 : memref<!tpu.dma_semaphore, #tpu.memory_space<semaphore_mem>>)
      %dma_wait3A_123 = arith.constant 2 : i32
      %dma_wait3A_124 = arith.constant 0 : i32
      %dma_wait3A_125 = arith.constant 0 : i32
      %dma_wait3A_126 = arith.constant 0 : i32
      %dma_wait3A_127 = tpu.memref_slice %arg8[%dma_wait3A_124, %dma_wait3A_125, %dma_wait3A_126] : memref<2x128x128xf32, #tpu.memory_space<vmem>> -> memref<1x128x128xf32, #tpu.memory_space<vmem>>
      %dma_wait3A_128 = tpu.memref_squeeze %dma_wait3A_127 : memref<1x128x128xf32, #tpu.memory_space<vmem>> -> memref<128x128xf32, #tpu.memory_space<vmem>>
      %dma_wait3A_129 = arith.constant 0 : i32
      %dma_wait3A_130 = tpu.memref_slice %arg6[%dma_wait3A_123, %dma_wait3A_129] : memref<8x128xi32, #tpu.memory_space<vmem>> -> memref<1x128xi32, #tpu.memory_space<vmem>>
      %dma_wait3A_131 = tpu.memref_squeeze %dma_wait3A_130 : memref<1x128xi32, #tpu.memory_space<vmem>> -> memref<128xi32, #tpu.memory_space<vmem>>
      %dma_wait3A_132 = arith.constant 0 : i32
      %dma_wait3A_133 = arith.constant 0 : i32
      %dma_wait3A_134 = tpu.memref_slice %arg2[%dma_wait3A_132, %dma_wait3A_133] : memref<10240x128xf32, #tpu.memory_space<hbm>> -> memref<10240x128xf32, #tpu.memory_space<hbm>>
      tpu.wait_indirect_dma semaphore(%arg10 : memref<!tpu.dma_semaphore, #tpu.memory_space<semaphore_mem>>) src(%dma_wait3A_134 : memref<10240x128xf32, #tpu.memory_space<hbm>>) dst(%dma_wait3A_128 : memref<128x128xf32, #tpu.memory_space<vmem>>)
      %run_scoped3A_135 = arith.constant 0 : i32
      %run_scoped3A_136 = arith.constant 2 : i32
      "tpu.region"() ({
        %run_scoped3A_255 = tpu.sem_alloc : memref<!tpu.dma_semaphore, #tpu.memory_space<semaphore_mem>>
        %dma_start3A_256 = arith.constant 0 : i32
        %dma_start3A_257 = arith.constant 0 : i32
        %dma_start3A_258 = tpu.memref_slice %arg8[%run_scoped3A_135, %dma_start3A_256, %dma_start3A_257] : memref<2x128x128xf32, #tpu.memory_space<vmem>> -> memref<1x128x128xf32, #tpu.memory_space<vmem>>
        %dma_start3A_259 = tpu.memref_squeeze %dma_start3A_258 : memref<1x128x128xf32, #tpu.memory_space<vmem>> -> memref<128x128xf32, #tpu.memory_space<vmem>>
        %dma_start3A_260 = arith.constant 0 : i32
        %dma_start3A_261 = tpu.memref_slice %arg7[%run_scoped3A_136, %dma_start3A_260] : memref<8x128xi32, #tpu.memory_space<vmem>> -> memref<1x128xi32, #tpu.memory_space<vmem>>
        %dma_start3A_262 = tpu.memref_squeeze %dma_start3A_261 : memref<1x128xi32, #tpu.memory_space<vmem>> -> memref<128xi32, #tpu.memory_space<vmem>>
        %dma_start3A_263 = arith.constant 0 : i32
        %dma_start3A_264 = arith.constant 0 : i32
        %dma_start3A_265 = tpu.memref_slice %arg9[%dma_start3A_263, %dma_start3A_264] : memref<10240x128xf32, #tpu.memory_space<vmem_shared>> -> memref<10240x128xf32, #tpu.memory_space<vmem_shared>>
        tpu.enqueue_indirect_dma source(%dma_start3A_259 : memref<128x128xf32, #tpu.memory_space<vmem>>) target(%dma_start3A_265 : memref<10240x128xf32, #tpu.memory_space<vmem_shared>>) offsets(%dma_start3A_262 : memref<128xi32, #tpu.memory_space<vmem>>) semaphore(%run_scoped3A_255 : memref<!tpu.dma_semaphore, #tpu.memory_space<semaphore_mem>>) {add = true}
        %dma_wait3A_266 = arith.constant 0 : i32
        %dma_wait3A_267 = arith.constant 0 : i32
        %dma_wait3A_268 = tpu.memref_slice %arg8[%run_scoped3A_135, %dma_wait3A_266, %dma_wait3A_267] : memref<2x128x128xf32, #tpu.memory_space<vmem>> -> memref<1x128x128xf32, #tpu.memory_space<vmem>>
        %dma_wait3A_269 = tpu.memref_squeeze %dma_wait3A_268 : memref<1x128x128xf32, #tpu.memory_space<vmem>> -> memref<128x128xf32, #tpu.memory_space<vmem>>
        %dma_wait3A_270 = arith.constant 0 : i32
        %dma_wait3A_271 = tpu.memref_slice %arg7[%run_scoped3A_136, %dma_wait3A_270] : memref<8x128xi32, #tpu.memory_space<vmem>> -> memref<1x128xi32, #tpu.memory_space<vmem>>
        %dma_wait3A_272 = tpu.memref_squeeze %dma_wait3A_271 : memref<1x128xi32, #tpu.memory_space<vmem>> -> memref<128xi32, #tpu.memory_space<vmem>>
        %dma_wait3A_273 = arith.constant 0 : i32
        %dma_wait3A_274 = arith.constant 0 : i32
        %dma_wait3A_275 = tpu.memref_slice %arg9[%dma_wait3A_273, %dma_wait3A_274] : memref<10240x128xf32, #tpu.memory_space<vmem_shared>> -> memref<10240x128xf32, #tpu.memory_space<vmem_shared>>
        tpu.wait_indirect_dma semaphore(%run_scoped3A_255 : memref<!tpu.dma_semaphore, #tpu.memory_space<semaphore_mem>>) src(%dma_wait3A_269 : memref<128x128xf32, #tpu.memory_space<vmem>>) dst(%dma_wait3A_275 : memref<10240x128xf32, #tpu.memory_space<vmem_shared>>)
        tpu.yield
      }) : () -> ()
      %dma_start3A_137 = arith.constant 4 : i32
      %dma_start3A_138 = arith.constant 0 : i32
      %dma_start3A_139 = arith.constant 0 : i32
      %dma_start3A_140 = arith.constant 0 : i32
      %dma_start3A_141 = tpu.memref_slice %arg8[%dma_start3A_138, %dma_start3A_139, %dma_start3A_140] : memref<2x128x128xf32, #tpu.memory_space<vmem>> -> memref<1x128x128xf32, #tpu.memory_space<vmem>>
      %dma_start3A_142 = tpu.memref_squeeze %dma_start3A_141 : memref<1x128x128xf32, #tpu.memory_space<vmem>> -> memref<128x128xf32, #tpu.memory_space<vmem>>
      %dma_start3A_143 = arith.constant 0 : i32
      %dma_start3A_144 = tpu.memref_slice %arg6[%dma_start3A_137, %dma_start3A_143] : memref<8x128xi32, #tpu.memory_space<vmem>> -> memref<1x128xi32, #tpu.memory_space<vmem>>
      %dma_start3A_145 = tpu.memref_squeeze %dma_start3A_144 : memref<1x128xi32, #tpu.memory_space<vmem>> -> memref<128xi32, #tpu.memory_space<vmem>>
      %dma_start3A_146 = arith.constant 0 : i32
      %dma_start3A_147 = arith.constant 0 : i32
      %dma_start3A_148 = tpu.memref_slice %arg2[%dma_start3A_146, %dma_start3A_147] : memref<10240x128xf32, #tpu.memory_space<hbm>> -> memref<10240x128xf32, #tpu.memory_space<hbm>>
      tpu.enqueue_indirect_dma source(%dma_start3A_148 : memref<10240x128xf32, #tpu.memory_space<hbm>>) target(%dma_start3A_142 : memref<128x128xf32, #tpu.memory_space<vmem>>) offsets(%dma_start3A_145 : memref<128xi32, #tpu.memory_space<vmem>>) semaphore(%arg10 : memref<!tpu.dma_semaphore, #tpu.memory_space<semaphore_mem>>)
      %dma_wait3A_149 = arith.constant 3 : i32
      %dma_wait3A_150 = arith.constant 1 : i32
      %dma_wait3A_151 = arith.constant 0 : i32
      %dma_wait3A_152 = arith.constant 0 : i32
      %dma_wait3A_153 = tpu.memref_slice %arg8[%dma_wait3A_150, %dma_wait3A_151, %dma_wait3A_152] : memref<2x128x128xf32, #tpu.memory_space<vmem>> -> memref<1x128x128xf32, #tpu.memory_space<vmem>>
      %dma_wait3A_154 = tpu.memref_squeeze %dma_wait3A_153 : memref<1x128x128xf32, #tpu.memory_space<vmem>> -> memref<128x128xf32, #tpu.memory_space<vmem>>
      %dma_wait3A_155 = arith.constant 0 : i32
      %dma_wait3A_156 = tpu.memref_slice %arg6[%dma_wait3A_149, %dma_wait3A_155] : memref<8x128xi32, #tpu.memory_space<vmem>> -> memref<1x128xi32, #tpu.memory_space<vmem>>
      %dma_wait3A_157 = tpu.memref_squeeze %dma_wait3A_156 : memref<1x128xi32, #tpu.memory_space<vmem>> -> memref<128xi32, #tpu.memory_space<vmem>>
      %dma_wait3A_158 = arith.constant 0 : i32
      %dma_wait3A_159 = arith.constant 0 : i32
      %dma_wait3A_160 = tpu.memref_slice %arg2[%dma_wait3A_158, %dma_wait3A_159] : memref<10240x128xf32, #tpu.memory_space<hbm>> -> memref<10240x128xf32, #tpu.memory_space<hbm>>
      tpu.wait_indirect_dma semaphore(%arg11 : memref<!tpu.dma_semaphore, #tpu.memory_space<semaphore_mem>>) src(%dma_wait3A_160 : memref<10240x128xf32, #tpu.memory_space<hbm>>) dst(%dma_wait3A_154 : memref<128x128xf32, #tpu.memory_space<vmem>>)
      %run_scoped3A_161 = arith.constant 1 : i32
      %run_scoped3A_162 = arith.constant 3 : i32
      "tpu.region"() ({
        %run_scoped3A_255 = tpu.sem_alloc : memref<!tpu.dma_semaphore, #tpu.memory_space<semaphore_mem>>
        %dma_start3A_256 = arith.constant 0 : i32
        %dma_start3A_257 = arith.constant 0 : i32
        %dma_start3A_258 = tpu.memref_slice %arg8[%run_scoped3A_161, %dma_start3A_256, %dma_start3A_257] : memref<2x128x128xf32, #tpu.memory_space<vmem>> -> memref<1x128x128xf32, #tpu.memory_space<vmem>>
        %dma_start3A_259 = tpu.memref_squeeze %dma_start3A_258 : memref<1x128x128xf32, #tpu.memory_space<vmem>> -> memref<128x128xf32, #tpu.memory_space<vmem>>
        %dma_start3A_260 = arith.constant 0 : i32
        %dma_start3A_261 = tpu.memref_slice %arg7[%run_scoped3A_162, %dma_start3A_260] : memref<8x128xi32, #tpu.memory_space<vmem>> -> memref<1x128xi32, #tpu.memory_space<vmem>>
        %dma_start3A_262 = tpu.memref_squeeze %dma_start3A_261 : memref<1x128xi32, #tpu.memory_space<vmem>> -> memref<128xi32, #tpu.memory_space<vmem>>
        %dma_start3A_263 = arith.constant 0 : i32
        %dma_start3A_264 = arith.constant 0 : i32
        %dma_start3A_265 = tpu.memref_slice %arg9[%dma_start3A_263, %dma_start3A_264] : memref<10240x128xf32, #tpu.memory_space<vmem_shared>> -> memref<10240x128xf32, #tpu.memory_space<vmem_shared>>
        tpu.enqueue_indirect_dma source(%dma_start3A_259 : memref<128x128xf32, #tpu.memory_space<vmem>>) target(%dma_start3A_265 : memref<10240x128xf32, #tpu.memory_space<vmem_shared>>) offsets(%dma_start3A_262 : memref<128xi32, #tpu.memory_space<vmem>>) semaphore(%run_scoped3A_255 : memref<!tpu.dma_semaphore, #tpu.memory_space<semaphore_mem>>) {add = true}
        %dma_wait3A_266 = arith.constant 0 : i32
        %dma_wait3A_267 = arith.constant 0 : i32
        %dma_wait3A_268 = tpu.memref_slice %arg8[%run_scoped3A_161, %dma_wait3A_266, %dma_wait3A_267] : memref<2x128x128xf32, #tpu.memory_space<vmem>> -> memref<1x128x128xf32, #tpu.memory_space<vmem>>
        %dma_wait3A_269 = tpu.memref_squeeze %dma_wait3A_268 : memref<1x128x128xf32, #tpu.memory_space<vmem>> -> memref<128x128xf32, #tpu.memory_space<vmem>>
        %dma_wait3A_270 = arith.constant 0 : i32
        %dma_wait3A_271 = tpu.memref_slice %arg7[%run_scoped3A_162, %dma_wait3A_270] : memref<8x128xi32, #tpu.memory_space<vmem>> -> memref<1x128xi32, #tpu.memory_space<vmem>>
        %dma_wait3A_272 = tpu.memref_squeeze %dma_wait3A_271 : memref<1x128xi32, #tpu.memory_space<vmem>> -> memref<128xi32, #tpu.memory_space<vmem>>
        %dma_wait3A_273 = arith.constant 0 : i32
        %dma_wait3A_274 = arith.constant 0 : i32
        %dma_wait3A_275 = tpu.memref_slice %arg9[%dma_wait3A_273, %dma_wait3A_274] : memref<10240x128xf32, #tpu.memory_space<vmem_shared>> -> memref<10240x128xf32, #tpu.memory_space<vmem_shared>>
        tpu.wait_indirect_dma semaphore(%run_scoped3A_255 : memref<!tpu.dma_semaphore, #tpu.memory_space<semaphore_mem>>) src(%dma_wait3A_269 : memref<128x128xf32, #tpu.memory_space<vmem>>) dst(%dma_wait3A_275 : memref<10240x128xf32, #tpu.memory_space<vmem_shared>>)
        tpu.yield
      }) : () -> ()
      %dma_start3A_163 = arith.constant 5 : i32
      %dma_start3A_164 = arith.constant 1 : i32
      %dma_start3A_165 = arith.constant 0 : i32
      %dma_start3A_166 = arith.constant 0 : i32
      %dma_start3A_167 = tpu.memref_slice %arg8[%dma_start3A_164, %dma_start3A_165, %dma_start3A_166] : memref<2x128x128xf32, #tpu.memory_space<vmem>> -> memref<1x128x128xf32, #tpu.memory_space<vmem>>
      %dma_start3A_168 = tpu.memref_squeeze %dma_start3A_167 : memref<1x128x128xf32, #tpu.memory_space<vmem>> -> memref<128x128xf32, #tpu.memory_space<vmem>>
      %dma_start3A_169 = arith.constant 0 : i32
      %dma_start3A_170 = tpu.memref_slice %arg6[%dma_start3A_163, %dma_start3A_169] : memref<8x128xi32, #tpu.memory_space<vmem>> -> memref<1x128xi32, #tpu.memory_space<vmem>>
      %dma_start3A_171 = tpu.memref_squeeze %dma_start3A_170 : memref<1x128xi32, #tpu.memory_space<vmem>> -> memref<128xi32, #tpu.memory_space<vmem>>
      %dma_start3A_172 = arith.constant 0 : i32
      %dma_start3A_173 = arith.constant 0 : i32
      %dma_start3A_174 = tpu.memref_slice %arg2[%dma_start3A_172, %dma_start3A_173] : memref<10240x128xf32, #tpu.memory_space<hbm>> -> memref<10240x128xf32, #tpu.memory_space<hbm>>
      tpu.enqueue_indirect_dma source(%dma_start3A_174 : memref<10240x128xf32, #tpu.memory_space<hbm>>) target(%dma_start3A_168 : memref<128x128xf32, #tpu.memory_space<vmem>>) offsets(%dma_start3A_171 : memref<128xi32, #tpu.memory_space<vmem>>) semaphore(%arg11 : memref<!tpu.dma_semaphore, #tpu.memory_space<semaphore_mem>>)
      %dma_wait3A_175 = arith.constant 4 : i32
      %dma_wait3A_176 = arith.constant 0 : i32
      %dma_wait3A_177 = arith.constant 0 : i32
      %dma_wait3A_178 = arith.constant 0 : i32
      %dma_wait3A_179 = tpu.memref_slice %arg8[%dma_wait3A_176, %dma_wait3A_177, %dma_wait3A_178] : memref<2x128x128xf32, #tpu.memory_space<vmem>> -> memref<1x128x128xf32, #tpu.memory_space<vmem>>
      %dma_wait3A_180 = tpu.memref_squeeze %dma_wait3A_179 : memref<1x128x128xf32, #tpu.memory_space<vmem>> -> memref<128x128xf32, #tpu.memory_space<vmem>>
      %dma_wait3A_181 = arith.constant 0 : i32
      %dma_wait3A_182 = tpu.memref_slice %arg6[%dma_wait3A_175, %dma_wait3A_181] : memref<8x128xi32, #tpu.memory_space<vmem>> -> memref<1x128xi32, #tpu.memory_space<vmem>>
      %dma_wait3A_183 = tpu.memref_squeeze %dma_wait3A_182 : memref<1x128xi32, #tpu.memory_space<vmem>> -> memref<128xi32, #tpu.memory_space<vmem>>
      %dma_wait3A_184 = arith.constant 0 : i32
      %dma_wait3A_185 = arith.constant 0 : i32
      %dma_wait3A_186 = tpu.memref_slice %arg2[%dma_wait3A_184, %dma_wait3A_185] : memref<10240x128xf32, #tpu.memory_space<hbm>> -> memref<10240x128xf32, #tpu.memory_space<hbm>>
      tpu.wait_indirect_dma semaphore(%arg10 : memref<!tpu.dma_semaphore, #tpu.memory_space<semaphore_mem>>) src(%dma_wait3A_186 : memref<10240x128xf32, #tpu.memory_space<hbm>>) dst(%dma_wait3A_180 : memref<128x128xf32, #tpu.memory_space<vmem>>)
      %run_scoped3A_187 = arith.constant 0 : i32
      %run_scoped3A_188 = arith.constant 4 : i32
      "tpu.region"() ({
        %run_scoped3A_255 = tpu.sem_alloc : memref<!tpu.dma_semaphore, #tpu.memory_space<semaphore_mem>>
        %dma_start3A_256 = arith.constant 0 : i32
        %dma_start3A_257 = arith.constant 0 : i32
        %dma_start3A_258 = tpu.memref_slice %arg8[%run_scoped3A_187, %dma_start3A_256, %dma_start3A_257] : memref<2x128x128xf32, #tpu.memory_space<vmem>> -> memref<1x128x128xf32, #tpu.memory_space<vmem>>
        %dma_start3A_259 = tpu.memref_squeeze %dma_start3A_258 : memref<1x128x128xf32, #tpu.memory_space<vmem>> -> memref<128x128xf32, #tpu.memory_space<vmem>>
        %dma_start3A_260 = arith.constant 0 : i32
        %dma_start3A_261 = tpu.memref_slice %arg7[%run_scoped3A_188, %dma_start3A_260] : memref<8x128xi32, #tpu.memory_space<vmem>> -> memref<1x128xi32, #tpu.memory_space<vmem>>
        %dma_start3A_262 = tpu.memref_squeeze %dma_start3A_261 : memref<1x128xi32, #tpu.memory_space<vmem>> -> memref<128xi32, #tpu.memory_space<vmem>>
        %dma_start3A_263 = arith.constant 0 : i32
        %dma_start3A_264 = arith.constant 0 : i32
        %dma_start3A_265 = tpu.memref_slice %arg9[%dma_start3A_263, %dma_start3A_264] : memref<10240x128xf32, #tpu.memory_space<vmem_shared>> -> memref<10240x128xf32, #tpu.memory_space<vmem_shared>>
        tpu.enqueue_indirect_dma source(%dma_start3A_259 : memref<128x128xf32, #tpu.memory_space<vmem>>) target(%dma_start3A_265 : memref<10240x128xf32, #tpu.memory_space<vmem_shared>>) offsets(%dma_start3A_262 : memref<128xi32, #tpu.memory_space<vmem>>) semaphore(%run_scoped3A_255 : memref<!tpu.dma_semaphore, #tpu.memory_space<semaphore_mem>>) {add = true}
        %dma_wait3A_266 = arith.constant 0 : i32
        %dma_wait3A_267 = arith.constant 0 : i32
        %dma_wait3A_268 = tpu.memref_slice %arg8[%run_scoped3A_187, %dma_wait3A_266, %dma_wait3A_267] : memref<2x128x128xf32, #tpu.memory_space<vmem>> -> memref<1x128x128xf32, #tpu.memory_space<vmem>>
        %dma_wait3A_269 = tpu.memref_squeeze %dma_wait3A_268 : memref<1x128x128xf32, #tpu.memory_space<vmem>> -> memref<128x128xf32, #tpu.memory_space<vmem>>
        %dma_wait3A_270 = arith.constant 0 : i32
        %dma_wait3A_271 = tpu.memref_slice %arg7[%run_scoped3A_188, %dma_wait3A_270] : memref<8x128xi32, #tpu.memory_space<vmem>> -> memref<1x128xi32, #tpu.memory_space<vmem>>
        %dma_wait3A_272 = tpu.memref_squeeze %dma_wait3A_271 : memref<1x128xi32, #tpu.memory_space<vmem>> -> memref<128xi32, #tpu.memory_space<vmem>>
        %dma_wait3A_273 = arith.constant 0 : i32
        %dma_wait3A_274 = arith.constant 0 : i32
        %dma_wait3A_275 = tpu.memref_slice %arg9[%dma_wait3A_273, %dma_wait3A_274] : memref<10240x128xf32, #tpu.memory_space<vmem_shared>> -> memref<10240x128xf32, #tpu.memory_space<vmem_shared>>
        tpu.wait_indirect_dma semaphore(%run_scoped3A_255 : memref<!tpu.dma_semaphore, #tpu.memory_space<semaphore_mem>>) src(%dma_wait3A_269 : memref<128x128xf32, #tpu.memory_space<vmem>>) dst(%dma_wait3A_275 : memref<10240x128xf32, #tpu.memory_space<vmem_shared>>)
        tpu.yield
      }) : () -> ()
      %dma_start3A_189 = arith.constant 6 : i32
      %dma_start3A_190 = arith.constant 0 : i32
      %dma_start3A_191 = arith.constant 0 : i32
      %dma_start3A_192 = arith.constant 0 : i32
      %dma_start3A_193 = tpu.memref_slice %arg8[%dma_start3A_190, %dma_start3A_191, %dma_start3A_192] : memref<2x128x128xf32, #tpu.memory_space<vmem>> -> memref<1x128x128xf32, #tpu.memory_space<vmem>>
      %dma_start3A_194 = tpu.memref_squeeze %dma_start3A_193 : memref<1x128x128xf32, #tpu.memory_space<vmem>> -> memref<128x128xf32, #tpu.memory_space<vmem>>
      %dma_start3A_195 = arith.constant 0 : i32
      %dma_start3A_196 = tpu.memref_slice %arg6[%dma_start3A_189, %dma_start3A_195] : memref<8x128xi32, #tpu.memory_space<vmem>> -> memref<1x128xi32, #tpu.memory_space<vmem>>
      %dma_start3A_197 = tpu.memref_squeeze %dma_start3A_196 : memref<1x128xi32, #tpu.memory_space<vmem>> -> memref<128xi32, #tpu.memory_space<vmem>>
      %dma_start3A_198 = arith.constant 0 : i32
      %dma_start3A_199 = arith.constant 0 : i32
      %dma_start3A_200 = tpu.memref_slice %arg2[%dma_start3A_198, %dma_start3A_199] : memref<10240x128xf32, #tpu.memory_space<hbm>> -> memref<10240x128xf32, #tpu.memory_space<hbm>>
      tpu.enqueue_indirect_dma source(%dma_start3A_200 : memref<10240x128xf32, #tpu.memory_space<hbm>>) target(%dma_start3A_194 : memref<128x128xf32, #tpu.memory_space<vmem>>) offsets(%dma_start3A_197 : memref<128xi32, #tpu.memory_space<vmem>>) semaphore(%arg10 : memref<!tpu.dma_semaphore, #tpu.memory_space<semaphore_mem>>)
      %dma_wait3A_201 = arith.constant 5 : i32
      %dma_wait3A_202 = arith.constant 1 : i32
      %dma_wait3A_203 = arith.constant 0 : i32
      %dma_wait3A_204 = arith.constant 0 : i32
      %dma_wait3A_205 = tpu.memref_slice %arg8[%dma_wait3A_202, %dma_wait3A_203, %dma_wait3A_204] : memref<2x128x128xf32, #tpu.memory_space<vmem>> -> memref<1x128x128xf32, #tpu.memory_space<vmem>>
      %dma_wait3A_206 = tpu.memref_squeeze %dma_wait3A_205 : memref<1x128x128xf32, #tpu.memory_space<vmem>> -> memref<128x128xf32, #tpu.memory_space<vmem>>
      %dma_wait3A_207 = arith.constant 0 : i32
      %dma_wait3A_208 = tpu.memref_slice %arg6[%dma_wait3A_201, %dma_wait3A_207] : memref<8x128xi32, #tpu.memory_space<vmem>> -> memref<1x128xi32, #tpu.memory_space<vmem>>
      %dma_wait3A_209 = tpu.memref_squeeze %dma_wait3A_208 : memref<1x128xi32, #tpu.memory_space<vmem>> -> memref<128xi32, #tpu.memory_space<vmem>>
      %dma_wait3A_210 = arith.constant 0 : i32
      %dma_wait3A_211 = arith.constant 0 : i32
      %dma_wait3A_212 = tpu.memref_slice %arg2[%dma_wait3A_210, %dma_wait3A_211] : memref<10240x128xf32, #tpu.memory_space<hbm>> -> memref<10240x128xf32, #tpu.memory_space<hbm>>
      tpu.wait_indirect_dma semaphore(%arg11 : memref<!tpu.dma_semaphore, #tpu.memory_space<semaphore_mem>>) src(%dma_wait3A_212 : memref<10240x128xf32, #tpu.memory_space<hbm>>) dst(%dma_wait3A_206 : memref<128x128xf32, #tpu.memory_space<vmem>>)
      %run_scoped3A_213 = arith.constant 1 : i32
      %run_scoped3A_214 = arith.constant 5 : i32
      "tpu.region"() ({
        %run_scoped3A_255 = tpu.sem_alloc : memref<!tpu.dma_semaphore, #tpu.memory_space<semaphore_mem>>
        %dma_start3A_256 = arith.constant 0 : i32
        %dma_start3A_257 = arith.constant 0 : i32
        %dma_start3A_258 = tpu.memref_slice %arg8[%run_scoped3A_213, %dma_start3A_256, %dma_start3A_257] : memref<2x128x128xf32, #tpu.memory_space<vmem>> -> memref<1x128x128xf32, #tpu.memory_space<vmem>>
        %dma_start3A_259 = tpu.memref_squeeze %dma_start3A_258 : memref<1x128x128xf32, #tpu.memory_space<vmem>> -> memref<128x128xf32, #tpu.memory_space<vmem>>
        %dma_start3A_260 = arith.constant 0 : i32
        %dma_start3A_261 = tpu.memref_slice %arg7[%run_scoped3A_214, %dma_start3A_260] : memref<8x128xi32, #tpu.memory_space<vmem>> -> memref<1x128xi32, #tpu.memory_space<vmem>>
        %dma_start3A_262 = tpu.memref_squeeze %dma_start3A_261 : memref<1x128xi32, #tpu.memory_space<vmem>> -> memref<128xi32, #tpu.memory_space<vmem>>
        %dma_start3A_263 = arith.constant 0 : i32
        %dma_start3A_264 = arith.constant 0 : i32
        %dma_start3A_265 = tpu.memref_slice %arg9[%dma_start3A_263, %dma_start3A_264] : memref<10240x128xf32, #tpu.memory_space<vmem_shared>> -> memref<10240x128xf32, #tpu.memory_space<vmem_shared>>
        tpu.enqueue_indirect_dma source(%dma_start3A_259 : memref<128x128xf32, #tpu.memory_space<vmem>>) target(%dma_start3A_265 : memref<10240x128xf32, #tpu.memory_space<vmem_shared>>) offsets(%dma_start3A_262 : memref<128xi32, #tpu.memory_space<vmem>>) semaphore(%run_scoped3A_255 : memref<!tpu.dma_semaphore, #tpu.memory_space<semaphore_mem>>) {add = true}
        %dma_wait3A_266 = arith.constant 0 : i32
        %dma_wait3A_267 = arith.constant 0 : i32
        %dma_wait3A_268 = tpu.memref_slice %arg8[%run_scoped3A_213, %dma_wait3A_266, %dma_wait3A_267] : memref<2x128x128xf32, #tpu.memory_space<vmem>> -> memref<1x128x128xf32, #tpu.memory_space<vmem>>
        %dma_wait3A_269 = tpu.memref_squeeze %dma_wait3A_268 : memref<1x128x128xf32, #tpu.memory_space<vmem>> -> memref<128x128xf32, #tpu.memory_space<vmem>>
        %dma_wait3A_270 = arith.constant 0 : i32
        %dma_wait3A_271 = tpu.memref_slice %arg7[%run_scoped3A_214, %dma_wait3A_270] : memref<8x128xi32, #tpu.memory_space<vmem>> -> memref<1x128xi32, #tpu.memory_space<vmem>>
        %dma_wait3A_272 = tpu.memref_squeeze %dma_wait3A_271 : memref<1x128xi32, #tpu.memory_space<vmem>> -> memref<128xi32, #tpu.memory_space<vmem>>
        %dma_wait3A_273 = arith.constant 0 : i32
        %dma_wait3A_274 = arith.constant 0 : i32
        %dma_wait3A_275 = tpu.memref_slice %arg9[%dma_wait3A_273, %dma_wait3A_274] : memref<10240x128xf32, #tpu.memory_space<vmem_shared>> -> memref<10240x128xf32, #tpu.memory_space<vmem_shared>>
        tpu.wait_indirect_dma semaphore(%run_scoped3A_255 : memref<!tpu.dma_semaphore, #tpu.memory_space<semaphore_mem>>) src(%dma_wait3A_269 : memref<128x128xf32, #tpu.memory_space<vmem>>) dst(%dma_wait3A_275 : memref<10240x128xf32, #tpu.memory_space<vmem_shared>>)
        tpu.yield
      }) : () -> ()
      %dma_start3A_215 = arith.constant 7 : i32
      %dma_start3A_216 = arith.constant 1 : i32
      %dma_start3A_217 = arith.constant 0 : i32
      %dma_start3A_218 = arith.constant 0 : i32
      %dma_start3A_219 = tpu.memref_slice %arg8[%dma_start3A_216, %dma_start3A_217, %dma_start3A_218] : memref<2x128x128xf32, #tpu.memory_space<vmem>> -> memref<1x128x128xf32, #tpu.memory_space<vmem>>
      %dma_start3A_220 = tpu.memref_squeeze %dma_start3A_219 : memref<1x128x128xf32, #tpu.memory_space<vmem>> -> memref<128x128xf32, #tpu.memory_space<vmem>>
      %dma_start3A_221 = arith.constant 0 : i32
      %dma_start3A_222 = tpu.memref_slice %arg6[%dma_start3A_215, %dma_start3A_221] : memref<8x128xi32, #tpu.memory_space<vmem>> -> memref<1x128xi32, #tpu.memory_space<vmem>>
      %dma_start3A_223 = tpu.memref_squeeze %dma_start3A_222 : memref<1x128xi32, #tpu.memory_space<vmem>> -> memref<128xi32, #tpu.memory_space<vmem>>
      %dma_start3A_224 = arith.constant 0 : i32
      %dma_start3A_225 = arith.constant 0 : i32
      %dma_start3A_226 = tpu.memref_slice %arg2[%dma_start3A_224, %dma_start3A_225] : memref<10240x128xf32, #tpu.memory_space<hbm>> -> memref<10240x128xf32, #tpu.memory_space<hbm>>
      tpu.enqueue_indirect_dma source(%dma_start3A_226 : memref<10240x128xf32, #tpu.memory_space<hbm>>) target(%dma_start3A_220 : memref<128x128xf32, #tpu.memory_space<vmem>>) offsets(%dma_start3A_223 : memref<128xi32, #tpu.memory_space<vmem>>) semaphore(%arg11 : memref<!tpu.dma_semaphore, #tpu.memory_space<semaphore_mem>>)
      %dma_wait3A_227 = arith.constant 6 : i32
      %dma_wait3A_228 = arith.constant 0 : i32
      %dma_wait3A_229 = arith.constant 0 : i32
      %dma_wait3A_230 = arith.constant 0 : i32
      %dma_wait3A_231 = tpu.memref_slice %arg8[%dma_wait3A_228, %dma_wait3A_229, %dma_wait3A_230] : memref<2x128x128xf32, #tpu.memory_space<vmem>> -> memref<1x128x128xf32, #tpu.memory_space<vmem>>
      %dma_wait3A_232 = tpu.memref_squeeze %dma_wait3A_231 : memref<1x128x128xf32, #tpu.memory_space<vmem>> -> memref<128x128xf32, #tpu.memory_space<vmem>>
      %dma_wait3A_233 = arith.constant 0 : i32
      %dma_wait3A_234 = tpu.memref_slice %arg6[%dma_wait3A_227, %dma_wait3A_233] : memref<8x128xi32, #tpu.memory_space<vmem>> -> memref<1x128xi32, #tpu.memory_space<vmem>>
      %dma_wait3A_235 = tpu.memref_squeeze %dma_wait3A_234 : memref<1x128xi32, #tpu.memory_space<vmem>> -> memref<128xi32, #tpu.memory_space<vmem>>
      %dma_wait3A_236 = arith.constant 0 : i32
      %dma_wait3A_237 = arith.constant 0 : i32
      %dma_wait3A_238 = tpu.memref_slice %arg2[%dma_wait3A_236, %dma_wait3A_237] : memref<10240x128xf32, #tpu.memory_space<hbm>> -> memref<10240x128xf32, #tpu.memory_space<hbm>>
      tpu.wait_indirect_dma semaphore(%arg10 : memref<!tpu.dma_semaphore, #tpu.memory_space<semaphore_mem>>) src(%dma_wait3A_238 : memref<10240x128xf32, #tpu.memory_space<hbm>>) dst(%dma_wait3A_232 : memref<128x128xf32, #tpu.memory_space<vmem>>)
      %run_scoped3A_239 = arith.constant 0 : i32
      %run_scoped3A_240 = arith.constant 6 : i32
      "tpu.region"() ({
        %run_scoped3A_255 = tpu.sem_alloc : memref<!tpu.dma_semaphore, #tpu.memory_space<semaphore_mem>>
        %dma_start3A_256 = arith.constant 0 : i32
        %dma_start3A_257 = arith.constant 0 : i32
        %dma_start3A_258 = tpu.memref_slice %arg8[%run_scoped3A_239, %dma_start3A_256, %dma_start3A_257] : memref<2x128x128xf32, #tpu.memory_space<vmem>> -> memref<1x128x128xf32, #tpu.memory_space<vmem>>
        %dma_start3A_259 = tpu.memref_squeeze %dma_start3A_258 : memref<1x128x128xf32, #tpu.memory_space<vmem>> -> memref<128x128xf32, #tpu.memory_space<vmem>>
        %dma_start3A_260 = arith.constant 0 : i32
        %dma_start3A_261 = tpu.memref_slice %arg7[%run_scoped3A_240, %dma_start3A_260] : memref<8x128xi32, #tpu.memory_space<vmem>> -> memref<1x128xi32, #tpu.memory_space<vmem>>
        %dma_start3A_262 = tpu.memref_squeeze %dma_start3A_261 : memref<1x128xi32, #tpu.memory_space<vmem>> -> memref<128xi32, #tpu.memory_space<vmem>>
        %dma_start3A_263 = arith.constant 0 : i32
        %dma_start3A_264 = arith.constant 0 : i32
        %dma_start3A_265 = tpu.memref_slice %arg9[%dma_start3A_263, %dma_start3A_264] : memref<10240x128xf32, #tpu.memory_space<vmem_shared>> -> memref<10240x128xf32, #tpu.memory_space<vmem_shared>>
        tpu.enqueue_indirect_dma source(%dma_start3A_259 : memref<128x128xf32, #tpu.memory_space<vmem>>) target(%dma_start3A_265 : memref<10240x128xf32, #tpu.memory_space<vmem_shared>>) offsets(%dma_start3A_262 : memref<128xi32, #tpu.memory_space<vmem>>) semaphore(%run_scoped3A_255 : memref<!tpu.dma_semaphore, #tpu.memory_space<semaphore_mem>>) {add = true}
        %dma_wait3A_266 = arith.constant 0 : i32
        %dma_wait3A_267 = arith.constant 0 : i32
        %dma_wait3A_268 = tpu.memref_slice %arg8[%run_scoped3A_239, %dma_wait3A_266, %dma_wait3A_267] : memref<2x128x128xf32, #tpu.memory_space<vmem>> -> memref<1x128x128xf32, #tpu.memory_space<vmem>>
        %dma_wait3A_269 = tpu.memref_squeeze %dma_wait3A_268 : memref<1x128x128xf32, #tpu.memory_space<vmem>> -> memref<128x128xf32, #tpu.memory_space<vmem>>
        %dma_wait3A_270 = arith.constant 0 : i32
        %dma_wait3A_271 = tpu.memref_slice %arg7[%run_scoped3A_240, %dma_wait3A_270] : memref<8x128xi32, #tpu.memory_space<vmem>> -> memref<1x128xi32, #tpu.memory_space<vmem>>
        %dma_wait3A_272 = tpu.memref_squeeze %dma_wait3A_271 : memref<1x128xi32, #tpu.memory_space<vmem>> -> memref<128xi32, #tpu.memory_space<vmem>>
        %dma_wait3A_273 = arith.constant 0 : i32
        %dma_wait3A_274 = arith.constant 0 : i32
        %dma_wait3A_275 = tpu.memref_slice %arg9[%dma_wait3A_273, %dma_wait3A_274] : memref<10240x128xf32, #tpu.memory_space<vmem_shared>> -> memref<10240x128xf32, #tpu.memory_space<vmem_shared>>
        tpu.wait_indirect_dma semaphore(%run_scoped3A_255 : memref<!tpu.dma_semaphore, #tpu.memory_space<semaphore_mem>>) src(%dma_wait3A_269 : memref<128x128xf32, #tpu.memory_space<vmem>>) dst(%dma_wait3A_275 : memref<10240x128xf32, #tpu.memory_space<vmem_shared>>)
        tpu.yield
      }) : () -> ()
      %dma_wait3A_241 = arith.constant 7 : i32
      %dma_wait3A_242 = arith.constant 1 : i32
      %dma_wait3A_243 = arith.constant 0 : i32
      %dma_wait3A_244 = arith.constant 0 : i32
      %dma_wait3A_245 = tpu.memref_slice %arg8[%dma_wait3A_242, %dma_wait3A_243, %dma_wait3A_244] : memref<2x128x128xf32, #tpu.memory_space<vmem>> -> memref<1x128x128xf32, #tpu.memory_space<vmem>>
      %dma_wait3A_246 = tpu.memref_squeeze %dma_wait3A_245 : memref<1x128x128xf32, #tpu.memory_space<vmem>> -> memref<128x128xf32, #tpu.memory_space<vmem>>
      %dma_wait3A_247 = arith.constant 0 : i32
      %dma_wait3A_248 = tpu.memref_slice %arg6[%dma_wait3A_241, %dma_wait3A_247] : memref<8x128xi32, #tpu.memory_space<vmem>> -> memref<1x128xi32, #tpu.memory_space<vmem>>
      %dma_wait3A_249 = tpu.memref_squeeze %dma_wait3A_248 : memref<1x128xi32, #tpu.memory_space<vmem>> -> memref<128xi32, #tpu.memory_space<vmem>>
      %dma_wait3A_250 = arith.constant 0 : i32
      %dma_wait3A_251 = arith.constant 0 : i32
      %dma_wait3A_252 = tpu.memref_slice %arg2[%dma_wait3A_250, %dma_wait3A_251] : memref<10240x128xf32, #tpu.memory_space<hbm>> -> memref<10240x128xf32, #tpu.memory_space<hbm>>
      tpu.wait_indirect_dma semaphore(%arg11 : memref<!tpu.dma_semaphore, #tpu.memory_space<semaphore_mem>>) src(%dma_wait3A_252 : memref<10240x128xf32, #tpu.memory_space<hbm>>) dst(%dma_wait3A_246 : memref<128x128xf32, #tpu.memory_space<vmem>>)
      %run_scoped3A_253 = arith.constant 1 : i32
      %run_scoped3A_254 = arith.constant 7 : i32
      "tpu.region"() ({
        %run_scoped3A_255 = tpu.sem_alloc : memref<!tpu.dma_semaphore, #tpu.memory_space<semaphore_mem>>
        %dma_start3A_256 = arith.constant 0 : i32
        %dma_start3A_257 = arith.constant 0 : i32
        %dma_start3A_258 = tpu.memref_slice %arg8[%run_scoped3A_253, %dma_start3A_256, %dma_start3A_257] : memref<2x128x128xf32, #tpu.memory_space<vmem>> -> memref<1x128x128xf32, #tpu.memory_space<vmem>>
        %dma_start3A_259 = tpu.memref_squeeze %dma_start3A_258 : memref<1x128x128xf32, #tpu.memory_space<vmem>> -> memref<128x128xf32, #tpu.memory_space<vmem>>
        %dma_start3A_260 = arith.constant 0 : i32
        %dma_start3A_261 = tpu.memref_slice %arg7[%run_scoped3A_254, %dma_start3A_260] : memref<8x128xi32, #tpu.memory_space<vmem>> -> memref<1x128xi32, #tpu.memory_space<vmem>>
        %dma_start3A_262 = tpu.memref_squeeze %dma_start3A_261 : memref<1x128xi32, #tpu.memory_space<vmem>> -> memref<128xi32, #tpu.memory_space<vmem>>
        %dma_start3A_263 = arith.constant 0 : i32
        %dma_start3A_264 = arith.constant 0 : i32
        %dma_start3A_265 = tpu.memref_slice %arg9[%dma_start3A_263, %dma_start3A_264] : memref<10240x128xf32, #tpu.memory_space<vmem_shared>> -> memref<10240x128xf32, #tpu.memory_space<vmem_shared>>
        tpu.enqueue_indirect_dma source(%dma_start3A_259 : memref<128x128xf32, #tpu.memory_space<vmem>>) target(%dma_start3A_265 : memref<10240x128xf32, #tpu.memory_space<vmem_shared>>) offsets(%dma_start3A_262 : memref<128xi32, #tpu.memory_space<vmem>>) semaphore(%run_scoped3A_255 : memref<!tpu.dma_semaphore, #tpu.memory_space<semaphore_mem>>) {add = true}
        %dma_wait3A_266 = arith.constant 0 : i32
        %dma_wait3A_267 = arith.constant 0 : i32
        %dma_wait3A_268 = tpu.memref_slice %arg8[%run_scoped3A_253, %dma_wait3A_266, %dma_wait3A_267] : memref<2x128x128xf32, #tpu.memory_space<vmem>> -> memref<1x128x128xf32, #tpu.memory_space<vmem>>
        %dma_wait3A_269 = tpu.memref_squeeze %dma_wait3A_268 : memref<1x128x128xf32, #tpu.memory_space<vmem>> -> memref<128x128xf32, #tpu.memory_space<vmem>>
        %dma_wait3A_270 = arith.constant 0 : i32
        %dma_wait3A_271 = tpu.memref_slice %arg7[%run_scoped3A_254, %dma_wait3A_270] : memref<8x128xi32, #tpu.memory_space<vmem>> -> memref<1x128xi32, #tpu.memory_space<vmem>>
        %dma_wait3A_272 = tpu.memref_squeeze %dma_wait3A_271 : memref<1x128xi32, #tpu.memory_space<vmem>> -> memref<128xi32, #tpu.memory_space<vmem>>
        %dma_wait3A_273 = arith.constant 0 : i32
        %dma_wait3A_274 = arith.constant 0 : i32
        %dma_wait3A_275 = tpu.memref_slice %arg9[%dma_wait3A_273, %dma_wait3A_274] : memref<10240x128xf32, #tpu.memory_space<vmem_shared>> -> memref<10240x128xf32, #tpu.memory_space<vmem_shared>>
        tpu.wait_indirect_dma semaphore(%run_scoped3A_255 : memref<!tpu.dma_semaphore, #tpu.memory_space<semaphore_mem>>) src(%dma_wait3A_269 : memref<128x128xf32, #tpu.memory_space<vmem>>) dst(%dma_wait3A_275 : memref<10240x128xf32, #tpu.memory_space<vmem_shared>>)
        tpu.yield
      }) : () -> ()
    }
    %scan3A_34 = arith.constant 10 : i32
    %barrier3A_35 = arith.constant 0 : index
    tpu.barrier barrier_id(%barrier3A_35)
    %mul3A_36 = arith.constant 640 : i32
    %mul3A_37 = arith.muli %arg1, %mul3A_36 : i32
    %mul3A_38 = arith.constant 640 : i32
    %mul3A_39 = arith.muli %arg1, %mul3A_38 : i32
    "tpu.region"() ({
      %run_scoped3A_40 = tpu.sem_alloc : memref<!tpu.dma_semaphore, #tpu.memory_space<semaphore_mem>>
      %dma_start3A = arith.constant 0 : i32
      %dma_start3A_41 = tpu.memref_slice %arg5[%arg0, %mul3A_39, %dma_start3A] : memref<2x10240x128xf32, #tpu.memory_space<hbm>> -> memref<1x640x128xf32, #tpu.memory_space<hbm>>
      %dma_start3A_42 = tpu.memref_squeeze %dma_start3A_41 : memref<1x640x128xf32, #tpu.memory_space<hbm>> -> memref<640x128xf32, #tpu.memory_space<hbm>>
      %dma_start3A_43 = arith.constant 0 : i32
      %dma_start3A_44 = tpu.memref_slice %arg9[%mul3A_37, %dma_start3A_43] : memref<10240x128xf32, #tpu.memory_space<vmem_shared>> -> memref<640x128xf32, #tpu.memory_space<vmem_shared>>
      tpu.enqueue_dma source(%dma_start3A_44 : memref<640x128xf32, #tpu.memory_space<vmem_shared>>) target(%dma_start3A_42 : memref<640x128xf32, #tpu.memory_space<hbm>>) target_semaphore(%run_scoped3A_40 : memref<!tpu.dma_semaphore, #tpu.memory_space<semaphore_mem>>)
      %dma_wait3A = arith.constant 0 : i32
      %dma_wait3A_45 = tpu.memref_slice %arg5[%arg0, %mul3A_39, %dma_wait3A] : memref<2x10240x128xf32, #tpu.memory_space<hbm>> -> memref<1x640x128xf32, #tpu.memory_space<hbm>>
      %dma_wait3A_46 = tpu.memref_squeeze %dma_wait3A_45 : memref<1x640x128xf32, #tpu.memory_space<hbm>> -> memref<640x128xf32, #tpu.memory_space<hbm>>
      %dma_wait3A_47 = arith.constant 0 : i32
      %dma_wait3A_48 = tpu.memref_slice %arg9[%mul3A_37, %dma_wait3A_47] : memref<10240x128xf32, #tpu.memory_space<vmem_shared>> -> memref<640x128xf32, #tpu.memory_space<vmem_shared>>
      tpu.wait_dma2 semaphore(%run_scoped3A_40 : memref<!tpu.dma_semaphore, #tpu.memory_space<semaphore_mem>>) src(%dma_wait3A_48 : memref<640x128xf32, #tpu.memory_space<vmem_shared>>) dst(%dma_wait3A_46 : memref<640x128xf32, #tpu.memory_space<hbm>>)
      tpu.yield
    }) : () -> ()
    return
  }
}

#map = affine_map<(d0, d1) -> (0, 0)>
#map1 = affine_map<(d0, d1) -> (0, 0, 0)>
module attributes {stable_mosaic.version = 14 : i64} {
  func.func @_agg_body(%arg0: i32, %arg1: i32, %arg2: memref<10240x128xf32, #tpu.memory_space<hbm>>, %arg3: memref<32x80x128xi32, #tpu.memory_space<hbm>>, %arg4: memref<32x80x128xi32, #tpu.memory_space<hbm>>, %arg5: memref<2x10240x128xf32, #tpu.memory_space<hbm>>, %arg6: memref<8x128xi32, #tpu.memory_space<vmem>>, %arg7: memref<8x128xi32, #tpu.memory_space<vmem>>, %arg8: memref<2x128x128xf32, #tpu.memory_space<vmem>>, %arg9: memref<10240x128xf32, #tpu.memory_space<vmem_shared>>, %arg10: memref<!tpu.dma_semaphore, #tpu.memory_space<semaphore_mem>>, %arg11: memref<!tpu.dma_semaphore, #tpu.memory_space<semaphore_mem>>) attributes {dimension_semantics = [#tpu.dimension_semantics<core_parallel>, #tpu.dimension_semantics<subcore_parallel>], iteration_bounds = array<i64: 2, 16>, scalar_prefetch = 0 : i64, scratch_operands = 6 : i64, tpu.core_type = #tpu.core_type<sc_vector_subcore>, window_params = [{transform_indices = #map}, {transform_indices = #map1}, {transform_indices = #map1}, {transform_indices = #map1}]} {
    %mul3A = arith.constant 2 : i32
    %mul3A_0 = arith.muli %arg1, %mul3A : i32
    %add3A = arith.addi %mul3A_0, %arg0 : i32
    %broadcast_in_dim3A = arith.constant 0.000000e+00 : f32
    %broadcast_in_dim3A_1 = vector.broadcast %broadcast_in_dim3A : f32 to vector<16xf32>
    %scan3A = arith.constant 0 : i32
    %scan3A_2 = arith.constant 128 : i32
    %scan3A_3 = arith.addi %scan3A, %scan3A_2 : i32
    %scan3A_4 = arith.constant 1 : i32
    scf.for %scan3A_40 = %scan3A to %scan3A_3 step %scan3A_4  : i32 {
      %mul3A_41 = arith.constant 1 : i32
      %mul3A_42 = arith.muli %scan3A_40, %mul3A_41 : i32
      %add3A_43 = arith.constant 0 : i32
      %add3A_44 = arith.addi %add3A_43, %mul3A_42 : i32
      %swap3A = arith.constant 0 : i32
      %swap3A_45 = arith.index_cast %swap3A : i32 to index
      %swap3A_46 = arith.index_cast %add3A_44 : i32 to index
      %swap3A_47 = arith.constant 0 : index
      %swap3A_48 = tpu.vector_load %arg8[%swap3A_45, %swap3A_46, %swap3A_47] {strides = array<i32>} : memref<2x128x128xf32, #tpu.memory_space<vmem>>, vector<16xf32>,
      tpu.vector_store %arg8[%swap3A_45, %swap3A_46, %swap3A_47], %broadcast_in_dim3A_1 {strides = array<i32>} : memref<2x128x128xf32, #tpu.memory_space<vmem>>, vector<16xf32>,
      %swap3A_49 = arith.constant 0 : i32
      %swap3A_50 = arith.index_cast %swap3A_49 : i32 to index
      %swap3A_51 = arith.index_cast %add3A_44 : i32 to index
      %swap3A_52 = arith.constant 16 : index
      %swap3A_53 = tpu.vector_load %arg8[%swap3A_50, %swap3A_51, %swap3A_52] {strides = array<i32>} : memref<2x128x128xf32, #tpu.memory_space<vmem>>, vector<16xf32>,
      tpu.vector_store %arg8[%swap3A_50, %swap3A_51, %swap3A_52], %broadcast_in_dim3A_1 {strides = array<i32>} : memref<2x128x128xf32, #tpu.memory_space<vmem>>, vector<16xf32>,
      %swap3A_54 = arith.constant 0 : i32
      %swap3A_55 = arith.index_cast %swap3A_54 : i32 to index
      %swap3A_56 = arith.index_cast %add3A_44 : i32 to index
      %swap3A_57 = arith.constant 32 : index
      %swap3A_58 = tpu.vector_load %arg8[%swap3A_55, %swap3A_56, %swap3A_57] {strides = array<i32>} : memref<2x128x128xf32, #tpu.memory_space<vmem>>, vector<16xf32>,
      tpu.vector_store %arg8[%swap3A_55, %swap3A_56, %swap3A_57], %broadcast_in_dim3A_1 {strides = array<i32>} : memref<2x128x128xf32, #tpu.memory_space<vmem>>, vector<16xf32>,
      %swap3A_59 = arith.constant 0 : i32
      %swap3A_60 = arith.index_cast %swap3A_59 : i32 to index
      %swap3A_61 = arith.index_cast %add3A_44 : i32 to index
      %swap3A_62 = arith.constant 48 : index
      %swap3A_63 = tpu.vector_load %arg8[%swap3A_60, %swap3A_61, %swap3A_62] {strides = array<i32>} : memref<2x128x128xf32, #tpu.memory_space<vmem>>, vector<16xf32>,
      tpu.vector_store %arg8[%swap3A_60, %swap3A_61, %swap3A_62], %broadcast_in_dim3A_1 {strides = array<i32>} : memref<2x128x128xf32, #tpu.memory_space<vmem>>, vector<16xf32>,
      %swap3A_64 = arith.constant 0 : i32
      %swap3A_65 = arith.index_cast %swap3A_64 : i32 to index
      %swap3A_66 = arith.index_cast %add3A_44 : i32 to index
      %swap3A_67 = arith.constant 64 : index
      %swap3A_68 = tpu.vector_load %arg8[%swap3A_65, %swap3A_66, %swap3A_67] {strides = array<i32>} : memref<2x128x128xf32, #tpu.memory_space<vmem>>, vector<16xf32>,
      tpu.vector_store %arg8[%swap3A_65, %swap3A_66, %swap3A_67], %broadcast_in_dim3A_1 {strides = array<i32>} : memref<2x128x128xf32, #tpu.memory_space<vmem>>, vector<16xf32>,
      %swap3A_69 = arith.constant 0 : i32
      %swap3A_70 = arith.index_cast %swap3A_69 : i32 to index
      %swap3A_71 = arith.index_cast %add3A_44 : i32 to index
      %swap3A_72 = arith.constant 80 : index
      %swap3A_73 = tpu.vector_load %arg8[%swap3A_70, %swap3A_71, %swap3A_72] {strides = array<i32>} : memref<2x128x128xf32, #tpu.memory_space<vmem>>, vector<16xf32>,
      tpu.vector_store %arg8[%swap3A_70, %swap3A_71, %swap3A_72], %broadcast_in_dim3A_1 {strides = array<i32>} : memref<2x128x128xf32, #tpu.memory_space<vmem>>, vector<16xf32>,
      %swap3A_74 = arith.constant 0 : i32
      %swap3A_75 = arith.index_cast %swap3A_74 : i32 to index
      %swap3A_76 = arith.index_cast %add3A_44 : i32 to index
      %swap3A_77 = arith.constant 96 : index
      %swap3A_78 = tpu.vector_load %arg8[%swap3A_75, %swap3A_76, %swap3A_77] {strides = array<i32>} : memref<2x128x128xf32, #tpu.memory_space<vmem>>, vector<16xf32>,
      tpu.vector_store %arg8[%swap3A_75, %swap3A_76, %swap3A_77], %broadcast_in_dim3A_1 {strides = array<i32>} : memref<2x128x128xf32, #tpu.memory_space<vmem>>, vector<16xf32>,
      %swap3A_79 = arith.constant 0 : i32
      %swap3A_80 = arith.index_cast %swap3A_79 : i32 to index
      %swap3A_81 = arith.index_cast %add3A_44 : i32 to index
      %swap3A_82 = arith.constant 112 : index
      %swap3A_83 = tpu.vector_load %arg8[%swap3A_80, %swap3A_81, %swap3A_82] {strides = array<i32>} : memref<2x128x128xf32, #tpu.memory_space<vmem>>, vector<16xf32>,
      tpu.vector_store %arg8[%swap3A_80, %swap3A_81, %swap3A_82], %broadcast_in_dim3A_1 {strides = array<i32>} : memref<2x128x128xf32, #tpu.memory_space<vmem>>, vector<16xf32>,
    }
    %scan3A_5 = arith.constant 128 : i32
    %mul3A_6 = arith.constant 640 : i32
    %mul3A_7 = arith.muli %arg1, %mul3A_6 : i32
    %add3A_8 = arith.constant 0 : i32
    %add3A_9 = arith.addi %mul3A_7, %add3A_8 : i32
    %run_scoped3A = arith.constant 0 : i32
    "tpu.region"() ({
      %run_scoped3A_40 = tpu.sem_alloc : memref<!tpu.dma_semaphore, #tpu.memory_space<semaphore_mem>>
      %dma_start3A = arith.constant 0 : i32
      %dma_start3A_41 = arith.constant 0 : i32
      %dma_start3A_42 = tpu.memref_slice %arg8[%run_scoped3A, %dma_start3A, %dma_start3A_41] : memref<2x128x128xf32, #tpu.memory_space<vmem>> -> memref<1x128x128xf32, #tpu.memory_space<vmem>>
      %dma_start3A_43 = tpu.memref_squeeze %dma_start3A_42 : memref<1x128x128xf32, #tpu.memory_space<vmem>> -> memref<128x128xf32, #tpu.memory_space<vmem>>
      %dma_start3A_44 = arith.constant 0 : i32
      %dma_start3A_45 = tpu.memref_slice %arg9[%add3A_9, %dma_start3A_44] : memref<10240x128xf32, #tpu.memory_space<vmem_shared>> -> memref<128x128xf32, #tpu.memory_space<vmem_shared>>
      %dma_start3A_46 = arith.constant 0 : i32
      %dma_start3A_47 = tpu.memref_slice %arg9[%add3A_9, %dma_start3A_46] : memref<10240x128xf32, #tpu.memory_space<vmem_shared>> -> memref<128x128xf32, #tpu.memory_space<vmem_shared>>
      %dma_start3A_48 = arith.constant 0 : i32
      %dma_start3A_49 = arith.constant 0 : i32
      %dma_start3A_50 = tpu.memref_slice %arg8[%run_scoped3A, %dma_start3A_48, %dma_start3A_49] : memref<2x128x128xf32, #tpu.memory_space<vmem>> -> memref<1x128x128xf32, #tpu.memory_space<vmem>>
      %dma_start3A_51 = tpu.memref_squeeze %dma_start3A_50 : memref<1x128x128xf32, #tpu.memory_space<vmem>> -> memref<128x128xf32, #tpu.memory_space<vmem>>
      tpu.enqueue_dma source(%dma_start3A_51 : memref<128x128xf32, #tpu.memory_space<vmem>>) target(%dma_start3A_47 : memref<128x128xf32, #tpu.memory_space<vmem_shared>>) target_semaphore(%run_scoped3A_40 : memref<!tpu.dma_semaphore, #tpu.memory_space<semaphore_mem>>)
      %dma_wait3A = arith.constant 0 : i32
      %dma_wait3A_52 = arith.constant 0 : i32
      %dma_wait3A_53 = tpu.memref_slice %arg8[%run_scoped3A, %dma_wait3A, %dma_wait3A_52] : memref<2x128x128xf32, #tpu.memory_space<vmem>> -> memref<1x128x128xf32, #tpu.memory_space<vmem>>
      %dma_wait3A_54 = tpu.memref_squeeze %dma_wait3A_53 : memref<1x128x128xf32, #tpu.memory_space<vmem>> -> memref<128x128xf32, #tpu.memory_space<vmem>>
      %dma_wait3A_55 = arith.constant 0 : i32
      %dma_wait3A_56 = tpu.memref_slice %arg9[%add3A_9, %dma_wait3A_55] : memref<10240x128xf32, #tpu.memory_space<vmem_shared>> -> memref<128x128xf32, #tpu.memory_space<vmem_shared>>
      %dma_wait3A_57 = arith.constant 0 : i32
      %dma_wait3A_58 = tpu.memref_slice %arg9[%add3A_9, %dma_wait3A_57] : memref<10240x128xf32, #tpu.memory_space<vmem_shared>> -> memref<128x128xf32, #tpu.memory_space<vmem_shared>>
      %dma_wait3A_59 = arith.constant 0 : i32
      %dma_wait3A_60 = arith.constant 0 : i32
      %dma_wait3A_61 = tpu.memref_slice %arg8[%run_scoped3A, %dma_wait3A_59, %dma_wait3A_60] : memref<2x128x128xf32, #tpu.memory_space<vmem>> -> memref<1x128x128xf32, #tpu.memory_space<vmem>>
      %dma_wait3A_62 = tpu.memref_squeeze %dma_wait3A_61 : memref<1x128x128xf32, #tpu.memory_space<vmem>> -> memref<128x128xf32, #tpu.memory_space<vmem>>
      tpu.wait_dma2 semaphore(%run_scoped3A_40 : memref<!tpu.dma_semaphore, #tpu.memory_space<semaphore_mem>>) src(%dma_wait3A_62 : memref<128x128xf32, #tpu.memory_space<vmem>>) dst(%dma_wait3A_58 : memref<128x128xf32, #tpu.memory_space<vmem_shared>>)
      tpu.yield
    }) : () -> ()
    %mul3A_10 = arith.constant 640 : i32
    %mul3A_11 = arith.muli %arg1, %mul3A_10 : i32
    %add3A_12 = arith.constant 128 : i32
    %add3A_13 = arith.addi %mul3A_11, %add3A_12 : i32
    %run_scoped3A_14 = arith.constant 0 : i32
    "tpu.region"() ({
      %run_scoped3A_40 = tpu.sem_alloc : memref<!tpu.dma_semaphore, #tpu.memory_space<semaphore_mem>>
      %dma_start3A = arith.constant 0 : i32
      %dma_start3A_41 = arith.constant 0 : i32
      %dma_start3A_42 = tpu.memref_slice %arg8[%run_scoped3A_14, %dma_start3A, %dma_start3A_41] : memref<2x128x128xf32, #tpu.memory_space<vmem>> -> memref<1x128x128xf32, #tpu.memory_space<vmem>>
      %dma_start3A_43 = tpu.memref_squeeze %dma_start3A_42 : memref<1x128x128xf32, #tpu.memory_space<vmem>> -> memref<128x128xf32, #tpu.memory_space<vmem>>
      %dma_start3A_44 = arith.constant 0 : i32
      %dma_start3A_45 = tpu.memref_slice %arg9[%add3A_13, %dma_start3A_44] : memref<10240x128xf32, #tpu.memory_space<vmem_shared>> -> memref<128x128xf32, #tpu.memory_space<vmem_shared>>
      %dma_start3A_46 = arith.constant 0 : i32
      %dma_start3A_47 = tpu.memref_slice %arg9[%add3A_13, %dma_start3A_46] : memref<10240x128xf32, #tpu.memory_space<vmem_shared>> -> memref<128x128xf32, #tpu.memory_space<vmem_shared>>
      %dma_start3A_48 = arith.constant 0 : i32
      %dma_start3A_49 = arith.constant 0 : i32
      %dma_start3A_50 = tpu.memref_slice %arg8[%run_scoped3A_14, %dma_start3A_48, %dma_start3A_49] : memref<2x128x128xf32, #tpu.memory_space<vmem>> -> memref<1x128x128xf32, #tpu.memory_space<vmem>>
      %dma_start3A_51 = tpu.memref_squeeze %dma_start3A_50 : memref<1x128x128xf32, #tpu.memory_space<vmem>> -> memref<128x128xf32, #tpu.memory_space<vmem>>
      tpu.enqueue_dma source(%dma_start3A_51 : memref<128x128xf32, #tpu.memory_space<vmem>>) target(%dma_start3A_47 : memref<128x128xf32, #tpu.memory_space<vmem_shared>>) target_semaphore(%run_scoped3A_40 : memref<!tpu.dma_semaphore, #tpu.memory_space<semaphore_mem>>)
      %dma_wait3A = arith.constant 0 : i32
      %dma_wait3A_52 = arith.constant 0 : i32
      %dma_wait3A_53 = tpu.memref_slice %arg8[%run_scoped3A_14, %dma_wait3A, %dma_wait3A_52] : memref<2x128x128xf32, #tpu.memory_space<vmem>> -> memref<1x128x128xf32, #tpu.memory_space<vmem>>
      %dma_wait3A_54 = tpu.memref_squeeze %dma_wait3A_53 : memref<1x128x128xf32, #tpu.memory_space<vmem>> -> memref<128x128xf32, #tpu.memory_space<vmem>>
      %dma_wait3A_55 = arith.constant 0 : i32
      %dma_wait3A_56 = tpu.memref_slice %arg9[%add3A_13, %dma_wait3A_55] : memref<10240x128xf32, #tpu.memory_space<vmem_shared>> -> memref<128x128xf32, #tpu.memory_space<vmem_shared>>
      %dma_wait3A_57 = arith.constant 0 : i32
      %dma_wait3A_58 = tpu.memref_slice %arg9[%add3A_13, %dma_wait3A_57] : memref<10240x128xf32, #tpu.memory_space<vmem_shared>> -> memref<128x128xf32, #tpu.memory_space<vmem_shared>>
      %dma_wait3A_59 = arith.constant 0 : i32
      %dma_wait3A_60 = arith.constant 0 : i32
      %dma_wait3A_61 = tpu.memref_slice %arg8[%run_scoped3A_14, %dma_wait3A_59, %dma_wait3A_60] : memref<2x128x128xf32, #tpu.memory_space<vmem>> -> memref<1x128x128xf32, #tpu.memory_space<vmem>>
      %dma_wait3A_62 = tpu.memref_squeeze %dma_wait3A_61 : memref<1x128x128xf32, #tpu.memory_space<vmem>> -> memref<128x128xf32, #tpu.memory_space<vmem>>
      tpu.wait_dma2 semaphore(%run_scoped3A_40 : memref<!tpu.dma_semaphore, #tpu.memory_space<semaphore_mem>>) src(%dma_wait3A_62 : memref<128x128xf32, #tpu.memory_space<vmem>>) dst(%dma_wait3A_58 : memref<128x128xf32, #tpu.memory_space<vmem_shared>>)
      tpu.yield
    }) : () -> ()
    %mul3A_15 = arith.constant 640 : i32
    %mul3A_16 = arith.muli %arg1, %mul3A_15 : i32
    %add3A_17 = arith.constant 256 : i32
    %add3A_18 = arith.addi %mul3A_16, %add3A_17 : i32
    %run_scoped3A_19 = arith.constant 0 : i32
    "tpu.region"() ({
      %run_scoped3A_40 = tpu.sem_alloc : memref<!tpu.dma_semaphore, #tpu.memory_space<semaphore_mem>>
      %dma_start3A = arith.constant 0 : i32
      %dma_start3A_41 = arith.constant 0 : i32
      %dma_start3A_42 = tpu.memref_slice %arg8[%run_scoped3A_19, %dma_start3A, %dma_start3A_41] : memref<2x128x128xf32, #tpu.memory_space<vmem>> -> memref<1x128x128xf32, #tpu.memory_space<vmem>>
      %dma_start3A_43 = tpu.memref_squeeze %dma_start3A_42 : memref<1x128x128xf32, #tpu.memory_space<vmem>> -> memref<128x128xf32, #tpu.memory_space<vmem>>
      %dma_start3A_44 = arith.constant 0 : i32
      %dma_start3A_45 = tpu.memref_slice %arg9[%add3A_18, %dma_start3A_44] : memref<10240x128xf32, #tpu.memory_space<vmem_shared>> -> memref<128x128xf32, #tpu.memory_space<vmem_shared>>
      %dma_start3A_46 = arith.constant 0 : i32
      %dma_start3A_47 = tpu.memref_slice %arg9[%add3A_18, %dma_start3A_46] : memref<10240x128xf32, #tpu.memory_space<vmem_shared>> -> memref<128x128xf32, #tpu.memory_space<vmem_shared>>
      %dma_start3A_48 = arith.constant 0 : i32
      %dma_start3A_49 = arith.constant 0 : i32
      %dma_start3A_50 = tpu.memref_slice %arg8[%run_scoped3A_19, %dma_start3A_48, %dma_start3A_49] : memref<2x128x128xf32, #tpu.memory_space<vmem>> -> memref<1x128x128xf32, #tpu.memory_space<vmem>>
      %dma_start3A_51 = tpu.memref_squeeze %dma_start3A_50 : memref<1x128x128xf32, #tpu.memory_space<vmem>> -> memref<128x128xf32, #tpu.memory_space<vmem>>
      tpu.enqueue_dma source(%dma_start3A_51 : memref<128x128xf32, #tpu.memory_space<vmem>>) target(%dma_start3A_47 : memref<128x128xf32, #tpu.memory_space<vmem_shared>>) target_semaphore(%run_scoped3A_40 : memref<!tpu.dma_semaphore, #tpu.memory_space<semaphore_mem>>)
      %dma_wait3A = arith.constant 0 : i32
      %dma_wait3A_52 = arith.constant 0 : i32
      %dma_wait3A_53 = tpu.memref_slice %arg8[%run_scoped3A_19, %dma_wait3A, %dma_wait3A_52] : memref<2x128x128xf32, #tpu.memory_space<vmem>> -> memref<1x128x128xf32, #tpu.memory_space<vmem>>
      %dma_wait3A_54 = tpu.memref_squeeze %dma_wait3A_53 : memref<1x128x128xf32, #tpu.memory_space<vmem>> -> memref<128x128xf32, #tpu.memory_space<vmem>>
      %dma_wait3A_55 = arith.constant 0 : i32
      %dma_wait3A_56 = tpu.memref_slice %arg9[%add3A_18, %dma_wait3A_55] : memref<10240x128xf32, #tpu.memory_space<vmem_shared>> -> memref<128x128xf32, #tpu.memory_space<vmem_shared>>
      %dma_wait3A_57 = arith.constant 0 : i32
      %dma_wait3A_58 = tpu.memref_slice %arg9[%add3A_18, %dma_wait3A_57] : memref<10240x128xf32, #tpu.memory_space<vmem_shared>> -> memref<128x128xf32, #tpu.memory_space<vmem_shared>>
      %dma_wait3A_59 = arith.constant 0 : i32
      %dma_wait3A_60 = arith.constant 0 : i32
      %dma_wait3A_61 = tpu.memref_slice %arg8[%run_scoped3A_19, %dma_wait3A_59, %dma_wait3A_60] : memref<2x128x128xf32, #tpu.memory_space<vmem>> -> memref<1x128x128xf32, #tpu.memory_space<vmem>>
      %dma_wait3A_62 = tpu.memref_squeeze %dma_wait3A_61 : memref<1x128x128xf32, #tpu.memory_space<vmem>> -> memref<128x128xf32, #tpu.memory_space<vmem>>
      tpu.wait_dma2 semaphore(%run_scoped3A_40 : memref<!tpu.dma_semaphore, #tpu.memory_space<semaphore_mem>>) src(%dma_wait3A_62 : memref<128x128xf32, #tpu.memory_space<vmem>>) dst(%dma_wait3A_58 : memref<128x128xf32, #tpu.memory_space<vmem_shared>>)
      tpu.yield
    }) : () -> ()
    %mul3A_20 = arith.constant 640 : i32
    %mul3A_21 = arith.muli %arg1, %mul3A_20 : i32
    %add3A_22 = arith.constant 384 : i32
    %add3A_23 = arith.addi %mul3A_21, %add3A_22 : i32
    %run_scoped3A_24 = arith.constant 0 : i32
    "tpu.region"() ({
      %run_scoped3A_40 = tpu.sem_alloc : memref<!tpu.dma_semaphore, #tpu.memory_space<semaphore_mem>>
      %dma_start3A = arith.constant 0 : i32
      %dma_start3A_41 = arith.constant 0 : i32
      %dma_start3A_42 = tpu.memref_slice %arg8[%run_scoped3A_24, %dma_start3A, %dma_start3A_41] : memref<2x128x128xf32, #tpu.memory_space<vmem>> -> memref<1x128x128xf32, #tpu.memory_space<vmem>>
      %dma_start3A_43 = tpu.memref_squeeze %dma_start3A_42 : memref<1x128x128xf32, #tpu.memory_space<vmem>> -> memref<128x128xf32, #tpu.memory_space<vmem>>
      %dma_start3A_44 = arith.constant 0 : i32
      %dma_start3A_45 = tpu.memref_slice %arg9[%add3A_23, %dma_start3A_44] : memref<10240x128xf32, #tpu.memory_space<vmem_shared>> -> memref<128x128xf32, #tpu.memory_space<vmem_shared>>
      %dma_start3A_46 = arith.constant 0 : i32
      %dma_start3A_47 = tpu.memref_slice %arg9[%add3A_23, %dma_start3A_46] : memref<10240x128xf32, #tpu.memory_space<vmem_shared>> -> memref<128x128xf32, #tpu.memory_space<vmem_shared>>
      %dma_start3A_48 = arith.constant 0 : i32
      %dma_start3A_49 = arith.constant 0 : i32
      %dma_start3A_50 = tpu.memref_slice %arg8[%run_scoped3A_24, %dma_start3A_48, %dma_start3A_49] : memref<2x128x128xf32, #tpu.memory_space<vmem>> -> memref<1x128x128xf32, #tpu.memory_space<vmem>>
      %dma_start3A_51 = tpu.memref_squeeze %dma_start3A_50 : memref<1x128x128xf32, #tpu.memory_space<vmem>> -> memref<128x128xf32, #tpu.memory_space<vmem>>
      tpu.enqueue_dma source(%dma_start3A_51 : memref<128x128xf32, #tpu.memory_space<vmem>>) target(%dma_start3A_47 : memref<128x128xf32, #tpu.memory_space<vmem_shared>>) target_semaphore(%run_scoped3A_40 : memref<!tpu.dma_semaphore, #tpu.memory_space<semaphore_mem>>)
      %dma_wait3A = arith.constant 0 : i32
      %dma_wait3A_52 = arith.constant 0 : i32
      %dma_wait3A_53 = tpu.memref_slice %arg8[%run_scoped3A_24, %dma_wait3A, %dma_wait3A_52] : memref<2x128x128xf32, #tpu.memory_space<vmem>> -> memref<1x128x128xf32, #tpu.memory_space<vmem>>
      %dma_wait3A_54 = tpu.memref_squeeze %dma_wait3A_53 : memref<1x128x128xf32, #tpu.memory_space<vmem>> -> memref<128x128xf32, #tpu.memory_space<vmem>>
      %dma_wait3A_55 = arith.constant 0 : i32
      %dma_wait3A_56 = tpu.memref_slice %arg9[%add3A_23, %dma_wait3A_55] : memref<10240x128xf32, #tpu.memory_space<vmem_shared>> -> memref<128x128xf32, #tpu.memory_space<vmem_shared>>
      %dma_wait3A_57 = arith.constant 0 : i32
      %dma_wait3A_58 = tpu.memref_slice %arg9[%add3A_23, %dma_wait3A_57] : memref<10240x128xf32, #tpu.memory_space<vmem_shared>> -> memref<128x128xf32, #tpu.memory_space<vmem_shared>>
      %dma_wait3A_59 = arith.constant 0 : i32
      %dma_wait3A_60 = arith.constant 0 : i32
      %dma_wait3A_61 = tpu.memref_slice %arg8[%run_scoped3A_24, %dma_wait3A_59, %dma_wait3A_60] : memref<2x128x128xf32, #tpu.memory_space<vmem>> -> memref<1x128x128xf32, #tpu.memory_space<vmem>>
      %dma_wait3A_62 = tpu.memref_squeeze %dma_wait3A_61 : memref<1x128x128xf32, #tpu.memory_space<vmem>> -> memref<128x128xf32, #tpu.memory_space<vmem>>
      tpu.wait_dma2 semaphore(%run_scoped3A_40 : memref<!tpu.dma_semaphore, #tpu.memory_space<semaphore_mem>>) src(%dma_wait3A_62 : memref<128x128xf32, #tpu.memory_space<vmem>>) dst(%dma_wait3A_58 : memref<128x128xf32, #tpu.memory_space<vmem_shared>>)
      tpu.yield
    }) : () -> ()
    %mul3A_25 = arith.constant 640 : i32
    %mul3A_26 = arith.muli %arg1, %mul3A_25 : i32
    %add3A_27 = arith.constant 512 : i32
    %add3A_28 = arith.addi %mul3A_26, %add3A_27 : i32
    %run_scoped3A_29 = arith.constant 0 : i32
    "tpu.region"() ({
      %run_scoped3A_40 = tpu.sem_alloc : memref<!tpu.dma_semaphore, #tpu.memory_space<semaphore_mem>>
      %dma_start3A = arith.constant 0 : i32
      %dma_start3A_41 = arith.constant 0 : i32
      %dma_start3A_42 = tpu.memref_slice %arg8[%run_scoped3A_29, %dma_start3A, %dma_start3A_41] : memref<2x128x128xf32, #tpu.memory_space<vmem>> -> memref<1x128x128xf32, #tpu.memory_space<vmem>>
      %dma_start3A_43 = tpu.memref_squeeze %dma_start3A_42 : memref<1x128x128xf32, #tpu.memory_space<vmem>> -> memref<128x128xf32, #tpu.memory_space<vmem>>
      %dma_start3A_44 = arith.constant 0 : i32
      %dma_start3A_45 = tpu.memref_slice %arg9[%add3A_28, %dma_start3A_44] : memref<10240x128xf32, #tpu.memory_space<vmem_shared>> -> memref<128x128xf32, #tpu.memory_space<vmem_shared>>
      %dma_start3A_46 = arith.constant 0 : i32
      %dma_start3A_47 = tpu.memref_slice %arg9[%add3A_28, %dma_start3A_46] : memref<10240x128xf32, #tpu.memory_space<vmem_shared>> -> memref<128x128xf32, #tpu.memory_space<vmem_shared>>
      %dma_start3A_48 = arith.constant 0 : i32
      %dma_start3A_49 = arith.constant 0 : i32
      %dma_start3A_50 = tpu.memref_slice %arg8[%run_scoped3A_29, %dma_start3A_48, %dma_start3A_49] : memref<2x128x128xf32, #tpu.memory_space<vmem>> -> memref<1x128x128xf32, #tpu.memory_space<vmem>>
      %dma_start3A_51 = tpu.memref_squeeze %dma_start3A_50 : memref<1x128x128xf32, #tpu.memory_space<vmem>> -> memref<128x128xf32, #tpu.memory_space<vmem>>
      tpu.enqueue_dma source(%dma_start3A_51 : memref<128x128xf32, #tpu.memory_space<vmem>>) target(%dma_start3A_47 : memref<128x128xf32, #tpu.memory_space<vmem_shared>>) target_semaphore(%run_scoped3A_40 : memref<!tpu.dma_semaphore, #tpu.memory_space<semaphore_mem>>)
      %dma_wait3A = arith.constant 0 : i32
      %dma_wait3A_52 = arith.constant 0 : i32
      %dma_wait3A_53 = tpu.memref_slice %arg8[%run_scoped3A_29, %dma_wait3A, %dma_wait3A_52] : memref<2x128x128xf32, #tpu.memory_space<vmem>> -> memref<1x128x128xf32, #tpu.memory_space<vmem>>
      %dma_wait3A_54 = tpu.memref_squeeze %dma_wait3A_53 : memref<1x128x128xf32, #tpu.memory_space<vmem>> -> memref<128x128xf32, #tpu.memory_space<vmem>>
      %dma_wait3A_55 = arith.constant 0 : i32
      %dma_wait3A_56 = tpu.memref_slice %arg9[%add3A_28, %dma_wait3A_55] : memref<10240x128xf32, #tpu.memory_space<vmem_shared>> -> memref<128x128xf32, #tpu.memory_space<vmem_shared>>
      %dma_wait3A_57 = arith.constant 0 : i32
      %dma_wait3A_58 = tpu.memref_slice %arg9[%add3A_28, %dma_wait3A_57] : memref<10240x128xf32, #tpu.memory_space<vmem_shared>> -> memref<128x128xf32, #tpu.memory_space<vmem_shared>>
      %dma_wait3A_59 = arith.constant 0 : i32
      %dma_wait3A_60 = arith.constant 0 : i32
      %dma_wait3A_61 = tpu.memref_slice %arg8[%run_scoped3A_29, %dma_wait3A_59, %dma_wait3A_60] : memref<2x128x128xf32, #tpu.memory_space<vmem>> -> memref<1x128x128xf32, #tpu.memory_space<vmem>>
      %dma_wait3A_62 = tpu.memref_squeeze %dma_wait3A_61 : memref<1x128x128xf32, #tpu.memory_space<vmem>> -> memref<128x128xf32, #tpu.memory_space<vmem>>
      tpu.wait_dma2 semaphore(%run_scoped3A_40 : memref<!tpu.dma_semaphore, #tpu.memory_space<semaphore_mem>>) src(%dma_wait3A_62 : memref<128x128xf32, #tpu.memory_space<vmem>>) dst(%dma_wait3A_58 : memref<128x128xf32, #tpu.memory_space<vmem_shared>>)
      tpu.yield
    }) : () -> ()
    %barrier3A = arith.constant 0 : index
    tpu.barrier barrier_id(%barrier3A)
    %scan3A_30 = arith.constant 0 : i32
    %scan3A_31 = arith.constant 10 : i32
    %scan3A_32 = arith.addi %scan3A_30, %scan3A_31 : i32
    %scan3A_33 = arith.constant 1 : i32
    scf.for %scan3A_40 = %scan3A_30 to %scan3A_32 step %scan3A_33  : i32 {
      %mul3A_41 = arith.constant 1 : i32
      %mul3A_42 = arith.muli %scan3A_40, %mul3A_41 : i32
      %add3A_43 = arith.constant 0 : i32
      %add3A_44 = arith.addi %add3A_43, %mul3A_42 : i32
      %mul3A_45 = arith.constant 8 : i32
      %mul3A_46 = arith.muli %add3A_44, %mul3A_45 : i32
      "tpu.region"() ({
        %run_scoped3A_255 = tpu.sem_alloc : memref<!tpu.dma_semaphore, #tpu.memory_space<semaphore_mem>>
        %dma_start3A_256 = arith.constant 0 : i32
        %dma_start3A_257 = tpu.memref_slice %arg3[%add3A, %mul3A_46, %dma_start3A_256] : memref<32x80x128xi32, #tpu.memory_space<hbm>> -> memref<1x8x128xi32, #tpu.memory_space<hbm>>
        %dma_start3A_258 = tpu.memref_squeeze %dma_start3A_257 : memref<1x8x128xi32, #tpu.memory_space<hbm>> -> memref<8x128xi32, #tpu.memory_space<hbm>>
        %dma_start3A_259 = arith.constant 0 : i32
        %dma_start3A_260 = tpu.memref_slice %arg3[%add3A, %mul3A_46, %dma_start3A_259] : memref<32x80x128xi32, #tpu.memory_space<hbm>> -> memref<1x8x128xi32, #tpu.memory_space<hbm>>
        %dma_start3A_261 = tpu.memref_squeeze %dma_start3A_260 : memref<1x8x128xi32, #tpu.memory_space<hbm>> -> memref<8x128xi32, #tpu.memory_space<hbm>>
        tpu.enqueue_dma source(%dma_start3A_261 : memref<8x128xi32, #tpu.memory_space<hbm>>) target(%arg6 : memref<8x128xi32, #tpu.memory_space<vmem>>) target_semaphore(%run_scoped3A_255 : memref<!tpu.dma_semaphore, #tpu.memory_space<semaphore_mem>>)
        %dma_wait3A_262 = arith.constant 0 : i32
        %dma_wait3A_263 = tpu.memref_slice %arg3[%add3A, %mul3A_46, %dma_wait3A_262] : memref<32x80x128xi32, #tpu.memory_space<hbm>> -> memref<1x8x128xi32, #tpu.memory_space<hbm>>
        %dma_wait3A_264 = tpu.memref_squeeze %dma_wait3A_263 : memref<1x8x128xi32, #tpu.memory_space<hbm>> -> memref<8x128xi32, #tpu.memory_space<hbm>>
        %dma_wait3A_265 = arith.constant 0 : i32
        %dma_wait3A_266 = tpu.memref_slice %arg3[%add3A, %mul3A_46, %dma_wait3A_265] : memref<32x80x128xi32, #tpu.memory_space<hbm>> -> memref<1x8x128xi32, #tpu.memory_space<hbm>>
        %dma_wait3A_267 = tpu.memref_squeeze %dma_wait3A_266 : memref<1x8x128xi32, #tpu.memory_space<hbm>> -> memref<8x128xi32, #tpu.memory_space<hbm>>
        tpu.wait_dma2 semaphore(%run_scoped3A_255 : memref<!tpu.dma_semaphore, #tpu.memory_space<semaphore_mem>>) src(%dma_wait3A_267 : memref<8x128xi32, #tpu.memory_space<hbm>>) dst(%arg6 : memref<8x128xi32, #tpu.memory_space<vmem>>)
        tpu.yield
      }) : () -> ()
      %mul3A_47 = arith.constant 8 : i32
      %mul3A_48 = arith.muli %add3A_44, %mul3A_47 : i32
      "tpu.region"() ({
        %run_scoped3A_255 = tpu.sem_alloc : memref<!tpu.dma_semaphore, #tpu.memory_space<semaphore_mem>>
        %dma_start3A_256 = arith.constant 0 : i32
        %dma_start3A_257 = tpu.memref_slice %arg4[%add3A, %mul3A_48, %dma_start3A_256] : memref<32x80x128xi32, #tpu.memory_space<hbm>> -> memref<1x8x128xi32, #tpu.memory_space<hbm>>
        %dma_start3A_258 = tpu.memref_squeeze %dma_start3A_257 : memref<1x8x128xi32, #tpu.memory_space<hbm>> -> memref<8x128xi32, #tpu.memory_space<hbm>>
        %dma_start3A_259 = arith.constant 0 : i32
        %dma_start3A_260 = tpu.memref_slice %arg4[%add3A, %mul3A_48, %dma_start3A_259] : memref<32x80x128xi32, #tpu.memory_space<hbm>> -> memref<1x8x128xi32, #tpu.memory_space<hbm>>
        %dma_start3A_261 = tpu.memref_squeeze %dma_start3A_260 : memref<1x8x128xi32, #tpu.memory_space<hbm>> -> memref<8x128xi32, #tpu.memory_space<hbm>>
        tpu.enqueue_dma source(%dma_start3A_261 : memref<8x128xi32, #tpu.memory_space<hbm>>) target(%arg7 : memref<8x128xi32, #tpu.memory_space<vmem>>) target_semaphore(%run_scoped3A_255 : memref<!tpu.dma_semaphore, #tpu.memory_space<semaphore_mem>>)
        %dma_wait3A_262 = arith.constant 0 : i32
        %dma_wait3A_263 = tpu.memref_slice %arg4[%add3A, %mul3A_48, %dma_wait3A_262] : memref<32x80x128xi32, #tpu.memory_space<hbm>> -> memref<1x8x128xi32, #tpu.memory_space<hbm>>
        %dma_wait3A_264 = tpu.memref_squeeze %dma_wait3A_263 : memref<1x8x128xi32, #tpu.memory_space<hbm>> -> memref<8x128xi32, #tpu.memory_space<hbm>>
        %dma_wait3A_265 = arith.constant 0 : i32
        %dma_wait3A_266 = tpu.memref_slice %arg4[%add3A, %mul3A_48, %dma_wait3A_265] : memref<32x80x128xi32, #tpu.memory_space<hbm>> -> memref<1x8x128xi32, #tpu.memory_space<hbm>>
        %dma_wait3A_267 = tpu.memref_squeeze %dma_wait3A_266 : memref<1x8x128xi32, #tpu.memory_space<hbm>> -> memref<8x128xi32, #tpu.memory_space<hbm>>
        tpu.wait_dma2 semaphore(%run_scoped3A_255 : memref<!tpu.dma_semaphore, #tpu.memory_space<semaphore_mem>>) src(%dma_wait3A_267 : memref<8x128xi32, #tpu.memory_space<hbm>>) dst(%arg7 : memref<8x128xi32, #tpu.memory_space<vmem>>)
        tpu.yield
      }) : () -> ()
      %dma_start3A = arith.constant 0 : i32
      %dma_start3A_49 = arith.constant 0 : i32
      %dma_start3A_50 = arith.constant 0 : i32
      %dma_start3A_51 = arith.constant 0 : i32
      %dma_start3A_52 = tpu.memref_slice %arg8[%dma_start3A_49, %dma_start3A_50, %dma_start3A_51] : memref<2x128x128xf32, #tpu.memory_space<vmem>> -> memref<1x128x128xf32, #tpu.memory_space<vmem>>
      %dma_start3A_53 = tpu.memref_squeeze %dma_start3A_52 : memref<1x128x128xf32, #tpu.memory_space<vmem>> -> memref<128x128xf32, #tpu.memory_space<vmem>>
      %dma_start3A_54 = arith.constant 0 : i32
      %dma_start3A_55 = tpu.memref_slice %arg6[%dma_start3A, %dma_start3A_54] : memref<8x128xi32, #tpu.memory_space<vmem>> -> memref<1x128xi32, #tpu.memory_space<vmem>>
      %dma_start3A_56 = tpu.memref_squeeze %dma_start3A_55 : memref<1x128xi32, #tpu.memory_space<vmem>> -> memref<128xi32, #tpu.memory_space<vmem>>
      %dma_start3A_57 = arith.constant 0 : i32
      %dma_start3A_58 = arith.constant 0 : i32
      %dma_start3A_59 = tpu.memref_slice %arg2[%dma_start3A_57, %dma_start3A_58] : memref<10240x128xf32, #tpu.memory_space<hbm>> -> memref<10240x128xf32, #tpu.memory_space<hbm>>
      tpu.enqueue_indirect_dma source(%dma_start3A_59 : memref<10240x128xf32, #tpu.memory_space<hbm>>) target(%dma_start3A_53 : memref<128x128xf32, #tpu.memory_space<vmem>>) offsets(%dma_start3A_56 : memref<128xi32, #tpu.memory_space<vmem>>) semaphore(%arg10 : memref<!tpu.dma_semaphore, #tpu.memory_space<semaphore_mem>>)
      %dma_start3A_60 = arith.constant 1 : i32
      %dma_start3A_61 = arith.constant 1 : i32
      %dma_start3A_62 = arith.constant 0 : i32
      %dma_start3A_63 = arith.constant 0 : i32
      %dma_start3A_64 = tpu.memref_slice %arg8[%dma_start3A_61, %dma_start3A_62, %dma_start3A_63] : memref<2x128x128xf32, #tpu.memory_space<vmem>> -> memref<1x128x128xf32, #tpu.memory_space<vmem>>
      %dma_start3A_65 = tpu.memref_squeeze %dma_start3A_64 : memref<1x128x128xf32, #tpu.memory_space<vmem>> -> memref<128x128xf32, #tpu.memory_space<vmem>>
      %dma_start3A_66 = arith.constant 0 : i32
      %dma_start3A_67 = tpu.memref_slice %arg6[%dma_start3A_60, %dma_start3A_66] : memref<8x128xi32, #tpu.memory_space<vmem>> -> memref<1x128xi32, #tpu.memory_space<vmem>>
      %dma_start3A_68 = tpu.memref_squeeze %dma_start3A_67 : memref<1x128xi32, #tpu.memory_space<vmem>> -> memref<128xi32, #tpu.memory_space<vmem>>
      %dma_start3A_69 = arith.constant 0 : i32
      %dma_start3A_70 = arith.constant 0 : i32
      %dma_start3A_71 = tpu.memref_slice %arg2[%dma_start3A_69, %dma_start3A_70] : memref<10240x128xf32, #tpu.memory_space<hbm>> -> memref<10240x128xf32, #tpu.memory_space<hbm>>
      tpu.enqueue_indirect_dma source(%dma_start3A_71 : memref<10240x128xf32, #tpu.memory_space<hbm>>) target(%dma_start3A_65 : memref<128x128xf32, #tpu.memory_space<vmem>>) offsets(%dma_start3A_68 : memref<128xi32, #tpu.memory_space<vmem>>) semaphore(%arg11 : memref<!tpu.dma_semaphore, #tpu.memory_space<semaphore_mem>>)
      %dma_wait3A = arith.constant 0 : i32
      %dma_wait3A_72 = arith.constant 0 : i32
      %dma_wait3A_73 = arith.constant 0 : i32
      %dma_wait3A_74 = arith.constant 0 : i32
      %dma_wait3A_75 = tpu.memref_slice %arg8[%dma_wait3A_72, %dma_wait3A_73, %dma_wait3A_74] : memref<2x128x128xf32, #tpu.memory_space<vmem>> -> memref<1x128x128xf32, #tpu.memory_space<vmem>>
      %dma_wait3A_76 = tpu.memref_squeeze %dma_wait3A_75 : memref<1x128x128xf32, #tpu.memory_space<vmem>> -> memref<128x128xf32, #tpu.memory_space<vmem>>
      %dma_wait3A_77 = arith.constant 0 : i32
      %dma_wait3A_78 = tpu.memref_slice %arg6[%dma_wait3A, %dma_wait3A_77] : memref<8x128xi32, #tpu.memory_space<vmem>> -> memref<1x128xi32, #tpu.memory_space<vmem>>
      %dma_wait3A_79 = tpu.memref_squeeze %dma_wait3A_78 : memref<1x128xi32, #tpu.memory_space<vmem>> -> memref<128xi32, #tpu.memory_space<vmem>>
      %dma_wait3A_80 = arith.constant 0 : i32
      %dma_wait3A_81 = arith.constant 0 : i32
      %dma_wait3A_82 = tpu.memref_slice %arg2[%dma_wait3A_80, %dma_wait3A_81] : memref<10240x128xf32, #tpu.memory_space<hbm>> -> memref<10240x128xf32, #tpu.memory_space<hbm>>
      tpu.wait_indirect_dma semaphore(%arg10 : memref<!tpu.dma_semaphore, #tpu.memory_space<semaphore_mem>>) src(%dma_wait3A_82 : memref<10240x128xf32, #tpu.memory_space<hbm>>) dst(%dma_wait3A_76 : memref<128x128xf32, #tpu.memory_space<vmem>>)
      %run_scoped3A_83 = arith.constant 0 : i32
      %run_scoped3A_84 = arith.constant 0 : i32
      "tpu.region"() ({
        %run_scoped3A_255 = tpu.sem_alloc : memref<!tpu.dma_semaphore, #tpu.memory_space<semaphore_mem>>
        %dma_start3A_256 = arith.constant 0 : i32
        %dma_start3A_257 = arith.constant 0 : i32
        %dma_start3A_258 = tpu.memref_slice %arg8[%run_scoped3A_83, %dma_start3A_256, %dma_start3A_257] : memref<2x128x128xf32, #tpu.memory_space<vmem>> -> memref<1x128x128xf32, #tpu.memory_space<vmem>>
        %dma_start3A_259 = tpu.memref_squeeze %dma_start3A_258 : memref<1x128x128xf32, #tpu.memory_space<vmem>> -> memref<128x128xf32, #tpu.memory_space<vmem>>
        %dma_start3A_260 = arith.constant 0 : i32
        %dma_start3A_261 = tpu.memref_slice %arg7[%run_scoped3A_84, %dma_start3A_260] : memref<8x128xi32, #tpu.memory_space<vmem>> -> memref<1x128xi32, #tpu.memory_space<vmem>>
        %dma_start3A_262 = tpu.memref_squeeze %dma_start3A_261 : memref<1x128xi32, #tpu.memory_space<vmem>> -> memref<128xi32, #tpu.memory_space<vmem>>
        %dma_start3A_263 = arith.constant 0 : i32
        %dma_start3A_264 = arith.constant 0 : i32
        %dma_start3A_265 = tpu.memref_slice %arg9[%dma_start3A_263, %dma_start3A_264] : memref<10240x128xf32, #tpu.memory_space<vmem_shared>> -> memref<10240x128xf32, #tpu.memory_space<vmem_shared>>
        tpu.enqueue_indirect_dma source(%dma_start3A_259 : memref<128x128xf32, #tpu.memory_space<vmem>>) target(%dma_start3A_265 : memref<10240x128xf32, #tpu.memory_space<vmem_shared>>) offsets(%dma_start3A_262 : memref<128xi32, #tpu.memory_space<vmem>>) semaphore(%run_scoped3A_255 : memref<!tpu.dma_semaphore, #tpu.memory_space<semaphore_mem>>) {add = true}
        %dma_wait3A_266 = arith.constant 0 : i32
        %dma_wait3A_267 = arith.constant 0 : i32
        %dma_wait3A_268 = tpu.memref_slice %arg8[%run_scoped3A_83, %dma_wait3A_266, %dma_wait3A_267] : memref<2x128x128xf32, #tpu.memory_space<vmem>> -> memref<1x128x128xf32, #tpu.memory_space<vmem>>
        %dma_wait3A_269 = tpu.memref_squeeze %dma_wait3A_268 : memref<1x128x128xf32, #tpu.memory_space<vmem>> -> memref<128x128xf32, #tpu.memory_space<vmem>>
        %dma_wait3A_270 = arith.constant 0 : i32
        %dma_wait3A_271 = tpu.memref_slice %arg7[%run_scoped3A_84, %dma_wait3A_270] : memref<8x128xi32, #tpu.memory_space<vmem>> -> memref<1x128xi32, #tpu.memory_space<vmem>>
        %dma_wait3A_272 = tpu.memref_squeeze %dma_wait3A_271 : memref<1x128xi32, #tpu.memory_space<vmem>> -> memref<128xi32, #tpu.memory_space<vmem>>
        %dma_wait3A_273 = arith.constant 0 : i32
        %dma_wait3A_274 = arith.constant 0 : i32
        %dma_wait3A_275 = tpu.memref_slice %arg9[%dma_wait3A_273, %dma_wait3A_274] : memref<10240x128xf32, #tpu.memory_space<vmem_shared>> -> memref<10240x128xf32, #tpu.memory_space<vmem_shared>>
        tpu.wait_indirect_dma semaphore(%run_scoped3A_255 : memref<!tpu.dma_semaphore, #tpu.memory_space<semaphore_mem>>) src(%dma_wait3A_269 : memref<128x128xf32, #tpu.memory_space<vmem>>) dst(%dma_wait3A_275 : memref<10240x128xf32, #tpu.memory_space<vmem_shared>>)
        tpu.yield
      }) : () -> ()
      %dma_start3A_85 = arith.constant 2 : i32
      %dma_start3A_86 = arith.constant 0 : i32
      %dma_start3A_87 = arith.constant 0 : i32
      %dma_start3A_88 = arith.constant 0 : i32
      %dma_start3A_89 = tpu.memref_slice %arg8[%dma_start3A_86, %dma_start3A_87, %dma_start3A_88] : memref<2x128x128xf32, #tpu.memory_space<vmem>> -> memref<1x128x128xf32, #tpu.memory_space<vmem>>
      %dma_start3A_90 = tpu.memref_squeeze %dma_start3A_89 : memref<1x128x128xf32, #tpu.memory_space<vmem>> -> memref<128x128xf32, #tpu.memory_space<vmem>>
      %dma_start3A_91 = arith.constant 0 : i32
      %dma_start3A_92 = tpu.memref_slice %arg6[%dma_start3A_85, %dma_start3A_91] : memref<8x128xi32, #tpu.memory_space<vmem>> -> memref<1x128xi32, #tpu.memory_space<vmem>>
      %dma_start3A_93 = tpu.memref_squeeze %dma_start3A_92 : memref<1x128xi32, #tpu.memory_space<vmem>> -> memref<128xi32, #tpu.memory_space<vmem>>
      %dma_start3A_94 = arith.constant 0 : i32
      %dma_start3A_95 = arith.constant 0 : i32
      %dma_start3A_96 = tpu.memref_slice %arg2[%dma_start3A_94, %dma_start3A_95] : memref<10240x128xf32, #tpu.memory_space<hbm>> -> memref<10240x128xf32, #tpu.memory_space<hbm>>
      tpu.enqueue_indirect_dma source(%dma_start3A_96 : memref<10240x128xf32, #tpu.memory_space<hbm>>) target(%dma_start3A_90 : memref<128x128xf32, #tpu.memory_space<vmem>>) offsets(%dma_start3A_93 : memref<128xi32, #tpu.memory_space<vmem>>) semaphore(%arg10 : memref<!tpu.dma_semaphore, #tpu.memory_space<semaphore_mem>>)
      %dma_wait3A_97 = arith.constant 1 : i32
      %dma_wait3A_98 = arith.constant 1 : i32
      %dma_wait3A_99 = arith.constant 0 : i32
      %dma_wait3A_100 = arith.constant 0 : i32
      %dma_wait3A_101 = tpu.memref_slice %arg8[%dma_wait3A_98, %dma_wait3A_99, %dma_wait3A_100] : memref<2x128x128xf32, #tpu.memory_space<vmem>> -> memref<1x128x128xf32, #tpu.memory_space<vmem>>
      %dma_wait3A_102 = tpu.memref_squeeze %dma_wait3A_101 : memref<1x128x128xf32, #tpu.memory_space<vmem>> -> memref<128x128xf32, #tpu.memory_space<vmem>>
      %dma_wait3A_103 = arith.constant 0 : i32
      %dma_wait3A_104 = tpu.memref_slice %arg6[%dma_wait3A_97, %dma_wait3A_103] : memref<8x128xi32, #tpu.memory_space<vmem>> -> memref<1x128xi32, #tpu.memory_space<vmem>>
      %dma_wait3A_105 = tpu.memref_squeeze %dma_wait3A_104 : memref<1x128xi32, #tpu.memory_space<vmem>> -> memref<128xi32, #tpu.memory_space<vmem>>
      %dma_wait3A_106 = arith.constant 0 : i32
      %dma_wait3A_107 = arith.constant 0 : i32
      %dma_wait3A_108 = tpu.memref_slice %arg2[%dma_wait3A_106, %dma_wait3A_107] : memref<10240x128xf32, #tpu.memory_space<hbm>> -> memref<10240x128xf32, #tpu.memory_space<hbm>>
      tpu.wait_indirect_dma semaphore(%arg11 : memref<!tpu.dma_semaphore, #tpu.memory_space<semaphore_mem>>) src(%dma_wait3A_108 : memref<10240x128xf32, #tpu.memory_space<hbm>>) dst(%dma_wait3A_102 : memref<128x128xf32, #tpu.memory_space<vmem>>)
      %run_scoped3A_109 = arith.constant 1 : i32
      %run_scoped3A_110 = arith.constant 1 : i32
      "tpu.region"() ({
        %run_scoped3A_255 = tpu.sem_alloc : memref<!tpu.dma_semaphore, #tpu.memory_space<semaphore_mem>>
        %dma_start3A_256 = arith.constant 0 : i32
        %dma_start3A_257 = arith.constant 0 : i32
        %dma_start3A_258 = tpu.memref_slice %arg8[%run_scoped3A_109, %dma_start3A_256, %dma_start3A_257] : memref<2x128x128xf32, #tpu.memory_space<vmem>> -> memref<1x128x128xf32, #tpu.memory_space<vmem>>
        %dma_start3A_259 = tpu.memref_squeeze %dma_start3A_258 : memref<1x128x128xf32, #tpu.memory_space<vmem>> -> memref<128x128xf32, #tpu.memory_space<vmem>>
        %dma_start3A_260 = arith.constant 0 : i32
        %dma_start3A_261 = tpu.memref_slice %arg7[%run_scoped3A_110, %dma_start3A_260] : memref<8x128xi32, #tpu.memory_space<vmem>> -> memref<1x128xi32, #tpu.memory_space<vmem>>
        %dma_start3A_262 = tpu.memref_squeeze %dma_start3A_261 : memref<1x128xi32, #tpu.memory_space<vmem>> -> memref<128xi32, #tpu.memory_space<vmem>>
        %dma_start3A_263 = arith.constant 0 : i32
        %dma_start3A_264 = arith.constant 0 : i32
        %dma_start3A_265 = tpu.memref_slice %arg9[%dma_start3A_263, %dma_start3A_264] : memref<10240x128xf32, #tpu.memory_space<vmem_shared>> -> memref<10240x128xf32, #tpu.memory_space<vmem_shared>>
        tpu.enqueue_indirect_dma source(%dma_start3A_259 : memref<128x128xf32, #tpu.memory_space<vmem>>) target(%dma_start3A_265 : memref<10240x128xf32, #tpu.memory_space<vmem_shared>>) offsets(%dma_start3A_262 : memref<128xi32, #tpu.memory_space<vmem>>) semaphore(%run_scoped3A_255 : memref<!tpu.dma_semaphore, #tpu.memory_space<semaphore_mem>>) {add = true}
        %dma_wait3A_266 = arith.constant 0 : i32
        %dma_wait3A_267 = arith.constant 0 : i32
        %dma_wait3A_268 = tpu.memref_slice %arg8[%run_scoped3A_109, %dma_wait3A_266, %dma_wait3A_267] : memref<2x128x128xf32, #tpu.memory_space<vmem>> -> memref<1x128x128xf32, #tpu.memory_space<vmem>>
        %dma_wait3A_269 = tpu.memref_squeeze %dma_wait3A_268 : memref<1x128x128xf32, #tpu.memory_space<vmem>> -> memref<128x128xf32, #tpu.memory_space<vmem>>
        %dma_wait3A_270 = arith.constant 0 : i32
        %dma_wait3A_271 = tpu.memref_slice %arg7[%run_scoped3A_110, %dma_wait3A_270] : memref<8x128xi32, #tpu.memory_space<vmem>> -> memref<1x128xi32, #tpu.memory_space<vmem>>
        %dma_wait3A_272 = tpu.memref_squeeze %dma_wait3A_271 : memref<1x128xi32, #tpu.memory_space<vmem>> -> memref<128xi32, #tpu.memory_space<vmem>>
        %dma_wait3A_273 = arith.constant 0 : i32
        %dma_wait3A_274 = arith.constant 0 : i32
        %dma_wait3A_275 = tpu.memref_slice %arg9[%dma_wait3A_273, %dma_wait3A_274] : memref<10240x128xf32, #tpu.memory_space<vmem_shared>> -> memref<10240x128xf32, #tpu.memory_space<vmem_shared>>
        tpu.wait_indirect_dma semaphore(%run_scoped3A_255 : memref<!tpu.dma_semaphore, #tpu.memory_space<semaphore_mem>>) src(%dma_wait3A_269 : memref<128x128xf32, #tpu.memory_space<vmem>>) dst(%dma_wait3A_275 : memref<10240x128xf32, #tpu.memory_space<vmem_shared>>)
        tpu.yield
      }) : () -> ()
      %dma_start3A_111 = arith.constant 3 : i32
      %dma_start3A_112 = arith.constant 1 : i32
      %dma_start3A_113 = arith.constant 0 : i32
      %dma_start3A_114 = arith.constant 0 : i32
      %dma_start3A_115 = tpu.memref_slice %arg8[%dma_start3A_112, %dma_start3A_113, %dma_start3A_114] : memref<2x128x128xf32, #tpu.memory_space<vmem>> -> memref<1x128x128xf32, #tpu.memory_space<vmem>>
      %dma_start3A_116 = tpu.memref_squeeze %dma_start3A_115 : memref<1x128x128xf32, #tpu.memory_space<vmem>> -> memref<128x128xf32, #tpu.memory_space<vmem>>
      %dma_start3A_117 = arith.constant 0 : i32
      %dma_start3A_118 = tpu.memref_slice %arg6[%dma_start3A_111, %dma_start3A_117] : memref<8x128xi32, #tpu.memory_space<vmem>> -> memref<1x128xi32, #tpu.memory_space<vmem>>
      %dma_start3A_119 = tpu.memref_squeeze %dma_start3A_118 : memref<1x128xi32, #tpu.memory_space<vmem>> -> memref<128xi32, #tpu.memory_space<vmem>>
      %dma_start3A_120 = arith.constant 0 : i32
      %dma_start3A_121 = arith.constant 0 : i32
      %dma_start3A_122 = tpu.memref_slice %arg2[%dma_start3A_120, %dma_start3A_121] : memref<10240x128xf32, #tpu.memory_space<hbm>> -> memref<10240x128xf32, #tpu.memory_space<hbm>>
      tpu.enqueue_indirect_dma source(%dma_start3A_122 : memref<10240x128xf32, #tpu.memory_space<hbm>>) target(%dma_start3A_116 : memref<128x128xf32, #tpu.memory_space<vmem>>) offsets(%dma_start3A_119 : memref<128xi32, #tpu.memory_space<vmem>>) semaphore(%arg11 : memref<!tpu.dma_semaphore, #tpu.memory_space<semaphore_mem>>)
      %dma_wait3A_123 = arith.constant 2 : i32
      %dma_wait3A_124 = arith.constant 0 : i32
      %dma_wait3A_125 = arith.constant 0 : i32
      %dma_wait3A_126 = arith.constant 0 : i32
      %dma_wait3A_127 = tpu.memref_slice %arg8[%dma_wait3A_124, %dma_wait3A_125, %dma_wait3A_126] : memref<2x128x128xf32, #tpu.memory_space<vmem>> -> memref<1x128x128xf32, #tpu.memory_space<vmem>>
      %dma_wait3A_128 = tpu.memref_squeeze %dma_wait3A_127 : memref<1x128x128xf32, #tpu.memory_space<vmem>> -> memref<128x128xf32, #tpu.memory_space<vmem>>
      %dma_wait3A_129 = arith.constant 0 : i32
      %dma_wait3A_130 = tpu.memref_slice %arg6[%dma_wait3A_123, %dma_wait3A_129] : memref<8x128xi32, #tpu.memory_space<vmem>> -> memref<1x128xi32, #tpu.memory_space<vmem>>
      %dma_wait3A_131 = tpu.memref_squeeze %dma_wait3A_130 : memref<1x128xi32, #tpu.memory_space<vmem>> -> memref<128xi32, #tpu.memory_space<vmem>>
      %dma_wait3A_132 = arith.constant 0 : i32
      %dma_wait3A_133 = arith.constant 0 : i32
      %dma_wait3A_134 = tpu.memref_slice %arg2[%dma_wait3A_132, %dma_wait3A_133] : memref<10240x128xf32, #tpu.memory_space<hbm>> -> memref<10240x128xf32, #tpu.memory_space<hbm>>
      tpu.wait_indirect_dma semaphore(%arg10 : memref<!tpu.dma_semaphore, #tpu.memory_space<semaphore_mem>>) src(%dma_wait3A_134 : memref<10240x128xf32, #tpu.memory_space<hbm>>) dst(%dma_wait3A_128 : memref<128x128xf32, #tpu.memory_space<vmem>>)
      %run_scoped3A_135 = arith.constant 0 : i32
      %run_scoped3A_136 = arith.constant 2 : i32
      "tpu.region"() ({
        %run_scoped3A_255 = tpu.sem_alloc : memref<!tpu.dma_semaphore, #tpu.memory_space<semaphore_mem>>
        %dma_start3A_256 = arith.constant 0 : i32
        %dma_start3A_257 = arith.constant 0 : i32
        %dma_start3A_258 = tpu.memref_slice %arg8[%run_scoped3A_135, %dma_start3A_256, %dma_start3A_257] : memref<2x128x128xf32, #tpu.memory_space<vmem>> -> memref<1x128x128xf32, #tpu.memory_space<vmem>>
        %dma_start3A_259 = tpu.memref_squeeze %dma_start3A_258 : memref<1x128x128xf32, #tpu.memory_space<vmem>> -> memref<128x128xf32, #tpu.memory_space<vmem>>
        %dma_start3A_260 = arith.constant 0 : i32
        %dma_start3A_261 = tpu.memref_slice %arg7[%run_scoped3A_136, %dma_start3A_260] : memref<8x128xi32, #tpu.memory_space<vmem>> -> memref<1x128xi32, #tpu.memory_space<vmem>>
        %dma_start3A_262 = tpu.memref_squeeze %dma_start3A_261 : memref<1x128xi32, #tpu.memory_space<vmem>> -> memref<128xi32, #tpu.memory_space<vmem>>
        %dma_start3A_263 = arith.constant 0 : i32
        %dma_start3A_264 = arith.constant 0 : i32
        %dma_start3A_265 = tpu.memref_slice %arg9[%dma_start3A_263, %dma_start3A_264] : memref<10240x128xf32, #tpu.memory_space<vmem_shared>> -> memref<10240x128xf32, #tpu.memory_space<vmem_shared>>
        tpu.enqueue_indirect_dma source(%dma_start3A_259 : memref<128x128xf32, #tpu.memory_space<vmem>>) target(%dma_start3A_265 : memref<10240x128xf32, #tpu.memory_space<vmem_shared>>) offsets(%dma_start3A_262 : memref<128xi32, #tpu.memory_space<vmem>>) semaphore(%run_scoped3A_255 : memref<!tpu.dma_semaphore, #tpu.memory_space<semaphore_mem>>) {add = true}
        %dma_wait3A_266 = arith.constant 0 : i32
        %dma_wait3A_267 = arith.constant 0 : i32
        %dma_wait3A_268 = tpu.memref_slice %arg8[%run_scoped3A_135, %dma_wait3A_266, %dma_wait3A_267] : memref<2x128x128xf32, #tpu.memory_space<vmem>> -> memref<1x128x128xf32, #tpu.memory_space<vmem>>
        %dma_wait3A_269 = tpu.memref_squeeze %dma_wait3A_268 : memref<1x128x128xf32, #tpu.memory_space<vmem>> -> memref<128x128xf32, #tpu.memory_space<vmem>>
        %dma_wait3A_270 = arith.constant 0 : i32
        %dma_wait3A_271 = tpu.memref_slice %arg7[%run_scoped3A_136, %dma_wait3A_270] : memref<8x128xi32, #tpu.memory_space<vmem>> -> memref<1x128xi32, #tpu.memory_space<vmem>>
        %dma_wait3A_272 = tpu.memref_squeeze %dma_wait3A_271 : memref<1x128xi32, #tpu.memory_space<vmem>> -> memref<128xi32, #tpu.memory_space<vmem>>
        %dma_wait3A_273 = arith.constant 0 : i32
        %dma_wait3A_274 = arith.constant 0 : i32
        %dma_wait3A_275 = tpu.memref_slice %arg9[%dma_wait3A_273, %dma_wait3A_274] : memref<10240x128xf32, #tpu.memory_space<vmem_shared>> -> memref<10240x128xf32, #tpu.memory_space<vmem_shared>>
        tpu.wait_indirect_dma semaphore(%run_scoped3A_255 : memref<!tpu.dma_semaphore, #tpu.memory_space<semaphore_mem>>) src(%dma_wait3A_269 : memref<128x128xf32, #tpu.memory_space<vmem>>) dst(%dma_wait3A_275 : memref<10240x128xf32, #tpu.memory_space<vmem_shared>>)
        tpu.yield
      }) : () -> ()
      %dma_start3A_137 = arith.constant 4 : i32
      %dma_start3A_138 = arith.constant 0 : i32
      %dma_start3A_139 = arith.constant 0 : i32
      %dma_start3A_140 = arith.constant 0 : i32
      %dma_start3A_141 = tpu.memref_slice %arg8[%dma_start3A_138, %dma_start3A_139, %dma_start3A_140] : memref<2x128x128xf32, #tpu.memory_space<vmem>> -> memref<1x128x128xf32, #tpu.memory_space<vmem>>
      %dma_start3A_142 = tpu.memref_squeeze %dma_start3A_141 : memref<1x128x128xf32, #tpu.memory_space<vmem>> -> memref<128x128xf32, #tpu.memory_space<vmem>>
      %dma_start3A_143 = arith.constant 0 : i32
      %dma_start3A_144 = tpu.memref_slice %arg6[%dma_start3A_137, %dma_start3A_143] : memref<8x128xi32, #tpu.memory_space<vmem>> -> memref<1x128xi32, #tpu.memory_space<vmem>>
      %dma_start3A_145 = tpu.memref_squeeze %dma_start3A_144 : memref<1x128xi32, #tpu.memory_space<vmem>> -> memref<128xi32, #tpu.memory_space<vmem>>
      %dma_start3A_146 = arith.constant 0 : i32
      %dma_start3A_147 = arith.constant 0 : i32
      %dma_start3A_148 = tpu.memref_slice %arg2[%dma_start3A_146, %dma_start3A_147] : memref<10240x128xf32, #tpu.memory_space<hbm>> -> memref<10240x128xf32, #tpu.memory_space<hbm>>
      tpu.enqueue_indirect_dma source(%dma_start3A_148 : memref<10240x128xf32, #tpu.memory_space<hbm>>) target(%dma_start3A_142 : memref<128x128xf32, #tpu.memory_space<vmem>>) offsets(%dma_start3A_145 : memref<128xi32, #tpu.memory_space<vmem>>) semaphore(%arg10 : memref<!tpu.dma_semaphore, #tpu.memory_space<semaphore_mem>>)
      %dma_wait3A_149 = arith.constant 3 : i32
      %dma_wait3A_150 = arith.constant 1 : i32
      %dma_wait3A_151 = arith.constant 0 : i32
      %dma_wait3A_152 = arith.constant 0 : i32
      %dma_wait3A_153 = tpu.memref_slice %arg8[%dma_wait3A_150, %dma_wait3A_151, %dma_wait3A_152] : memref<2x128x128xf32, #tpu.memory_space<vmem>> -> memref<1x128x128xf32, #tpu.memory_space<vmem>>
      %dma_wait3A_154 = tpu.memref_squeeze %dma_wait3A_153 : memref<1x128x128xf32, #tpu.memory_space<vmem>> -> memref<128x128xf32, #tpu.memory_space<vmem>>
      %dma_wait3A_155 = arith.constant 0 : i32
      %dma_wait3A_156 = tpu.memref_slice %arg6[%dma_wait3A_149, %dma_wait3A_155] : memref<8x128xi32, #tpu.memory_space<vmem>> -> memref<1x128xi32, #tpu.memory_space<vmem>>
      %dma_wait3A_157 = tpu.memref_squeeze %dma_wait3A_156 : memref<1x128xi32, #tpu.memory_space<vmem>> -> memref<128xi32, #tpu.memory_space<vmem>>
      %dma_wait3A_158 = arith.constant 0 : i32
      %dma_wait3A_159 = arith.constant 0 : i32
      %dma_wait3A_160 = tpu.memref_slice %arg2[%dma_wait3A_158, %dma_wait3A_159] : memref<10240x128xf32, #tpu.memory_space<hbm>> -> memref<10240x128xf32, #tpu.memory_space<hbm>>
      tpu.wait_indirect_dma semaphore(%arg11 : memref<!tpu.dma_semaphore, #tpu.memory_space<semaphore_mem>>) src(%dma_wait3A_160 : memref<10240x128xf32, #tpu.memory_space<hbm>>) dst(%dma_wait3A_154 : memref<128x128xf32, #tpu.memory_space<vmem>>)
      %run_scoped3A_161 = arith.constant 1 : i32
      %run_scoped3A_162 = arith.constant 3 : i32
      "tpu.region"() ({
        %run_scoped3A_255 = tpu.sem_alloc : memref<!tpu.dma_semaphore, #tpu.memory_space<semaphore_mem>>
        %dma_start3A_256 = arith.constant 0 : i32
        %dma_start3A_257 = arith.constant 0 : i32
        %dma_start3A_258 = tpu.memref_slice %arg8[%run_scoped3A_161, %dma_start3A_256, %dma_start3A_257] : memref<2x128x128xf32, #tpu.memory_space<vmem>> -> memref<1x128x128xf32, #tpu.memory_space<vmem>>
        %dma_start3A_259 = tpu.memref_squeeze %dma_start3A_258 : memref<1x128x128xf32, #tpu.memory_space<vmem>> -> memref<128x128xf32, #tpu.memory_space<vmem>>
        %dma_start3A_260 = arith.constant 0 : i32
        %dma_start3A_261 = tpu.memref_slice %arg7[%run_scoped3A_162, %dma_start3A_260] : memref<8x128xi32, #tpu.memory_space<vmem>> -> memref<1x128xi32, #tpu.memory_space<vmem>>
        %dma_start3A_262 = tpu.memref_squeeze %dma_start3A_261 : memref<1x128xi32, #tpu.memory_space<vmem>> -> memref<128xi32, #tpu.memory_space<vmem>>
        %dma_start3A_263 = arith.constant 0 : i32
        %dma_start3A_264 = arith.constant 0 : i32
        %dma_start3A_265 = tpu.memref_slice %arg9[%dma_start3A_263, %dma_start3A_264] : memref<10240x128xf32, #tpu.memory_space<vmem_shared>> -> memref<10240x128xf32, #tpu.memory_space<vmem_shared>>
        tpu.enqueue_indirect_dma source(%dma_start3A_259 : memref<128x128xf32, #tpu.memory_space<vmem>>) target(%dma_start3A_265 : memref<10240x128xf32, #tpu.memory_space<vmem_shared>>) offsets(%dma_start3A_262 : memref<128xi32, #tpu.memory_space<vmem>>) semaphore(%run_scoped3A_255 : memref<!tpu.dma_semaphore, #tpu.memory_space<semaphore_mem>>) {add = true}
        %dma_wait3A_266 = arith.constant 0 : i32
        %dma_wait3A_267 = arith.constant 0 : i32
        %dma_wait3A_268 = tpu.memref_slice %arg8[%run_scoped3A_161, %dma_wait3A_266, %dma_wait3A_267] : memref<2x128x128xf32, #tpu.memory_space<vmem>> -> memref<1x128x128xf32, #tpu.memory_space<vmem>>
        %dma_wait3A_269 = tpu.memref_squeeze %dma_wait3A_268 : memref<1x128x128xf32, #tpu.memory_space<vmem>> -> memref<128x128xf32, #tpu.memory_space<vmem>>
        %dma_wait3A_270 = arith.constant 0 : i32
        %dma_wait3A_271 = tpu.memref_slice %arg7[%run_scoped3A_162, %dma_wait3A_270] : memref<8x128xi32, #tpu.memory_space<vmem>> -> memref<1x128xi32, #tpu.memory_space<vmem>>
        %dma_wait3A_272 = tpu.memref_squeeze %dma_wait3A_271 : memref<1x128xi32, #tpu.memory_space<vmem>> -> memref<128xi32, #tpu.memory_space<vmem>>
        %dma_wait3A_273 = arith.constant 0 : i32
        %dma_wait3A_274 = arith.constant 0 : i32
        %dma_wait3A_275 = tpu.memref_slice %arg9[%dma_wait3A_273, %dma_wait3A_274] : memref<10240x128xf32, #tpu.memory_space<vmem_shared>> -> memref<10240x128xf32, #tpu.memory_space<vmem_shared>>
        tpu.wait_indirect_dma semaphore(%run_scoped3A_255 : memref<!tpu.dma_semaphore, #tpu.memory_space<semaphore_mem>>) src(%dma_wait3A_269 : memref<128x128xf32, #tpu.memory_space<vmem>>) dst(%dma_wait3A_275 : memref<10240x128xf32, #tpu.memory_space<vmem_shared>>)
        tpu.yield
      }) : () -> ()
      %dma_start3A_163 = arith.constant 5 : i32
      %dma_start3A_164 = arith.constant 1 : i32
      %dma_start3A_165 = arith.constant 0 : i32
      %dma_start3A_166 = arith.constant 0 : i32
      %dma_start3A_167 = tpu.memref_slice %arg8[%dma_start3A_164, %dma_start3A_165, %dma_start3A_166] : memref<2x128x128xf32, #tpu.memory_space<vmem>> -> memref<1x128x128xf32, #tpu.memory_space<vmem>>
      %dma_start3A_168 = tpu.memref_squeeze %dma_start3A_167 : memref<1x128x128xf32, #tpu.memory_space<vmem>> -> memref<128x128xf32, #tpu.memory_space<vmem>>
      %dma_start3A_169 = arith.constant 0 : i32
      %dma_start3A_170 = tpu.memref_slice %arg6[%dma_start3A_163, %dma_start3A_169] : memref<8x128xi32, #tpu.memory_space<vmem>> -> memref<1x128xi32, #tpu.memory_space<vmem>>
      %dma_start3A_171 = tpu.memref_squeeze %dma_start3A_170 : memref<1x128xi32, #tpu.memory_space<vmem>> -> memref<128xi32, #tpu.memory_space<vmem>>
      %dma_start3A_172 = arith.constant 0 : i32
      %dma_start3A_173 = arith.constant 0 : i32
      %dma_start3A_174 = tpu.memref_slice %arg2[%dma_start3A_172, %dma_start3A_173] : memref<10240x128xf32, #tpu.memory_space<hbm>> -> memref<10240x128xf32, #tpu.memory_space<hbm>>
      tpu.enqueue_indirect_dma source(%dma_start3A_174 : memref<10240x128xf32, #tpu.memory_space<hbm>>) target(%dma_start3A_168 : memref<128x128xf32, #tpu.memory_space<vmem>>) offsets(%dma_start3A_171 : memref<128xi32, #tpu.memory_space<vmem>>) semaphore(%arg11 : memref<!tpu.dma_semaphore, #tpu.memory_space<semaphore_mem>>)
      %dma_wait3A_175 = arith.constant 4 : i32
      %dma_wait3A_176 = arith.constant 0 : i32
      %dma_wait3A_177 = arith.constant 0 : i32
      %dma_wait3A_178 = arith.constant 0 : i32
      %dma_wait3A_179 = tpu.memref_slice %arg8[%dma_wait3A_176, %dma_wait3A_177, %dma_wait3A_178] : memref<2x128x128xf32, #tpu.memory_space<vmem>> -> memref<1x128x128xf32, #tpu.memory_space<vmem>>
      %dma_wait3A_180 = tpu.memref_squeeze %dma_wait3A_179 : memref<1x128x128xf32, #tpu.memory_space<vmem>> -> memref<128x128xf32, #tpu.memory_space<vmem>>
      %dma_wait3A_181 = arith.constant 0 : i32
      %dma_wait3A_182 = tpu.memref_slice %arg6[%dma_wait3A_175, %dma_wait3A_181] : memref<8x128xi32, #tpu.memory_space<vmem>> -> memref<1x128xi32, #tpu.memory_space<vmem>>
      %dma_wait3A_183 = tpu.memref_squeeze %dma_wait3A_182 : memref<1x128xi32, #tpu.memory_space<vmem>> -> memref<128xi32, #tpu.memory_space<vmem>>
      %dma_wait3A_184 = arith.constant 0 : i32
      %dma_wait3A_185 = arith.constant 0 : i32
      %dma_wait3A_186 = tpu.memref_slice %arg2[%dma_wait3A_184, %dma_wait3A_185] : memref<10240x128xf32, #tpu.memory_space<hbm>> -> memref<10240x128xf32, #tpu.memory_space<hbm>>
      tpu.wait_indirect_dma semaphore(%arg10 : memref<!tpu.dma_semaphore, #tpu.memory_space<semaphore_mem>>) src(%dma_wait3A_186 : memref<10240x128xf32, #tpu.memory_space<hbm>>) dst(%dma_wait3A_180 : memref<128x128xf32, #tpu.memory_space<vmem>>)
      %run_scoped3A_187 = arith.constant 0 : i32
      %run_scoped3A_188 = arith.constant 4 : i32
      "tpu.region"() ({
        %run_scoped3A_255 = tpu.sem_alloc : memref<!tpu.dma_semaphore, #tpu.memory_space<semaphore_mem>>
        %dma_start3A_256 = arith.constant 0 : i32
        %dma_start3A_257 = arith.constant 0 : i32
        %dma_start3A_258 = tpu.memref_slice %arg8[%run_scoped3A_187, %dma_start3A_256, %dma_start3A_257] : memref<2x128x128xf32, #tpu.memory_space<vmem>> -> memref<1x128x128xf32, #tpu.memory_space<vmem>>
        %dma_start3A_259 = tpu.memref_squeeze %dma_start3A_258 : memref<1x128x128xf32, #tpu.memory_space<vmem>> -> memref<128x128xf32, #tpu.memory_space<vmem>>
        %dma_start3A_260 = arith.constant 0 : i32
        %dma_start3A_261 = tpu.memref_slice %arg7[%run_scoped3A_188, %dma_start3A_260] : memref<8x128xi32, #tpu.memory_space<vmem>> -> memref<1x128xi32, #tpu.memory_space<vmem>>
        %dma_start3A_262 = tpu.memref_squeeze %dma_start3A_261 : memref<1x128xi32, #tpu.memory_space<vmem>> -> memref<128xi32, #tpu.memory_space<vmem>>
        %dma_start3A_263 = arith.constant 0 : i32
        %dma_start3A_264 = arith.constant 0 : i32
        %dma_start3A_265 = tpu.memref_slice %arg9[%dma_start3A_263, %dma_start3A_264] : memref<10240x128xf32, #tpu.memory_space<vmem_shared>> -> memref<10240x128xf32, #tpu.memory_space<vmem_shared>>
        tpu.enqueue_indirect_dma source(%dma_start3A_259 : memref<128x128xf32, #tpu.memory_space<vmem>>) target(%dma_start3A_265 : memref<10240x128xf32, #tpu.memory_space<vmem_shared>>) offsets(%dma_start3A_262 : memref<128xi32, #tpu.memory_space<vmem>>) semaphore(%run_scoped3A_255 : memref<!tpu.dma_semaphore, #tpu.memory_space<semaphore_mem>>) {add = true}
        %dma_wait3A_266 = arith.constant 0 : i32
        %dma_wait3A_267 = arith.constant 0 : i32
        %dma_wait3A_268 = tpu.memref_slice %arg8[%run_scoped3A_187, %dma_wait3A_266, %dma_wait3A_267] : memref<2x128x128xf32, #tpu.memory_space<vmem>> -> memref<1x128x128xf32, #tpu.memory_space<vmem>>
        %dma_wait3A_269 = tpu.memref_squeeze %dma_wait3A_268 : memref<1x128x128xf32, #tpu.memory_space<vmem>> -> memref<128x128xf32, #tpu.memory_space<vmem>>
        %dma_wait3A_270 = arith.constant 0 : i32
        %dma_wait3A_271 = tpu.memref_slice %arg7[%run_scoped3A_188, %dma_wait3A_270] : memref<8x128xi32, #tpu.memory_space<vmem>> -> memref<1x128xi32, #tpu.memory_space<vmem>>
        %dma_wait3A_272 = tpu.memref_squeeze %dma_wait3A_271 : memref<1x128xi32, #tpu.memory_space<vmem>> -> memref<128xi32, #tpu.memory_space<vmem>>
        %dma_wait3A_273 = arith.constant 0 : i32
        %dma_wait3A_274 = arith.constant 0 : i32
        %dma_wait3A_275 = tpu.memref_slice %arg9[%dma_wait3A_273, %dma_wait3A_274] : memref<10240x128xf32, #tpu.memory_space<vmem_shared>> -> memref<10240x128xf32, #tpu.memory_space<vmem_shared>>
        tpu.wait_indirect_dma semaphore(%run_scoped3A_255 : memref<!tpu.dma_semaphore, #tpu.memory_space<semaphore_mem>>) src(%dma_wait3A_269 : memref<128x128xf32, #tpu.memory_space<vmem>>) dst(%dma_wait3A_275 : memref<10240x128xf32, #tpu.memory_space<vmem_shared>>)
        tpu.yield
      }) : () -> ()
      %dma_start3A_189 = arith.constant 6 : i32
      %dma_start3A_190 = arith.constant 0 : i32
      %dma_start3A_191 = arith.constant 0 : i32
      %dma_start3A_192 = arith.constant 0 : i32
      %dma_start3A_193 = tpu.memref_slice %arg8[%dma_start3A_190, %dma_start3A_191, %dma_start3A_192] : memref<2x128x128xf32, #tpu.memory_space<vmem>> -> memref<1x128x128xf32, #tpu.memory_space<vmem>>
      %dma_start3A_194 = tpu.memref_squeeze %dma_start3A_193 : memref<1x128x128xf32, #tpu.memory_space<vmem>> -> memref<128x128xf32, #tpu.memory_space<vmem>>
      %dma_start3A_195 = arith.constant 0 : i32
      %dma_start3A_196 = tpu.memref_slice %arg6[%dma_start3A_189, %dma_start3A_195] : memref<8x128xi32, #tpu.memory_space<vmem>> -> memref<1x128xi32, #tpu.memory_space<vmem>>
      %dma_start3A_197 = tpu.memref_squeeze %dma_start3A_196 : memref<1x128xi32, #tpu.memory_space<vmem>> -> memref<128xi32, #tpu.memory_space<vmem>>
      %dma_start3A_198 = arith.constant 0 : i32
      %dma_start3A_199 = arith.constant 0 : i32
      %dma_start3A_200 = tpu.memref_slice %arg2[%dma_start3A_198, %dma_start3A_199] : memref<10240x128xf32, #tpu.memory_space<hbm>> -> memref<10240x128xf32, #tpu.memory_space<hbm>>
      tpu.enqueue_indirect_dma source(%dma_start3A_200 : memref<10240x128xf32, #tpu.memory_space<hbm>>) target(%dma_start3A_194 : memref<128x128xf32, #tpu.memory_space<vmem>>) offsets(%dma_start3A_197 : memref<128xi32, #tpu.memory_space<vmem>>) semaphore(%arg10 : memref<!tpu.dma_semaphore, #tpu.memory_space<semaphore_mem>>)
      %dma_wait3A_201 = arith.constant 5 : i32
      %dma_wait3A_202 = arith.constant 1 : i32
      %dma_wait3A_203 = arith.constant 0 : i32
      %dma_wait3A_204 = arith.constant 0 : i32
      %dma_wait3A_205 = tpu.memref_slice %arg8[%dma_wait3A_202, %dma_wait3A_203, %dma_wait3A_204] : memref<2x128x128xf32, #tpu.memory_space<vmem>> -> memref<1x128x128xf32, #tpu.memory_space<vmem>>
      %dma_wait3A_206 = tpu.memref_squeeze %dma_wait3A_205 : memref<1x128x128xf32, #tpu.memory_space<vmem>> -> memref<128x128xf32, #tpu.memory_space<vmem>>
      %dma_wait3A_207 = arith.constant 0 : i32
      %dma_wait3A_208 = tpu.memref_slice %arg6[%dma_wait3A_201, %dma_wait3A_207] : memref<8x128xi32, #tpu.memory_space<vmem>> -> memref<1x128xi32, #tpu.memory_space<vmem>>
      %dma_wait3A_209 = tpu.memref_squeeze %dma_wait3A_208 : memref<1x128xi32, #tpu.memory_space<vmem>> -> memref<128xi32, #tpu.memory_space<vmem>>
      %dma_wait3A_210 = arith.constant 0 : i32
      %dma_wait3A_211 = arith.constant 0 : i32
      %dma_wait3A_212 = tpu.memref_slice %arg2[%dma_wait3A_210, %dma_wait3A_211] : memref<10240x128xf32, #tpu.memory_space<hbm>> -> memref<10240x128xf32, #tpu.memory_space<hbm>>
      tpu.wait_indirect_dma semaphore(%arg11 : memref<!tpu.dma_semaphore, #tpu.memory_space<semaphore_mem>>) src(%dma_wait3A_212 : memref<10240x128xf32, #tpu.memory_space<hbm>>) dst(%dma_wait3A_206 : memref<128x128xf32, #tpu.memory_space<vmem>>)
      %run_scoped3A_213 = arith.constant 1 : i32
      %run_scoped3A_214 = arith.constant 5 : i32
      "tpu.region"() ({
        %run_scoped3A_255 = tpu.sem_alloc : memref<!tpu.dma_semaphore, #tpu.memory_space<semaphore_mem>>
        %dma_start3A_256 = arith.constant 0 : i32
        %dma_start3A_257 = arith.constant 0 : i32
        %dma_start3A_258 = tpu.memref_slice %arg8[%run_scoped3A_213, %dma_start3A_256, %dma_start3A_257] : memref<2x128x128xf32, #tpu.memory_space<vmem>> -> memref<1x128x128xf32, #tpu.memory_space<vmem>>
        %dma_start3A_259 = tpu.memref_squeeze %dma_start3A_258 : memref<1x128x128xf32, #tpu.memory_space<vmem>> -> memref<128x128xf32, #tpu.memory_space<vmem>>
        %dma_start3A_260 = arith.constant 0 : i32
        %dma_start3A_261 = tpu.memref_slice %arg7[%run_scoped3A_214, %dma_start3A_260] : memref<8x128xi32, #tpu.memory_space<vmem>> -> memref<1x128xi32, #tpu.memory_space<vmem>>
        %dma_start3A_262 = tpu.memref_squeeze %dma_start3A_261 : memref<1x128xi32, #tpu.memory_space<vmem>> -> memref<128xi32, #tpu.memory_space<vmem>>
        %dma_start3A_263 = arith.constant 0 : i32
        %dma_start3A_264 = arith.constant 0 : i32
        %dma_start3A_265 = tpu.memref_slice %arg9[%dma_start3A_263, %dma_start3A_264] : memref<10240x128xf32, #tpu.memory_space<vmem_shared>> -> memref<10240x128xf32, #tpu.memory_space<vmem_shared>>
        tpu.enqueue_indirect_dma source(%dma_start3A_259 : memref<128x128xf32, #tpu.memory_space<vmem>>) target(%dma_start3A_265 : memref<10240x128xf32, #tpu.memory_space<vmem_shared>>) offsets(%dma_start3A_262 : memref<128xi32, #tpu.memory_space<vmem>>) semaphore(%run_scoped3A_255 : memref<!tpu.dma_semaphore, #tpu.memory_space<semaphore_mem>>) {add = true}
        %dma_wait3A_266 = arith.constant 0 : i32
        %dma_wait3A_267 = arith.constant 0 : i32
        %dma_wait3A_268 = tpu.memref_slice %arg8[%run_scoped3A_213, %dma_wait3A_266, %dma_wait3A_267] : memref<2x128x128xf32, #tpu.memory_space<vmem>> -> memref<1x128x128xf32, #tpu.memory_space<vmem>>
        %dma_wait3A_269 = tpu.memref_squeeze %dma_wait3A_268 : memref<1x128x128xf32, #tpu.memory_space<vmem>> -> memref<128x128xf32, #tpu.memory_space<vmem>>
        %dma_wait3A_270 = arith.constant 0 : i32
        %dma_wait3A_271 = tpu.memref_slice %arg7[%run_scoped3A_214, %dma_wait3A_270] : memref<8x128xi32, #tpu.memory_space<vmem>> -> memref<1x128xi32, #tpu.memory_space<vmem>>
        %dma_wait3A_272 = tpu.memref_squeeze %dma_wait3A_271 : memref<1x128xi32, #tpu.memory_space<vmem>> -> memref<128xi32, #tpu.memory_space<vmem>>
        %dma_wait3A_273 = arith.constant 0 : i32
        %dma_wait3A_274 = arith.constant 0 : i32
        %dma_wait3A_275 = tpu.memref_slice %arg9[%dma_wait3A_273, %dma_wait3A_274] : memref<10240x128xf32, #tpu.memory_space<vmem_shared>> -> memref<10240x128xf32, #tpu.memory_space<vmem_shared>>
        tpu.wait_indirect_dma semaphore(%run_scoped3A_255 : memref<!tpu.dma_semaphore, #tpu.memory_space<semaphore_mem>>) src(%dma_wait3A_269 : memref<128x128xf32, #tpu.memory_space<vmem>>) dst(%dma_wait3A_275 : memref<10240x128xf32, #tpu.memory_space<vmem_shared>>)
        tpu.yield
      }) : () -> ()
      %dma_start3A_215 = arith.constant 7 : i32
      %dma_start3A_216 = arith.constant 1 : i32
      %dma_start3A_217 = arith.constant 0 : i32
      %dma_start3A_218 = arith.constant 0 : i32
      %dma_start3A_219 = tpu.memref_slice %arg8[%dma_start3A_216, %dma_start3A_217, %dma_start3A_218] : memref<2x128x128xf32, #tpu.memory_space<vmem>> -> memref<1x128x128xf32, #tpu.memory_space<vmem>>
      %dma_start3A_220 = tpu.memref_squeeze %dma_start3A_219 : memref<1x128x128xf32, #tpu.memory_space<vmem>> -> memref<128x128xf32, #tpu.memory_space<vmem>>
      %dma_start3A_221 = arith.constant 0 : i32
      %dma_start3A_222 = tpu.memref_slice %arg6[%dma_start3A_215, %dma_start3A_221] : memref<8x128xi32, #tpu.memory_space<vmem>> -> memref<1x128xi32, #tpu.memory_space<vmem>>
      %dma_start3A_223 = tpu.memref_squeeze %dma_start3A_222 : memref<1x128xi32, #tpu.memory_space<vmem>> -> memref<128xi32, #tpu.memory_space<vmem>>
      %dma_start3A_224 = arith.constant 0 : i32
      %dma_start3A_225 = arith.constant 0 : i32
      %dma_start3A_226 = tpu.memref_slice %arg2[%dma_start3A_224, %dma_start3A_225] : memref<10240x128xf32, #tpu.memory_space<hbm>> -> memref<10240x128xf32, #tpu.memory_space<hbm>>
      tpu.enqueue_indirect_dma source(%dma_start3A_226 : memref<10240x128xf32, #tpu.memory_space<hbm>>) target(%dma_start3A_220 : memref<128x128xf32, #tpu.memory_space<vmem>>) offsets(%dma_start3A_223 : memref<128xi32, #tpu.memory_space<vmem>>) semaphore(%arg11 : memref<!tpu.dma_semaphore, #tpu.memory_space<semaphore_mem>>)
      %dma_wait3A_227 = arith.constant 6 : i32
      %dma_wait3A_228 = arith.constant 0 : i32
      %dma_wait3A_229 = arith.constant 0 : i32
      %dma_wait3A_230 = arith.constant 0 : i32
      %dma_wait3A_231 = tpu.memref_slice %arg8[%dma_wait3A_228, %dma_wait3A_229, %dma_wait3A_230] : memref<2x128x128xf32, #tpu.memory_space<vmem>> -> memref<1x128x128xf32, #tpu.memory_space<vmem>>
      %dma_wait3A_232 = tpu.memref_squeeze %dma_wait3A_231 : memref<1x128x128xf32, #tpu.memory_space<vmem>> -> memref<128x128xf32, #tpu.memory_space<vmem>>
      %dma_wait3A_233 = arith.constant 0 : i32
      %dma_wait3A_234 = tpu.memref_slice %arg6[%dma_wait3A_227, %dma_wait3A_233] : memref<8x128xi32, #tpu.memory_space<vmem>> -> memref<1x128xi32, #tpu.memory_space<vmem>>
      %dma_wait3A_235 = tpu.memref_squeeze %dma_wait3A_234 : memref<1x128xi32, #tpu.memory_space<vmem>> -> memref<128xi32, #tpu.memory_space<vmem>>
      %dma_wait3A_236 = arith.constant 0 : i32
      %dma_wait3A_237 = arith.constant 0 : i32
      %dma_wait3A_238 = tpu.memref_slice %arg2[%dma_wait3A_236, %dma_wait3A_237] : memref<10240x128xf32, #tpu.memory_space<hbm>> -> memref<10240x128xf32, #tpu.memory_space<hbm>>
      tpu.wait_indirect_dma semaphore(%arg10 : memref<!tpu.dma_semaphore, #tpu.memory_space<semaphore_mem>>) src(%dma_wait3A_238 : memref<10240x128xf32, #tpu.memory_space<hbm>>) dst(%dma_wait3A_232 : memref<128x128xf32, #tpu.memory_space<vmem>>)
      %run_scoped3A_239 = arith.constant 0 : i32
      %run_scoped3A_240 = arith.constant 6 : i32
      "tpu.region"() ({
        %run_scoped3A_255 = tpu.sem_alloc : memref<!tpu.dma_semaphore, #tpu.memory_space<semaphore_mem>>
        %dma_start3A_256 = arith.constant 0 : i32
        %dma_start3A_257 = arith.constant 0 : i32
        %dma_start3A_258 = tpu.memref_slice %arg8[%run_scoped3A_239, %dma_start3A_256, %dma_start3A_257] : memref<2x128x128xf32, #tpu.memory_space<vmem>> -> memref<1x128x128xf32, #tpu.memory_space<vmem>>
        %dma_start3A_259 = tpu.memref_squeeze %dma_start3A_258 : memref<1x128x128xf32, #tpu.memory_space<vmem>> -> memref<128x128xf32, #tpu.memory_space<vmem>>
        %dma_start3A_260 = arith.constant 0 : i32
        %dma_start3A_261 = tpu.memref_slice %arg7[%run_scoped3A_240, %dma_start3A_260] : memref<8x128xi32, #tpu.memory_space<vmem>> -> memref<1x128xi32, #tpu.memory_space<vmem>>
        %dma_start3A_262 = tpu.memref_squeeze %dma_start3A_261 : memref<1x128xi32, #tpu.memory_space<vmem>> -> memref<128xi32, #tpu.memory_space<vmem>>
        %dma_start3A_263 = arith.constant 0 : i32
        %dma_start3A_264 = arith.constant 0 : i32
        %dma_start3A_265 = tpu.memref_slice %arg9[%dma_start3A_263, %dma_start3A_264] : memref<10240x128xf32, #tpu.memory_space<vmem_shared>> -> memref<10240x128xf32, #tpu.memory_space<vmem_shared>>
        tpu.enqueue_indirect_dma source(%dma_start3A_259 : memref<128x128xf32, #tpu.memory_space<vmem>>) target(%dma_start3A_265 : memref<10240x128xf32, #tpu.memory_space<vmem_shared>>) offsets(%dma_start3A_262 : memref<128xi32, #tpu.memory_space<vmem>>) semaphore(%run_scoped3A_255 : memref<!tpu.dma_semaphore, #tpu.memory_space<semaphore_mem>>) {add = true}
        %dma_wait3A_266 = arith.constant 0 : i32
        %dma_wait3A_267 = arith.constant 0 : i32
        %dma_wait3A_268 = tpu.memref_slice %arg8[%run_scoped3A_239, %dma_wait3A_266, %dma_wait3A_267] : memref<2x128x128xf32, #tpu.memory_space<vmem>> -> memref<1x128x128xf32, #tpu.memory_space<vmem>>
        %dma_wait3A_269 = tpu.memref_squeeze %dma_wait3A_268 : memref<1x128x128xf32, #tpu.memory_space<vmem>> -> memref<128x128xf32, #tpu.memory_space<vmem>>
        %dma_wait3A_270 = arith.constant 0 : i32
        %dma_wait3A_271 = tpu.memref_slice %arg7[%run_scoped3A_240, %dma_wait3A_270] : memref<8x128xi32, #tpu.memory_space<vmem>> -> memref<1x128xi32, #tpu.memory_space<vmem>>
        %dma_wait3A_272 = tpu.memref_squeeze %dma_wait3A_271 : memref<1x128xi32, #tpu.memory_space<vmem>> -> memref<128xi32, #tpu.memory_space<vmem>>
        %dma_wait3A_273 = arith.constant 0 : i32
        %dma_wait3A_274 = arith.constant 0 : i32
        %dma_wait3A_275 = tpu.memref_slice %arg9[%dma_wait3A_273, %dma_wait3A_274] : memref<10240x128xf32, #tpu.memory_space<vmem_shared>> -> memref<10240x128xf32, #tpu.memory_space<vmem_shared>>
        tpu.wait_indirect_dma semaphore(%run_scoped3A_255 : memref<!tpu.dma_semaphore, #tpu.memory_space<semaphore_mem>>) src(%dma_wait3A_269 : memref<128x128xf32, #tpu.memory_space<vmem>>) dst(%dma_wait3A_275 : memref<10240x128xf32, #tpu.memory_space<vmem_shared>>)
        tpu.yield
      }) : () -> ()
      %dma_wait3A_241 = arith.constant 7 : i32
      %dma_wait3A_242 = arith.constant 1 : i32
      %dma_wait3A_243 = arith.constant 0 : i32
      %dma_wait3A_244 = arith.constant 0 : i32
      %dma_wait3A_245 = tpu.memref_slice %arg8[%dma_wait3A_242, %dma_wait3A_243, %dma_wait3A_244] : memref<2x128x128xf32, #tpu.memory_space<vmem>> -> memref<1x128x128xf32, #tpu.memory_space<vmem>>
      %dma_wait3A_246 = tpu.memref_squeeze %dma_wait3A_245 : memref<1x128x128xf32, #tpu.memory_space<vmem>> -> memref<128x128xf32, #tpu.memory_space<vmem>>
      %dma_wait3A_247 = arith.constant 0 : i32
      %dma_wait3A_248 = tpu.memref_slice %arg6[%dma_wait3A_241, %dma_wait3A_247] : memref<8x128xi32, #tpu.memory_space<vmem>> -> memref<1x128xi32, #tpu.memory_space<vmem>>
      %dma_wait3A_249 = tpu.memref_squeeze %dma_wait3A_248 : memref<1x128xi32, #tpu.memory_space<vmem>> -> memref<128xi32, #tpu.memory_space<vmem>>
      %dma_wait3A_250 = arith.constant 0 : i32
      %dma_wait3A_251 = arith.constant 0 : i32
      %dma_wait3A_252 = tpu.memref_slice %arg2[%dma_wait3A_250, %dma_wait3A_251] : memref<10240x128xf32, #tpu.memory_space<hbm>> -> memref<10240x128xf32, #tpu.memory_space<hbm>>
      tpu.wait_indirect_dma semaphore(%arg11 : memref<!tpu.dma_semaphore, #tpu.memory_space<semaphore_mem>>) src(%dma_wait3A_252 : memref<10240x128xf32, #tpu.memory_space<hbm>>) dst(%dma_wait3A_246 : memref<128x128xf32, #tpu.memory_space<vmem>>)
      %run_scoped3A_253 = arith.constant 1 : i32
      %run_scoped3A_254 = arith.constant 7 : i32
      "tpu.region"() ({
        %run_scoped3A_255 = tpu.sem_alloc : memref<!tpu.dma_semaphore, #tpu.memory_space<semaphore_mem>>
        %dma_start3A_256 = arith.constant 0 : i32
        %dma_start3A_257 = arith.constant 0 : i32
        %dma_start3A_258 = tpu.memref_slice %arg8[%run_scoped3A_253, %dma_start3A_256, %dma_start3A_257] : memref<2x128x128xf32, #tpu.memory_space<vmem>> -> memref<1x128x128xf32, #tpu.memory_space<vmem>>
        %dma_start3A_259 = tpu.memref_squeeze %dma_start3A_258 : memref<1x128x128xf32, #tpu.memory_space<vmem>> -> memref<128x128xf32, #tpu.memory_space<vmem>>
        %dma_start3A_260 = arith.constant 0 : i32
        %dma_start3A_261 = tpu.memref_slice %arg7[%run_scoped3A_254, %dma_start3A_260] : memref<8x128xi32, #tpu.memory_space<vmem>> -> memref<1x128xi32, #tpu.memory_space<vmem>>
        %dma_start3A_262 = tpu.memref_squeeze %dma_start3A_261 : memref<1x128xi32, #tpu.memory_space<vmem>> -> memref<128xi32, #tpu.memory_space<vmem>>
        %dma_start3A_263 = arith.constant 0 : i32
        %dma_start3A_264 = arith.constant 0 : i32
        %dma_start3A_265 = tpu.memref_slice %arg9[%dma_start3A_263, %dma_start3A_264] : memref<10240x128xf32, #tpu.memory_space<vmem_shared>> -> memref<10240x128xf32, #tpu.memory_space<vmem_shared>>
        tpu.enqueue_indirect_dma source(%dma_start3A_259 : memref<128x128xf32, #tpu.memory_space<vmem>>) target(%dma_start3A_265 : memref<10240x128xf32, #tpu.memory_space<vmem_shared>>) offsets(%dma_start3A_262 : memref<128xi32, #tpu.memory_space<vmem>>) semaphore(%run_scoped3A_255 : memref<!tpu.dma_semaphore, #tpu.memory_space<semaphore_mem>>) {add = true}
        %dma_wait3A_266 = arith.constant 0 : i32
        %dma_wait3A_267 = arith.constant 0 : i32
        %dma_wait3A_268 = tpu.memref_slice %arg8[%run_scoped3A_253, %dma_wait3A_266, %dma_wait3A_267] : memref<2x128x128xf32, #tpu.memory_space<vmem>> -> memref<1x128x128xf32, #tpu.memory_space<vmem>>
        %dma_wait3A_269 = tpu.memref_squeeze %dma_wait3A_268 : memref<1x128x128xf32, #tpu.memory_space<vmem>> -> memref<128x128xf32, #tpu.memory_space<vmem>>
        %dma_wait3A_270 = arith.constant 0 : i32
        %dma_wait3A_271 = tpu.memref_slice %arg7[%run_scoped3A_254, %dma_wait3A_270] : memref<8x128xi32, #tpu.memory_space<vmem>> -> memref<1x128xi32, #tpu.memory_space<vmem>>
        %dma_wait3A_272 = tpu.memref_squeeze %dma_wait3A_271 : memref<1x128xi32, #tpu.memory_space<vmem>> -> memref<128xi32, #tpu.memory_space<vmem>>
        %dma_wait3A_273 = arith.constant 0 : i32
        %dma_wait3A_274 = arith.constant 0 : i32
        %dma_wait3A_275 = tpu.memref_slice %arg9[%dma_wait3A_273, %dma_wait3A_274] : memref<10240x128xf32, #tpu.memory_space<vmem_shared>> -> memref<10240x128xf32, #tpu.memory_space<vmem_shared>>
        tpu.wait_indirect_dma semaphore(%run_scoped3A_255 : memref<!tpu.dma_semaphore, #tpu.memory_space<semaphore_mem>>) src(%dma_wait3A_269 : memref<128x128xf32, #tpu.memory_space<vmem>>) dst(%dma_wait3A_275 : memref<10240x128xf32, #tpu.memory_space<vmem_shared>>)
        tpu.yield
      }) : () -> ()
    }
    %scan3A_34 = arith.constant 10 : i32
    %barrier3A_35 = arith.constant 0 : index
    tpu.barrier barrier_id(%barrier3A_35)
    %mul3A_36 = arith.constant 640 : i32
    %mul3A_37 = arith.muli %arg1, %mul3A_36 : i32
    %mul3A_38 = arith.constant 640 : i32
    %mul3A_39 = arith.muli %arg1, %mul3A_38 : i32
    "tpu.region"() ({
      %run_scoped3A_40 = tpu.sem_alloc : memref<!tpu.dma_semaphore, #tpu.memory_space<semaphore_mem>>
      %dma_start3A = arith.constant 0 : i32
      %dma_start3A_41 = tpu.memref_slice %arg5[%arg0, %mul3A_39, %dma_start3A] : memref<2x10240x128xf32, #tpu.memory_space<hbm>> -> memref<1x640x128xf32, #tpu.memory_space<hbm>>
      %dma_start3A_42 = tpu.memref_squeeze %dma_start3A_41 : memref<1x640x128xf32, #tpu.memory_space<hbm>> -> memref<640x128xf32, #tpu.memory_space<hbm>>
      %dma_start3A_43 = arith.constant 0 : i32
      %dma_start3A_44 = tpu.memref_slice %arg9[%mul3A_37, %dma_start3A_43] : memref<10240x128xf32, #tpu.memory_space<vmem_shared>> -> memref<640x128xf32, #tpu.memory_space<vmem_shared>>
      tpu.enqueue_dma source(%dma_start3A_44 : memref<640x128xf32, #tpu.memory_space<vmem_shared>>) target(%dma_start3A_42 : memref<640x128xf32, #tpu.memory_space<hbm>>) target_semaphore(%run_scoped3A_40 : memref<!tpu.dma_semaphore, #tpu.memory_space<semaphore_mem>>)
      %dma_wait3A = arith.constant 0 : i32
      %dma_wait3A_45 = tpu.memref_slice %arg5[%arg0, %mul3A_39, %dma_wait3A] : memref<2x10240x128xf32, #tpu.memory_space<hbm>> -> memref<1x640x128xf32, #tpu.memory_space<hbm>>
      %dma_wait3A_46 = tpu.memref_squeeze %dma_wait3A_45 : memref<1x640x128xf32, #tpu.memory_space<hbm>> -> memref<640x128xf32, #tpu.memory_space<hbm>>
      %dma_wait3A_47 = arith.constant 0 : i32
      %dma_wait3A_48 = tpu.memref_slice %arg9[%mul3A_37, %dma_wait3A_47] : memref<10240x128xf32, #tpu.memory_space<vmem_shared>> -> memref<640x128xf32, #tpu.memory_space<vmem_shared>>
      tpu.wait_dma2 semaphore(%run_scoped3A_40 : memref<!tpu.dma_semaphore, #tpu.memory_space<semaphore_mem>>) src(%dma_wait3A_48 : memref<640x128xf32, #tpu.memory_space<vmem_shared>>) dst(%dma_wait3A_46 : memref<640x128xf32, #tpu.memory_space<hbm>>)
      tpu.yield
    }) : () -> ()
    return
  }
}

#map = affine_map<(d0, d1) -> (0, 0)>
module attributes {stable_mosaic.version = 14 : i64} {
  func.func @_deg_body(%arg0: i32, %arg1: i32, %arg2: memref<32x10240xi32, #tpu.memory_space<hbm>>, %arg3: memref<32x10240xf32, #tpu.memory_space<hbm>>, %arg4: memref<10240xi32, #tpu.memory_space<vmem>>, %arg5: memref<10240xf32, #tpu.memory_space<vmem>>) attributes {dimension_semantics = [#tpu.dimension_semantics<core_parallel>, #tpu.dimension_semantics<subcore_parallel>], iteration_bounds = array<i64: 2, 16>, scalar_prefetch = 0 : i64, scratch_operands = 2 : i64, tpu.core_type = #tpu.core_type<sc_vector_subcore>, window_params = [{transform_indices = #map}, {transform_indices = #map}]} {
    %mul3A = arith.constant 2 : i32
    %mul3A_0 = arith.muli %arg1, %mul3A : i32
    %add3A = arith.addi %mul3A_0, %arg0 : i32
    "tpu.region"() ({
      %run_scoped3A = tpu.sem_alloc : memref<!tpu.dma_semaphore, #tpu.memory_space<semaphore_mem>>
      %dma_start3A = arith.constant 0 : i32
      %dma_start3A_13 = tpu.memref_slice %arg2[%add3A, %dma_start3A] : memref<32x10240xi32, #tpu.memory_space<hbm>> -> memref<1x10240xi32, #tpu.memory_space<hbm>>
      %dma_start3A_14 = tpu.memref_squeeze %dma_start3A_13 : memref<1x10240xi32, #tpu.memory_space<hbm>> -> memref<10240xi32, #tpu.memory_space<hbm>>
      %dma_start3A_15 = arith.constant 0 : i32
      %dma_start3A_16 = tpu.memref_slice %arg2[%add3A, %dma_start3A_15] : memref<32x10240xi32, #tpu.memory_space<hbm>> -> memref<1x10240xi32, #tpu.memory_space<hbm>>
      %dma_start3A_17 = tpu.memref_squeeze %dma_start3A_16 : memref<1x10240xi32, #tpu.memory_space<hbm>> -> memref<10240xi32, #tpu.memory_space<hbm>>
      tpu.enqueue_dma source(%dma_start3A_17 : memref<10240xi32, #tpu.memory_space<hbm>>) target(%arg4 : memref<10240xi32, #tpu.memory_space<vmem>>) target_semaphore(%run_scoped3A : memref<!tpu.dma_semaphore, #tpu.memory_space<semaphore_mem>>)
      %dma_wait3A = arith.constant 0 : i32
      %dma_wait3A_18 = tpu.memref_slice %arg2[%add3A, %dma_wait3A] : memref<32x10240xi32, #tpu.memory_space<hbm>> -> memref<1x10240xi32, #tpu.memory_space<hbm>>
      %dma_wait3A_19 = tpu.memref_squeeze %dma_wait3A_18 : memref<1x10240xi32, #tpu.memory_space<hbm>> -> memref<10240xi32, #tpu.memory_space<hbm>>
      %dma_wait3A_20 = arith.constant 0 : i32
      %dma_wait3A_21 = tpu.memref_slice %arg2[%add3A, %dma_wait3A_20] : memref<32x10240xi32, #tpu.memory_space<hbm>> -> memref<1x10240xi32, #tpu.memory_space<hbm>>
      %dma_wait3A_22 = tpu.memref_squeeze %dma_wait3A_21 : memref<1x10240xi32, #tpu.memory_space<hbm>> -> memref<10240xi32, #tpu.memory_space<hbm>>
      tpu.wait_dma2 semaphore(%run_scoped3A : memref<!tpu.dma_semaphore, #tpu.memory_space<semaphore_mem>>) src(%dma_wait3A_22 : memref<10240xi32, #tpu.memory_space<hbm>>) dst(%arg4 : memref<10240xi32, #tpu.memory_space<vmem>>)
      tpu.yield
    }) : () -> ()
    %broadcast_in_dim3A = arith.constant 0.000000e+00 : f32
    %broadcast_in_dim3A_1 = vector.broadcast %broadcast_in_dim3A : f32 to vector<16xf32>
    %broadcast_in_dim3A_2 = arith.constant 1.000000e+00 : f32
    %broadcast_in_dim3A_3 = vector.broadcast %broadcast_in_dim3A_2 : f32 to vector<16xf32>
    %scan3A = arith.constant 0 : i32
    %scan3A_4 = arith.constant 640 : i32
    %scan3A_5 = arith.addi %scan3A, %scan3A_4 : i32
    %scan3A_6 = arith.constant 1 : i32
    scf.for %scan3A_13 = %scan3A to %scan3A_5 step %scan3A_6  : i32 {
      %mul3A_14 = arith.constant 1 : i32
      %mul3A_15 = arith.muli %scan3A_13, %mul3A_14 : i32
      %add3A_16 = arith.constant 0 : i32
      %add3A_17 = arith.addi %add3A_16, %mul3A_15 : i32
      %mul3A_18 = arith.constant 16 : i32
      %mul3A_19 = arith.muli %add3A_17, %mul3A_18 : i32
      %swap3A = arith.index_cast %mul3A_19 : i32 to index
      %swap3A_20 = tpu.vector_load %arg5[%swap3A] {strides = array<i32>} : memref<10240xf32, #tpu.memory_space<vmem>>, vector<16xf32>,
      tpu.vector_store %arg5[%swap3A], %broadcast_in_dim3A_1 {strides = array<i32>} : memref<10240xf32, #tpu.memory_space<vmem>>, vector<16xf32>,
    }
    %scan3A_7 = arith.constant 640 : i32
    %scan3A_8 = arith.constant 0 : i32
    %scan3A_9 = arith.constant 640 : i32
    %scan3A_10 = arith.addi %scan3A_8, %scan3A_9 : i32
    %scan3A_11 = arith.constant 1 : i32
    scf.for %scan3A_13 = %scan3A_8 to %scan3A_10 step %scan3A_11  : i32 {
      %mul3A_14 = arith.constant 1 : i32
      %mul3A_15 = arith.muli %scan3A_13, %mul3A_14 : i32
      %add3A_16 = arith.constant 0 : i32
      %add3A_17 = arith.addi %add3A_16, %mul3A_15 : i32
      %mul3A_18 = arith.constant 16 : i32
      %mul3A_19 = arith.muli %add3A_17, %mul3A_18 : i32
      %get3A = arith.index_cast %mul3A_19 : i32 to index
      %get3A_20 = tpu.vector_load %arg4[%get3A] {strides = array<i32>} : memref<10240xi32, #tpu.memory_space<vmem>>, vector<16xi32>,
      tpu.vector_store_idx %arg5[%get3A_20], %broadcast_in_dim3A_3 {add = true} : memref<10240xf32, #tpu.memory_space<vmem>>[vector<16xi32>], vector<16xf32>,
    }
    %scan3A_12 = arith.constant 640 : i32
    "tpu.region"() ({
      %run_scoped3A = tpu.sem_alloc : memref<!tpu.dma_semaphore, #tpu.memory_space<semaphore_mem>>
      %dma_start3A = arith.constant 0 : i32
      %dma_start3A_13 = tpu.memref_slice %arg3[%add3A, %dma_start3A] : memref<32x10240xf32, #tpu.memory_space<hbm>> -> memref<1x10240xf32, #tpu.memory_space<hbm>>
      %dma_start3A_14 = tpu.memref_squeeze %dma_start3A_13 : memref<1x10240xf32, #tpu.memory_space<hbm>> -> memref<10240xf32, #tpu.memory_space<hbm>>
      %dma_start3A_15 = arith.constant 0 : i32
      %dma_start3A_16 = tpu.memref_slice %arg3[%add3A, %dma_start3A_15] : memref<32x10240xf32, #tpu.memory_space<hbm>> -> memref<1x10240xf32, #tpu.memory_space<hbm>>
      %dma_start3A_17 = tpu.memref_squeeze %dma_start3A_16 : memref<1x10240xf32, #tpu.memory_space<hbm>> -> memref<10240xf32, #tpu.memory_space<hbm>>
      tpu.enqueue_dma source(%arg5 : memref<10240xf32, #tpu.memory_space<vmem>>) target(%dma_start3A_17 : memref<10240xf32, #tpu.memory_space<hbm>>) target_semaphore(%run_scoped3A : memref<!tpu.dma_semaphore, #tpu.memory_space<semaphore_mem>>)
      %dma_wait3A = arith.constant 0 : i32
      %dma_wait3A_18 = tpu.memref_slice %arg3[%add3A, %dma_wait3A] : memref<32x10240xf32, #tpu.memory_space<hbm>> -> memref<1x10240xf32, #tpu.memory_space<hbm>>
      %dma_wait3A_19 = tpu.memref_squeeze %dma_wait3A_18 : memref<1x10240xf32, #tpu.memory_space<hbm>> -> memref<10240xf32, #tpu.memory_space<hbm>>
      %dma_wait3A_20 = arith.constant 0 : i32
      %dma_wait3A_21 = tpu.memref_slice %arg3[%add3A, %dma_wait3A_20] : memref<32x10240xf32, #tpu.memory_space<hbm>> -> memref<1x10240xf32, #tpu.memory_space<hbm>>
      %dma_wait3A_22 = tpu.memref_squeeze %dma_wait3A_21 : memref<1x10240xf32, #tpu.memory_space<hbm>> -> memref<10240xf32, #tpu.memory_space<hbm>>
      tpu.wait_dma2 semaphore(%run_scoped3A : memref<!tpu.dma_semaphore, #tpu.memory_space<semaphore_mem>>) src(%arg5 : memref<10240xf32, #tpu.memory_space<vmem>>) dst(%dma_wait3A_22 : memref<10240xf32, #tpu.memory_space<hbm>>)
      tpu.yield
    }) : () -> ()
    return
  }
}

#map = affine_map<(d0, d1) -> (0, 0)>
#map1 = affine_map<(d0, d1) -> (0, 0, 0)>
module attributes {stable_mosaic.version = 14 : i64} {
  func.func @_agg_body(%arg0: i32, %arg1: i32, %arg2: memref<10240x128xf32, #tpu.memory_space<hbm>>, %arg3: memref<32x80x128xi32, #tpu.memory_space<hbm>>, %arg4: memref<32x80x128xi32, #tpu.memory_space<hbm>>, %arg5: memref<2x10240x128xf32, #tpu.memory_space<hbm>>, %arg6: memref<8x128xi32, #tpu.memory_space<vmem>>, %arg7: memref<8x128xi32, #tpu.memory_space<vmem>>, %arg8: memref<2x128x128xf32, #tpu.memory_space<vmem>>, %arg9: memref<10240x128xf32, #tpu.memory_space<vmem_shared>>, %arg10: memref<!tpu.dma_semaphore, #tpu.memory_space<semaphore_mem>>, %arg11: memref<!tpu.dma_semaphore, #tpu.memory_space<semaphore_mem>>) attributes {dimension_semantics = [#tpu.dimension_semantics<core_parallel>, #tpu.dimension_semantics<subcore_parallel>], iteration_bounds = array<i64: 2, 16>, scalar_prefetch = 0 : i64, scratch_operands = 6 : i64, tpu.core_type = #tpu.core_type<sc_vector_subcore>, window_params = [{transform_indices = #map}, {transform_indices = #map1}, {transform_indices = #map1}, {transform_indices = #map1}]} {
    %mul3A = arith.constant 2 : i32
    %mul3A_0 = arith.muli %arg1, %mul3A : i32
    %add3A = arith.addi %mul3A_0, %arg0 : i32
    %broadcast_in_dim3A = arith.constant 0.000000e+00 : f32
    %broadcast_in_dim3A_1 = vector.broadcast %broadcast_in_dim3A : f32 to vector<16xf32>
    %scan3A = arith.constant 0 : i32
    %scan3A_2 = arith.constant 128 : i32
    %scan3A_3 = arith.addi %scan3A, %scan3A_2 : i32
    %scan3A_4 = arith.constant 1 : i32
    scf.for %scan3A_40 = %scan3A to %scan3A_3 step %scan3A_4  : i32 {
      %mul3A_41 = arith.constant 1 : i32
      %mul3A_42 = arith.muli %scan3A_40, %mul3A_41 : i32
      %add3A_43 = arith.constant 0 : i32
      %add3A_44 = arith.addi %add3A_43, %mul3A_42 : i32
      %swap3A = arith.constant 0 : i32
      %swap3A_45 = arith.index_cast %swap3A : i32 to index
      %swap3A_46 = arith.index_cast %add3A_44 : i32 to index
      %swap3A_47 = arith.constant 0 : index
      %swap3A_48 = tpu.vector_load %arg8[%swap3A_45, %swap3A_46, %swap3A_47] {strides = array<i32>} : memref<2x128x128xf32, #tpu.memory_space<vmem>>, vector<16xf32>,
      tpu.vector_store %arg8[%swap3A_45, %swap3A_46, %swap3A_47], %broadcast_in_dim3A_1 {strides = array<i32>} : memref<2x128x128xf32, #tpu.memory_space<vmem>>, vector<16xf32>,
      %swap3A_49 = arith.constant 0 : i32
      %swap3A_50 = arith.index_cast %swap3A_49 : i32 to index
      %swap3A_51 = arith.index_cast %add3A_44 : i32 to index
      %swap3A_52 = arith.constant 16 : index
      %swap3A_53 = tpu.vector_load %arg8[%swap3A_50, %swap3A_51, %swap3A_52] {strides = array<i32>} : memref<2x128x128xf32, #tpu.memory_space<vmem>>, vector<16xf32>,
      tpu.vector_store %arg8[%swap3A_50, %swap3A_51, %swap3A_52], %broadcast_in_dim3A_1 {strides = array<i32>} : memref<2x128x128xf32, #tpu.memory_space<vmem>>, vector<16xf32>,
      %swap3A_54 = arith.constant 0 : i32
      %swap3A_55 = arith.index_cast %swap3A_54 : i32 to index
      %swap3A_56 = arith.index_cast %add3A_44 : i32 to index
      %swap3A_57 = arith.constant 32 : index
      %swap3A_58 = tpu.vector_load %arg8[%swap3A_55, %swap3A_56, %swap3A_57] {strides = array<i32>} : memref<2x128x128xf32, #tpu.memory_space<vmem>>, vector<16xf32>,
      tpu.vector_store %arg8[%swap3A_55, %swap3A_56, %swap3A_57], %broadcast_in_dim3A_1 {strides = array<i32>} : memref<2x128x128xf32, #tpu.memory_space<vmem>>, vector<16xf32>,
      %swap3A_59 = arith.constant 0 : i32
      %swap3A_60 = arith.index_cast %swap3A_59 : i32 to index
      %swap3A_61 = arith.index_cast %add3A_44 : i32 to index
      %swap3A_62 = arith.constant 48 : index
      %swap3A_63 = tpu.vector_load %arg8[%swap3A_60, %swap3A_61, %swap3A_62] {strides = array<i32>} : memref<2x128x128xf32, #tpu.memory_space<vmem>>, vector<16xf32>,
      tpu.vector_store %arg8[%swap3A_60, %swap3A_61, %swap3A_62], %broadcast_in_dim3A_1 {strides = array<i32>} : memref<2x128x128xf32, #tpu.memory_space<vmem>>, vector<16xf32>,
      %swap3A_64 = arith.constant 0 : i32
      %swap3A_65 = arith.index_cast %swap3A_64 : i32 to index
      %swap3A_66 = arith.index_cast %add3A_44 : i32 to index
      %swap3A_67 = arith.constant 64 : index
      %swap3A_68 = tpu.vector_load %arg8[%swap3A_65, %swap3A_66, %swap3A_67] {strides = array<i32>} : memref<2x128x128xf32, #tpu.memory_space<vmem>>, vector<16xf32>,
      tpu.vector_store %arg8[%swap3A_65, %swap3A_66, %swap3A_67], %broadcast_in_dim3A_1 {strides = array<i32>} : memref<2x128x128xf32, #tpu.memory_space<vmem>>, vector<16xf32>,
      %swap3A_69 = arith.constant 0 : i32
      %swap3A_70 = arith.index_cast %swap3A_69 : i32 to index
      %swap3A_71 = arith.index_cast %add3A_44 : i32 to index
      %swap3A_72 = arith.constant 80 : index
      %swap3A_73 = tpu.vector_load %arg8[%swap3A_70, %swap3A_71, %swap3A_72] {strides = array<i32>} : memref<2x128x128xf32, #tpu.memory_space<vmem>>, vector<16xf32>,
      tpu.vector_store %arg8[%swap3A_70, %swap3A_71, %swap3A_72], %broadcast_in_dim3A_1 {strides = array<i32>} : memref<2x128x128xf32, #tpu.memory_space<vmem>>, vector<16xf32>,
      %swap3A_74 = arith.constant 0 : i32
      %swap3A_75 = arith.index_cast %swap3A_74 : i32 to index
      %swap3A_76 = arith.index_cast %add3A_44 : i32 to index
      %swap3A_77 = arith.constant 96 : index
      %swap3A_78 = tpu.vector_load %arg8[%swap3A_75, %swap3A_76, %swap3A_77] {strides = array<i32>} : memref<2x128x128xf32, #tpu.memory_space<vmem>>, vector<16xf32>,
      tpu.vector_store %arg8[%swap3A_75, %swap3A_76, %swap3A_77], %broadcast_in_dim3A_1 {strides = array<i32>} : memref<2x128x128xf32, #tpu.memory_space<vmem>>, vector<16xf32>,
      %swap3A_79 = arith.constant 0 : i32
      %swap3A_80 = arith.index_cast %swap3A_79 : i32 to index
      %swap3A_81 = arith.index_cast %add3A_44 : i32 to index
      %swap3A_82 = arith.constant 112 : index
      %swap3A_83 = tpu.vector_load %arg8[%swap3A_80, %swap3A_81, %swap3A_82] {strides = array<i32>} : memref<2x128x128xf32, #tpu.memory_space<vmem>>, vector<16xf32>,
      tpu.vector_store %arg8[%swap3A_80, %swap3A_81, %swap3A_82], %broadcast_in_dim3A_1 {strides = array<i32>} : memref<2x128x128xf32, #tpu.memory_space<vmem>>, vector<16xf32>,
    }
    %scan3A_5 = arith.constant 128 : i32
    %mul3A_6 = arith.constant 640 : i32
    %mul3A_7 = arith.muli %arg1, %mul3A_6 : i32
    %add3A_8 = arith.constant 0 : i32
    %add3A_9 = arith.addi %mul3A_7, %add3A_8 : i32
    %run_scoped3A = arith.constant 0 : i32
    "tpu.region"() ({
      %run_scoped3A_40 = tpu.sem_alloc : memref<!tpu.dma_semaphore, #tpu.memory_space<semaphore_mem>>
      %dma_start3A = arith.constant 0 : i32
      %dma_start3A_41 = arith.constant 0 : i32
      %dma_start3A_42 = tpu.memref_slice %arg8[%run_scoped3A, %dma_start3A, %dma_start3A_41] : memref<2x128x128xf32, #tpu.memory_space<vmem>> -> memref<1x128x128xf32, #tpu.memory_space<vmem>>
      %dma_start3A_43 = tpu.memref_squeeze %dma_start3A_42 : memref<1x128x128xf32, #tpu.memory_space<vmem>> -> memref<128x128xf32, #tpu.memory_space<vmem>>
      %dma_start3A_44 = arith.constant 0 : i32
      %dma_start3A_45 = tpu.memref_slice %arg9[%add3A_9, %dma_start3A_44] : memref<10240x128xf32, #tpu.memory_space<vmem_shared>> -> memref<128x128xf32, #tpu.memory_space<vmem_shared>>
      %dma_start3A_46 = arith.constant 0 : i32
      %dma_start3A_47 = tpu.memref_slice %arg9[%add3A_9, %dma_start3A_46] : memref<10240x128xf32, #tpu.memory_space<vmem_shared>> -> memref<128x128xf32, #tpu.memory_space<vmem_shared>>
      %dma_start3A_48 = arith.constant 0 : i32
      %dma_start3A_49 = arith.constant 0 : i32
      %dma_start3A_50 = tpu.memref_slice %arg8[%run_scoped3A, %dma_start3A_48, %dma_start3A_49] : memref<2x128x128xf32, #tpu.memory_space<vmem>> -> memref<1x128x128xf32, #tpu.memory_space<vmem>>
      %dma_start3A_51 = tpu.memref_squeeze %dma_start3A_50 : memref<1x128x128xf32, #tpu.memory_space<vmem>> -> memref<128x128xf32, #tpu.memory_space<vmem>>
      tpu.enqueue_dma source(%dma_start3A_51 : memref<128x128xf32, #tpu.memory_space<vmem>>) target(%dma_start3A_47 : memref<128x128xf32, #tpu.memory_space<vmem_shared>>) target_semaphore(%run_scoped3A_40 : memref<!tpu.dma_semaphore, #tpu.memory_space<semaphore_mem>>)
      %dma_wait3A = arith.constant 0 : i32
      %dma_wait3A_52 = arith.constant 0 : i32
      %dma_wait3A_53 = tpu.memref_slice %arg8[%run_scoped3A, %dma_wait3A, %dma_wait3A_52] : memref<2x128x128xf32, #tpu.memory_space<vmem>> -> memref<1x128x128xf32, #tpu.memory_space<vmem>>
      %dma_wait3A_54 = tpu.memref_squeeze %dma_wait3A_53 : memref<1x128x128xf32, #tpu.memory_space<vmem>> -> memref<128x128xf32, #tpu.memory_space<vmem>>
      %dma_wait3A_55 = arith.constant 0 : i32
      %dma_wait3A_56 = tpu.memref_slice %arg9[%add3A_9, %dma_wait3A_55] : memref<10240x128xf32, #tpu.memory_space<vmem_shared>> -> memref<128x128xf32, #tpu.memory_space<vmem_shared>>
      %dma_wait3A_57 = arith.constant 0 : i32
      %dma_wait3A_58 = tpu.memref_slice %arg9[%add3A_9, %dma_wait3A_57] : memref<10240x128xf32, #tpu.memory_space<vmem_shared>> -> memref<128x128xf32, #tpu.memory_space<vmem_shared>>
      %dma_wait3A_59 = arith.constant 0 : i32
      %dma_wait3A_60 = arith.constant 0 : i32
      %dma_wait3A_61 = tpu.memref_slice %arg8[%run_scoped3A, %dma_wait3A_59, %dma_wait3A_60] : memref<2x128x128xf32, #tpu.memory_space<vmem>> -> memref<1x128x128xf32, #tpu.memory_space<vmem>>
      %dma_wait3A_62 = tpu.memref_squeeze %dma_wait3A_61 : memref<1x128x128xf32, #tpu.memory_space<vmem>> -> memref<128x128xf32, #tpu.memory_space<vmem>>
      tpu.wait_dma2 semaphore(%run_scoped3A_40 : memref<!tpu.dma_semaphore, #tpu.memory_space<semaphore_mem>>) src(%dma_wait3A_62 : memref<128x128xf32, #tpu.memory_space<vmem>>) dst(%dma_wait3A_58 : memref<128x128xf32, #tpu.memory_space<vmem_shared>>)
      tpu.yield
    }) : () -> ()
    %mul3A_10 = arith.constant 640 : i32
    %mul3A_11 = arith.muli %arg1, %mul3A_10 : i32
    %add3A_12 = arith.constant 128 : i32
    %add3A_13 = arith.addi %mul3A_11, %add3A_12 : i32
    %run_scoped3A_14 = arith.constant 0 : i32
    "tpu.region"() ({
      %run_scoped3A_40 = tpu.sem_alloc : memref<!tpu.dma_semaphore, #tpu.memory_space<semaphore_mem>>
      %dma_start3A = arith.constant 0 : i32
      %dma_start3A_41 = arith.constant 0 : i32
      %dma_start3A_42 = tpu.memref_slice %arg8[%run_scoped3A_14, %dma_start3A, %dma_start3A_41] : memref<2x128x128xf32, #tpu.memory_space<vmem>> -> memref<1x128x128xf32, #tpu.memory_space<vmem>>
      %dma_start3A_43 = tpu.memref_squeeze %dma_start3A_42 : memref<1x128x128xf32, #tpu.memory_space<vmem>> -> memref<128x128xf32, #tpu.memory_space<vmem>>
      %dma_start3A_44 = arith.constant 0 : i32
      %dma_start3A_45 = tpu.memref_slice %arg9[%add3A_13, %dma_start3A_44] : memref<10240x128xf32, #tpu.memory_space<vmem_shared>> -> memref<128x128xf32, #tpu.memory_space<vmem_shared>>
      %dma_start3A_46 = arith.constant 0 : i32
      %dma_start3A_47 = tpu.memref_slice %arg9[%add3A_13, %dma_start3A_46] : memref<10240x128xf32, #tpu.memory_space<vmem_shared>> -> memref<128x128xf32, #tpu.memory_space<vmem_shared>>
      %dma_start3A_48 = arith.constant 0 : i32
      %dma_start3A_49 = arith.constant 0 : i32
      %dma_start3A_50 = tpu.memref_slice %arg8[%run_scoped3A_14, %dma_start3A_48, %dma_start3A_49] : memref<2x128x128xf32, #tpu.memory_space<vmem>> -> memref<1x128x128xf32, #tpu.memory_space<vmem>>
      %dma_start3A_51 = tpu.memref_squeeze %dma_start3A_50 : memref<1x128x128xf32, #tpu.memory_space<vmem>> -> memref<128x128xf32, #tpu.memory_space<vmem>>
      tpu.enqueue_dma source(%dma_start3A_51 : memref<128x128xf32, #tpu.memory_space<vmem>>) target(%dma_start3A_47 : memref<128x128xf32, #tpu.memory_space<vmem_shared>>) target_semaphore(%run_scoped3A_40 : memref<!tpu.dma_semaphore, #tpu.memory_space<semaphore_mem>>)
      %dma_wait3A = arith.constant 0 : i32
      %dma_wait3A_52 = arith.constant 0 : i32
      %dma_wait3A_53 = tpu.memref_slice %arg8[%run_scoped3A_14, %dma_wait3A, %dma_wait3A_52] : memref<2x128x128xf32, #tpu.memory_space<vmem>> -> memref<1x128x128xf32, #tpu.memory_space<vmem>>
      %dma_wait3A_54 = tpu.memref_squeeze %dma_wait3A_53 : memref<1x128x128xf32, #tpu.memory_space<vmem>> -> memref<128x128xf32, #tpu.memory_space<vmem>>
      %dma_wait3A_55 = arith.constant 0 : i32
      %dma_wait3A_56 = tpu.memref_slice %arg9[%add3A_13, %dma_wait3A_55] : memref<10240x128xf32, #tpu.memory_space<vmem_shared>> -> memref<128x128xf32, #tpu.memory_space<vmem_shared>>
      %dma_wait3A_57 = arith.constant 0 : i32
      %dma_wait3A_58 = tpu.memref_slice %arg9[%add3A_13, %dma_wait3A_57] : memref<10240x128xf32, #tpu.memory_space<vmem_shared>> -> memref<128x128xf32, #tpu.memory_space<vmem_shared>>
      %dma_wait3A_59 = arith.constant 0 : i32
      %dma_wait3A_60 = arith.constant 0 : i32
      %dma_wait3A_61 = tpu.memref_slice %arg8[%run_scoped3A_14, %dma_wait3A_59, %dma_wait3A_60] : memref<2x128x128xf32, #tpu.memory_space<vmem>> -> memref<1x128x128xf32, #tpu.memory_space<vmem>>
      %dma_wait3A_62 = tpu.memref_squeeze %dma_wait3A_61 : memref<1x128x128xf32, #tpu.memory_space<vmem>> -> memref<128x128xf32, #tpu.memory_space<vmem>>
      tpu.wait_dma2 semaphore(%run_scoped3A_40 : memref<!tpu.dma_semaphore, #tpu.memory_space<semaphore_mem>>) src(%dma_wait3A_62 : memref<128x128xf32, #tpu.memory_space<vmem>>) dst(%dma_wait3A_58 : memref<128x128xf32, #tpu.memory_space<vmem_shared>>)
      tpu.yield
    }) : () -> ()
    %mul3A_15 = arith.constant 640 : i32
    %mul3A_16 = arith.muli %arg1, %mul3A_15 : i32
    %add3A_17 = arith.constant 256 : i32
    %add3A_18 = arith.addi %mul3A_16, %add3A_17 : i32
    %run_scoped3A_19 = arith.constant 0 : i32
    "tpu.region"() ({
      %run_scoped3A_40 = tpu.sem_alloc : memref<!tpu.dma_semaphore, #tpu.memory_space<semaphore_mem>>
      %dma_start3A = arith.constant 0 : i32
      %dma_start3A_41 = arith.constant 0 : i32
      %dma_start3A_42 = tpu.memref_slice %arg8[%run_scoped3A_19, %dma_start3A, %dma_start3A_41] : memref<2x128x128xf32, #tpu.memory_space<vmem>> -> memref<1x128x128xf32, #tpu.memory_space<vmem>>
      %dma_start3A_43 = tpu.memref_squeeze %dma_start3A_42 : memref<1x128x128xf32, #tpu.memory_space<vmem>> -> memref<128x128xf32, #tpu.memory_space<vmem>>
      %dma_start3A_44 = arith.constant 0 : i32
      %dma_start3A_45 = tpu.memref_slice %arg9[%add3A_18, %dma_start3A_44] : memref<10240x128xf32, #tpu.memory_space<vmem_shared>> -> memref<128x128xf32, #tpu.memory_space<vmem_shared>>
      %dma_start3A_46 = arith.constant 0 : i32
      %dma_start3A_47 = tpu.memref_slice %arg9[%add3A_18, %dma_start3A_46] : memref<10240x128xf32, #tpu.memory_space<vmem_shared>> -> memref<128x128xf32, #tpu.memory_space<vmem_shared>>
      %dma_start3A_48 = arith.constant 0 : i32
      %dma_start3A_49 = arith.constant 0 : i32
      %dma_start3A_50 = tpu.memref_slice %arg8[%run_scoped3A_19, %dma_start3A_48, %dma_start3A_49] : memref<2x128x128xf32, #tpu.memory_space<vmem>> -> memref<1x128x128xf32, #tpu.memory_space<vmem>>
      %dma_start3A_51 = tpu.memref_squeeze %dma_start3A_50 : memref<1x128x128xf32, #tpu.memory_space<vmem>> -> memref<128x128xf32, #tpu.memory_space<vmem>>
      tpu.enqueue_dma source(%dma_start3A_51 : memref<128x128xf32, #tpu.memory_space<vmem>>) target(%dma_start3A_47 : memref<128x128xf32, #tpu.memory_space<vmem_shared>>) target_semaphore(%run_scoped3A_40 : memref<!tpu.dma_semaphore, #tpu.memory_space<semaphore_mem>>)
      %dma_wait3A = arith.constant 0 : i32
      %dma_wait3A_52 = arith.constant 0 : i32
      %dma_wait3A_53 = tpu.memref_slice %arg8[%run_scoped3A_19, %dma_wait3A, %dma_wait3A_52] : memref<2x128x128xf32, #tpu.memory_space<vmem>> -> memref<1x128x128xf32, #tpu.memory_space<vmem>>
      %dma_wait3A_54 = tpu.memref_squeeze %dma_wait3A_53 : memref<1x128x128xf32, #tpu.memory_space<vmem>> -> memref<128x128xf32, #tpu.memory_space<vmem>>
      %dma_wait3A_55 = arith.constant 0 : i32
      %dma_wait3A_56 = tpu.memref_slice %arg9[%add3A_18, %dma_wait3A_55] : memref<10240x128xf32, #tpu.memory_space<vmem_shared>> -> memref<128x128xf32, #tpu.memory_space<vmem_shared>>
      %dma_wait3A_57 = arith.constant 0 : i32
      %dma_wait3A_58 = tpu.memref_slice %arg9[%add3A_18, %dma_wait3A_57] : memref<10240x128xf32, #tpu.memory_space<vmem_shared>> -> memref<128x128xf32, #tpu.memory_space<vmem_shared>>
      %dma_wait3A_59 = arith.constant 0 : i32
      %dma_wait3A_60 = arith.constant 0 : i32
      %dma_wait3A_61 = tpu.memref_slice %arg8[%run_scoped3A_19, %dma_wait3A_59, %dma_wait3A_60] : memref<2x128x128xf32, #tpu.memory_space<vmem>> -> memref<1x128x128xf32, #tpu.memory_space<vmem>>
      %dma_wait3A_62 = tpu.memref_squeeze %dma_wait3A_61 : memref<1x128x128xf32, #tpu.memory_space<vmem>> -> memref<128x128xf32, #tpu.memory_space<vmem>>
      tpu.wait_dma2 semaphore(%run_scoped3A_40 : memref<!tpu.dma_semaphore, #tpu.memory_space<semaphore_mem>>) src(%dma_wait3A_62 : memref<128x128xf32, #tpu.memory_space<vmem>>) dst(%dma_wait3A_58 : memref<128x128xf32, #tpu.memory_space<vmem_shared>>)
      tpu.yield
    }) : () -> ()
    %mul3A_20 = arith.constant 640 : i32
    %mul3A_21 = arith.muli %arg1, %mul3A_20 : i32
    %add3A_22 = arith.constant 384 : i32
    %add3A_23 = arith.addi %mul3A_21, %add3A_22 : i32
    %run_scoped3A_24 = arith.constant 0 : i32
    "tpu.region"() ({
      %run_scoped3A_40 = tpu.sem_alloc : memref<!tpu.dma_semaphore, #tpu.memory_space<semaphore_mem>>
      %dma_start3A = arith.constant 0 : i32
      %dma_start3A_41 = arith.constant 0 : i32
      %dma_start3A_42 = tpu.memref_slice %arg8[%run_scoped3A_24, %dma_start3A, %dma_start3A_41] : memref<2x128x128xf32, #tpu.memory_space<vmem>> -> memref<1x128x128xf32, #tpu.memory_space<vmem>>
      %dma_start3A_43 = tpu.memref_squeeze %dma_start3A_42 : memref<1x128x128xf32, #tpu.memory_space<vmem>> -> memref<128x128xf32, #tpu.memory_space<vmem>>
      %dma_start3A_44 = arith.constant 0 : i32
      %dma_start3A_45 = tpu.memref_slice %arg9[%add3A_23, %dma_start3A_44] : memref<10240x128xf32, #tpu.memory_space<vmem_shared>> -> memref<128x128xf32, #tpu.memory_space<vmem_shared>>
      %dma_start3A_46 = arith.constant 0 : i32
      %dma_start3A_47 = tpu.memref_slice %arg9[%add3A_23, %dma_start3A_46] : memref<10240x128xf32, #tpu.memory_space<vmem_shared>> -> memref<128x128xf32, #tpu.memory_space<vmem_shared>>
      %dma_start3A_48 = arith.constant 0 : i32
      %dma_start3A_49 = arith.constant 0 : i32
      %dma_start3A_50 = tpu.memref_slice %arg8[%run_scoped3A_24, %dma_start3A_48, %dma_start3A_49] : memref<2x128x128xf32, #tpu.memory_space<vmem>> -> memref<1x128x128xf32, #tpu.memory_space<vmem>>
      %dma_start3A_51 = tpu.memref_squeeze %dma_start3A_50 : memref<1x128x128xf32, #tpu.memory_space<vmem>> -> memref<128x128xf32, #tpu.memory_space<vmem>>
      tpu.enqueue_dma source(%dma_start3A_51 : memref<128x128xf32, #tpu.memory_space<vmem>>) target(%dma_start3A_47 : memref<128x128xf32, #tpu.memory_space<vmem_shared>>) target_semaphore(%run_scoped3A_40 : memref<!tpu.dma_semaphore, #tpu.memory_space<semaphore_mem>>)
      %dma_wait3A = arith.constant 0 : i32
      %dma_wait3A_52 = arith.constant 0 : i32
      %dma_wait3A_53 = tpu.memref_slice %arg8[%run_scoped3A_24, %dma_wait3A, %dma_wait3A_52] : memref<2x128x128xf32, #tpu.memory_space<vmem>> -> memref<1x128x128xf32, #tpu.memory_space<vmem>>
      %dma_wait3A_54 = tpu.memref_squeeze %dma_wait3A_53 : memref<1x128x128xf32, #tpu.memory_space<vmem>> -> memref<128x128xf32, #tpu.memory_space<vmem>>
      %dma_wait3A_55 = arith.constant 0 : i32
      %dma_wait3A_56 = tpu.memref_slice %arg9[%add3A_23, %dma_wait3A_55] : memref<10240x128xf32, #tpu.memory_space<vmem_shared>> -> memref<128x128xf32, #tpu.memory_space<vmem_shared>>
      %dma_wait3A_57 = arith.constant 0 : i32
      %dma_wait3A_58 = tpu.memref_slice %arg9[%add3A_23, %dma_wait3A_57] : memref<10240x128xf32, #tpu.memory_space<vmem_shared>> -> memref<128x128xf32, #tpu.memory_space<vmem_shared>>
      %dma_wait3A_59 = arith.constant 0 : i32
      %dma_wait3A_60 = arith.constant 0 : i32
      %dma_wait3A_61 = tpu.memref_slice %arg8[%run_scoped3A_24, %dma_wait3A_59, %dma_wait3A_60] : memref<2x128x128xf32, #tpu.memory_space<vmem>> -> memref<1x128x128xf32, #tpu.memory_space<vmem>>
      %dma_wait3A_62 = tpu.memref_squeeze %dma_wait3A_61 : memref<1x128x128xf32, #tpu.memory_space<vmem>> -> memref<128x128xf32, #tpu.memory_space<vmem>>
      tpu.wait_dma2 semaphore(%run_scoped3A_40 : memref<!tpu.dma_semaphore, #tpu.memory_space<semaphore_mem>>) src(%dma_wait3A_62 : memref<128x128xf32, #tpu.memory_space<vmem>>) dst(%dma_wait3A_58 : memref<128x128xf32, #tpu.memory_space<vmem_shared>>)
      tpu.yield
    }) : () -> ()
    %mul3A_25 = arith.constant 640 : i32
    %mul3A_26 = arith.muli %arg1, %mul3A_25 : i32
    %add3A_27 = arith.constant 512 : i32
    %add3A_28 = arith.addi %mul3A_26, %add3A_27 : i32
    %run_scoped3A_29 = arith.constant 0 : i32
    "tpu.region"() ({
      %run_scoped3A_40 = tpu.sem_alloc : memref<!tpu.dma_semaphore, #tpu.memory_space<semaphore_mem>>
      %dma_start3A = arith.constant 0 : i32
      %dma_start3A_41 = arith.constant 0 : i32
      %dma_start3A_42 = tpu.memref_slice %arg8[%run_scoped3A_29, %dma_start3A, %dma_start3A_41] : memref<2x128x128xf32, #tpu.memory_space<vmem>> -> memref<1x128x128xf32, #tpu.memory_space<vmem>>
      %dma_start3A_43 = tpu.memref_squeeze %dma_start3A_42 : memref<1x128x128xf32, #tpu.memory_space<vmem>> -> memref<128x128xf32, #tpu.memory_space<vmem>>
      %dma_start3A_44 = arith.constant 0 : i32
      %dma_start3A_45 = tpu.memref_slice %arg9[%add3A_28, %dma_start3A_44] : memref<10240x128xf32, #tpu.memory_space<vmem_shared>> -> memref<128x128xf32, #tpu.memory_space<vmem_shared>>
      %dma_start3A_46 = arith.constant 0 : i32
      %dma_start3A_47 = tpu.memref_slice %arg9[%add3A_28, %dma_start3A_46] : memref<10240x128xf32, #tpu.memory_space<vmem_shared>> -> memref<128x128xf32, #tpu.memory_space<vmem_shared>>
      %dma_start3A_48 = arith.constant 0 : i32
      %dma_start3A_49 = arith.constant 0 : i32
      %dma_start3A_50 = tpu.memref_slice %arg8[%run_scoped3A_29, %dma_start3A_48, %dma_start3A_49] : memref<2x128x128xf32, #tpu.memory_space<vmem>> -> memref<1x128x128xf32, #tpu.memory_space<vmem>>
      %dma_start3A_51 = tpu.memref_squeeze %dma_start3A_50 : memref<1x128x128xf32, #tpu.memory_space<vmem>> -> memref<128x128xf32, #tpu.memory_space<vmem>>
      tpu.enqueue_dma source(%dma_start3A_51 : memref<128x128xf32, #tpu.memory_space<vmem>>) target(%dma_start3A_47 : memref<128x128xf32, #tpu.memory_space<vmem_shared>>) target_semaphore(%run_scoped3A_40 : memref<!tpu.dma_semaphore, #tpu.memory_space<semaphore_mem>>)
      %dma_wait3A = arith.constant 0 : i32
      %dma_wait3A_52 = arith.constant 0 : i32
      %dma_wait3A_53 = tpu.memref_slice %arg8[%run_scoped3A_29, %dma_wait3A, %dma_wait3A_52] : memref<2x128x128xf32, #tpu.memory_space<vmem>> -> memref<1x128x128xf32, #tpu.memory_space<vmem>>
      %dma_wait3A_54 = tpu.memref_squeeze %dma_wait3A_53 : memref<1x128x128xf32, #tpu.memory_space<vmem>> -> memref<128x128xf32, #tpu.memory_space<vmem>>
      %dma_wait3A_55 = arith.constant 0 : i32
      %dma_wait3A_56 = tpu.memref_slice %arg9[%add3A_28, %dma_wait3A_55] : memref<10240x128xf32, #tpu.memory_space<vmem_shared>> -> memref<128x128xf32, #tpu.memory_space<vmem_shared>>
      %dma_wait3A_57 = arith.constant 0 : i32
      %dma_wait3A_58 = tpu.memref_slice %arg9[%add3A_28, %dma_wait3A_57] : memref<10240x128xf32, #tpu.memory_space<vmem_shared>> -> memref<128x128xf32, #tpu.memory_space<vmem_shared>>
      %dma_wait3A_59 = arith.constant 0 : i32
      %dma_wait3A_60 = arith.constant 0 : i32
      %dma_wait3A_61 = tpu.memref_slice %arg8[%run_scoped3A_29, %dma_wait3A_59, %dma_wait3A_60] : memref<2x128x128xf32, #tpu.memory_space<vmem>> -> memref<1x128x128xf32, #tpu.memory_space<vmem>>
      %dma_wait3A_62 = tpu.memref_squeeze %dma_wait3A_61 : memref<1x128x128xf32, #tpu.memory_space<vmem>> -> memref<128x128xf32, #tpu.memory_space<vmem>>
      tpu.wait_dma2 semaphore(%run_scoped3A_40 : memref<!tpu.dma_semaphore, #tpu.memory_space<semaphore_mem>>) src(%dma_wait3A_62 : memref<128x128xf32, #tpu.memory_space<vmem>>) dst(%dma_wait3A_58 : memref<128x128xf32, #tpu.memory_space<vmem_shared>>)
      tpu.yield
    }) : () -> ()
    %barrier3A = arith.constant 0 : index
    tpu.barrier barrier_id(%barrier3A)
    %scan3A_30 = arith.constant 0 : i32
    %scan3A_31 = arith.constant 10 : i32
    %scan3A_32 = arith.addi %scan3A_30, %scan3A_31 : i32
    %scan3A_33 = arith.constant 1 : i32
    scf.for %scan3A_40 = %scan3A_30 to %scan3A_32 step %scan3A_33  : i32 {
      %mul3A_41 = arith.constant 1 : i32
      %mul3A_42 = arith.muli %scan3A_40, %mul3A_41 : i32
      %add3A_43 = arith.constant 0 : i32
      %add3A_44 = arith.addi %add3A_43, %mul3A_42 : i32
      %mul3A_45 = arith.constant 8 : i32
      %mul3A_46 = arith.muli %add3A_44, %mul3A_45 : i32
      "tpu.region"() ({
        %run_scoped3A_255 = tpu.sem_alloc : memref<!tpu.dma_semaphore, #tpu.memory_space<semaphore_mem>>
        %dma_start3A_256 = arith.constant 0 : i32
        %dma_start3A_257 = tpu.memref_slice %arg3[%add3A, %mul3A_46, %dma_start3A_256] : memref<32x80x128xi32, #tpu.memory_space<hbm>> -> memref<1x8x128xi32, #tpu.memory_space<hbm>>
        %dma_start3A_258 = tpu.memref_squeeze %dma_start3A_257 : memref<1x8x128xi32, #tpu.memory_space<hbm>> -> memref<8x128xi32, #tpu.memory_space<hbm>>
        %dma_start3A_259 = arith.constant 0 : i32
        %dma_start3A_260 = tpu.memref_slice %arg3[%add3A, %mul3A_46, %dma_start3A_259] : memref<32x80x128xi32, #tpu.memory_space<hbm>> -> memref<1x8x128xi32, #tpu.memory_space<hbm>>
        %dma_start3A_261 = tpu.memref_squeeze %dma_start3A_260 : memref<1x8x128xi32, #tpu.memory_space<hbm>> -> memref<8x128xi32, #tpu.memory_space<hbm>>
        tpu.enqueue_dma source(%dma_start3A_261 : memref<8x128xi32, #tpu.memory_space<hbm>>) target(%arg6 : memref<8x128xi32, #tpu.memory_space<vmem>>) target_semaphore(%run_scoped3A_255 : memref<!tpu.dma_semaphore, #tpu.memory_space<semaphore_mem>>)
        %dma_wait3A_262 = arith.constant 0 : i32
        %dma_wait3A_263 = tpu.memref_slice %arg3[%add3A, %mul3A_46, %dma_wait3A_262] : memref<32x80x128xi32, #tpu.memory_space<hbm>> -> memref<1x8x128xi32, #tpu.memory_space<hbm>>
        %dma_wait3A_264 = tpu.memref_squeeze %dma_wait3A_263 : memref<1x8x128xi32, #tpu.memory_space<hbm>> -> memref<8x128xi32, #tpu.memory_space<hbm>>
        %dma_wait3A_265 = arith.constant 0 : i32
        %dma_wait3A_266 = tpu.memref_slice %arg3[%add3A, %mul3A_46, %dma_wait3A_265] : memref<32x80x128xi32, #tpu.memory_space<hbm>> -> memref<1x8x128xi32, #tpu.memory_space<hbm>>
        %dma_wait3A_267 = tpu.memref_squeeze %dma_wait3A_266 : memref<1x8x128xi32, #tpu.memory_space<hbm>> -> memref<8x128xi32, #tpu.memory_space<hbm>>
        tpu.wait_dma2 semaphore(%run_scoped3A_255 : memref<!tpu.dma_semaphore, #tpu.memory_space<semaphore_mem>>) src(%dma_wait3A_267 : memref<8x128xi32, #tpu.memory_space<hbm>>) dst(%arg6 : memref<8x128xi32, #tpu.memory_space<vmem>>)
        tpu.yield
      }) : () -> ()
      %mul3A_47 = arith.constant 8 : i32
      %mul3A_48 = arith.muli %add3A_44, %mul3A_47 : i32
      "tpu.region"() ({
        %run_scoped3A_255 = tpu.sem_alloc : memref<!tpu.dma_semaphore, #tpu.memory_space<semaphore_mem>>
        %dma_start3A_256 = arith.constant 0 : i32
        %dma_start3A_257 = tpu.memref_slice %arg4[%add3A, %mul3A_48, %dma_start3A_256] : memref<32x80x128xi32, #tpu.memory_space<hbm>> -> memref<1x8x128xi32, #tpu.memory_space<hbm>>
        %dma_start3A_258 = tpu.memref_squeeze %dma_start3A_257 : memref<1x8x128xi32, #tpu.memory_space<hbm>> -> memref<8x128xi32, #tpu.memory_space<hbm>>
        %dma_start3A_259 = arith.constant 0 : i32
        %dma_start3A_260 = tpu.memref_slice %arg4[%add3A, %mul3A_48, %dma_start3A_259] : memref<32x80x128xi32, #tpu.memory_space<hbm>> -> memref<1x8x128xi32, #tpu.memory_space<hbm>>
        %dma_start3A_261 = tpu.memref_squeeze %dma_start3A_260 : memref<1x8x128xi32, #tpu.memory_space<hbm>> -> memref<8x128xi32, #tpu.memory_space<hbm>>
        tpu.enqueue_dma source(%dma_start3A_261 : memref<8x128xi32, #tpu.memory_space<hbm>>) target(%arg7 : memref<8x128xi32, #tpu.memory_space<vmem>>) target_semaphore(%run_scoped3A_255 : memref<!tpu.dma_semaphore, #tpu.memory_space<semaphore_mem>>)
        %dma_wait3A_262 = arith.constant 0 : i32
        %dma_wait3A_263 = tpu.memref_slice %arg4[%add3A, %mul3A_48, %dma_wait3A_262] : memref<32x80x128xi32, #tpu.memory_space<hbm>> -> memref<1x8x128xi32, #tpu.memory_space<hbm>>
        %dma_wait3A_264 = tpu.memref_squeeze %dma_wait3A_263 : memref<1x8x128xi32, #tpu.memory_space<hbm>> -> memref<8x128xi32, #tpu.memory_space<hbm>>
        %dma_wait3A_265 = arith.constant 0 : i32
        %dma_wait3A_266 = tpu.memref_slice %arg4[%add3A, %mul3A_48, %dma_wait3A_265] : memref<32x80x128xi32, #tpu.memory_space<hbm>> -> memref<1x8x128xi32, #tpu.memory_space<hbm>>
        %dma_wait3A_267 = tpu.memref_squeeze %dma_wait3A_266 : memref<1x8x128xi32, #tpu.memory_space<hbm>> -> memref<8x128xi32, #tpu.memory_space<hbm>>
        tpu.wait_dma2 semaphore(%run_scoped3A_255 : memref<!tpu.dma_semaphore, #tpu.memory_space<semaphore_mem>>) src(%dma_wait3A_267 : memref<8x128xi32, #tpu.memory_space<hbm>>) dst(%arg7 : memref<8x128xi32, #tpu.memory_space<vmem>>)
        tpu.yield
      }) : () -> ()
      %dma_start3A = arith.constant 0 : i32
      %dma_start3A_49 = arith.constant 0 : i32
      %dma_start3A_50 = arith.constant 0 : i32
      %dma_start3A_51 = arith.constant 0 : i32
      %dma_start3A_52 = tpu.memref_slice %arg8[%dma_start3A_49, %dma_start3A_50, %dma_start3A_51] : memref<2x128x128xf32, #tpu.memory_space<vmem>> -> memref<1x128x128xf32, #tpu.memory_space<vmem>>
      %dma_start3A_53 = tpu.memref_squeeze %dma_start3A_52 : memref<1x128x128xf32, #tpu.memory_space<vmem>> -> memref<128x128xf32, #tpu.memory_space<vmem>>
      %dma_start3A_54 = arith.constant 0 : i32
      %dma_start3A_55 = tpu.memref_slice %arg6[%dma_start3A, %dma_start3A_54] : memref<8x128xi32, #tpu.memory_space<vmem>> -> memref<1x128xi32, #tpu.memory_space<vmem>>
      %dma_start3A_56 = tpu.memref_squeeze %dma_start3A_55 : memref<1x128xi32, #tpu.memory_space<vmem>> -> memref<128xi32, #tpu.memory_space<vmem>>
      %dma_start3A_57 = arith.constant 0 : i32
      %dma_start3A_58 = arith.constant 0 : i32
      %dma_start3A_59 = tpu.memref_slice %arg2[%dma_start3A_57, %dma_start3A_58] : memref<10240x128xf32, #tpu.memory_space<hbm>> -> memref<10240x128xf32, #tpu.memory_space<hbm>>
      tpu.enqueue_indirect_dma source(%dma_start3A_59 : memref<10240x128xf32, #tpu.memory_space<hbm>>) target(%dma_start3A_53 : memref<128x128xf32, #tpu.memory_space<vmem>>) offsets(%dma_start3A_56 : memref<128xi32, #tpu.memory_space<vmem>>) semaphore(%arg10 : memref<!tpu.dma_semaphore, #tpu.memory_space<semaphore_mem>>)
      %dma_start3A_60 = arith.constant 1 : i32
      %dma_start3A_61 = arith.constant 1 : i32
      %dma_start3A_62 = arith.constant 0 : i32
      %dma_start3A_63 = arith.constant 0 : i32
      %dma_start3A_64 = tpu.memref_slice %arg8[%dma_start3A_61, %dma_start3A_62, %dma_start3A_63] : memref<2x128x128xf32, #tpu.memory_space<vmem>> -> memref<1x128x128xf32, #tpu.memory_space<vmem>>
      %dma_start3A_65 = tpu.memref_squeeze %dma_start3A_64 : memref<1x128x128xf32, #tpu.memory_space<vmem>> -> memref<128x128xf32, #tpu.memory_space<vmem>>
      %dma_start3A_66 = arith.constant 0 : i32
      %dma_start3A_67 = tpu.memref_slice %arg6[%dma_start3A_60, %dma_start3A_66] : memref<8x128xi32, #tpu.memory_space<vmem>> -> memref<1x128xi32, #tpu.memory_space<vmem>>
      %dma_start3A_68 = tpu.memref_squeeze %dma_start3A_67 : memref<1x128xi32, #tpu.memory_space<vmem>> -> memref<128xi32, #tpu.memory_space<vmem>>
      %dma_start3A_69 = arith.constant 0 : i32
      %dma_start3A_70 = arith.constant 0 : i32
      %dma_start3A_71 = tpu.memref_slice %arg2[%dma_start3A_69, %dma_start3A_70] : memref<10240x128xf32, #tpu.memory_space<hbm>> -> memref<10240x128xf32, #tpu.memory_space<hbm>>
      tpu.enqueue_indirect_dma source(%dma_start3A_71 : memref<10240x128xf32, #tpu.memory_space<hbm>>) target(%dma_start3A_65 : memref<128x128xf32, #tpu.memory_space<vmem>>) offsets(%dma_start3A_68 : memref<128xi32, #tpu.memory_space<vmem>>) semaphore(%arg11 : memref<!tpu.dma_semaphore, #tpu.memory_space<semaphore_mem>>)
      %dma_wait3A = arith.constant 0 : i32
      %dma_wait3A_72 = arith.constant 0 : i32
      %dma_wait3A_73 = arith.constant 0 : i32
      %dma_wait3A_74 = arith.constant 0 : i32
      %dma_wait3A_75 = tpu.memref_slice %arg8[%dma_wait3A_72, %dma_wait3A_73, %dma_wait3A_74] : memref<2x128x128xf32, #tpu.memory_space<vmem>> -> memref<1x128x128xf32, #tpu.memory_space<vmem>>
      %dma_wait3A_76 = tpu.memref_squeeze %dma_wait3A_75 : memref<1x128x128xf32, #tpu.memory_space<vmem>> -> memref<128x128xf32, #tpu.memory_space<vmem>>
      %dma_wait3A_77 = arith.constant 0 : i32
      %dma_wait3A_78 = tpu.memref_slice %arg6[%dma_wait3A, %dma_wait3A_77] : memref<8x128xi32, #tpu.memory_space<vmem>> -> memref<1x128xi32, #tpu.memory_space<vmem>>
      %dma_wait3A_79 = tpu.memref_squeeze %dma_wait3A_78 : memref<1x128xi32, #tpu.memory_space<vmem>> -> memref<128xi32, #tpu.memory_space<vmem>>
      %dma_wait3A_80 = arith.constant 0 : i32
      %dma_wait3A_81 = arith.constant 0 : i32
      %dma_wait3A_82 = tpu.memref_slice %arg2[%dma_wait3A_80, %dma_wait3A_81] : memref<10240x128xf32, #tpu.memory_space<hbm>> -> memref<10240x128xf32, #tpu.memory_space<hbm>>
      tpu.wait_indirect_dma semaphore(%arg10 : memref<!tpu.dma_semaphore, #tpu.memory_space<semaphore_mem>>) src(%dma_wait3A_82 : memref<10240x128xf32, #tpu.memory_space<hbm>>) dst(%dma_wait3A_76 : memref<128x128xf32, #tpu.memory_space<vmem>>)
      %run_scoped3A_83 = arith.constant 0 : i32
      %run_scoped3A_84 = arith.constant 0 : i32
      "tpu.region"() ({
        %run_scoped3A_255 = tpu.sem_alloc : memref<!tpu.dma_semaphore, #tpu.memory_space<semaphore_mem>>
        %dma_start3A_256 = arith.constant 0 : i32
        %dma_start3A_257 = arith.constant 0 : i32
        %dma_start3A_258 = tpu.memref_slice %arg8[%run_scoped3A_83, %dma_start3A_256, %dma_start3A_257] : memref<2x128x128xf32, #tpu.memory_space<vmem>> -> memref<1x128x128xf32, #tpu.memory_space<vmem>>
        %dma_start3A_259 = tpu.memref_squeeze %dma_start3A_258 : memref<1x128x128xf32, #tpu.memory_space<vmem>> -> memref<128x128xf32, #tpu.memory_space<vmem>>
        %dma_start3A_260 = arith.constant 0 : i32
        %dma_start3A_261 = tpu.memref_slice %arg7[%run_scoped3A_84, %dma_start3A_260] : memref<8x128xi32, #tpu.memory_space<vmem>> -> memref<1x128xi32, #tpu.memory_space<vmem>>
        %dma_start3A_262 = tpu.memref_squeeze %dma_start3A_261 : memref<1x128xi32, #tpu.memory_space<vmem>> -> memref<128xi32, #tpu.memory_space<vmem>>
        %dma_start3A_263 = arith.constant 0 : i32
        %dma_start3A_264 = arith.constant 0 : i32
        %dma_start3A_265 = tpu.memref_slice %arg9[%dma_start3A_263, %dma_start3A_264] : memref<10240x128xf32, #tpu.memory_space<vmem_shared>> -> memref<10240x128xf32, #tpu.memory_space<vmem_shared>>
        tpu.enqueue_indirect_dma source(%dma_start3A_259 : memref<128x128xf32, #tpu.memory_space<vmem>>) target(%dma_start3A_265 : memref<10240x128xf32, #tpu.memory_space<vmem_shared>>) offsets(%dma_start3A_262 : memref<128xi32, #tpu.memory_space<vmem>>) semaphore(%run_scoped3A_255 : memref<!tpu.dma_semaphore, #tpu.memory_space<semaphore_mem>>) {add = true}
        %dma_wait3A_266 = arith.constant 0 : i32
        %dma_wait3A_267 = arith.constant 0 : i32
        %dma_wait3A_268 = tpu.memref_slice %arg8[%run_scoped3A_83, %dma_wait3A_266, %dma_wait3A_267] : memref<2x128x128xf32, #tpu.memory_space<vmem>> -> memref<1x128x128xf32, #tpu.memory_space<vmem>>
        %dma_wait3A_269 = tpu.memref_squeeze %dma_wait3A_268 : memref<1x128x128xf32, #tpu.memory_space<vmem>> -> memref<128x128xf32, #tpu.memory_space<vmem>>
        %dma_wait3A_270 = arith.constant 0 : i32
        %dma_wait3A_271 = tpu.memref_slice %arg7[%run_scoped3A_84, %dma_wait3A_270] : memref<8x128xi32, #tpu.memory_space<vmem>> -> memref<1x128xi32, #tpu.memory_space<vmem>>
        %dma_wait3A_272 = tpu.memref_squeeze %dma_wait3A_271 : memref<1x128xi32, #tpu.memory_space<vmem>> -> memref<128xi32, #tpu.memory_space<vmem>>
        %dma_wait3A_273 = arith.constant 0 : i32
        %dma_wait3A_274 = arith.constant 0 : i32
        %dma_wait3A_275 = tpu.memref_slice %arg9[%dma_wait3A_273, %dma_wait3A_274] : memref<10240x128xf32, #tpu.memory_space<vmem_shared>> -> memref<10240x128xf32, #tpu.memory_space<vmem_shared>>
        tpu.wait_indirect_dma semaphore(%run_scoped3A_255 : memref<!tpu.dma_semaphore, #tpu.memory_space<semaphore_mem>>) src(%dma_wait3A_269 : memref<128x128xf32, #tpu.memory_space<vmem>>) dst(%dma_wait3A_275 : memref<10240x128xf32, #tpu.memory_space<vmem_shared>>)
        tpu.yield
      }) : () -> ()
      %dma_start3A_85 = arith.constant 2 : i32
      %dma_start3A_86 = arith.constant 0 : i32
      %dma_start3A_87 = arith.constant 0 : i32
      %dma_start3A_88 = arith.constant 0 : i32
      %dma_start3A_89 = tpu.memref_slice %arg8[%dma_start3A_86, %dma_start3A_87, %dma_start3A_88] : memref<2x128x128xf32, #tpu.memory_space<vmem>> -> memref<1x128x128xf32, #tpu.memory_space<vmem>>
      %dma_start3A_90 = tpu.memref_squeeze %dma_start3A_89 : memref<1x128x128xf32, #tpu.memory_space<vmem>> -> memref<128x128xf32, #tpu.memory_space<vmem>>
      %dma_start3A_91 = arith.constant 0 : i32
      %dma_start3A_92 = tpu.memref_slice %arg6[%dma_start3A_85, %dma_start3A_91] : memref<8x128xi32, #tpu.memory_space<vmem>> -> memref<1x128xi32, #tpu.memory_space<vmem>>
      %dma_start3A_93 = tpu.memref_squeeze %dma_start3A_92 : memref<1x128xi32, #tpu.memory_space<vmem>> -> memref<128xi32, #tpu.memory_space<vmem>>
      %dma_start3A_94 = arith.constant 0 : i32
      %dma_start3A_95 = arith.constant 0 : i32
      %dma_start3A_96 = tpu.memref_slice %arg2[%dma_start3A_94, %dma_start3A_95] : memref<10240x128xf32, #tpu.memory_space<hbm>> -> memref<10240x128xf32, #tpu.memory_space<hbm>>
      tpu.enqueue_indirect_dma source(%dma_start3A_96 : memref<10240x128xf32, #tpu.memory_space<hbm>>) target(%dma_start3A_90 : memref<128x128xf32, #tpu.memory_space<vmem>>) offsets(%dma_start3A_93 : memref<128xi32, #tpu.memory_space<vmem>>) semaphore(%arg10 : memref<!tpu.dma_semaphore, #tpu.memory_space<semaphore_mem>>)
      %dma_wait3A_97 = arith.constant 1 : i32
      %dma_wait3A_98 = arith.constant 1 : i32
      %dma_wait3A_99 = arith.constant 0 : i32
      %dma_wait3A_100 = arith.constant 0 : i32
      %dma_wait3A_101 = tpu.memref_slice %arg8[%dma_wait3A_98, %dma_wait3A_99, %dma_wait3A_100] : memref<2x128x128xf32, #tpu.memory_space<vmem>> -> memref<1x128x128xf32, #tpu.memory_space<vmem>>
      %dma_wait3A_102 = tpu.memref_squeeze %dma_wait3A_101 : memref<1x128x128xf32, #tpu.memory_space<vmem>> -> memref<128x128xf32, #tpu.memory_space<vmem>>
      %dma_wait3A_103 = arith.constant 0 : i32
      %dma_wait3A_104 = tpu.memref_slice %arg6[%dma_wait3A_97, %dma_wait3A_103] : memref<8x128xi32, #tpu.memory_space<vmem>> -> memref<1x128xi32, #tpu.memory_space<vmem>>
      %dma_wait3A_105 = tpu.memref_squeeze %dma_wait3A_104 : memref<1x128xi32, #tpu.memory_space<vmem>> -> memref<128xi32, #tpu.memory_space<vmem>>
      %dma_wait3A_106 = arith.constant 0 : i32
      %dma_wait3A_107 = arith.constant 0 : i32
      %dma_wait3A_108 = tpu.memref_slice %arg2[%dma_wait3A_106, %dma_wait3A_107] : memref<10240x128xf32, #tpu.memory_space<hbm>> -> memref<10240x128xf32, #tpu.memory_space<hbm>>
      tpu.wait_indirect_dma semaphore(%arg11 : memref<!tpu.dma_semaphore, #tpu.memory_space<semaphore_mem>>) src(%dma_wait3A_108 : memref<10240x128xf32, #tpu.memory_space<hbm>>) dst(%dma_wait3A_102 : memref<128x128xf32, #tpu.memory_space<vmem>>)
      %run_scoped3A_109 = arith.constant 1 : i32
      %run_scoped3A_110 = arith.constant 1 : i32
      "tpu.region"() ({
        %run_scoped3A_255 = tpu.sem_alloc : memref<!tpu.dma_semaphore, #tpu.memory_space<semaphore_mem>>
        %dma_start3A_256 = arith.constant 0 : i32
        %dma_start3A_257 = arith.constant 0 : i32
        %dma_start3A_258 = tpu.memref_slice %arg8[%run_scoped3A_109, %dma_start3A_256, %dma_start3A_257] : memref<2x128x128xf32, #tpu.memory_space<vmem>> -> memref<1x128x128xf32, #tpu.memory_space<vmem>>
        %dma_start3A_259 = tpu.memref_squeeze %dma_start3A_258 : memref<1x128x128xf32, #tpu.memory_space<vmem>> -> memref<128x128xf32, #tpu.memory_space<vmem>>
        %dma_start3A_260 = arith.constant 0 : i32
        %dma_start3A_261 = tpu.memref_slice %arg7[%run_scoped3A_110, %dma_start3A_260] : memref<8x128xi32, #tpu.memory_space<vmem>> -> memref<1x128xi32, #tpu.memory_space<vmem>>
        %dma_start3A_262 = tpu.memref_squeeze %dma_start3A_261 : memref<1x128xi32, #tpu.memory_space<vmem>> -> memref<128xi32, #tpu.memory_space<vmem>>
        %dma_start3A_263 = arith.constant 0 : i32
        %dma_start3A_264 = arith.constant 0 : i32
        %dma_start3A_265 = tpu.memref_slice %arg9[%dma_start3A_263, %dma_start3A_264] : memref<10240x128xf32, #tpu.memory_space<vmem_shared>> -> memref<10240x128xf32, #tpu.memory_space<vmem_shared>>
        tpu.enqueue_indirect_dma source(%dma_start3A_259 : memref<128x128xf32, #tpu.memory_space<vmem>>) target(%dma_start3A_265 : memref<10240x128xf32, #tpu.memory_space<vmem_shared>>) offsets(%dma_start3A_262 : memref<128xi32, #tpu.memory_space<vmem>>) semaphore(%run_scoped3A_255 : memref<!tpu.dma_semaphore, #tpu.memory_space<semaphore_mem>>) {add = true}
        %dma_wait3A_266 = arith.constant 0 : i32
        %dma_wait3A_267 = arith.constant 0 : i32
        %dma_wait3A_268 = tpu.memref_slice %arg8[%run_scoped3A_109, %dma_wait3A_266, %dma_wait3A_267] : memref<2x128x128xf32, #tpu.memory_space<vmem>> -> memref<1x128x128xf32, #tpu.memory_space<vmem>>
        %dma_wait3A_269 = tpu.memref_squeeze %dma_wait3A_268 : memref<1x128x128xf32, #tpu.memory_space<vmem>> -> memref<128x128xf32, #tpu.memory_space<vmem>>
        %dma_wait3A_270 = arith.constant 0 : i32
        %dma_wait3A_271 = tpu.memref_slice %arg7[%run_scoped3A_110, %dma_wait3A_270] : memref<8x128xi32, #tpu.memory_space<vmem>> -> memref<1x128xi32, #tpu.memory_space<vmem>>
        %dma_wait3A_272 = tpu.memref_squeeze %dma_wait3A_271 : memref<1x128xi32, #tpu.memory_space<vmem>> -> memref<128xi32, #tpu.memory_space<vmem>>
        %dma_wait3A_273 = arith.constant 0 : i32
        %dma_wait3A_274 = arith.constant 0 : i32
        %dma_wait3A_275 = tpu.memref_slice %arg9[%dma_wait3A_273, %dma_wait3A_274] : memref<10240x128xf32, #tpu.memory_space<vmem_shared>> -> memref<10240x128xf32, #tpu.memory_space<vmem_shared>>
        tpu.wait_indirect_dma semaphore(%run_scoped3A_255 : memref<!tpu.dma_semaphore, #tpu.memory_space<semaphore_mem>>) src(%dma_wait3A_269 : memref<128x128xf32, #tpu.memory_space<vmem>>) dst(%dma_wait3A_275 : memref<10240x128xf32, #tpu.memory_space<vmem_shared>>)
        tpu.yield
      }) : () -> ()
      %dma_start3A_111 = arith.constant 3 : i32
      %dma_start3A_112 = arith.constant 1 : i32
      %dma_start3A_113 = arith.constant 0 : i32
      %dma_start3A_114 = arith.constant 0 : i32
      %dma_start3A_115 = tpu.memref_slice %arg8[%dma_start3A_112, %dma_start3A_113, %dma_start3A_114] : memref<2x128x128xf32, #tpu.memory_space<vmem>> -> memref<1x128x128xf32, #tpu.memory_space<vmem>>
      %dma_start3A_116 = tpu.memref_squeeze %dma_start3A_115 : memref<1x128x128xf32, #tpu.memory_space<vmem>> -> memref<128x128xf32, #tpu.memory_space<vmem>>
      %dma_start3A_117 = arith.constant 0 : i32
      %dma_start3A_118 = tpu.memref_slice %arg6[%dma_start3A_111, %dma_start3A_117] : memref<8x128xi32, #tpu.memory_space<vmem>> -> memref<1x128xi32, #tpu.memory_space<vmem>>
      %dma_start3A_119 = tpu.memref_squeeze %dma_start3A_118 : memref<1x128xi32, #tpu.memory_space<vmem>> -> memref<128xi32, #tpu.memory_space<vmem>>
      %dma_start3A_120 = arith.constant 0 : i32
      %dma_start3A_121 = arith.constant 0 : i32
      %dma_start3A_122 = tpu.memref_slice %arg2[%dma_start3A_120, %dma_start3A_121] : memref<10240x128xf32, #tpu.memory_space<hbm>> -> memref<10240x128xf32, #tpu.memory_space<hbm>>
      tpu.enqueue_indirect_dma source(%dma_start3A_122 : memref<10240x128xf32, #tpu.memory_space<hbm>>) target(%dma_start3A_116 : memref<128x128xf32, #tpu.memory_space<vmem>>) offsets(%dma_start3A_119 : memref<128xi32, #tpu.memory_space<vmem>>) semaphore(%arg11 : memref<!tpu.dma_semaphore, #tpu.memory_space<semaphore_mem>>)
      %dma_wait3A_123 = arith.constant 2 : i32
      %dma_wait3A_124 = arith.constant 0 : i32
      %dma_wait3A_125 = arith.constant 0 : i32
      %dma_wait3A_126 = arith.constant 0 : i32
      %dma_wait3A_127 = tpu.memref_slice %arg8[%dma_wait3A_124, %dma_wait3A_125, %dma_wait3A_126] : memref<2x128x128xf32, #tpu.memory_space<vmem>> -> memref<1x128x128xf32, #tpu.memory_space<vmem>>
      %dma_wait3A_128 = tpu.memref_squeeze %dma_wait3A_127 : memref<1x128x128xf32, #tpu.memory_space<vmem>> -> memref<128x128xf32, #tpu.memory_space<vmem>>
      %dma_wait3A_129 = arith.constant 0 : i32
      %dma_wait3A_130 = tpu.memref_slice %arg6[%dma_wait3A_123, %dma_wait3A_129] : memref<8x128xi32, #tpu.memory_space<vmem>> -> memref<1x128xi32, #tpu.memory_space<vmem>>
      %dma_wait3A_131 = tpu.memref_squeeze %dma_wait3A_130 : memref<1x128xi32, #tpu.memory_space<vmem>> -> memref<128xi32, #tpu.memory_space<vmem>>
      %dma_wait3A_132 = arith.constant 0 : i32
      %dma_wait3A_133 = arith.constant 0 : i32
      %dma_wait3A_134 = tpu.memref_slice %arg2[%dma_wait3A_132, %dma_wait3A_133] : memref<10240x128xf32, #tpu.memory_space<hbm>> -> memref<10240x128xf32, #tpu.memory_space<hbm>>
      tpu.wait_indirect_dma semaphore(%arg10 : memref<!tpu.dma_semaphore, #tpu.memory_space<semaphore_mem>>) src(%dma_wait3A_134 : memref<10240x128xf32, #tpu.memory_space<hbm>>) dst(%dma_wait3A_128 : memref<128x128xf32, #tpu.memory_space<vmem>>)
      %run_scoped3A_135 = arith.constant 0 : i32
      %run_scoped3A_136 = arith.constant 2 : i32
      "tpu.region"() ({
        %run_scoped3A_255 = tpu.sem_alloc : memref<!tpu.dma_semaphore, #tpu.memory_space<semaphore_mem>>
        %dma_start3A_256 = arith.constant 0 : i32
        %dma_start3A_257 = arith.constant 0 : i32
        %dma_start3A_258 = tpu.memref_slice %arg8[%run_scoped3A_135, %dma_start3A_256, %dma_start3A_257] : memref<2x128x128xf32, #tpu.memory_space<vmem>> -> memref<1x128x128xf32, #tpu.memory_space<vmem>>
        %dma_start3A_259 = tpu.memref_squeeze %dma_start3A_258 : memref<1x128x128xf32, #tpu.memory_space<vmem>> -> memref<128x128xf32, #tpu.memory_space<vmem>>
        %dma_start3A_260 = arith.constant 0 : i32
        %dma_start3A_261 = tpu.memref_slice %arg7[%run_scoped3A_136, %dma_start3A_260] : memref<8x128xi32, #tpu.memory_space<vmem>> -> memref<1x128xi32, #tpu.memory_space<vmem>>
        %dma_start3A_262 = tpu.memref_squeeze %dma_start3A_261 : memref<1x128xi32, #tpu.memory_space<vmem>> -> memref<128xi32, #tpu.memory_space<vmem>>
        %dma_start3A_263 = arith.constant 0 : i32
        %dma_start3A_264 = arith.constant 0 : i32
        %dma_start3A_265 = tpu.memref_slice %arg9[%dma_start3A_263, %dma_start3A_264] : memref<10240x128xf32, #tpu.memory_space<vmem_shared>> -> memref<10240x128xf32, #tpu.memory_space<vmem_shared>>
        tpu.enqueue_indirect_dma source(%dma_start3A_259 : memref<128x128xf32, #tpu.memory_space<vmem>>) target(%dma_start3A_265 : memref<10240x128xf32, #tpu.memory_space<vmem_shared>>) offsets(%dma_start3A_262 : memref<128xi32, #tpu.memory_space<vmem>>) semaphore(%run_scoped3A_255 : memref<!tpu.dma_semaphore, #tpu.memory_space<semaphore_mem>>) {add = true}
        %dma_wait3A_266 = arith.constant 0 : i32
        %dma_wait3A_267 = arith.constant 0 : i32
        %dma_wait3A_268 = tpu.memref_slice %arg8[%run_scoped3A_135, %dma_wait3A_266, %dma_wait3A_267] : memref<2x128x128xf32, #tpu.memory_space<vmem>> -> memref<1x128x128xf32, #tpu.memory_space<vmem>>
        %dma_wait3A_269 = tpu.memref_squeeze %dma_wait3A_268 : memref<1x128x128xf32, #tpu.memory_space<vmem>> -> memref<128x128xf32, #tpu.memory_space<vmem>>
        %dma_wait3A_270 = arith.constant 0 : i32
        %dma_wait3A_271 = tpu.memref_slice %arg7[%run_scoped3A_136, %dma_wait3A_270] : memref<8x128xi32, #tpu.memory_space<vmem>> -> memref<1x128xi32, #tpu.memory_space<vmem>>
        %dma_wait3A_272 = tpu.memref_squeeze %dma_wait3A_271 : memref<1x128xi32, #tpu.memory_space<vmem>> -> memref<128xi32, #tpu.memory_space<vmem>>
        %dma_wait3A_273 = arith.constant 0 : i32
        %dma_wait3A_274 = arith.constant 0 : i32
        %dma_wait3A_275 = tpu.memref_slice %arg9[%dma_wait3A_273, %dma_wait3A_274] : memref<10240x128xf32, #tpu.memory_space<vmem_shared>> -> memref<10240x128xf32, #tpu.memory_space<vmem_shared>>
        tpu.wait_indirect_dma semaphore(%run_scoped3A_255 : memref<!tpu.dma_semaphore, #tpu.memory_space<semaphore_mem>>) src(%dma_wait3A_269 : memref<128x128xf32, #tpu.memory_space<vmem>>) dst(%dma_wait3A_275 : memref<10240x128xf32, #tpu.memory_space<vmem_shared>>)
        tpu.yield
      }) : () -> ()
      %dma_start3A_137 = arith.constant 4 : i32
      %dma_start3A_138 = arith.constant 0 : i32
      %dma_start3A_139 = arith.constant 0 : i32
      %dma_start3A_140 = arith.constant 0 : i32
      %dma_start3A_141 = tpu.memref_slice %arg8[%dma_start3A_138, %dma_start3A_139, %dma_start3A_140] : memref<2x128x128xf32, #tpu.memory_space<vmem>> -> memref<1x128x128xf32, #tpu.memory_space<vmem>>
      %dma_start3A_142 = tpu.memref_squeeze %dma_start3A_141 : memref<1x128x128xf32, #tpu.memory_space<vmem>> -> memref<128x128xf32, #tpu.memory_space<vmem>>
      %dma_start3A_143 = arith.constant 0 : i32
      %dma_start3A_144 = tpu.memref_slice %arg6[%dma_start3A_137, %dma_start3A_143] : memref<8x128xi32, #tpu.memory_space<vmem>> -> memref<1x128xi32, #tpu.memory_space<vmem>>
      %dma_start3A_145 = tpu.memref_squeeze %dma_start3A_144 : memref<1x128xi32, #tpu.memory_space<vmem>> -> memref<128xi32, #tpu.memory_space<vmem>>
      %dma_start3A_146 = arith.constant 0 : i32
      %dma_start3A_147 = arith.constant 0 : i32
      %dma_start3A_148 = tpu.memref_slice %arg2[%dma_start3A_146, %dma_start3A_147] : memref<10240x128xf32, #tpu.memory_space<hbm>> -> memref<10240x128xf32, #tpu.memory_space<hbm>>
      tpu.enqueue_indirect_dma source(%dma_start3A_148 : memref<10240x128xf32, #tpu.memory_space<hbm>>) target(%dma_start3A_142 : memref<128x128xf32, #tpu.memory_space<vmem>>) offsets(%dma_start3A_145 : memref<128xi32, #tpu.memory_space<vmem>>) semaphore(%arg10 : memref<!tpu.dma_semaphore, #tpu.memory_space<semaphore_mem>>)
      %dma_wait3A_149 = arith.constant 3 : i32
      %dma_wait3A_150 = arith.constant 1 : i32
      %dma_wait3A_151 = arith.constant 0 : i32
      %dma_wait3A_152 = arith.constant 0 : i32
      %dma_wait3A_153 = tpu.memref_slice %arg8[%dma_wait3A_150, %dma_wait3A_151, %dma_wait3A_152] : memref<2x128x128xf32, #tpu.memory_space<vmem>> -> memref<1x128x128xf32, #tpu.memory_space<vmem>>
      %dma_wait3A_154 = tpu.memref_squeeze %dma_wait3A_153 : memref<1x128x128xf32, #tpu.memory_space<vmem>> -> memref<128x128xf32, #tpu.memory_space<vmem>>
      %dma_wait3A_155 = arith.constant 0 : i32
      %dma_wait3A_156 = tpu.memref_slice %arg6[%dma_wait3A_149, %dma_wait3A_155] : memref<8x128xi32, #tpu.memory_space<vmem>> -> memref<1x128xi32, #tpu.memory_space<vmem>>
      %dma_wait3A_157 = tpu.memref_squeeze %dma_wait3A_156 : memref<1x128xi32, #tpu.memory_space<vmem>> -> memref<128xi32, #tpu.memory_space<vmem>>
      %dma_wait3A_158 = arith.constant 0 : i32
      %dma_wait3A_159 = arith.constant 0 : i32
      %dma_wait3A_160 = tpu.memref_slice %arg2[%dma_wait3A_158, %dma_wait3A_159] : memref<10240x128xf32, #tpu.memory_space<hbm>> -> memref<10240x128xf32, #tpu.memory_space<hbm>>
      tpu.wait_indirect_dma semaphore(%arg11 : memref<!tpu.dma_semaphore, #tpu.memory_space<semaphore_mem>>) src(%dma_wait3A_160 : memref<10240x128xf32, #tpu.memory_space<hbm>>) dst(%dma_wait3A_154 : memref<128x128xf32, #tpu.memory_space<vmem>>)
      %run_scoped3A_161 = arith.constant 1 : i32
      %run_scoped3A_162 = arith.constant 3 : i32
      "tpu.region"() ({
        %run_scoped3A_255 = tpu.sem_alloc : memref<!tpu.dma_semaphore, #tpu.memory_space<semaphore_mem>>
        %dma_start3A_256 = arith.constant 0 : i32
        %dma_start3A_257 = arith.constant 0 : i32
        %dma_start3A_258 = tpu.memref_slice %arg8[%run_scoped3A_161, %dma_start3A_256, %dma_start3A_257] : memref<2x128x128xf32, #tpu.memory_space<vmem>> -> memref<1x128x128xf32, #tpu.memory_space<vmem>>
        %dma_start3A_259 = tpu.memref_squeeze %dma_start3A_258 : memref<1x128x128xf32, #tpu.memory_space<vmem>> -> memref<128x128xf32, #tpu.memory_space<vmem>>
        %dma_start3A_260 = arith.constant 0 : i32
        %dma_start3A_261 = tpu.memref_slice %arg7[%run_scoped3A_162, %dma_start3A_260] : memref<8x128xi32, #tpu.memory_space<vmem>> -> memref<1x128xi32, #tpu.memory_space<vmem>>
        %dma_start3A_262 = tpu.memref_squeeze %dma_start3A_261 : memref<1x128xi32, #tpu.memory_space<vmem>> -> memref<128xi32, #tpu.memory_space<vmem>>
        %dma_start3A_263 = arith.constant 0 : i32
        %dma_start3A_264 = arith.constant 0 : i32
        %dma_start3A_265 = tpu.memref_slice %arg9[%dma_start3A_263, %dma_start3A_264] : memref<10240x128xf32, #tpu.memory_space<vmem_shared>> -> memref<10240x128xf32, #tpu.memory_space<vmem_shared>>
        tpu.enqueue_indirect_dma source(%dma_start3A_259 : memref<128x128xf32, #tpu.memory_space<vmem>>) target(%dma_start3A_265 : memref<10240x128xf32, #tpu.memory_space<vmem_shared>>) offsets(%dma_start3A_262 : memref<128xi32, #tpu.memory_space<vmem>>) semaphore(%run_scoped3A_255 : memref<!tpu.dma_semaphore, #tpu.memory_space<semaphore_mem>>) {add = true}
        %dma_wait3A_266 = arith.constant 0 : i32
        %dma_wait3A_267 = arith.constant 0 : i32
        %dma_wait3A_268 = tpu.memref_slice %arg8[%run_scoped3A_161, %dma_wait3A_266, %dma_wait3A_267] : memref<2x128x128xf32, #tpu.memory_space<vmem>> -> memref<1x128x128xf32, #tpu.memory_space<vmem>>
        %dma_wait3A_269 = tpu.memref_squeeze %dma_wait3A_268 : memref<1x128x128xf32, #tpu.memory_space<vmem>> -> memref<128x128xf32, #tpu.memory_space<vmem>>
        %dma_wait3A_270 = arith.constant 0 : i32
        %dma_wait3A_271 = tpu.memref_slice %arg7[%run_scoped3A_162, %dma_wait3A_270] : memref<8x128xi32, #tpu.memory_space<vmem>> -> memref<1x128xi32, #tpu.memory_space<vmem>>
        %dma_wait3A_272 = tpu.memref_squeeze %dma_wait3A_271 : memref<1x128xi32, #tpu.memory_space<vmem>> -> memref<128xi32, #tpu.memory_space<vmem>>
        %dma_wait3A_273 = arith.constant 0 : i32
        %dma_wait3A_274 = arith.constant 0 : i32
        %dma_wait3A_275 = tpu.memref_slice %arg9[%dma_wait3A_273, %dma_wait3A_274] : memref<10240x128xf32, #tpu.memory_space<vmem_shared>> -> memref<10240x128xf32, #tpu.memory_space<vmem_shared>>
        tpu.wait_indirect_dma semaphore(%run_scoped3A_255 : memref<!tpu.dma_semaphore, #tpu.memory_space<semaphore_mem>>) src(%dma_wait3A_269 : memref<128x128xf32, #tpu.memory_space<vmem>>) dst(%dma_wait3A_275 : memref<10240x128xf32, #tpu.memory_space<vmem_shared>>)
        tpu.yield
      }) : () -> ()
      %dma_start3A_163 = arith.constant 5 : i32
      %dma_start3A_164 = arith.constant 1 : i32
      %dma_start3A_165 = arith.constant 0 : i32
      %dma_start3A_166 = arith.constant 0 : i32
      %dma_start3A_167 = tpu.memref_slice %arg8[%dma_start3A_164, %dma_start3A_165, %dma_start3A_166] : memref<2x128x128xf32, #tpu.memory_space<vmem>> -> memref<1x128x128xf32, #tpu.memory_space<vmem>>
      %dma_start3A_168 = tpu.memref_squeeze %dma_start3A_167 : memref<1x128x128xf32, #tpu.memory_space<vmem>> -> memref<128x128xf32, #tpu.memory_space<vmem>>
      %dma_start3A_169 = arith.constant 0 : i32
      %dma_start3A_170 = tpu.memref_slice %arg6[%dma_start3A_163, %dma_start3A_169] : memref<8x128xi32, #tpu.memory_space<vmem>> -> memref<1x128xi32, #tpu.memory_space<vmem>>
      %dma_start3A_171 = tpu.memref_squeeze %dma_start3A_170 : memref<1x128xi32, #tpu.memory_space<vmem>> -> memref<128xi32, #tpu.memory_space<vmem>>
      %dma_start3A_172 = arith.constant 0 : i32
      %dma_start3A_173 = arith.constant 0 : i32
      %dma_start3A_174 = tpu.memref_slice %arg2[%dma_start3A_172, %dma_start3A_173] : memref<10240x128xf32, #tpu.memory_space<hbm>> -> memref<10240x128xf32, #tpu.memory_space<hbm>>
      tpu.enqueue_indirect_dma source(%dma_start3A_174 : memref<10240x128xf32, #tpu.memory_space<hbm>>) target(%dma_start3A_168 : memref<128x128xf32, #tpu.memory_space<vmem>>) offsets(%dma_start3A_171 : memref<128xi32, #tpu.memory_space<vmem>>) semaphore(%arg11 : memref<!tpu.dma_semaphore, #tpu.memory_space<semaphore_mem>>)
      %dma_wait3A_175 = arith.constant 4 : i32
      %dma_wait3A_176 = arith.constant 0 : i32
      %dma_wait3A_177 = arith.constant 0 : i32
      %dma_wait3A_178 = arith.constant 0 : i32
      %dma_wait3A_179 = tpu.memref_slice %arg8[%dma_wait3A_176, %dma_wait3A_177, %dma_wait3A_178] : memref<2x128x128xf32, #tpu.memory_space<vmem>> -> memref<1x128x128xf32, #tpu.memory_space<vmem>>
      %dma_wait3A_180 = tpu.memref_squeeze %dma_wait3A_179 : memref<1x128x128xf32, #tpu.memory_space<vmem>> -> memref<128x128xf32, #tpu.memory_space<vmem>>
      %dma_wait3A_181 = arith.constant 0 : i32
      %dma_wait3A_182 = tpu.memref_slice %arg6[%dma_wait3A_175, %dma_wait3A_181] : memref<8x128xi32, #tpu.memory_space<vmem>> -> memref<1x128xi32, #tpu.memory_space<vmem>>
      %dma_wait3A_183 = tpu.memref_squeeze %dma_wait3A_182 : memref<1x128xi32, #tpu.memory_space<vmem>> -> memref<128xi32, #tpu.memory_space<vmem>>
      %dma_wait3A_184 = arith.constant 0 : i32
      %dma_wait3A_185 = arith.constant 0 : i32
      %dma_wait3A_186 = tpu.memref_slice %arg2[%dma_wait3A_184, %dma_wait3A_185] : memref<10240x128xf32, #tpu.memory_space<hbm>> -> memref<10240x128xf32, #tpu.memory_space<hbm>>
      tpu.wait_indirect_dma semaphore(%arg10 : memref<!tpu.dma_semaphore, #tpu.memory_space<semaphore_mem>>) src(%dma_wait3A_186 : memref<10240x128xf32, #tpu.memory_space<hbm>>) dst(%dma_wait3A_180 : memref<128x128xf32, #tpu.memory_space<vmem>>)
      %run_scoped3A_187 = arith.constant 0 : i32
      %run_scoped3A_188 = arith.constant 4 : i32
      "tpu.region"() ({
        %run_scoped3A_255 = tpu.sem_alloc : memref<!tpu.dma_semaphore, #tpu.memory_space<semaphore_mem>>
        %dma_start3A_256 = arith.constant 0 : i32
        %dma_start3A_257 = arith.constant 0 : i32
        %dma_start3A_258 = tpu.memref_slice %arg8[%run_scoped3A_187, %dma_start3A_256, %dma_start3A_257] : memref<2x128x128xf32, #tpu.memory_space<vmem>> -> memref<1x128x128xf32, #tpu.memory_space<vmem>>
        %dma_start3A_259 = tpu.memref_squeeze %dma_start3A_258 : memref<1x128x128xf32, #tpu.memory_space<vmem>> -> memref<128x128xf32, #tpu.memory_space<vmem>>
        %dma_start3A_260 = arith.constant 0 : i32
        %dma_start3A_261 = tpu.memref_slice %arg7[%run_scoped3A_188, %dma_start3A_260] : memref<8x128xi32, #tpu.memory_space<vmem>> -> memref<1x128xi32, #tpu.memory_space<vmem>>
        %dma_start3A_262 = tpu.memref_squeeze %dma_start3A_261 : memref<1x128xi32, #tpu.memory_space<vmem>> -> memref<128xi32, #tpu.memory_space<vmem>>
        %dma_start3A_263 = arith.constant 0 : i32
        %dma_start3A_264 = arith.constant 0 : i32
        %dma_start3A_265 = tpu.memref_slice %arg9[%dma_start3A_263, %dma_start3A_264] : memref<10240x128xf32, #tpu.memory_space<vmem_shared>> -> memref<10240x128xf32, #tpu.memory_space<vmem_shared>>
        tpu.enqueue_indirect_dma source(%dma_start3A_259 : memref<128x128xf32, #tpu.memory_space<vmem>>) target(%dma_start3A_265 : memref<10240x128xf32, #tpu.memory_space<vmem_shared>>) offsets(%dma_start3A_262 : memref<128xi32, #tpu.memory_space<vmem>>) semaphore(%run_scoped3A_255 : memref<!tpu.dma_semaphore, #tpu.memory_space<semaphore_mem>>) {add = true}
        %dma_wait3A_266 = arith.constant 0 : i32
        %dma_wait3A_267 = arith.constant 0 : i32
        %dma_wait3A_268 = tpu.memref_slice %arg8[%run_scoped3A_187, %dma_wait3A_266, %dma_wait3A_267] : memref<2x128x128xf32, #tpu.memory_space<vmem>> -> memref<1x128x128xf32, #tpu.memory_space<vmem>>
        %dma_wait3A_269 = tpu.memref_squeeze %dma_wait3A_268 : memref<1x128x128xf32, #tpu.memory_space<vmem>> -> memref<128x128xf32, #tpu.memory_space<vmem>>
        %dma_wait3A_270 = arith.constant 0 : i32
        %dma_wait3A_271 = tpu.memref_slice %arg7[%run_scoped3A_188, %dma_wait3A_270] : memref<8x128xi32, #tpu.memory_space<vmem>> -> memref<1x128xi32, #tpu.memory_space<vmem>>
        %dma_wait3A_272 = tpu.memref_squeeze %dma_wait3A_271 : memref<1x128xi32, #tpu.memory_space<vmem>> -> memref<128xi32, #tpu.memory_space<vmem>>
        %dma_wait3A_273 = arith.constant 0 : i32
        %dma_wait3A_274 = arith.constant 0 : i32
        %dma_wait3A_275 = tpu.memref_slice %arg9[%dma_wait3A_273, %dma_wait3A_274] : memref<10240x128xf32, #tpu.memory_space<vmem_shared>> -> memref<10240x128xf32, #tpu.memory_space<vmem_shared>>
        tpu.wait_indirect_dma semaphore(%run_scoped3A_255 : memref<!tpu.dma_semaphore, #tpu.memory_space<semaphore_mem>>) src(%dma_wait3A_269 : memref<128x128xf32, #tpu.memory_space<vmem>>) dst(%dma_wait3A_275 : memref<10240x128xf32, #tpu.memory_space<vmem_shared>>)
        tpu.yield
      }) : () -> ()
      %dma_start3A_189 = arith.constant 6 : i32
      %dma_start3A_190 = arith.constant 0 : i32
      %dma_start3A_191 = arith.constant 0 : i32
      %dma_start3A_192 = arith.constant 0 : i32
      %dma_start3A_193 = tpu.memref_slice %arg8[%dma_start3A_190, %dma_start3A_191, %dma_start3A_192] : memref<2x128x128xf32, #tpu.memory_space<vmem>> -> memref<1x128x128xf32, #tpu.memory_space<vmem>>
      %dma_start3A_194 = tpu.memref_squeeze %dma_start3A_193 : memref<1x128x128xf32, #tpu.memory_space<vmem>> -> memref<128x128xf32, #tpu.memory_space<vmem>>
      %dma_start3A_195 = arith.constant 0 : i32
      %dma_start3A_196 = tpu.memref_slice %arg6[%dma_start3A_189, %dma_start3A_195] : memref<8x128xi32, #tpu.memory_space<vmem>> -> memref<1x128xi32, #tpu.memory_space<vmem>>
      %dma_start3A_197 = tpu.memref_squeeze %dma_start3A_196 : memref<1x128xi32, #tpu.memory_space<vmem>> -> memref<128xi32, #tpu.memory_space<vmem>>
      %dma_start3A_198 = arith.constant 0 : i32
      %dma_start3A_199 = arith.constant 0 : i32
      %dma_start3A_200 = tpu.memref_slice %arg2[%dma_start3A_198, %dma_start3A_199] : memref<10240x128xf32, #tpu.memory_space<hbm>> -> memref<10240x128xf32, #tpu.memory_space<hbm>>
      tpu.enqueue_indirect_dma source(%dma_start3A_200 : memref<10240x128xf32, #tpu.memory_space<hbm>>) target(%dma_start3A_194 : memref<128x128xf32, #tpu.memory_space<vmem>>) offsets(%dma_start3A_197 : memref<128xi32, #tpu.memory_space<vmem>>) semaphore(%arg10 : memref<!tpu.dma_semaphore, #tpu.memory_space<semaphore_mem>>)
      %dma_wait3A_201 = arith.constant 5 : i32
      %dma_wait3A_202 = arith.constant 1 : i32
      %dma_wait3A_203 = arith.constant 0 : i32
      %dma_wait3A_204 = arith.constant 0 : i32
      %dma_wait3A_205 = tpu.memref_slice %arg8[%dma_wait3A_202, %dma_wait3A_203, %dma_wait3A_204] : memref<2x128x128xf32, #tpu.memory_space<vmem>> -> memref<1x128x128xf32, #tpu.memory_space<vmem>>
      %dma_wait3A_206 = tpu.memref_squeeze %dma_wait3A_205 : memref<1x128x128xf32, #tpu.memory_space<vmem>> -> memref<128x128xf32, #tpu.memory_space<vmem>>
      %dma_wait3A_207 = arith.constant 0 : i32
      %dma_wait3A_208 = tpu.memref_slice %arg6[%dma_wait3A_201, %dma_wait3A_207] : memref<8x128xi32, #tpu.memory_space<vmem>> -> memref<1x128xi32, #tpu.memory_space<vmem>>
      %dma_wait3A_209 = tpu.memref_squeeze %dma_wait3A_208 : memref<1x128xi32, #tpu.memory_space<vmem>> -> memref<128xi32, #tpu.memory_space<vmem>>
      %dma_wait3A_210 = arith.constant 0 : i32
      %dma_wait3A_211 = arith.constant 0 : i32
      %dma_wait3A_212 = tpu.memref_slice %arg2[%dma_wait3A_210, %dma_wait3A_211] : memref<10240x128xf32, #tpu.memory_space<hbm>> -> memref<10240x128xf32, #tpu.memory_space<hbm>>
      tpu.wait_indirect_dma semaphore(%arg11 : memref<!tpu.dma_semaphore, #tpu.memory_space<semaphore_mem>>) src(%dma_wait3A_212 : memref<10240x128xf32, #tpu.memory_space<hbm>>) dst(%dma_wait3A_206 : memref<128x128xf32, #tpu.memory_space<vmem>>)
      %run_scoped3A_213 = arith.constant 1 : i32
      %run_scoped3A_214 = arith.constant 5 : i32
      "tpu.region"() ({
        %run_scoped3A_255 = tpu.sem_alloc : memref<!tpu.dma_semaphore, #tpu.memory_space<semaphore_mem>>
        %dma_start3A_256 = arith.constant 0 : i32
        %dma_start3A_257 = arith.constant 0 : i32
        %dma_start3A_258 = tpu.memref_slice %arg8[%run_scoped3A_213, %dma_start3A_256, %dma_start3A_257] : memref<2x128x128xf32, #tpu.memory_space<vmem>> -> memref<1x128x128xf32, #tpu.memory_space<vmem>>
        %dma_start3A_259 = tpu.memref_squeeze %dma_start3A_258 : memref<1x128x128xf32, #tpu.memory_space<vmem>> -> memref<128x128xf32, #tpu.memory_space<vmem>>
        %dma_start3A_260 = arith.constant 0 : i32
        %dma_start3A_261 = tpu.memref_slice %arg7[%run_scoped3A_214, %dma_start3A_260] : memref<8x128xi32, #tpu.memory_space<vmem>> -> memref<1x128xi32, #tpu.memory_space<vmem>>
        %dma_start3A_262 = tpu.memref_squeeze %dma_start3A_261 : memref<1x128xi32, #tpu.memory_space<vmem>> -> memref<128xi32, #tpu.memory_space<vmem>>
        %dma_start3A_263 = arith.constant 0 : i32
        %dma_start3A_264 = arith.constant 0 : i32
        %dma_start3A_265 = tpu.memref_slice %arg9[%dma_start3A_263, %dma_start3A_264] : memref<10240x128xf32, #tpu.memory_space<vmem_shared>> -> memref<10240x128xf32, #tpu.memory_space<vmem_shared>>
        tpu.enqueue_indirect_dma source(%dma_start3A_259 : memref<128x128xf32, #tpu.memory_space<vmem>>) target(%dma_start3A_265 : memref<10240x128xf32, #tpu.memory_space<vmem_shared>>) offsets(%dma_start3A_262 : memref<128xi32, #tpu.memory_space<vmem>>) semaphore(%run_scoped3A_255 : memref<!tpu.dma_semaphore, #tpu.memory_space<semaphore_mem>>) {add = true}
        %dma_wait3A_266 = arith.constant 0 : i32
        %dma_wait3A_267 = arith.constant 0 : i32
        %dma_wait3A_268 = tpu.memref_slice %arg8[%run_scoped3A_213, %dma_wait3A_266, %dma_wait3A_267] : memref<2x128x128xf32, #tpu.memory_space<vmem>> -> memref<1x128x128xf32, #tpu.memory_space<vmem>>
        %dma_wait3A_269 = tpu.memref_squeeze %dma_wait3A_268 : memref<1x128x128xf32, #tpu.memory_space<vmem>> -> memref<128x128xf32, #tpu.memory_space<vmem>>
        %dma_wait3A_270 = arith.constant 0 : i32
        %dma_wait3A_271 = tpu.memref_slice %arg7[%run_scoped3A_214, %dma_wait3A_270] : memref<8x128xi32, #tpu.memory_space<vmem>> -> memref<1x128xi32, #tpu.memory_space<vmem>>
        %dma_wait3A_272 = tpu.memref_squeeze %dma_wait3A_271 : memref<1x128xi32, #tpu.memory_space<vmem>> -> memref<128xi32, #tpu.memory_space<vmem>>
        %dma_wait3A_273 = arith.constant 0 : i32
        %dma_wait3A_274 = arith.constant 0 : i32
        %dma_wait3A_275 = tpu.memref_slice %arg9[%dma_wait3A_273, %dma_wait3A_274] : memref<10240x128xf32, #tpu.memory_space<vmem_shared>> -> memref<10240x128xf32, #tpu.memory_space<vmem_shared>>
        tpu.wait_indirect_dma semaphore(%run_scoped3A_255 : memref<!tpu.dma_semaphore, #tpu.memory_space<semaphore_mem>>) src(%dma_wait3A_269 : memref<128x128xf32, #tpu.memory_space<vmem>>) dst(%dma_wait3A_275 : memref<10240x128xf32, #tpu.memory_space<vmem_shared>>)
        tpu.yield
      }) : () -> ()
      %dma_start3A_215 = arith.constant 7 : i32
      %dma_start3A_216 = arith.constant 1 : i32
      %dma_start3A_217 = arith.constant 0 : i32
      %dma_start3A_218 = arith.constant 0 : i32
      %dma_start3A_219 = tpu.memref_slice %arg8[%dma_start3A_216, %dma_start3A_217, %dma_start3A_218] : memref<2x128x128xf32, #tpu.memory_space<vmem>> -> memref<1x128x128xf32, #tpu.memory_space<vmem>>
      %dma_start3A_220 = tpu.memref_squeeze %dma_start3A_219 : memref<1x128x128xf32, #tpu.memory_space<vmem>> -> memref<128x128xf32, #tpu.memory_space<vmem>>
      %dma_start3A_221 = arith.constant 0 : i32
      %dma_start3A_222 = tpu.memref_slice %arg6[%dma_start3A_215, %dma_start3A_221] : memref<8x128xi32, #tpu.memory_space<vmem>> -> memref<1x128xi32, #tpu.memory_space<vmem>>
      %dma_start3A_223 = tpu.memref_squeeze %dma_start3A_222 : memref<1x128xi32, #tpu.memory_space<vmem>> -> memref<128xi32, #tpu.memory_space<vmem>>
      %dma_start3A_224 = arith.constant 0 : i32
      %dma_start3A_225 = arith.constant 0 : i32
      %dma_start3A_226 = tpu.memref_slice %arg2[%dma_start3A_224, %dma_start3A_225] : memref<10240x128xf32, #tpu.memory_space<hbm>> -> memref<10240x128xf32, #tpu.memory_space<hbm>>
      tpu.enqueue_indirect_dma source(%dma_start3A_226 : memref<10240x128xf32, #tpu.memory_space<hbm>>) target(%dma_start3A_220 : memref<128x128xf32, #tpu.memory_space<vmem>>) offsets(%dma_start3A_223 : memref<128xi32, #tpu.memory_space<vmem>>) semaphore(%arg11 : memref<!tpu.dma_semaphore, #tpu.memory_space<semaphore_mem>>)
      %dma_wait3A_227 = arith.constant 6 : i32
      %dma_wait3A_228 = arith.constant 0 : i32
      %dma_wait3A_229 = arith.constant 0 : i32
      %dma_wait3A_230 = arith.constant 0 : i32
      %dma_wait3A_231 = tpu.memref_slice %arg8[%dma_wait3A_228, %dma_wait3A_229, %dma_wait3A_230] : memref<2x128x128xf32, #tpu.memory_space<vmem>> -> memref<1x128x128xf32, #tpu.memory_space<vmem>>
      %dma_wait3A_232 = tpu.memref_squeeze %dma_wait3A_231 : memref<1x128x128xf32, #tpu.memory_space<vmem>> -> memref<128x128xf32, #tpu.memory_space<vmem>>
      %dma_wait3A_233 = arith.constant 0 : i32
      %dma_wait3A_234 = tpu.memref_slice %arg6[%dma_wait3A_227, %dma_wait3A_233] : memref<8x128xi32, #tpu.memory_space<vmem>> -> memref<1x128xi32, #tpu.memory_space<vmem>>
      %dma_wait3A_235 = tpu.memref_squeeze %dma_wait3A_234 : memref<1x128xi32, #tpu.memory_space<vmem>> -> memref<128xi32, #tpu.memory_space<vmem>>
      %dma_wait3A_236 = arith.constant 0 : i32
      %dma_wait3A_237 = arith.constant 0 : i32
      %dma_wait3A_238 = tpu.memref_slice %arg2[%dma_wait3A_236, %dma_wait3A_237] : memref<10240x128xf32, #tpu.memory_space<hbm>> -> memref<10240x128xf32, #tpu.memory_space<hbm>>
      tpu.wait_indirect_dma semaphore(%arg10 : memref<!tpu.dma_semaphore, #tpu.memory_space<semaphore_mem>>) src(%dma_wait3A_238 : memref<10240x128xf32, #tpu.memory_space<hbm>>) dst(%dma_wait3A_232 : memref<128x128xf32, #tpu.memory_space<vmem>>)
      %run_scoped3A_239 = arith.constant 0 : i32
      %run_scoped3A_240 = arith.constant 6 : i32
      "tpu.region"() ({
        %run_scoped3A_255 = tpu.sem_alloc : memref<!tpu.dma_semaphore, #tpu.memory_space<semaphore_mem>>
        %dma_start3A_256 = arith.constant 0 : i32
        %dma_start3A_257 = arith.constant 0 : i32
        %dma_start3A_258 = tpu.memref_slice %arg8[%run_scoped3A_239, %dma_start3A_256, %dma_start3A_257] : memref<2x128x128xf32, #tpu.memory_space<vmem>> -> memref<1x128x128xf32, #tpu.memory_space<vmem>>
        %dma_start3A_259 = tpu.memref_squeeze %dma_start3A_258 : memref<1x128x128xf32, #tpu.memory_space<vmem>> -> memref<128x128xf32, #tpu.memory_space<vmem>>
        %dma_start3A_260 = arith.constant 0 : i32
        %dma_start3A_261 = tpu.memref_slice %arg7[%run_scoped3A_240, %dma_start3A_260] : memref<8x128xi32, #tpu.memory_space<vmem>> -> memref<1x128xi32, #tpu.memory_space<vmem>>
        %dma_start3A_262 = tpu.memref_squeeze %dma_start3A_261 : memref<1x128xi32, #tpu.memory_space<vmem>> -> memref<128xi32, #tpu.memory_space<vmem>>
        %dma_start3A_263 = arith.constant 0 : i32
        %dma_start3A_264 = arith.constant 0 : i32
        %dma_start3A_265 = tpu.memref_slice %arg9[%dma_start3A_263, %dma_start3A_264] : memref<10240x128xf32, #tpu.memory_space<vmem_shared>> -> memref<10240x128xf32, #tpu.memory_space<vmem_shared>>
        tpu.enqueue_indirect_dma source(%dma_start3A_259 : memref<128x128xf32, #tpu.memory_space<vmem>>) target(%dma_start3A_265 : memref<10240x128xf32, #tpu.memory_space<vmem_shared>>) offsets(%dma_start3A_262 : memref<128xi32, #tpu.memory_space<vmem>>) semaphore(%run_scoped3A_255 : memref<!tpu.dma_semaphore, #tpu.memory_space<semaphore_mem>>) {add = true}
        %dma_wait3A_266 = arith.constant 0 : i32
        %dma_wait3A_267 = arith.constant 0 : i32
        %dma_wait3A_268 = tpu.memref_slice %arg8[%run_scoped3A_239, %dma_wait3A_266, %dma_wait3A_267] : memref<2x128x128xf32, #tpu.memory_space<vmem>> -> memref<1x128x128xf32, #tpu.memory_space<vmem>>
        %dma_wait3A_269 = tpu.memref_squeeze %dma_wait3A_268 : memref<1x128x128xf32, #tpu.memory_space<vmem>> -> memref<128x128xf32, #tpu.memory_space<vmem>>
        %dma_wait3A_270 = arith.constant 0 : i32
        %dma_wait3A_271 = tpu.memref_slice %arg7[%run_scoped3A_240, %dma_wait3A_270] : memref<8x128xi32, #tpu.memory_space<vmem>> -> memref<1x128xi32, #tpu.memory_space<vmem>>
        %dma_wait3A_272 = tpu.memref_squeeze %dma_wait3A_271 : memref<1x128xi32, #tpu.memory_space<vmem>> -> memref<128xi32, #tpu.memory_space<vmem>>
        %dma_wait3A_273 = arith.constant 0 : i32
        %dma_wait3A_274 = arith.constant 0 : i32
        %dma_wait3A_275 = tpu.memref_slice %arg9[%dma_wait3A_273, %dma_wait3A_274] : memref<10240x128xf32, #tpu.memory_space<vmem_shared>> -> memref<10240x128xf32, #tpu.memory_space<vmem_shared>>
        tpu.wait_indirect_dma semaphore(%run_scoped3A_255 : memref<!tpu.dma_semaphore, #tpu.memory_space<semaphore_mem>>) src(%dma_wait3A_269 : memref<128x128xf32, #tpu.memory_space<vmem>>) dst(%dma_wait3A_275 : memref<10240x128xf32, #tpu.memory_space<vmem_shared>>)
        tpu.yield
      }) : () -> ()
      %dma_wait3A_241 = arith.constant 7 : i32
      %dma_wait3A_242 = arith.constant 1 : i32
      %dma_wait3A_243 = arith.constant 0 : i32
      %dma_wait3A_244 = arith.constant 0 : i32
      %dma_wait3A_245 = tpu.memref_slice %arg8[%dma_wait3A_242, %dma_wait3A_243, %dma_wait3A_244] : memref<2x128x128xf32, #tpu.memory_space<vmem>> -> memref<1x128x128xf32, #tpu.memory_space<vmem>>
      %dma_wait3A_246 = tpu.memref_squeeze %dma_wait3A_245 : memref<1x128x128xf32, #tpu.memory_space<vmem>> -> memref<128x128xf32, #tpu.memory_space<vmem>>
      %dma_wait3A_247 = arith.constant 0 : i32
      %dma_wait3A_248 = tpu.memref_slice %arg6[%dma_wait3A_241, %dma_wait3A_247] : memref<8x128xi32, #tpu.memory_space<vmem>> -> memref<1x128xi32, #tpu.memory_space<vmem>>
      %dma_wait3A_249 = tpu.memref_squeeze %dma_wait3A_248 : memref<1x128xi32, #tpu.memory_space<vmem>> -> memref<128xi32, #tpu.memory_space<vmem>>
      %dma_wait3A_250 = arith.constant 0 : i32
      %dma_wait3A_251 = arith.constant 0 : i32
      %dma_wait3A_252 = tpu.memref_slice %arg2[%dma_wait3A_250, %dma_wait3A_251] : memref<10240x128xf32, #tpu.memory_space<hbm>> -> memref<10240x128xf32, #tpu.memory_space<hbm>>
      tpu.wait_indirect_dma semaphore(%arg11 : memref<!tpu.dma_semaphore, #tpu.memory_space<semaphore_mem>>) src(%dma_wait3A_252 : memref<10240x128xf32, #tpu.memory_space<hbm>>) dst(%dma_wait3A_246 : memref<128x128xf32, #tpu.memory_space<vmem>>)
      %run_scoped3A_253 = arith.constant 1 : i32
      %run_scoped3A_254 = arith.constant 7 : i32
      "tpu.region"() ({
        %run_scoped3A_255 = tpu.sem_alloc : memref<!tpu.dma_semaphore, #tpu.memory_space<semaphore_mem>>
        %dma_start3A_256 = arith.constant 0 : i32
        %dma_start3A_257 = arith.constant 0 : i32
        %dma_start3A_258 = tpu.memref_slice %arg8[%run_scoped3A_253, %dma_start3A_256, %dma_start3A_257] : memref<2x128x128xf32, #tpu.memory_space<vmem>> -> memref<1x128x128xf32, #tpu.memory_space<vmem>>
        %dma_start3A_259 = tpu.memref_squeeze %dma_start3A_258 : memref<1x128x128xf32, #tpu.memory_space<vmem>> -> memref<128x128xf32, #tpu.memory_space<vmem>>
        %dma_start3A_260 = arith.constant 0 : i32
        %dma_start3A_261 = tpu.memref_slice %arg7[%run_scoped3A_254, %dma_start3A_260] : memref<8x128xi32, #tpu.memory_space<vmem>> -> memref<1x128xi32, #tpu.memory_space<vmem>>
        %dma_start3A_262 = tpu.memref_squeeze %dma_start3A_261 : memref<1x128xi32, #tpu.memory_space<vmem>> -> memref<128xi32, #tpu.memory_space<vmem>>
        %dma_start3A_263 = arith.constant 0 : i32
        %dma_start3A_264 = arith.constant 0 : i32
        %dma_start3A_265 = tpu.memref_slice %arg9[%dma_start3A_263, %dma_start3A_264] : memref<10240x128xf32, #tpu.memory_space<vmem_shared>> -> memref<10240x128xf32, #tpu.memory_space<vmem_shared>>
        tpu.enqueue_indirect_dma source(%dma_start3A_259 : memref<128x128xf32, #tpu.memory_space<vmem>>) target(%dma_start3A_265 : memref<10240x128xf32, #tpu.memory_space<vmem_shared>>) offsets(%dma_start3A_262 : memref<128xi32, #tpu.memory_space<vmem>>) semaphore(%run_scoped3A_255 : memref<!tpu.dma_semaphore, #tpu.memory_space<semaphore_mem>>) {add = true}
        %dma_wait3A_266 = arith.constant 0 : i32
        %dma_wait3A_267 = arith.constant 0 : i32
        %dma_wait3A_268 = tpu.memref_slice %arg8[%run_scoped3A_253, %dma_wait3A_266, %dma_wait3A_267] : memref<2x128x128xf32, #tpu.memory_space<vmem>> -> memref<1x128x128xf32, #tpu.memory_space<vmem>>
        %dma_wait3A_269 = tpu.memref_squeeze %dma_wait3A_268 : memref<1x128x128xf32, #tpu.memory_space<vmem>> -> memref<128x128xf32, #tpu.memory_space<vmem>>
        %dma_wait3A_270 = arith.constant 0 : i32
        %dma_wait3A_271 = tpu.memref_slice %arg7[%run_scoped3A_254, %dma_wait3A_270] : memref<8x128xi32, #tpu.memory_space<vmem>> -> memref<1x128xi32, #tpu.memory_space<vmem>>
        %dma_wait3A_272 = tpu.memref_squeeze %dma_wait3A_271 : memref<1x128xi32, #tpu.memory_space<vmem>> -> memref<128xi32, #tpu.memory_space<vmem>>
        %dma_wait3A_273 = arith.constant 0 : i32
        %dma_wait3A_274 = arith.constant 0 : i32
        %dma_wait3A_275 = tpu.memref_slice %arg9[%dma_wait3A_273, %dma_wait3A_274] : memref<10240x128xf32, #tpu.memory_space<vmem_shared>> -> memref<10240x128xf32, #tpu.memory_space<vmem_shared>>
        tpu.wait_indirect_dma semaphore(%run_scoped3A_255 : memref<!tpu.dma_semaphore, #tpu.memory_space<semaphore_mem>>) src(%dma_wait3A_269 : memref<128x128xf32, #tpu.memory_space<vmem>>) dst(%dma_wait3A_275 : memref<10240x128xf32, #tpu.memory_space<vmem_shared>>)
        tpu.yield
      }) : () -> ()
    }
    %scan3A_34 = arith.constant 10 : i32
    %barrier3A_35 = arith.constant 0 : index
    tpu.barrier barrier_id(%barrier3A_35)
    %mul3A_36 = arith.constant 640 : i32
    %mul3A_37 = arith.muli %arg1, %mul3A_36 : i32
    %mul3A_38 = arith.constant 640 : i32
    %mul3A_39 = arith.muli %arg1, %mul3A_38 : i32
    "tpu.region"() ({
      %run_scoped3A_40 = tpu.sem_alloc : memref<!tpu.dma_semaphore, #tpu.memory_space<semaphore_mem>>
      %dma_start3A = arith.constant 0 : i32
      %dma_start3A_41 = tpu.memref_slice %arg5[%arg0, %mul3A_39, %dma_start3A] : memref<2x10240x128xf32, #tpu.memory_space<hbm>> -> memref<1x640x128xf32, #tpu.memory_space<hbm>>
      %dma_start3A_42 = tpu.memref_squeeze %dma_start3A_41 : memref<1x640x128xf32, #tpu.memory_space<hbm>> -> memref<640x128xf32, #tpu.memory_space<hbm>>
      %dma_start3A_43 = arith.constant 0 : i32
      %dma_start3A_44 = tpu.memref_slice %arg9[%mul3A_37, %dma_start3A_43] : memref<10240x128xf32, #tpu.memory_space<vmem_shared>> -> memref<640x128xf32, #tpu.memory_space<vmem_shared>>
      tpu.enqueue_dma source(%dma_start3A_44 : memref<640x128xf32, #tpu.memory_space<vmem_shared>>) target(%dma_start3A_42 : memref<640x128xf32, #tpu.memory_space<hbm>>) target_semaphore(%run_scoped3A_40 : memref<!tpu.dma_semaphore, #tpu.memory_space<semaphore_mem>>)
      %dma_wait3A = arith.constant 0 : i32
      %dma_wait3A_45 = tpu.memref_slice %arg5[%arg0, %mul3A_39, %dma_wait3A] : memref<2x10240x128xf32, #tpu.memory_space<hbm>> -> memref<1x640x128xf32, #tpu.memory_space<hbm>>
      %dma_wait3A_46 = tpu.memref_squeeze %dma_wait3A_45 : memref<1x640x128xf32, #tpu.memory_space<hbm>> -> memref<640x128xf32, #tpu.memory_space<hbm>>
      %dma_wait3A_47 = arith.constant 0 : i32
      %dma_wait3A_48 = tpu.memref_slice %arg9[%mul3A_37, %dma_wait3A_47] : memref<10240x128xf32, #tpu.memory_space<vmem_shared>> -> memref<640x128xf32, #tpu.memory_space<vmem_shared>>
      tpu.wait_dma2 semaphore(%run_scoped3A_40 : memref<!tpu.dma_semaphore, #tpu.memory_space<semaphore_mem>>) src(%dma_wait3A_48 : memref<640x128xf32, #tpu.memory_space<vmem_shared>>) dst(%dma_wait3A_46 : memref<640x128xf32, #tpu.memory_space<hbm>>)
      tpu.yield
    }) : () -> ()
    return
  }
}

module attributes {stable_mosaic.version = 14 : i64} {
  func.func @_pre_body(%arg0: i32, %arg1: memref<32x128xf32, #tpu.memory_space<vmem>>, %arg2: memref<128x128xf32, #tpu.memory_space<vmem>>, %arg3: memref<128x128xf32, #tpu.memory_space<vmem>>, %arg4: memref<128x128xf32, #tpu.memory_space<vmem>>) attributes {dimension_semantics = [#tpu.dimension_semantics<arbitrary>], iteration_bounds = array<i64: 80>, scalar_prefetch = 0 : i64, scratch_operands = 0 : i64, tpu.core_type = #tpu.core_type<tc>, window_params = [{transform_indices = @transform_0, window_bounds = array<i64: 32, 128>}, {transform_indices = @transform_1, window_bounds = array<i64: 128, 128>}, {pipeline_mode = #tpu.pipeline_mode<synchronous>, transform_indices = @transform_2, window_bounds = array<i64: 128, 128>}, {transform_indices = @transform_3, window_bounds = array<i64: 128, 128>}]} {
    %get3A = arith.constant 0 : index
    %get3A_0 = arith.constant 0 : index
    %get3A_1 = vector.load %arg1[%get3A, %get3A_0] : memref<32x128xf32, #tpu.memory_space<vmem>>, vector<32x128xf32>
    %reduce_sum3A = arith.constant dense<0.000000e+00> : vector<128xf32>
    %reduce_sum3A_2 = vector.multi_reduction <add>, %get3A_1, %reduce_sum3A [0] : vector<32x128xf32> to vector<128xf32>
    %add3A = arith.constant 1.000000e+00 : f32
    %add3A_3 = vector.broadcast %add3A : f32 to vector<128xf32>
    %add3A_4 = arith.addf %add3A_3, %reduce_sum3A_2 : vector<128xf32>
    %rsqrt3A = math.rsqrt %add3A_4 : vector<128xf32>
    %get3A_5 = arith.constant 0 : index
    %get3A_6 = arith.constant 0 : index
    %get3A_7 = vector.load %arg2[%get3A_5, %get3A_6] : memref<128x128xf32, #tpu.memory_space<vmem>>, vector<128x128xf32>
    %get3A_8 = arith.constant 0 : index
    %get3A_9 = arith.constant 0 : index
    %get3A_10 = vector.load %arg3[%get3A_8, %get3A_9] : memref<128x128xf32, #tpu.memory_space<vmem>>, vector<128x128xf32>
    %dot_general3A = arith.constant dense<0.000000e+00> : vector<128x128xf32>
    %dot_general3A_11 = tpu.matmul %get3A_7, %get3A_10, %dot_general3A {dimension_numbers = #tpu.dot_dimension_numbers<[1], [0], [0], [1], [0, 0, 1, 1], [], []>, transpose_lhs_hint = false} : vector<128x128xf32>, vector<128x128xf32>, vector<128x128xf32> -> vector<128x128xf32>
    %broadcast_in_dim3A = vector.shape_cast %rsqrt3A : vector<128xf32> to vector<128x1xf32>
    %mul3A = vector.broadcast %broadcast_in_dim3A : vector<128x1xf32> to vector<128x128xf32>
    %mul3A_12 = arith.mulf %mul3A, %dot_general3A_11 : vector<128x128xf32>
    %swap3A = arith.constant 0 : index
    %swap3A_13 = arith.constant 0 : index
    %swap3A_14 = vector.load %arg4[%swap3A, %swap3A_13] : memref<128x128xf32, #tpu.memory_space<vmem>>, vector<128x128xf32>
    tpu.vector_store %arg4[%swap3A, %swap3A_13], %mul3A_12 {strides = array<i32>} : memref<128x128xf32, #tpu.memory_space<vmem>>, vector<128x128xf32>,
    return
  }
  func.func @transform_0(%arg0: i32) -> (i32, i32) {
    %c0_i32 = arith.constant 0 : i32
    %c0_i32_0 = arith.constant 0 : i32
    return %c0_i32, %arg0 : i32, i32
  }
  func.func @transform_1(%arg0: i32) -> (i32, i32) {
    %c0_i32 = arith.constant 0 : i32
    %c0_i32_0 = arith.constant 0 : i32
    return %arg0, %c0_i32 : i32, i32
  }
  func.func @transform_2(%arg0: i32) -> (i32, i32) {
    %c0_i32 = arith.constant 0 : i32
    %c0_i32_0 = arith.constant 0 : i32
    %c0_i32_1 = arith.constant 0 : i32
    return %c0_i32, %c0_i32_0 : i32, i32
  }
  func.func @transform_3(%arg0: i32) -> (i32, i32) {
    %c0_i32 = arith.constant 0 : i32
    %c0_i32_0 = arith.constant 0 : i32
    return %arg0, %c0_i32 : i32, i32
  }
}

module attributes {stable_mosaic.version = 14 : i64} {
  func.func @_mid_body(%arg0: i32, %arg1: memref<32x128xf32, #tpu.memory_space<vmem>>, %arg2: memref<2x128x128xf32, #tpu.memory_space<vmem>>, %arg3: memref<128x128xf32, #tpu.memory_space<vmem>>, %arg4: memref<1x128xf32, #tpu.memory_space<vmem>>, %arg5: memref<128x128xf32, #tpu.memory_space<vmem>>, %arg6: memref<128x128xf32, #tpu.memory_space<vmem>>) attributes {dimension_semantics = [#tpu.dimension_semantics<arbitrary>], iteration_bounds = array<i64: 80>, scalar_prefetch = 0 : i64, scratch_operands = 0 : i64, tpu.core_type = #tpu.core_type<tc>, window_params = [{transform_indices = @transform_0, window_bounds = array<i64: 32, 128>}, {transform_indices = @transform_1, window_bounds = array<i64: 2, 128, 128>}, {transform_indices = @transform_2, window_bounds = array<i64: 128, 128>}, {pipeline_mode = #tpu.pipeline_mode<synchronous>, transform_indices = @transform_3, window_bounds = array<i64: 1, 128>}, {pipeline_mode = #tpu.pipeline_mode<synchronous>, transform_indices = @transform_4, window_bounds = array<i64: 128, 128>}, {transform_indices = @transform_5, window_bounds = array<i64: 128, 128>}]} {
    %get3A = arith.constant 0 : index
    %get3A_0 = arith.constant 0 : index
    %get3A_1 = vector.load %arg1[%get3A, %get3A_0] : memref<32x128xf32, #tpu.memory_space<vmem>>, vector<32x128xf32>
    %reduce_sum3A = arith.constant dense<0.000000e+00> : vector<128xf32>
    %reduce_sum3A_2 = vector.multi_reduction <add>, %get3A_1, %reduce_sum3A [0] : vector<32x128xf32> to vector<128xf32>
    %add3A = arith.constant 1.000000e+00 : f32
    %add3A_3 = vector.broadcast %add3A : f32 to vector<128xf32>
    %add3A_4 = arith.addf %add3A_3, %reduce_sum3A_2 : vector<128xf32>
    %rsqrt3A = math.rsqrt %add3A_4 : vector<128xf32>
    %get3A_5 = arith.constant 0 : index
    %get3A_6 = arith.constant 0 : index
    %get3A_7 = arith.constant 0 : index
    %get3A_8 = vector.load %arg2[%get3A_5, %get3A_6, %get3A_7] : memref<2x128x128xf32, #tpu.memory_space<vmem>>, vector<1x128x128xf32>
    %get3A_9 = vector.shape_cast %get3A_8 : vector<1x128x128xf32> to vector<128x128xf32>
    %get3A_10 = arith.constant 1 : index
    %get3A_11 = arith.constant 0 : index
    %get3A_12 = arith.constant 0 : index
    %get3A_13 = vector.load %arg2[%get3A_10, %get3A_11, %get3A_12] : memref<2x128x128xf32, #tpu.memory_space<vmem>>, vector<1x128x128xf32>
    %get3A_14 = vector.shape_cast %get3A_13 : vector<1x128x128xf32> to vector<128x128xf32>
    %add3A_15 = arith.addf %get3A_9, %get3A_14 : vector<128x128xf32>
    %get3A_16 = arith.constant 0 : index
    %get3A_17 = arith.constant 0 : index
    %get3A_18 = vector.load %arg3[%get3A_16, %get3A_17] : memref<128x128xf32, #tpu.memory_space<vmem>>, vector<128x128xf32>
    %add3A_19 = arith.addf %add3A_15, %get3A_18 : vector<128x128xf32>
    %broadcast_in_dim3A = vector.shape_cast %rsqrt3A : vector<128xf32> to vector<128x1xf32>
    %mul3A = vector.broadcast %broadcast_in_dim3A : vector<128x1xf32> to vector<128x128xf32>
    %mul3A_20 = arith.mulf %mul3A, %add3A_19 : vector<128x128xf32>
    %get3A_21 = arith.constant 0 : index
    %get3A_22 = arith.constant 0 : index
    %get3A_23 = vector.load %arg4[%get3A_21, %get3A_22] : memref<1x128xf32, #tpu.memory_space<vmem>>, vector<1x128xf32>
    %add3A_24 = vector.broadcast %get3A_23 : vector<1x128xf32> to vector<128x128xf32>
    %add3A_25 = arith.addf %mul3A_20, %add3A_24 : vector<128x128xf32>
    %max3A = arith.constant 0.000000e+00 : f32
    %max3A_26 = vector.broadcast %max3A : f32 to vector<128x128xf32>
    %max3A_27 = arith.maximumf %add3A_25, %max3A_26 : vector<128x128xf32>
    %get3A_28 = arith.constant 0 : index
    %get3A_29 = arith.constant 0 : index
    %get3A_30 = vector.load %arg5[%get3A_28, %get3A_29] : memref<128x128xf32, #tpu.memory_space<vmem>>, vector<128x128xf32>
    %dot_general3A = arith.constant dense<0.000000e+00> : vector<128x128xf32>
    %dot_general3A_31 = tpu.matmul %max3A_27, %get3A_30, %dot_general3A {dimension_numbers = #tpu.dot_dimension_numbers<[1], [0], [0], [1], [0, 0, 1, 1], [], []>, transpose_lhs_hint = false} : vector<128x128xf32>, vector<128x128xf32>, vector<128x128xf32> -> vector<128x128xf32>
    %broadcast_in_dim3A_32 = vector.shape_cast %rsqrt3A : vector<128xf32> to vector<128x1xf32>
    %mul3A_33 = vector.broadcast %broadcast_in_dim3A_32 : vector<128x1xf32> to vector<128x128xf32>
    %mul3A_34 = arith.mulf %mul3A_33, %dot_general3A_31 : vector<128x128xf32>
    %swap3A = arith.constant 0 : index
    %swap3A_35 = arith.constant 0 : index
    %swap3A_36 = vector.load %arg6[%swap3A, %swap3A_35] : memref<128x128xf32, #tpu.memory_space<vmem>>, vector<128x128xf32>
    tpu.vector_store %arg6[%swap3A, %swap3A_35], %mul3A_34 {strides = array<i32>} : memref<128x128xf32, #tpu.memory_space<vmem>>, vector<128x128xf32>,
    return
  }
  func.func @transform_0(%arg0: i32) -> (i32, i32) {
    %c0_i32 = arith.constant 0 : i32
    %c0_i32_0 = arith.constant 0 : i32
    return %c0_i32, %arg0 : i32, i32
  }
  func.func @transform_1(%arg0: i32) -> (i32, i32, i32) {
    %c0_i32 = arith.constant 0 : i32
    %c0_i32_0 = arith.constant 0 : i32
    %c0_i32_1 = arith.constant 0 : i32
    return %c0_i32, %arg0, %c0_i32_0 : i32, i32, i32
  }
  func.func @transform_2(%arg0: i32) -> (i32, i32) {
    %c0_i32 = arith.constant 0 : i32
    %c0_i32_0 = arith.constant 0 : i32
    return %arg0, %c0_i32 : i32, i32
  }
  func.func @transform_3(%arg0: i32) -> (i32, i32) {
    %c0_i32 = arith.constant 0 : i32
    %c0_i32_0 = arith.constant 0 : i32
    %c0_i32_1 = arith.constant 0 : i32
    return %c0_i32, %c0_i32_0 : i32, i32
  }
  func.func @transform_4(%arg0: i32) -> (i32, i32) {
    %c0_i32 = arith.constant 0 : i32
    %c0_i32_0 = arith.constant 0 : i32
    %c0_i32_1 = arith.constant 0 : i32
    return %c0_i32, %c0_i32_0 : i32, i32
  }
  func.func @transform_5(%arg0: i32) -> (i32, i32) {
    %c0_i32 = arith.constant 0 : i32
    %c0_i32_0 = arith.constant 0 : i32
    return %arg0, %c0_i32 : i32, i32
  }
}

module attributes {stable_mosaic.version = 14 : i64} {
  func.func @_fin_body(%arg0: i32, %arg1: memref<32x128xf32, #tpu.memory_space<vmem>>, %arg2: memref<2x128x128xf32, #tpu.memory_space<vmem>>, %arg3: memref<128x128xf32, #tpu.memory_space<vmem>>, %arg4: memref<1x128xf32, #tpu.memory_space<vmem>>, %arg5: memref<128x128xf32, #tpu.memory_space<vmem>>) attributes {dimension_semantics = [#tpu.dimension_semantics<arbitrary>], iteration_bounds = array<i64: 80>, scalar_prefetch = 0 : i64, scratch_operands = 0 : i64, tpu.core_type = #tpu.core_type<tc>, window_params = [{transform_indices = @transform_0, window_bounds = array<i64: 32, 128>}, {transform_indices = @transform_1, window_bounds = array<i64: 2, 128, 128>}, {transform_indices = @transform_2, window_bounds = array<i64: 128, 128>}, {pipeline_mode = #tpu.pipeline_mode<synchronous>, transform_indices = @transform_3, window_bounds = array<i64: 1, 128>}, {transform_indices = @transform_4, window_bounds = array<i64: 128, 128>}]} {
    %get3A = arith.constant 0 : index
    %get3A_0 = arith.constant 0 : index
    %get3A_1 = vector.load %arg1[%get3A, %get3A_0] : memref<32x128xf32, #tpu.memory_space<vmem>>, vector<32x128xf32>
    %reduce_sum3A = arith.constant dense<0.000000e+00> : vector<128xf32>
    %reduce_sum3A_2 = vector.multi_reduction <add>, %get3A_1, %reduce_sum3A [0] : vector<32x128xf32> to vector<128xf32>
    %add3A = arith.constant 1.000000e+00 : f32
    %add3A_3 = vector.broadcast %add3A : f32 to vector<128xf32>
    %add3A_4 = arith.addf %add3A_3, %reduce_sum3A_2 : vector<128xf32>
    %rsqrt3A = math.rsqrt %add3A_4 : vector<128xf32>
    %broadcast_in_dim3A = vector.shape_cast %rsqrt3A : vector<128xf32> to vector<128x1xf32>
    %get3A_5 = arith.constant 0 : index
    %get3A_6 = arith.constant 0 : index
    %get3A_7 = arith.constant 0 : index
    %get3A_8 = vector.load %arg2[%get3A_5, %get3A_6, %get3A_7] : memref<2x128x128xf32, #tpu.memory_space<vmem>>, vector<1x128x128xf32>
    %get3A_9 = vector.shape_cast %get3A_8 : vector<1x128x128xf32> to vector<128x128xf32>
    %get3A_10 = arith.constant 1 : index
    %get3A_11 = arith.constant 0 : index
    %get3A_12 = arith.constant 0 : index
    %get3A_13 = vector.load %arg2[%get3A_10, %get3A_11, %get3A_12] : memref<2x128x128xf32, #tpu.memory_space<vmem>>, vector<1x128x128xf32>
    %get3A_14 = vector.shape_cast %get3A_13 : vector<1x128x128xf32> to vector<128x128xf32>
    %add3A_15 = arith.addf %get3A_9, %get3A_14 : vector<128x128xf32>
    %get3A_16 = arith.constant 0 : index
    %get3A_17 = arith.constant 0 : index
    %get3A_18 = vector.load %arg3[%get3A_16, %get3A_17] : memref<128x128xf32, #tpu.memory_space<vmem>>, vector<128x128xf32>
    %add3A_19 = arith.addf %add3A_15, %get3A_18 : vector<128x128xf32>
    %mul3A = vector.broadcast %broadcast_in_dim3A : vector<128x1xf32> to vector<128x128xf32>
    %mul3A_20 = arith.mulf %mul3A, %add3A_19 : vector<128x128xf32>
    %get3A_21 = arith.constant 0 : index
    %get3A_22 = arith.constant 0 : index
    %get3A_23 = vector.load %arg4[%get3A_21, %get3A_22] : memref<1x128xf32, #tpu.memory_space<vmem>>, vector<1x128xf32>
    %add3A_24 = vector.broadcast %get3A_23 : vector<1x128xf32> to vector<128x128xf32>
    %add3A_25 = arith.addf %mul3A_20, %add3A_24 : vector<128x128xf32>
    %reduce_max3A = arith.constant dense<0xFF800000> : vector<128xf32>
    %reduce_max3A_26 = vector.multi_reduction <maximumf>, %add3A_25, %reduce_max3A [1] : vector<128x128xf32> to vector<128xf32>
    %broadcast_in_dim3A_27 = vector.shape_cast %reduce_max3A_26 : vector<128xf32> to vector<128x1xf32>
    %sub3A = vector.broadcast %broadcast_in_dim3A_27 : vector<128x1xf32> to vector<128x128xf32>
    %sub3A_28 = arith.subf %add3A_25, %sub3A : vector<128x128xf32>
    %exp3A = math.exp %sub3A_28 : vector<128x128xf32>
    %reduce_sum3A_29 = arith.constant dense<0.000000e+00> : vector<128xf32>
    %reduce_sum3A_30 = vector.multi_reduction <add>, %exp3A, %reduce_sum3A_29 [1] : vector<128x128xf32> to vector<128xf32>
    %broadcast_in_dim3A_31 = vector.shape_cast %reduce_sum3A_30 : vector<128xf32> to vector<128x1xf32>
    %log3A = math.log %broadcast_in_dim3A_31 : vector<128x1xf32>
    %sub3A_32 = vector.broadcast %broadcast_in_dim3A_27 : vector<128x1xf32> to vector<128x128xf32>
    %sub3A_33 = arith.subf %add3A_25, %sub3A_32 : vector<128x128xf32>
    %sub3A_34 = vector.broadcast %log3A : vector<128x1xf32> to vector<128x128xf32>
    %sub3A_35 = arith.subf %sub3A_33, %sub3A_34 : vector<128x128xf32>
    %swap3A = arith.constant 0 : index
    %swap3A_36 = arith.constant 0 : index
    %swap3A_37 = vector.load %arg5[%swap3A, %swap3A_36] : memref<128x128xf32, #tpu.memory_space<vmem>>, vector<128x128xf32>
    tpu.vector_store %arg5[%swap3A, %swap3A_36], %sub3A_35 {strides = array<i32>} : memref<128x128xf32, #tpu.memory_space<vmem>>, vector<128x128xf32>,
    return
  }
  func.func @transform_0(%arg0: i32) -> (i32, i32) {
    %c0_i32 = arith.constant 0 : i32
    %c0_i32_0 = arith.constant 0 : i32
    return %c0_i32, %arg0 : i32, i32
  }
  func.func @transform_1(%arg0: i32) -> (i32, i32, i32) {
    %c0_i32 = arith.constant 0 : i32
    %c0_i32_0 = arith.constant 0 : i32
    %c0_i32_1 = arith.constant 0 : i32
    return %c0_i32, %arg0, %c0_i32_0 : i32, i32, i32
  }
  func.func @transform_2(%arg0: i32) -> (i32, i32) {
    %c0_i32 = arith.constant 0 : i32
    %c0_i32_0 = arith.constant 0 : i32
    return %arg0, %c0_i32 : i32, i32
  }
  func.func @transform_3(%arg0: i32) -> (i32, i32) {
    %c0_i32 = arith.constant 0 : i32
    %c0_i32_0 = arith.constant 0 : i32
    %c0_i32_1 = arith.constant 0 : i32
    return %c0_i32, %c0_i32_0 : i32, i32
  }
  func.func @transform_4(%arg0: i32) -> (i32, i32) {
    %c0_i32 = arith.constant 0 : i32
    %c0_i32_0 = arith.constant 0 : i32
    return %arg0, %c0_i32 : i32, i32
  }
}

</mosaic_0001>

<sc_bundles>
// kernel: kernel.10.cloned.1.call-start
scs
__scs_entry_jumppad:
0x0: {  	(pc) =	sbr.rel $0x88, $3  }
0x1: {  	(tag) =	ssettag $0x0;
	lr =	simm.s32 $0x1  }
0x2: {  	[smem:$0x3F99] =	sst lr;
	_ =	strace $0xD0000000  }
0x3: {  	_ = 	snop  }
0x4: {  	_ = 	snop  }
0x5: {  	_ = 	snop  }
0x6: {  	_ = 	snop  }
0x7: {  	_ = 	snop  }
__scs_overlays_trampoline_lowered:
0x8: {  	[smem:$0x3FA8] =	sst s0  }
0x9: {  	[smem:$0x3FA9] =	sst s1  }
0xa: {  	[smem:$0x3FAA] =	sst s2  }
0xb: {  	[smem:$0x3FAB] =	sst s3  }
0xc: {  	[smem:$0x3FAC] =	sst s4  }
0xd: {  	[smem:$0x3FAD] =	sst s5  }
0xe: {  	[smem:$0x3FAE] =	sst s6  }
0xf: {  	[smem:$0x3FAF] =	sst s7  }
0x10: {  	[smem:$0x3FB0] =	sst s8  }
0x11: {  	[smem:$0x3FB1] =	sst s9;
	s0 =	simm.s32 @!p0 $0x0  }
0x12: {  	s1 =	sld [smem:$0x3F97];
	s0 =	simm.s32 @p0 $0x1  }
0x13: {  	[smem:$0x3FB2] =	sst s0;
	s0 =	simm.s32 @!p1 $0x0  }
0x14: {  	s2 =	sld [smem:$0x3F96];
	s0 =	simm.s32 @p1 $0x1  }
0x15: {  	[smem:$0x3FB3] =	sst s0;
	s0 =	simm.s32 @!p2 $0x0  }
0x16: {  	s3 =	sld [smem:$0x3FDB];
	s0 =	simm.s32 @p2 $0x1  }
0x17: {  	s4 =	simm.s32 $0x1BF5;
	[smem:$0x3FB5] =	sst s0  }
0x18: {  	s0 =	sld [smem:$0x3F98];
	_ =	swait.ge [sflag:s4], $0x0  }
0x19: {  	s7 =	sld [smem:$0x3F99]  }
0x1a: {  	s8 =	sadd.s32 $0xFFFFE003, lr  }
0x1b: {  	s9 =	sadd.s32 $0xFFFFFEF7, lr;
	s5 =	simm.s32 $0xFFFFFFFF;
	p2 =	slt.u32 s8, $0xFFFFF086  }
0x1c: {  	p1 =	slt.u32 s9, $0xF7A;
	s5 =	simm.s32 @!p2 $0x0  }
0x1d: {  	s5 =	simm.s32 @p1 $0x1;
	p0 =	seq.s32 s7, s2  }
0x1e: {  	s7 =	smul.u32 @!p0 $0xF7A, s2;
	p2 =	seq.s32 @!p0 s5, $0x0  }
0x1f: {  	s9 =	smul.u32 $0xF7A, s1;
	s8 =	simm.s32 @!p0 $0x1BF5;
	p2 =	por !p2, p0  }
0x20: {  	[sflag:s8] =	ssyncset.s32 @!p0 $0xFFFFF086;
	s6 =	sadd.s32 @!p0 s3, s7;
	s7 =	simm.s32 @!p0 $0x108  }
0x21: {  	s3 =	sadd.s32 s3, s9;
	s6 =	sadd.s32 @!p0 $0x88, s6;
	s7 =	simm.s32 @p2 $0x1082  }
0x22: {  	[simem:s7], [sflag:s8] =	dma.local @!p0 [hbm:s6], $0xF7A  }
0x23: {  	s9 =	sor.u32 $0xD0000000, s2;
	s6 =	simm.s32 $0x108;
	_ =	swait.ge @!p0 [sflag:s8], $0x0  }
0x24: {  	s3 =	sadd.s32 $0x88, s3;
	s6 =	simm.s32 @!p1 $0x1082;
	[sflag:s4] =	ssyncset.s32 $0xFFFFF086  }
0x25: {  	[simem:s6], [sflag:s4] =	dma.local [hbm:s3], $0xF7A  }
0x26: {  	[smem:$0x3F99] =	sst s1;
	(tag) =	ssettag s2;
	_ =	strace s9  }
0x27: {  	s1 =	sld [smem:$0x3FA9]  }
0x28: {  	s2 =	sld [smem:$0x3FAA]  }
0x29: {  	s4 =	sld [smem:$0x3FAC]  }
0x2a: {  	p0 =	seq.s32 s5, $0x0;
	s5 =	sld [smem:$0x3FAD]  }
0x2b: {  	s6 =	sld [smem:$0x3FAE]  }
0x2c: {  	s7 =	sld [smem:$0x3FAF]  }
0x2d: {  	s3 =	simm.s32 $0x108;
	s8 =	sld [smem:$0x3FB0]  }
0x2e: {  	s3 =	simm.s32 @!p0 $0x1082;
	s9 =	sld [smem:$0x3FB1]  }
0x2f: {  	lr =	sadd.s32 s0, s3;
	s0 =	sld [smem:$0x3FA8]  }
0x30: {  	s3 =	sld [smem:$0x3FAB]  }
0x31: {  	[smem:$0x3FB4] =	sst s10  }
0x32: {  	s10 =	sld [smem:$0x3FB2];
	_ =	sdelay $0x3  }
0x33: {  	p0 =	seq.s32 s10, $0x1;
	s10 =	sld [smem:$0x3FB4];
	_ =	sdelay $0x3  }
0x34: {  	[smem:$0x3FB4] =	sst s10  }
0x35: {  	s10 =	sld [smem:$0x3FB3];
	_ =	sdelay $0x3  }
0x36: {  	p1 =	seq.s32 s10, $0x1;
	s10 =	sld [smem:$0x3FB4];
	_ =	sdelay $0x3  }
0x37: {  	[smem:$0x3FB4] =	sst s10  }
0x38: {  	s10 =	sld [smem:$0x3FB5]  }
0x39: {  	_ = 	snop;
	(pc) =	sbr.ind lr, $3  }
0x3a: {  	_ = 	snop  }
0x3b: {  	_ = 	snop  }
0x3c: {  	p2 =	seq.s32 s10, $0x1;
	s10 =	sld [smem:$0x3FB4]  }
0x3d: {  	_ =	shalt  }
0x3e: {  	_ =	shalt  }
0x3f: {  	_ =	shalt  }
0x40: {  	_ =	shalt  }
0x41: {  	_ =	shalt  }
0x42: {  	_ =	shalt  }
0x43: {  	_ =	shalt  }
0x44: {  	_ =	shalt  }
0x45: {  	_ =	shalt  }
0x46: {  	_ =	shalt  }
0x47: {  	_ =	shalt  }
0x48: {  	_ =	shalt  }
0x49: {  	_ =	shalt  }
0x4a: {  	_ =	shalt  }
0x4b: {  	_ =	shalt  }
0x4c: {  	_ =	shalt  }
0x4d: {  	_ =	shalt  }
0x4e: {  	_ =	shalt  }
0x4f: {  	_ =	shalt  }
0x50: {  	_ =	shalt  }
0x51: {  	_ =	shalt  }
0x52: {  	_ =	shalt  }
0x53: {  	_ =	shalt  }
0x54: {  	_ =	shalt  }
0x55: {  	_ =	shalt  }
0x56: {  	_ =	shalt  }
0x57: {  	_ =	shalt  }
0x58: {  	_ =	shalt  }
0x59: {  	_ =	shalt  }
0x5a: {  	_ =	shalt  }
0x5b: {  	_ =	shalt  }
0x5c: {  	_ =	shalt  }
0x5d: {  	_ =	shalt  }
0x5e: {  	_ =	shalt  }
0x5f: {  	_ =	shalt  }
0x60: {  	_ =	shalt  }
0x61: {  	_ =	shalt  }
0x62: {  	_ =	shalt  }
0x63: {  	_ =	shalt  }
0x64: {  	_ =	shalt  }
0x65: {  	_ =	shalt  }
0x66: {  	_ =	shalt  }
0x67: {  	_ =	shalt  }
0x68: {  	_ =	shalt  }
0x69: {  	_ =	shalt  }
0x6a: {  	_ =	shalt  }
0x6b: {  	_ =	shalt  }
0x6c: {  	_ =	shalt  }
0x6d: {  	_ =	shalt  }
0x6e: {  	_ =	shalt  }
0x6f: {  	_ =	shalt  }
0x70: {  	_ =	shalt  }
0x71: {  	_ =	shalt  }
0x72: {  	_ =	shalt  }
0x73: {  	_ =	shalt  }
0x74: {  	_ =	shalt  }
0x75: {  	_ =	shalt  }
0x76: {  	_ =	shalt  }
0x77: {  	_ =	shalt  }
0x78: {  	_ =	shalt  }
0x79: {  	_ =	shalt  }
0x7a: {  	_ =	shalt  }
0x7b: {  	_ =	shalt  }
0x7c: {  	_ =	shalt  }
0x7d: {  	_ =	shalt  }
0x7e: {  	_ =	shalt  }
0x7f: {  	_ =	shalt  }
0x80: {  	_ =	shalt  }
0x81: {  	_ =	shalt  }
0x82: {  	_ =	shalt  }
0x83: {  	_ =	shalt  }
0x84: {  	_ =	shalt  }
0x85: {  	_ =	shalt  }
0x86: {  	_ =	shalt  }
0x87: {  	_ =	shalt  }
.Lfunc_end0:
.L_simem_size_0:
called_computation_lowered:
.L_overlay_start_0:
0x88: {  	s2 =	sld [smem:$0x3FD9]  }
0x89: {  	s3 =	sld [smem:$0x3FFE];
	_ =	sdelay $0x1  }
0x8a: {  	s1 =	srdreg.scid  }
0x8b: {  	s0 =	sand.u32 $0x1, s1  }
0x8c: {  	s17 =	sshll.u32 s0, $0xA;
	s2 =	sadd.s32 s3, s2  }
0x8d: {  	s2 =	sadd.s32 s2, s17  }
0x8e: {  	[smem:$0x3FC0] =	sst s2  }
0x8f: {  	_ = 	snop  }
0x90: {  	s2 =	sld [smem:$0x3FD0];
	(tm) =	ssettm $0x1  }
0x91: {  	s18 =	sld [smem:$0x3FFB];
	_ =	sdelay $0x3  }
0x92: {  	_ =	strace s18  }
0x93: {  	s3 =	sld [smem:$0x3FFC];
	_ =	sdelay $0x3  }
0x94: {  	_ =	strace s3  }
0x95: {  	s3 =	sld [smem:$0x3FFD];
	_ =	sdelay $0x3  }
0x96: {  	_ =	strace s3  }
0x97: {  	_ =	strace $0x8FFFFFFF  }
0x98: {  	s19 =	sld [smem:$0x3FDB];
	_ =	sdelay $0x1  }
0x99: {  	s4 =	simm.s32 $_scs_section_size  }
0x9a: {  	s5 =	simm.s32 $_size__tile_overlayer_lowered;
	s6 =	simm.s32 $_tile_overlayer_lowered  }
0x9b: {  	s22 =	simm.s32 $0x1BFF;
	s21 =	sshll.u32 s6, $0x1;
	s3 =	sadd.s32 s4, s19  }
0x9c: {  	s7 =	simm.s32 $0x0;
	s20 =	sshll.u32 s5, $0x1;
	s5 =	sadd.s32 s21, s3  }
0x9d: {  	[timem:s7], [sflag:s22] =	dma.local [hbm:s5], s20  }
0x9e: {  	_ =	swait.ge [sflag:s22], s20  }
0x9f: {  	s4 =	ssub.s32 $0x0, s20;
	[sflag:s22] =	ssyncset.done $0x0  }
0xa0: {  	[sflag:s22] =	ssyncadd.s32 s4;
	_ =	sdelay $0x1  }
0xa1: {  	s23 =	simm.s32 $0x1B8B  }
0xa2: {  	_ =	swait.ge [sflag:s23], $0x1  }
0xa3: {  	[sflag:s23] =	ssyncset.done $0x0  }
0xa4: {  	s25 =	simm.s32 $0x1B8E;
	s24 =	sld [smem:$0x3FFE];
	[sflag:s23] =	ssyncadd.s32 $0xFFFFFFFF  }
0xa5: {  	s26 =	simm.s32 $execute0_lowered;
	[smem:$0x3FD2] =	sst s25  }
0xa6: {  	s5 =	sshll.u32 s26, $0x1;
	_ =	strace $0x80000046;
	[dreg:$0x1] =	wrdreg $0xFFFFFFFF  }
0xa7: {  	s28 =	simm.s32 $_size_execute0_lowered;
	s3 =	sadd.s32 s3, s5;
	[dreg:$0x0] =	wrdreg $0x0  }
0xa8: {  	s5 =	sshll.u32 s28, $0x1;
	[dreg:$0x2] =	wrdreg s3  }
0xa9: {  	[dreg:$0x3] =	wrdreg s5  }
0xaa: {  	[dreg:$0x4] =	wrdreg $0xC0  }
0xab: {  	_ =	task [dreg:s7], $0x5FFFF  }
0xac: {  	[dreg:$0x1] =	wrdreg $0xFFFFFFFF  }
0xad: {  	[dreg:$0x0] =	wrdreg $0x60  }
0xae: {  	[dreg:$0x2] =	wrdreg s2  }
0xaf: {  	[dreg:$0x3] =	wrdreg s24  }
0xb0: {  	[dreg:$0x4] =	wrdreg $0x9  }
0xb1: {  	_ =	task.clear_ibuf [dreg:s7], $0x5FFFF;
	_ =	strace $0x90000046  }
0xb2: {  	s29 =	simm.s32 $0x9;
	_ =	strace $0x80000048  }
0xb3: {  	_ =	swait.ge [sflag:s29], $0x1  }
0xb4: {  	[sflag:s29] =	ssyncadd.s32 $0xFFFFFFFF  }
0xb5: {  	_ =	strace $0x90000048  }
0xb6: {  	_ =	sfence  }
0xb7: {  	s30 =	sld [smem:$0x0];
	_ =	sdelay $0x2  }
0xb8: {  	s31 =	sshll.u32 s1, $0xD;
	s1 =	sshrl.u32 s1, $0x2  }
0xb9: {  	s3 =	sand.u32 $0x4000, s31;
	s1 =	sadd.s32 s1, s30  }
0xba: {  	s0 =	sor.u32 s3, s0;
	s1 =	sshll.u32 s1, $0x11  }
0xbb: {  	s0 =	sor.u32 s1, s0  }
0xbc: {  	s0 =	sadd.s32 $0x8F2B, s0  }
0xbd: {  	[sflag:s0] =	ssyncadd.remote.s32 $0x1  }
0xbe: {  	_ =	sfence.sel $0xFFFF  }
0xbf: {  	[dreg:$0x0] =	wrdreg $0xFFFFFFFF;
	(pc) =	sbr.abs _section_cstart, $3  }
0xc0: {  	[dreg:$0x1] =	wrdreg $0xFFFFFFFF  }
0xc1: {  	_ =	task.clear_ibuf [dreg:s7], $0x2FFFF;
	_ =	strace $0x9FFFFFFF  }
0xc2: {  	(tm) =	ssettm $0x7FFFFFFF  }
0xc3: {  	_ =	shalt  }
tec
execute0_lowered:
.L_overlay_start_1:
0x0: {  	(tag) =	ssettag $0x1  }
0x1: {  	s3 =	rddreg [dreg:$0x0];
	s1 =	srdreg.scid  }
0x2: {  	s0 =	stileid.u32;
	s6 =	rddreg [dreg:$0x1];
	s8 =	simm.s32 $0x1  }
0x3: {  	s9 =	simm.s32 $0x2800;
	s10 =	simm.s32 $0x0;
	s4 =	sand.u32 $0x1, s1  }
0x4: {  	s29 =	sshrl.u32 s0, $0x2;
	s2 =	sshll.u32 s0, $0x8;
	s1 =	rddreg [dreg:$0x2]  }
0x5: {  	s5 =	smul.u32 $0x14000, s29;
	s30 =	sshll.u32 s4, $0x7;
	s2 =	sand.u32 $0x300, s2  }
0x6: {  	s4 =	ssub.s32 $0x2, s4;
	s7 =	sor.u32 s30, s2;
	s2 =	simm.s32 $0x0  }
0x7: {  	s31 =	sshrl.u32 s4, $0x1;
	s5 =	sor.u32 s5, s7;
	[smem:$0x7FF] =	sst s2  }
0x8: {  	s7 =	ssub.s32 s4, s31;
	s5 =	sshrl.u32 s5, $0x3;
	_ =	strace $0x80000047  }
0x9: {  	s6 =	sadd.s32 s5, s6;
	s3 =	sadd.s32 s3, s5;
	s5 =	smax.u32 s7, $0x1  }
0xa: {  	v0 =	vimm.f32 $0.0e+00;
	v1 =	vimm.f32 $1.000000000e+00;
	s7 =	simm.s32 $0x400;
	s4 =	sadd.s32 $0xD800, s6;
	s6 =	simm.s32 $0x80  }
.LBB2_1:
0xb: {  	[tilespmem:s2], [sflag:$0x1] =	stream.strided.gather [hbm4b:s3+s6], $0x2800, s7, s6, $0x38;
	[tilespmem:$0x5000] =	vst v63  }
0xc: {  	_ =	swait.ge [sflag:s8], $0x2800  }
0xd: {  	[sflag:s8] =	ssyncset.done $0x0  }
0xe: {  	s11 =	simm.s32 $0x0;
	[sflag:s8] =	ssyncadd.s32 $0xFFFFD800  }
.LBB2_2:
0xf: {  	p0 =	sne.s32 s11, $0x9FC0  }
.Ltmp0:
0x10: {  	_ = 	snop;
	(pc) =	sbr.rel @p0 .LBB2_2-.Ltmp0, $3  }
0x11: {  	_ =	sdelay $0x1  }
0x12: {  	s12 =	sshra.s32 s11, $0x2  }
0x13: {  	s11 =	sadd.s32 $0x40, s11;
	[tilespmem:s12+$0x2800] =	vst v0  }
0x14: {  	s12 =	simm.s32 $0x0;
	s11 =	simm.s32 $0x40  }
.LBB2_4:
0x15: {  	p0 =	sne.s32 s11, $0x9FC0;
	v2 =	vld [tilespmem:s12+$0x0];
	_ =	sdelay $0x3  }
.Ltmp1:
0x16: {  	(pc) =	sbr.rel @p0 .LBB2_4-.Ltmp1, $2  }
0x17: {  	_ =	sdelay $0x2  }
0x18: {  	s12 =	sshra.s32 s11, $0x2;
	s11 =	sadd.s32 $0x40, s11;
	[tilespmem:v2+s9+$0x0] =	vst.idx.add.f32.msk $0xffff, v1  }
0x19: {  	v2 =	vld [tilespmem:s12+$0x0];
	_ =	sdelay $0x5  }
0x1a: {  	s10 =	sadd.s32 $0x1, s10  }
0x1b: {  	p0 =	sne.s32 s10, s5  }
.Ltmp2:
0x1c: {  	[tilespmem:v2+s9+$0x0] =	vst.idx.add.f32.msk $0xffff, v1;
	(pc) =	sbr.rel @p0 .LBB2_1-.Ltmp2, $4  }
0x1d: {  	[hbm4b:s4+s6] =	stream.strided.scatter [tilespmem:s9], [sflag:$0x1], $0x2800, s7, s6, $0x38;
	[tilespmem:$0x5000] =	vst v63  }
0x1e: {  	_ =	swait.ge [sflag:s8], $0x2800  }
0x1f: {  	[sflag:s8] =	ssyncset.done $0x0  }
0x20: {  	[sflag:s8] =	ssyncadd.s32 $0xFFFFD800  }
0x21: {  	_ =	sfence.sel $0x180000  }
0x22: {  	[bflag:$0x0] =	sbarrier.arrive $0xFFFF  }
0x23: {  	p0 =	sne.s32 s0, $0x0;
	_ =	strace $0x90000047  }
0x24: {  	s0 =	sadd.s32 @!p0 $0x100000, s1;
	[bflag:$0x2] =	sbarrier.arrive $0xFFFF  }
0x25: {  	[sflag:s0] =	ssyncadd.tile.s32 @!p0 $0x1;
	_ =	shalt  }
.Lfunc_end2:
_tile_overlayer_lowered:
.L_overlay_start_2:
0x26: {  	(tag) =	ssettag $0x2  }
0x27: {  	s0 =	rddreg [dreg:$0x0];
	s2 =	stileid.u32  }
0x28: {  	s1 =	rddreg [dreg:$0x1];
	p0 =	sne.s32 s2, $0x0  }
0x29: {  	s3 =	rddreg [dreg:$0x2];
	[bflag:$0x3] =	sbarrier.arrive $0xFFFF;
	s2 =	simm.s32 @!p0 $0x1C01  }
0x2a: {  	[timem:s3], [sflag:s2] =	dma.local @!p0 [hbm:s0], s1  }
0x2b: {  	s0 =	simm.s32 @!p0 $0x1  }
0x2c: {  	_ =	swait.ge @!p0 [sflag:s0], s1  }
0x2d: {  	s1 =	ssub.s32 @!p0 $0x0, s1;
	[sflag:s0] =	ssyncset.done @!p0 $0x0  }
0x2e: {  	[sflag:s0] =	ssyncadd.s32 @!p0 s1  }
0x2f: {  	[bflag:$0x3] =	sbarrier.arrive $0xFFFF  }
0x30: {  	_ =	shalt  }

// kernel: kernel.13.cloned.1.call-start
scs
__scs_entry_jumppad:
0x0: {  	(pc) =	sbr.rel $0x88, $3  }
0x1: {  	(tag) =	ssettag $0x0;
	lr =	simm.s32 $0x1  }
0x2: {  	[smem:$0x3F99] =	sst lr;
	_ =	strace $0xD0000000  }
0x3: {  	_ = 	snop  }
0x4: {  	_ = 	snop  }
0x5: {  	_ = 	snop  }
0x6: {  	_ = 	snop  }
0x7: {  	_ = 	snop  }
__scs_overlays_trampoline_lowered:
0x8: {  	[smem:$0x3FA8] =	sst s0  }
0x9: {  	[smem:$0x3FA9] =	sst s1  }
0xa: {  	[smem:$0x3FAA] =	sst s2  }
0xb: {  	[smem:$0x3FAB] =	sst s3  }
0xc: {  	[smem:$0x3FAC] =	sst s4  }
0xd: {  	[smem:$0x3FAD] =	sst s5  }
0xe: {  	[smem:$0x3FAE] =	sst s6  }
0xf: {  	[smem:$0x3FAF] =	sst s7  }
0x10: {  	[smem:$0x3FB0] =	sst s8  }
0x11: {  	[smem:$0x3FB1] =	sst s9;
	s0 =	simm.s32 @!p0 $0x0  }
0x12: {  	s1 =	sld [smem:$0x3F97];
	s0 =	simm.s32 @p0 $0x1  }
0x13: {  	[smem:$0x3FB2] =	sst s0;
	s0 =	simm.s32 @!p1 $0x0  }
0x14: {  	s2 =	sld [smem:$0x3F96];
	s0 =	simm.s32 @p1 $0x1  }
0x15: {  	[smem:$0x3FB3] =	sst s0;
	s0 =	simm.s32 @!p2 $0x0  }
0x16: {  	s3 =	sld [smem:$0x3FDB];
	s0 =	simm.s32 @p2 $0x1  }
0x17: {  	s4 =	simm.s32 $0x1BF5;
	[smem:$0x3FB5] =	sst s0  }
0x18: {  	s0 =	sld [smem:$0x3F98];
	_ =	swait.ge [sflag:s4], $0x0  }
0x19: {  	s7 =	sld [smem:$0x3F99]  }
0x1a: {  	s8 =	sadd.s32 $0xFFFFE003, lr  }
0x1b: {  	s9 =	sadd.s32 $0xFFFFFEF7, lr;
	s5 =	simm.s32 $0xFFFFFFFF;
	p2 =	slt.u32 s8, $0xFFFFF086  }
0x1c: {  	p1 =	slt.u32 s9, $0xF7A;
	s5 =	simm.s32 @!p2 $0x0  }
0x1d: {  	s5 =	simm.s32 @p1 $0x1;
	p0 =	seq.s32 s7, s2  }
0x1e: {  	s7 =	smul.u32 @!p0 $0xF7A, s2;
	p2 =	seq.s32 @!p0 s5, $0x0  }
0x1f: {  	s9 =	smul.u32 $0xF7A, s1;
	s8 =	simm.s32 @!p0 $0x1BF5;
	p2 =	por !p2, p0  }
0x20: {  	[sflag:s8] =	ssyncset.s32 @!p0 $0xFFFFF086;
	s6 =	sadd.s32 @!p0 s3, s7;
	s7 =	simm.s32 @!p0 $0x108  }
0x21: {  	s3 =	sadd.s32 s3, s9;
	s6 =	sadd.s32 @!p0 $0x88, s6;
	s7 =	simm.s32 @p2 $0x1082  }
0x22: {  	[simem:s7], [sflag:s8] =	dma.local @!p0 [hbm:s6], $0xF7A  }
0x23: {  	s9 =	sor.u32 $0xD0000000, s2;
	s6 =	simm.s32 $0x108;
	_ =	swait.ge @!p0 [sflag:s8], $0x0  }
0x24: {  	s3 =	sadd.s32 $0x88, s3;
	s6 =	simm.s32 @!p1 $0x1082;
	[sflag:s4] =	ssyncset.s32 $0xFFFFF086  }
0x25: {  	[simem:s6], [sflag:s4] =	dma.local [hbm:s3], $0xF7A  }
0x26: {  	[smem:$0x3F99] =	sst s1;
	(tag) =	ssettag s2;
	_ =	strace s9  }
0x27: {  	s1 =	sld [smem:$0x3FA9]  }
0x28: {  	s2 =	sld [smem:$0x3FAA]  }
0x29: {  	s4 =	sld [smem:$0x3FAC]  }
0x2a: {  	p0 =	seq.s32 s5, $0x0;
	s5 =	sld [smem:$0x3FAD]  }
0x2b: {  	s6 =	sld [smem:$0x3FAE]  }
0x2c: {  	s7 =	sld [smem:$0x3FAF]  }
0x2d: {  	s3 =	simm.s32 $0x108;
	s8 =	sld [smem:$0x3FB0]  }
0x2e: {  	s3 =	simm.s32 @!p0 $0x1082;
	s9 =	sld [smem:$0x3FB1]  }
0x2f: {  	lr =	sadd.s32 s0, s3;
	s0 =	sld [smem:$0x3FA8]  }
0x30: {  	s3 =	sld [smem:$0x3FAB]  }
0x31: {  	[smem:$0x3FB4] =	sst s10  }
0x32: {  	s10 =	sld [smem:$0x3FB2];
	_ =	sdelay $0x3  }
0x33: {  	p0 =	seq.s32 s10, $0x1;
	s10 =	sld [smem:$0x3FB4];
	_ =	sdelay $0x3  }
0x34: {  	[smem:$0x3FB4] =	sst s10  }
0x35: {  	s10 =	sld [smem:$0x3FB3];
	_ =	sdelay $0x3  }
0x36: {  	p1 =	seq.s32 s10, $0x1;
	s10 =	sld [smem:$0x3FB4];
	_ =	sdelay $0x3  }
0x37: {  	[smem:$0x3FB4] =	sst s10  }
0x38: {  	s10 =	sld [smem:$0x3FB5]  }
0x39: {  	_ = 	snop;
	(pc) =	sbr.ind lr, $3  }
0x3a: {  	_ = 	snop  }
0x3b: {  	_ = 	snop  }
0x3c: {  	p2 =	seq.s32 s10, $0x1;
	s10 =	sld [smem:$0x3FB4]  }
0x3d: {  	_ =	shalt  }
0x3e: {  	_ =	shalt  }
0x3f: {  	_ =	shalt  }
0x40: {  	_ =	shalt  }
0x41: {  	_ =	shalt  }
0x42: {  	_ =	shalt  }
0x43: {  	_ =	shalt  }
0x44: {  	_ =	shalt  }
0x45: {  	_ =	shalt  }
0x46: {  	_ =	shalt  }
0x47: {  	_ =	shalt  }
0x48: {  	_ =	shalt  }
0x49: {  	_ =	shalt  }
0x4a: {  	_ =	shalt  }
0x4b: {  	_ =	shalt  }
0x4c: {  	_ =	shalt  }
0x4d: {  	_ =	shalt  }
0x4e: {  	_ =	shalt  }
0x4f: {  	_ =	shalt  }
0x50: {  	_ =	shalt  }
0x51: {  	_ =	shalt  }
0x52: {  	_ =	shalt  }
0x53: {  	_ =	shalt  }
0x54: {  	_ =	shalt  }
0x55: {  	_ =	shalt  }
0x56: {  	_ =	shalt  }
0x57: {  	_ =	shalt  }
0x58: {  	_ =	shalt  }
0x59: {  	_ =	shalt  }
0x5a: {  	_ =	shalt  }
0x5b: {  	_ =	shalt  }
0x5c: {  	_ =	shalt  }
0x5d: {  	_ =	shalt  }
0x5e: {  	_ =	shalt  }
0x5f: {  	_ =	shalt  }
0x60: {  	_ =	shalt  }
0x61: {  	_ =	shalt  }
0x62: {  	_ =	shalt  }
0x63: {  	_ =	shalt  }
0x64: {  	_ =	shalt  }
0x65: {  	_ =	shalt  }
0x66: {  	_ =	shalt  }
0x67: {  	_ =	shalt  }
0x68: {  	_ =	shalt  }
0x69: {  	_ =	shalt  }
0x6a: {  	_ =	shalt  }
0x6b: {  	_ =	shalt  }
0x6c: {  	_ =	shalt  }
0x6d: {  	_ =	shalt  }
0x6e: {  	_ =	shalt  }
0x6f: {  	_ =	shalt  }
0x70: {  	_ =	shalt  }
0x71: {  	_ =	shalt  }
0x72: {  	_ =	shalt  }
0x73: {  	_ =	shalt  }
0x74: {  	_ =	shalt  }
0x75: {  	_ =	shalt  }
0x76: {  	_ =	shalt  }
0x77: {  	_ =	shalt  }
0x78: {  	_ =	shalt  }
0x79: {  	_ =	shalt  }
0x7a: {  	_ =	shalt  }
0x7b: {  	_ =	shalt  }
0x7c: {  	_ =	shalt  }
0x7d: {  	_ =	shalt  }
0x7e: {  	_ =	shalt  }
0x7f: {  	_ =	shalt  }
0x80: {  	_ =	shalt  }
0x81: {  	_ =	shalt  }
0x82: {  	_ =	shalt  }
0x83: {  	_ =	shalt  }
0x84: {  	_ =	shalt  }
0x85: {  	_ =	shalt  }
0x86: {  	_ =	shalt  }
0x87: {  	_ =	shalt  }
.Lfunc_end0:
.L_simem_size_0:
called_computation.1_lowered:
.L_overlay_start_0:
0x88: {  	s2 =	sld [smem:$0x3FD9]  }
0x89: {  	s3 =	sld [smem:$0x3FFE];
	_ =	sdelay $0x1  }
0x8a: {  	s1 =	srdreg.scid  }
0x8b: {  	s0 =	sand.u32 $0x1, s1  }
0x8c: {  	s16 =	sshll.u32 s0, $0xA;
	s2 =	sadd.s32 s3, s2  }
0x8d: {  	s2 =	sadd.s32 s2, s16  }
0x8e: {  	[smem:$0x3FC0] =	sst s2  }
0x8f: {  	_ = 	snop  }
0x90: {  	(tm) =	ssettm $0x1  }
0x91: {  	s17 =	sld [smem:$0x3FFB];
	_ =	sdelay $0x3  }
0x92: {  	_ =	strace s17  }
0x93: {  	s2 =	sld [smem:$0x3FFC];
	_ =	sdelay $0x3  }
0x94: {  	_ =	strace s2  }
0x95: {  	s2 =	sld [smem:$0x3FFD];
	_ =	sdelay $0x3  }
0x96: {  	_ =	strace s2  }
0x97: {  	_ =	strace $0x8FFFFFFF  }
0x98: {  	s18 =	sld [smem:$0x3FDB];
	_ =	sdelay $0x1  }
0x99: {  	s19 =	simm.s32 $_scs_section_size  }
0x9a: {  	s4 =	simm.s32 $_size__tile_overlayer_lowered;
	s5 =	simm.s32 $_tile_overlayer_lowered  }
0x9b: {  	s22 =	simm.s32 $0x1BFF;
	s21 =	sshll.u32 s5, $0x1;
	s2 =	sadd.s32 s19, s18  }
0x9c: {  	s6 =	simm.s32 $0x0;
	s20 =	sshll.u32 s4, $0x1;
	s4 =	sadd.s32 s21, s2  }
0x9d: {  	[timem:s6], [sflag:s22] =	dma.local [hbm:s4], s20  }
0x9e: {  	_ =	swait.ge [sflag:s22], s20  }
0x9f: {  	s3 =	ssub.s32 $0x0, s20;
	[sflag:s22] =	ssyncset.done $0x0  }
0xa0: {  	[sflag:s22] =	ssyncadd.s32 s3;
	_ =	sdelay $0x1  }
0xa1: {  	s23 =	simm.s32 $0x1B8B  }
0xa2: {  	_ =	swait.ge [sflag:s23], $0x1  }
0xa3: {  	[sflag:s23] =	ssyncset.done $0x0  }
0xa4: {  	s25 =	simm.s32 $0x1B8E;
	s24 =	sld [smem:$0x3FFE];
	[sflag:s23] =	ssyncadd.s32 $0xFFFFFFFF  }
0xa5: {  	s26 =	simm.s32 $execute0_lowered;
	[smem:$0x3FD2] =	sst s25  }
0xa6: {  	s4 =	sshll.u32 s26, $0x1;
	_ =	strace $0x80000049;
	[dreg:$0x1] =	wrdreg $0xFFFFFFFF  }
0xa7: {  	s28 =	simm.s32 $_size_execute0_lowered;
	s2 =	sadd.s32 s2, s4;
	[dreg:$0x0] =	wrdreg $0x0  }
0xa8: {  	s4 =	sshll.u32 s28, $0x1;
	[dreg:$0x2] =	wrdreg s2  }
0xa9: {  	[dreg:$0x3] =	wrdreg s4  }
0xaa: {  	[dreg:$0x4] =	wrdreg $0xC0  }
0xab: {  	_ =	task [dreg:s6], $0x5FFFF  }
0xac: {  	[dreg:$0x1] =	wrdreg $0xFFFFFFFF  }
0xad: {  	[dreg:$0x0] =	wrdreg $0x60  }
0xae: {  	[dreg:$0x2] =	wrdreg s24  }
0xaf: {  	[dreg:$0x3] =	wrdreg $0x88000  }
0xb0: {  	[dreg:$0x4] =	wrdreg $0x9  }
0xb1: {  	_ =	task.clear_ibuf [dreg:s6], $0x5FFFF;
	_ =	strace $0x90000049  }
0xb2: {  	s29 =	simm.s32 $0x9;
	_ =	strace $0x8000004B  }
0xb3: {  	_ =	swait.ge [sflag:s29], $0x1  }
0xb4: {  	[sflag:s29] =	ssyncadd.s32 $0xFFFFFFFF  }
0xb5: {  	_ =	strace $0x9000004B  }
0xb6: {  	_ =	sfence  }
0xb7: {  	s30 =	sld [smem:$0x0];
	_ =	sdelay $0x2  }
0xb8: {  	s31 =	sshll.u32 s1, $0xD;
	s1 =	sshrl.u32 s1, $0x2  }
0xb9: {  	s3 =	sand.u32 $0x4000, s31;
	s1 =	sadd.s32 s1, s30  }
0xba: {  	s0 =	sor.u32 s3, s0;
	s1 =	sshll.u32 s1, $0x11  }
0xbb: {  	s0 =	sor.u32 s1, s0  }
0xbc: {  	s0 =	sadd.s32 $0x8F2B, s0  }
0xbd: {  	[sflag:s0] =	ssyncadd.remote.s32 $0x1  }
0xbe: {  	_ =	sfence.sel $0xFFFF  }
0xbf: {  	[dreg:$0x0] =	wrdreg $0xFFFFFFFF;
	(pc) =	sbr.abs _section_cstart, $3  }
0xc0: {  	[dreg:$0x1] =	wrdreg $0xFFFFFFFF  }
0xc1: {  	_ =	task.clear_ibuf [dreg:s6], $0x2FFFF;
	_ =	strace $0x9FFFFFFF  }
0xc2: {  	(tm) =	ssettm $0x7FFFFFFF  }
0xc3: {  	_ =	shalt  }
tec
execute0_lowered:
.L_overlay_start_1:
0x0: {  	(tag) =	ssettag $0x1  }
0x1: {  	s0 =	srdreg.scid;
	s1 =	rddreg [dreg:$0x0]  }
0x2: {  	s8 =	stileid.u32;
	s2 =	rddreg [dreg:$0x1]  }
0x3: {  	s3 =	simm.s32 $0x0;
	s14 =	simm.s32 $0x800;
	s15 =	simm.s32 $0x3  }
0x4: {  	s16 =	simm.s32 $0x400;
	s17 =	simm.s32 $0x80;
	s4 =	smul.u32 $0x5000, s8  }
0x5: {  	s18 =	simm.s32 $0x4800;
	s19 =	simm.s32 $0x1;
	s20 =	smul.u32 $0x14000, s8  }
0x6: {  	s28 =	simm.s32 $0x280;
	s0 =	sand.u32 $0x1, s0;
	s8 =	smul.u32 $0x50000, s8  }
0x7: {  	s29 =	simm.s32 $0x600;
	s30 =	simm.s32 $0x300;
	s5 =	smul.u32 $0x2800, s0  }
0x8: {  	s31 =	simm.s32 $0x680;
	[smem:$0x7FF] =	sst s3;
	s6 =	smul.u32 $0x140000, s0  }
0x9: {  	_ =	strace $0x8000004A;
	s0 =	ssub.s32 $0x2, s0;
	s21 =	sshrl.u32 s8, $0x2  }
0xa: {  	s22 =	sshrl.u32 s0, $0x1;
	s4 =	sadd.s32 s5, s4;
	s5 =	sadd.s32 s20, s6  }
0xb: {  	s10 =	sadd.s32 s21, s2;
	s0 =	ssub.s32 s0, s22;
	s20 =	simm.s32 $0x100  }
0xc: {  	s21 =	simm.s32 $0x2;
	s22 =	simm.s32 $0x480;
	s6 =	simm.s32 $0x780  }
0xd: {  	s7 =	sshrl.u32 s4, $0x3;
	s23 =	sadd.s32 $0x4000, s10;
	[dreg:$0x3] =	wrdreg s10  }
0xe: {  	s4 =	sadd.s32 $0x21800, s1;
	s24 =	sadd.s32 $0x8000, s10;
	[dreg:$0x4] =	wrdreg s23  }
0xf: {  	s5 =	sshrl.u32 s5, $0x3;
	s25 =	sadd.s32 $0xC000, s10;
	[dreg:$0x5] =	wrdreg s24  }
0x10: {  	s26 =	sadd.s32 $0x10000, s10;
	s0 =	smax.u32 s0, $0x1;
	[dreg:$0x6] =	wrdreg s25  }
0x11: {  	s7 =	sadd.s32 s7, s1;
	s1 =	sadd.s32 s5, s1;
	[dreg:$0x7] =	wrdreg s26  }
0x12: {  	[dreg:$0x9] =	wrdreg s0;
	s23 =	simm.s32 $0x180;
	s24 =	simm.s32 $0x500  }
0x13: {  	s25 =	simm.s32 $0x200;
	s26 =	simm.s32 $0x580;
	s0 =	simm.s32 $0x700  }
0x14: {  	s1 =	sadd.s32 $0x49800, s1;
	s12 =	sadd.s32 $0x3800, s7;
	s13 =	sadd.s32 $0x17800, s7  }
0x15: {  	v0 =	vimm.f32 $0.0e+00;
	s7 =	simm.s32 $0x0;
	[dreg:$0x8] =	wrdreg s1;
	s1 =	simm.s32 $0x380  }
.LBB2_1:
0x16: {  	s8 =	simm.s32 $0x0;
	s9 =	simm.s32 $0x200  }
.LBB2_2:
0x17: {  	p0 =	sne.s32 s9, $0xFE00;
	[tilespmem:s8+$0x870] =	vst v0  }
0x18: {  	[tilespmem:s8+$0x800] =	vst v0  }
0x19: {  	[tilespmem:s8+$0x810] =	vst v0  }
.Ltmp0:
0x1a: {  	[tilespmem:s8+$0x820] =	vst v0;
	(pc) =	sbr.rel @p0 .LBB2_2-.Ltmp0, $4  }
0x1b: {  	[tilespmem:s8+$0x830] =	vst v0  }
0x1c: {  	[tilespmem:s8+$0x840] =	vst v0  }
0x1d: {  	[tilespmem:s8+$0x850] =	vst v0  }
0x1e: {  	[tilespmem:s8+$0x860] =	vst v0;
	s8 =	sshra.s32 s9, $0x2;
	s9 =	sadd.s32 $0x200, s9  }
0x1f: {  	[tilespmem:s8+$0x870] =	vst v0  }
0x20: {  	[tilespmem:s8+$0x800] =	vst v0  }
0x21: {  	[tilespmem:s8+$0x810] =	vst v0  }
0x22: {  	[tilespmem:s8+$0x820] =	vst v0  }
0x23: {  	[tilespmem:s8+$0x830] =	vst v0  }
0x24: {  	[tilespmem:s8+$0x840] =	vst v0  }
0x25: {  	[tilespmem:s8+$0x850] =	vst v0  }
0x26: {  	[tilespmem:s8+$0x860] =	vst v0  }
0x27: {  	[spmem:s10] =	stream.linear.scatter [tilespmem:s14], [sflag:$0x3], $0x4000, $0x38;
	[tilespmem:$0x1C800] =	vst v63  }
0x28: {  	_ =	swait.ge [sflag:s15], $0x4000  }
0x29: {  	[sflag:s15] =	ssyncset.done $0x0  }
0x2a: {  	s5 =	rddreg [dreg:$0x4];
	[sflag:s15] =	ssyncadd.s32 $0xFFFFC000  }
0x2b: {  	[spmem:s5] =	stream.linear.scatter [tilespmem:s14], [sflag:$0x3], $0x4000, $0x38;
	[tilespmem:$0x1C800] =	vst v63  }
0x2c: {  	_ =	swait.ge [sflag:s15], $0x4000  }
0x2d: {  	[sflag:s15] =	ssyncset.done $0x0  }
0x2e: {  	s11 =	rddreg [dreg:$0x5];
	[sflag:s15] =	ssyncadd.s32 $0xFFFFC000  }
0x2f: {  	[spmem:s11] =	stream.linear.scatter [tilespmem:s14], [sflag:$0x3], $0x4000, $0x38;
	[tilespmem:$0x1C800] =	vst v63  }
0x30: {  	_ =	swait.ge [sflag:s15], $0x4000  }
0x31: {  	[sflag:s15] =	ssyncset.done $0x0  }
0x32: {  	s8 =	rddreg [dreg:$0x6];
	[sflag:s15] =	ssyncadd.s32 $0xFFFFC000  }
0x33: {  	[spmem:s8] =	stream.linear.scatter [tilespmem:s14], [sflag:$0x3], $0x4000, $0x38;
	[tilespmem:$0x1C800] =	vst v63  }
0x34: {  	_ =	swait.ge [sflag:s15], $0x4000  }
0x35: {  	[sflag:s15] =	ssyncset.done $0x0  }
0x36: {  	s9 =	rddreg [dreg:$0x7];
	[sflag:s15] =	ssyncadd.s32 $0xFFFFC000  }
0x37: {  	[spmem:s9] =	stream.linear.scatter [tilespmem:s14], [sflag:$0x3], $0x4000, $0x38;
	[tilespmem:$0x1C800] =	vst v63  }
0x38: {  	_ =	swait.ge [sflag:s15], $0x4000  }
0x39: {  	[sflag:s15] =	ssyncset.done $0x0  }
0x3a: {  	[sflag:s15] =	ssyncadd.s32 $0xFFFFC000  }
0x3b: {  	s10 =	sadd.s32 $0x0, s13;
	[bflag:$0x0] =	sbarrier.arrive $0xFFFF  }
0x3c: {  	[tilespmem:s3], [sflag:$0x3] =	stream.linear.gather [hbm4b:s10+s3], $0x400, $0x38;
	[tilespmem:$0x1C800] =	vst v63  }
0x3d: {  	_ =	swait.ge [sflag:s15], $0x400  }
0x3e: {  	[sflag:s15] =	ssyncset.done $0x0  }
0x3f: {  	s11 =	sadd.s32 $0x0, s12;
	[sflag:s15] =	ssyncadd.s32 $0xFFFFFC00  }
0x40: {  	[tilespmem:s16], [sflag:$0x3] =	stream.linear.gather [hbm4b:s11+s3], $0x400, $0x38;
	[tilespmem:$0x1C800] =	vst v63  }
0x41: {  	_ =	swait.ge [sflag:s15], $0x400  }
0x42: {  	[sflag:s15] =	ssyncset.done $0x0  }
0x43: {  	[sflag:s15] =	ssyncadd.s32 $0xFFFFFC00  }
0x44: {  	[tilespmem:s14], [sflag:$0x1] =	stream.indirect.gather [hbm4b:s4+s17], $0x80, s3, s17, $0xb8;
	[tilespmem:$0x1C800] =	vst v63  }
0x45: {  	_ = 	snop  }
0x46: {  	[tilespmem:s18], [sflag:$0x2] =	stream.indirect.gather [hbm4b:s4+s17], $0x80, s17, s17, $0xb8;
	[tilespmem:$0x1C800] =	vst v63  }
0x47: {  	_ =	swait.ge [sflag:s19], $0x4000  }
0x48: {  	[sflag:s19] =	ssyncset.done $0x0  }
0x49: {  	[sflag:s19] =	ssyncadd.s32 $0xFFFFC000  }
0x4a: {  	[spmem:s2] =	stream.indirect.scatter.add.f32 [tilespmem:s14], [sflag:$0x3], $0x80, s16, s17, $0xb8;
	[tilespmem:$0x1C800] =	vst v63  }
0x4b: {  	_ =	swait.ge [sflag:s15], $0x4000  }
0x4c: {  	[sflag:s15] =	ssyncset.done $0x0  }
0x4d: {  	[sflag:s15] =	ssyncadd.s32 $0xFFFFC000  }
0x4e: {  	[tilespmem:s14], [sflag:$0x1] =	stream.indirect.gather [hbm4b:s4+s17], $0x80, s20, s17, $0xb8;
	[tilespmem:$0x1C800] =	vst v63  }
0x4f: {  	_ =	swait.ge [sflag:s21], $0x4000  }
0x50: {  	[sflag:s21] =	ssyncset.done $0x0  }
0x51: {  	[sflag:s21] =	ssyncadd.s32 $0xFFFFC000  }
0x52: {  	[spmem:s2] =	stream.indirect.scatter.add.f32 [tilespmem:s18], [sflag:$0x3], $0x80, s22, s17, $0xb8;
	[tilespmem:$0x1C800] =	vst v63  }
0x53: {  	_ =	swait.ge [sflag:s15], $0x4000  }
0x54: {  	[sflag:s15] =	ssyncset.done $0x0  }
0x55: {  	[sflag:s15] =	ssyncadd.s32 $0xFFFFC000  }
0x56: {  	[tilespmem:s18], [sflag:$0x2] =	stream.indirect.gather [hbm4b:s4+s17], $0x80, s23, s17, $0xb8;
	[tilespmem:$0x1C800] =	vst v63  }
0x57: {  	_ =	swait.ge [sflag:s19], $0x4000  }
0x58: {  	[sflag:s19] =	ssyncset.done $0x0  }
0x59: {  	[sflag:s19] =	ssyncadd.s32 $0xFFFFC000  }
0x5a: {  	[spmem:s2] =	stream.indirect.scatter.add.f32 [tilespmem:s14], [sflag:$0x3], $0x80, s24, s17, $0xb8;
	[tilespmem:$0x1C800] =	vst v63  }
0x5b: {  	_ =	swait.ge [sflag:s15], $0x4000  }
0x5c: {  	[sflag:s15] =	ssyncset.done $0x0  }
0x5d: {  	[sflag:s15] =	ssyncadd.s32 $0xFFFFC000  }
0x5e: {  	[tilespmem:s14], [sflag:$0x1] =	stream.indirect.gather [hbm4b:s4+s17], $0x80, s25, s17, $0xb8;
	[tilespmem:$0x1C800] =	vst v63  }
0x5f: {  	_ =	swait.ge [sflag:s21], $0x4000  }
0x60: {  	[sflag:s21] =	ssyncset.done $0x0  }
0x61: {  	[sflag:s21] =	ssyncadd.s32 $0xFFFFC000  }
0x62: {  	[spmem:s2] =	stream.indirect.scatter.add.f32 [tilespmem:s18], [sflag:$0x3], $0x80, s26, s17, $0xb8;
	[tilespmem:$0x1C800] =	vst v63  }
0x63: {  	_ =	swait.ge [sflag:s15], $0x4000  }
0x64: {  	[sflag:s15] =	ssyncset.done $0x0  }
0x65: {  	[sflag:s15] =	ssyncadd.s32 $0xFFFFC000  }
0x66: {  	[tilespmem:s18], [sflag:$0x2] =	stream.indirect.gather [hbm4b:s4+s17], $0x80, s28, s17, $0xb8;
	[tilespmem:$0x1C800] =	vst v63  }
0x67: {  	_ =	swait.ge [sflag:s19], $0x4000  }
0x68: {  	[sflag:s19] =	ssyncset.done $0x0  }
0x69: {  	[sflag:s19] =	ssyncadd.s32 $0xFFFFC000  }
0x6a: {  	[spmem:s2] =	stream.indirect.scatter.add.f32 [tilespmem:s14], [sflag:$0x3], $0x80, s29, s17, $0xb8;
	[tilespmem:$0x1C800] =	vst v63  }
0x6b: {  	_ =	swait.ge [sflag:s15], $0x4000  }
0x6c: {  	[sflag:s15] =	ssyncset.done $0x0  }
0x6d: {  	[sflag:s15] =	ssyncadd.s32 $0xFFFFC000  }
0x6e: {  	[tilespmem:s14], [sflag:$0x1] =	stream.indirect.gather [hbm4b:s4+s17], $0x80, s30, s17, $0xb8;
	[tilespmem:$0x1C800] =	vst v63  }
0x6f: {  	_ =	swait.ge [sflag:s21], $0x4000  }
0x70: {  	[sflag:s21] =	ssyncset.done $0x0  }
0x71: {  	[sflag:s21] =	ssyncadd.s32 $0xFFFFC000  }
0x72: {  	[spmem:s2] =	stream.indirect.scatter.add.f32 [tilespmem:s18], [sflag:$0x3], $0x80, s31, s17, $0xb8;
	[tilespmem:$0x1C800] =	vst v63  }
0x73: {  	_ =	swait.ge [sflag:s15], $0x4000  }
0x74: {  	[sflag:s15] =	ssyncset.done $0x0  }
0x75: {  	[sflag:s15] =	ssyncadd.s32 $0xFFFFC000  }
0x76: {  	[tilespmem:s18], [sflag:$0x2] =	stream.indirect.gather [hbm4b:s4+s17], $0x80, s1, s17, $0xb8;
	[tilespmem:$0x1C800] =	vst v63  }
0x77: {  	_ =	swait.ge [sflag:s19], $0x4000  }
0x78: {  	[sflag:s19] =	ssyncset.done $0x0  }
0x79: {  	[sflag:s19] =	ssyncadd.s32 $0xFFFFC000  }
0x7a: {  	[spmem:s2] =	stream.indirect.scatter.add.f32 [tilespmem:s14], [sflag:$0x3], $0x80, s0, s17, $0xb8;
	[tilespmem:$0x1C800] =	vst v63  }
0x7b: {  	_ =	swait.ge [sflag:s15], $0x4000  }
0x7c: {  	[sflag:s15] =	ssyncset.done $0x0  }
0x7d: {  	[sflag:s15] =	ssyncadd.s32 $0xFFFFC000  }
0x7e: {  	_ =	swait.ge [sflag:s21], $0x4000  }
0x7f: {  	[sflag:s21] =	ssyncset.done $0x0  }
0x80: {  	[sflag:s21] =	ssyncadd.s32 $0xFFFFC000  }
0x81: {  	[spmem:s2] =	stream.indirect.scatter.add.f32 [tilespmem:s18], [sflag:$0x3], $0x80, s6, s17, $0xb8;
	[tilespmem:$0x1C800] =	vst v63  }
0x82: {  	_ =	swait.ge [sflag:s15], $0x4000  }
0x83: {  	s8 =	simm.s32 $0x80;
	s9 =	simm.s32 $0x100;
	[sflag:s15] =	ssyncset.done $0x0  }
.LBB2_4:
0x84: {  	s11 =	sadd.s32 s8, s13  }
0x85: {  	[sflag:s15] =	ssyncadd.s32 $0xFFFFC000;
	s5 =	smov.u32 s9;
	s10 =	sadd.s32 $0x80, s9  }
0x86: {  	[tilespmem:s3], [sflag:$0x3] =	stream.linear.gather [hbm4b:s11+s3], $0x400, $0x38;
	[tilespmem:$0x1C800] =	vst v63  }
0x87: {  	p0 =	sne.s32 s9, $0x480;
	_ =	swait.ge [sflag:s15], $0x400  }
0x88: {  	[sflag:s15] =	ssyncset.done $0x0  }
0x89: {  	s9 =	sadd.s32 s8, s12;
	s8 =	smov.u32 s5;
	[sflag:s15] =	ssyncadd.s32 $0xFFFFFC00  }
0x8a: {  	[tilespmem:s16], [sflag:$0x3] =	stream.linear.gather [hbm4b:s9+s3], $0x400, $0x38;
	[tilespmem:$0x1C800] =	vst v63  }
0x8b: {  	_ =	swait.ge [sflag:s15], $0x400  }
0x8c: {  	[sflag:s15] =	ssyncset.done $0x0  }
0x8d: {  	[sflag:s15] =	ssyncadd.s32 $0xFFFFFC00  }
0x8e: {  	[tilespmem:s14], [sflag:$0x1] =	stream.indirect.gather [hbm4b:s4+s17], $0x80, s3, s17, $0xb8;
	[tilespmem:$0x1C800] =	vst v63  }
0x8f: {  	_ = 	snop  }
0x90: {  	[tilespmem:s18], [sflag:$0x2] =	stream.indirect.gather [hbm4b:s4+s17], $0x80, s17, s17, $0xb8;
	[tilespmem:$0x1C800] =	vst v63  }
0x91: {  	_ =	swait.ge [sflag:s19], $0x4000  }
0x92: {  	[sflag:s19] =	ssyncset.done $0x0  }
0x93: {  	[sflag:s19] =	ssyncadd.s32 $0xFFFFC000  }
0x94: {  	[spmem:s2] =	stream.indirect.scatter.add.f32 [tilespmem:s14], [sflag:$0x3], $0x80, s16, s17, $0xb8;
	[tilespmem:$0x1C800] =	vst v63  }
0x95: {  	_ =	swait.ge [sflag:s15], $0x4000  }
0x96: {  	[sflag:s15] =	ssyncset.done $0x0  }
0x97: {  	[sflag:s15] =	ssyncadd.s32 $0xFFFFC000  }
0x98: {  	[tilespmem:s14], [sflag:$0x1] =	stream.indirect.gather [hbm4b:s4+s17], $0x80, s20, s17, $0xb8;
	[tilespmem:$0x1C800] =	vst v63  }
0x99: {  	_ =	swait.ge [sflag:s21], $0x4000  }
0x9a: {  	[sflag:s21] =	ssyncset.done $0x0  }
0x9b: {  	[sflag:s21] =	ssyncadd.s32 $0xFFFFC000  }
0x9c: {  	[spmem:s2] =	stream.indirect.scatter.add.f32 [tilespmem:s18], [sflag:$0x3], $0x80, s22, s17, $0xb8;
	[tilespmem:$0x1C800] =	vst v63  }
0x9d: {  	_ =	swait.ge [sflag:s15], $0x4000  }
0x9e: {  	[sflag:s15] =	ssyncset.done $0x0  }
0x9f: {  	[sflag:s15] =	ssyncadd.s32 $0xFFFFC000  }
0xa0: {  	[tilespmem:s18], [sflag:$0x2] =	stream.indirect.gather [hbm4b:s4+s17], $0x80, s23, s17, $0xb8;
	[tilespmem:$0x1C800] =	vst v63  }
0xa1: {  	_ =	swait.ge [sflag:s19], $0x4000  }
0xa2: {  	[sflag:s19] =	ssyncset.done $0x0  }
0xa3: {  	[sflag:s19] =	ssyncadd.s32 $0xFFFFC000  }
0xa4: {  	[spmem:s2] =	stream.indirect.scatter.add.f32 [tilespmem:s14], [sflag:$0x3], $0x80, s24, s17, $0xb8;
	[tilespmem:$0x1C800] =	vst v63  }
0xa5: {  	_ =	swait.ge [sflag:s15], $0x4000  }
0xa6: {  	[sflag:s15] =	ssyncset.done $0x0  }
0xa7: {  	[sflag:s15] =	ssyncadd.s32 $0xFFFFC000  }
0xa8: {  	[tilespmem:s14], [sflag:$0x1] =	stream.indirect.gather [hbm4b:s4+s17], $0x80, s25, s17, $0xb8;
	[tilespmem:$0x1C800] =	vst v63  }
0xa9: {  	_ =	swait.ge [sflag:s21], $0x4000  }
0xaa: {  	[sflag:s21] =	ssyncset.done $0x0  }
0xab: {  	[sflag:s21] =	ssyncadd.s32 $0xFFFFC000  }
0xac: {  	[spmem:s2] =	stream.indirect.scatter.add.f32 [tilespmem:s18], [sflag:$0x3], $0x80, s26, s17, $0xb8;
	[tilespmem:$0x1C800] =	vst v63  }
0xad: {  	_ =	swait.ge [sflag:s15], $0x4000  }
0xae: {  	[sflag:s15] =	ssyncset.done $0x0  }
0xaf: {  	[sflag:s15] =	ssyncadd.s32 $0xFFFFC000  }
0xb0: {  	[tilespmem:s18], [sflag:$0x2] =	stream.indirect.gather [hbm4b:s4+s17], $0x80, s28, s17, $0xb8;
	[tilespmem:$0x1C800] =	vst v63  }
0xb1: {  	_ =	swait.ge [sflag:s19], $0x4000  }
0xb2: {  	[sflag:s19] =	ssyncset.done $0x0  }
0xb3: {  	[sflag:s19] =	ssyncadd.s32 $0xFFFFC000  }
0xb4: {  	[spmem:s2] =	stream.indirect.scatter.add.f32 [tilespmem:s14], [sflag:$0x3], $0x80, s29, s17, $0xb8;
	[tilespmem:$0x1C800] =	vst v63  }
0xb5: {  	_ =	swait.ge [sflag:s15], $0x4000  }
0xb6: {  	[sflag:s15] =	ssyncset.done $0x0  }
0xb7: {  	[sflag:s15] =	ssyncadd.s32 $0xFFFFC000  }
0xb8: {  	[tilespmem:s14], [sflag:$0x1] =	stream.indirect.gather [hbm4b:s4+s17], $0x80, s30, s17, $0xb8;
	[tilespmem:$0x1C800] =	vst v63  }
0xb9: {  	_ =	swait.ge [sflag:s21], $0x4000  }
0xba: {  	[sflag:s21] =	ssyncset.done $0x0  }
0xbb: {  	[sflag:s21] =	ssyncadd.s32 $0xFFFFC000  }
0xbc: {  	[spmem:s2] =	stream.indirect.scatter.add.f32 [tilespmem:s18], [sflag:$0x3], $0x80, s31, s17, $0xb8;
	[tilespmem:$0x1C800] =	vst v63  }
0xbd: {  	_ =	swait.ge [sflag:s15], $0x4000  }
0xbe: {  	[sflag:s15] =	ssyncset.done $0x0  }
0xbf: {  	[sflag:s15] =	ssyncadd.s32 $0xFFFFC000  }
0xc0: {  	[tilespmem:s18], [sflag:$0x2] =	stream.indirect.gather [hbm4b:s4+s17], $0x80, s1, s17, $0xb8;
	[tilespmem:$0x1C800] =	vst v63  }
0xc1: {  	_ =	swait.ge [sflag:s19], $0x4000  }
0xc2: {  	[sflag:s19] =	ssyncset.done $0x0  }
0xc3: {  	[sflag:s19] =	ssyncadd.s32 $0xFFFFC000  }
0xc4: {  	[spmem:s2] =	stream.indirect.scatter.add.f32 [tilespmem:s14], [sflag:$0x3], $0x80, s0, s17, $0xb8;
	[tilespmem:$0x1C800] =	vst v63  }
0xc5: {  	_ =	swait.ge [sflag:s15], $0x4000  }
0xc6: {  	[sflag:s15] =	ssyncset.done $0x0  }
0xc7: {  	[sflag:s15] =	ssyncadd.s32 $0xFFFFC000  }
0xc8: {  	_ =	swait.ge [sflag:s21], $0x4000  }
.Ltmp1:
0xc9: {  	[sflag:s21] =	ssyncset.done $0x0;
	(pc) =	sbr.rel @p0 .LBB2_4-.Ltmp1, $4  }
0xca: {  	[sflag:s21] =	ssyncadd.s32 $0xFFFFC000  }
0xcb: {  	[spmem:s2] =	stream.indirect.scatter.add.f32 [tilespmem:s18], [sflag:$0x3], $0x80, s6, s17, $0xb8;
	[tilespmem:$0x1C800] =	vst v63  }
0xcc: {  	_ =	swait.ge [sflag:s15], $0x4000  }
0xcd: {  	s9 =	smov.u32 s10;
	[sflag:s15] =	ssyncset.done $0x0  }
0xce: {  	s5 =	sadd.s32 s8, s13;
	[sflag:s15] =	ssyncadd.s32 $0xFFFFC000  }
0xcf: {  	[tilespmem:s3], [sflag:$0x3] =	stream.linear.gather [hbm4b:s5+s3], $0x400, $0x38;
	[tilespmem:$0x1C800] =	vst v63  }
0xd0: {  	_ =	swait.ge [sflag:s15], $0x400  }
0xd1: {  	[sflag:s15] =	ssyncset.done $0x0  }
0xd2: {  	s9 =	sadd.s32 s8, s12;
	[sflag:s15] =	ssyncadd.s32 $0xFFFFFC00  }
0xd3: {  	[tilespmem:s16], [sflag:$0x3] =	stream.linear.gather [hbm4b:s9+s3], $0x400, $0x38;
	[tilespmem:$0x1C800] =	vst v63  }
0xd4: {  	_ =	swait.ge [sflag:s15], $0x400  }
0xd5: {  	[sflag:s15] =	ssyncset.done $0x0  }
0xd6: {  	[sflag:s15] =	ssyncadd.s32 $0xFFFFFC00  }
0xd7: {  	[tilespmem:s14], [sflag:$0x1] =	stream.indirect.gather [hbm4b:s4+s17], $0x80, s3, s17, $0xb8;
	[tilespmem:$0x1C800] =	vst v63  }
0xd8: {  	_ = 	snop  }
0xd9: {  	[tilespmem:s18], [sflag:$0x2] =	stream.indirect.gather [hbm4b:s4+s17], $0x80, s17, s17, $0xb8;
	[tilespmem:$0x1C800] =	vst v63  }
0xda: {  	_ =	swait.ge [sflag:s19], $0x4000  }
0xdb: {  	[sflag:s19] =	ssyncset.done $0x0  }
0xdc: {  	[sflag:s19] =	ssyncadd.s32 $0xFFFFC000  }
0xdd: {  	[spmem:s2] =	stream.indirect.scatter.add.f32 [tilespmem:s14], [sflag:$0x3], $0x80, s16, s17, $0xb8;
	[tilespmem:$0x1C800] =	vst v63  }
0xde: {  	_ =	swait.ge [sflag:s15], $0x4000  }
0xdf: {  	[sflag:s15] =	ssyncset.done $0x0  }
0xe0: {  	[sflag:s15] =	ssyncadd.s32 $0xFFFFC000  }
0xe1: {  	[tilespmem:s14], [sflag:$0x1] =	stream.indirect.gather [hbm4b:s4+s17], $0x80, s20, s17, $0xb8;
	[tilespmem:$0x1C800] =	vst v63  }
0xe2: {  	_ =	swait.ge [sflag:s21], $0x4000  }
0xe3: {  	[sflag:s21] =	ssyncset.done $0x0  }
0xe4: {  	[sflag:s21] =	ssyncadd.s32 $0xFFFFC000  }
0xe5: {  	[spmem:s2] =	stream.indirect.scatter.add.f32 [tilespmem:s18], [sflag:$0x3], $0x80, s22, s17, $0xb8;
	[tilespmem:$0x1C800] =	vst v63  }
0xe6: {  	_ =	swait.ge [sflag:s15], $0x4000  }
0xe7: {  	[sflag:s15] =	ssyncset.done $0x0  }
0xe8: {  	[sflag:s15] =	ssyncadd.s32 $0xFFFFC000  }
0xe9: {  	[tilespmem:s18], [sflag:$0x2] =	stream.indirect.gather [hbm4b:s4+s17], $0x80, s23, s17, $0xb8;
	[tilespmem:$0x1C800] =	vst v63  }
0xea: {  	_ =	swait.ge [sflag:s19], $0x4000  }
0xeb: {  	[sflag:s19] =	ssyncset.done $0x0  }
0xec: {  	[sflag:s19] =	ssyncadd.s32 $0xFFFFC000  }
0xed: {  	[spmem:s2] =	stream.indirect.scatter.add.f32 [tilespmem:s14], [sflag:$0x3], $0x80, s24, s17, $0xb8;
	[tilespmem:$0x1C800] =	vst v63  }
0xee: {  	_ =	swait.ge [sflag:s15], $0x4000  }
0xef: {  	[sflag:s15] =	ssyncset.done $0x0  }
0xf0: {  	[sflag:s15] =	ssyncadd.s32 $0xFFFFC000  }
0xf1: {  	[tilespmem:s14], [sflag:$0x1] =	stream.indirect.gather [hbm4b:s4+s17], $0x80, s25, s17, $0xb8;
	[tilespmem:$0x1C800] =	vst v63  }
0xf2: {  	_ =	swait.ge [sflag:s21], $0x4000  }
0xf3: {  	[sflag:s21] =	ssyncset.done $0x0  }
0xf4: {  	[sflag:s21] =	ssyncadd.s32 $0xFFFFC000  }
0xf5: {  	[spmem:s2] =	stream.indirect.scatter.add.f32 [tilespmem:s18], [sflag:$0x3], $0x80, s26, s17, $0xb8;
	[tilespmem:$0x1C800] =	vst v63  }
0xf6: {  	_ =	swait.ge [sflag:s15], $0x4000  }
0xf7: {  	[sflag:s15] =	ssyncset.done $0x0  }
0xf8: {  	[sflag:s15] =	ssyncadd.s32 $0xFFFFC000  }
0xf9: {  	[tilespmem:s18], [sflag:$0x2] =	stream.indirect.gather [hbm4b:s4+s17], $0x80, s28, s17, $0xb8;
	[tilespmem:$0x1C800] =	vst v63  }
0xfa: {  	_ =	swait.ge [sflag:s19], $0x4000  }
0xfb: {  	[sflag:s19] =	ssyncset.done $0x0  }
0xfc: {  	[sflag:s19] =	ssyncadd.s32 $0xFFFFC000  }
0xfd: {  	[spmem:s2] =	stream.indirect.scatter.add.f32 [tilespmem:s14], [sflag:$0x3], $0x80, s29, s17, $0xb8;
	[tilespmem:$0x1C800] =	vst v63  }
0xfe: {  	_ =	swait.ge [sflag:s15], $0x4000  }
0xff: {  	[sflag:s15] =	ssyncset.done $0x0  }
0x100: {  	[sflag:s15] =	ssyncadd.s32 $0xFFFFC000  }
0x101: {  	[tilespmem:s14], [sflag:$0x1] =	stream.indirect.gather [hbm4b:s4+s17], $0x80, s30, s17, $0xb8;
	[tilespmem:$0x1C800] =	vst v63  }
0x102: {  	_ =	swait.ge [sflag:s21], $0x4000  }
0x103: {  	[sflag:s21] =	ssyncset.done $0x0  }
0x104: {  	[sflag:s21] =	ssyncadd.s32 $0xFFFFC000  }
0x105: {  	[spmem:s2] =	stream.indirect.scatter.add.f32 [tilespmem:s18], [sflag:$0x3], $0x80, s31, s17, $0xb8;
	[tilespmem:$0x1C800] =	vst v63  }
0x106: {  	_ =	swait.ge [sflag:s15], $0x4000  }
0x107: {  	[sflag:s15] =	ssyncset.done $0x0  }
0x108: {  	[sflag:s15] =	ssyncadd.s32 $0xFFFFC000  }
0x109: {  	[tilespmem:s18], [sflag:$0x2] =	stream.indirect.gather [hbm4b:s4+s17], $0x80, s1, s17, $0xb8;
	[tilespmem:$0x1C800] =	vst v63  }
0x10a: {  	_ =	swait.ge [sflag:s19], $0x4000  }
0x10b: {  	[sflag:s19] =	ssyncset.done $0x0  }
0x10c: {  	[sflag:s19] =	ssyncadd.s32 $0xFFFFC000  }
0x10d: {  	[spmem:s2] =	stream.indirect.scatter.add.f32 [tilespmem:s14], [sflag:$0x3], $0x80, s0, s17, $0xb8;
	[tilespmem:$0x1C800] =	vst v63  }
0x10e: {  	_ =	swait.ge [sflag:s15], $0x4000  }
0x10f: {  	[sflag:s15] =	ssyncset.done $0x0  }
0x110: {  	[sflag:s15] =	ssyncadd.s32 $0xFFFFC000  }
0x111: {  	_ =	swait.ge [sflag:s21], $0x4000  }
0x112: {  	[sflag:s21] =	ssyncset.done $0x0  }
0x113: {  	[sflag:s21] =	ssyncadd.s32 $0xFFFFC000  }
0x114: {  	[spmem:s2] =	stream.indirect.scatter.add.f32 [tilespmem:s18], [sflag:$0x3], $0x80, s6, s17, $0xb8;
	[tilespmem:$0x1C800] =	vst v63  }
0x115: {  	_ =	swait.ge [sflag:s15], $0x4000  }
0x116: {  	[sflag:s15] =	ssyncset.done $0x0  }
0x117: {  	[sflag:s15] =	ssyncadd.s32 $0xFFFFC000  }
0x118: {  	s10 =	stileid.u32;
	[bflag:$0x0] =	sbarrier.arrive $0xFFFF  }
0x119: {  	s5 =	sshll.u32 s10, $0x6;
	s10 =	rddreg [dreg:$0x3]  }
0x11a: {  	s5 =	sor.u32 $0x1C03, s5;
	s9 =	rddreg [dreg:$0x8];
	s11 =	sshrl.u32 s10, $0x3  }
0x11b: {  	[hbm:s9], [sflag:s5] =	dma.local [spmem:s11], $0x2800  }
0x11c: {  	_ =	swait.ge [sflag:s15], $0x2800  }
0x11d: {  	s7 =	sadd.s32 $0x1, s7;
	s11 =	rddreg [dreg:$0x9]  }
0x11e: {  	p0 =	sne.s32 s7, s11  }
.Ltmp2:
0x11f: {  	_ = 	snop;
	(pc) =	sbr.rel @p0 .LBB2_1-.Ltmp2, $3  }
0x120: {  	_ =	sdelay $0x1  }
0x121: {  	[sflag:s15] =	ssyncset.done $0x0  }
0x122: {  	[sflag:s15] =	ssyncadd.s32 $0xFFFFD800  }
0x123: {  	_ =	sfence.sel $0x180000  }
0x124: {  	[bflag:$0x0] =	sbarrier.arrive $0xFFFF  }
0x125: {  	_ =	strace $0x9000004A  }
0x126: {  	s0 =	stileid.u32;
	[bflag:$0x2] =	sbarrier.arrive $0xFFFF  }
0x127: {  	p0 =	sne.s32 s0, $0x0;
	s0 =	rddreg [dreg:$0x2]  }
0x128: {  	s0 =	sadd.s32 @!p0 $0x100000, s0  }
0x129: {  	[sflag:s0] =	ssyncadd.tile.s32 @!p0 $0x1;
	_ =	shalt  }
.Lfunc_end2:
_tile_overlayer_lowered:
.L_overlay_start_2:
0x12a: {  	(tag) =	ssettag $0x2  }
0x12b: {  	s0 =	rddreg [dreg:$0x0];
	s2 =	stileid.u32  }
0x12c: {  	s1 =	rddreg [dreg:$0x1];
	p0 =	sne.s32 s2, $0x0  }
0x12d: {  	s3 =	rddreg [dreg:$0x2];
	[bflag:$0x3] =	sbarrier.arrive $0xFFFF;
	s2 =	simm.s32 @!p0 $0x1C03  }
0x12e: {  	[timem:s3], [sflag:s2] =	dma.local @!p0 [hbm:s0], s1  }
0x12f: {  	s0 =	simm.s32 @!p0 $0x3  }
0x130: {  	_ =	swait.ge @!p0 [sflag:s0], s1  }
0x131: {  	s1 =	ssub.s32 @!p0 $0x0, s1;
	[sflag:s0] =	ssyncset.done @!p0 $0x0  }
0x132: {  	[sflag:s0] =	ssyncadd.s32 @!p0 s1  }
0x133: {  	[bflag:$0x3] =	sbarrier.arrive $0xFFFF  }
0x134: {  	_ =	shalt  }

// kernel: kernel.16.cloned.1.call-start
scs
__scs_entry_jumppad:
0x0: {  	(pc) =	sbr.rel $0x88, $3  }
0x1: {  	(tag) =	ssettag $0x0;
	lr =	simm.s32 $0x1  }
0x2: {  	[smem:$0x3F99] =	sst lr;
	_ =	strace $0xD0000000  }
0x3: {  	_ = 	snop  }
0x4: {  	_ = 	snop  }
0x5: {  	_ = 	snop  }
0x6: {  	_ = 	snop  }
0x7: {  	_ = 	snop  }
__scs_overlays_trampoline_lowered:
0x8: {  	[smem:$0x3FA8] =	sst s0  }
0x9: {  	[smem:$0x3FA9] =	sst s1  }
0xa: {  	[smem:$0x3FAA] =	sst s2  }
0xb: {  	[smem:$0x3FAB] =	sst s3  }
0xc: {  	[smem:$0x3FAC] =	sst s4  }
0xd: {  	[smem:$0x3FAD] =	sst s5  }
0xe: {  	[smem:$0x3FAE] =	sst s6  }
0xf: {  	[smem:$0x3FAF] =	sst s7  }
0x10: {  	[smem:$0x3FB0] =	sst s8  }
0x11: {  	[smem:$0x3FB1] =	sst s9;
	s0 =	simm.s32 @!p0 $0x0  }
0x12: {  	s1 =	sld [smem:$0x3F97];
	s0 =	simm.s32 @p0 $0x1  }
0x13: {  	[smem:$0x3FB2] =	sst s0;
	s0 =	simm.s32 @!p1 $0x0  }
0x14: {  	s2 =	sld [smem:$0x3F96];
	s0 =	simm.s32 @p1 $0x1  }
0x15: {  	[smem:$0x3FB3] =	sst s0;
	s0 =	simm.s32 @!p2 $0x0  }
0x16: {  	s3 =	sld [smem:$0x3FDB];
	s0 =	simm.s32 @p2 $0x1  }
0x17: {  	s4 =	simm.s32 $0x1BF5;
	[smem:$0x3FB5] =	sst s0  }
0x18: {  	s0 =	sld [smem:$0x3F98];
	_ =	swait.ge [sflag:s4], $0x0  }
0x19: {  	s7 =	sld [smem:$0x3F99]  }
0x1a: {  	s8 =	sadd.s32 $0xFFFFE003, lr  }
0x1b: {  	s9 =	sadd.s32 $0xFFFFFEF7, lr;
	s5 =	simm.s32 $0xFFFFFFFF;
	p2 =	slt.u32 s8, $0xFFFFF086  }
0x1c: {  	p1 =	slt.u32 s9, $0xF7A;
	s5 =	simm.s32 @!p2 $0x0  }
0x1d: {  	s5 =	simm.s32 @p1 $0x1;
	p0 =	seq.s32 s7, s2  }
0x1e: {  	s7 =	smul.u32 @!p0 $0xF7A, s2;
	p2 =	seq.s32 @!p0 s5, $0x0  }
0x1f: {  	s9 =	smul.u32 $0xF7A, s1;
	s8 =	simm.s32 @!p0 $0x1BF5;
	p2 =	por !p2, p0  }
0x20: {  	[sflag:s8] =	ssyncset.s32 @!p0 $0xFFFFF086;
	s6 =	sadd.s32 @!p0 s3, s7;
	s7 =	simm.s32 @!p0 $0x108  }
0x21: {  	s3 =	sadd.s32 s3, s9;
	s6 =	sadd.s32 @!p0 $0x88, s6;
	s7 =	simm.s32 @p2 $0x1082  }
0x22: {  	[simem:s7], [sflag:s8] =	dma.local @!p0 [hbm:s6], $0xF7A  }
0x23: {  	s9 =	sor.u32 $0xD0000000, s2;
	s6 =	simm.s32 $0x108;
	_ =	swait.ge @!p0 [sflag:s8], $0x0  }
0x24: {  	s3 =	sadd.s32 $0x88, s3;
	s6 =	simm.s32 @!p1 $0x1082;
	[sflag:s4] =	ssyncset.s32 $0xFFFFF086  }
0x25: {  	[simem:s6], [sflag:s4] =	dma.local [hbm:s3], $0xF7A  }
0x26: {  	[smem:$0x3F99] =	sst s1;
	(tag) =	ssettag s2;
	_ =	strace s9  }
0x27: {  	s1 =	sld [smem:$0x3FA9]  }
0x28: {  	s2 =	sld [smem:$0x3FAA]  }
0x29: {  	s4 =	sld [smem:$0x3FAC]  }
0x2a: {  	p0 =	seq.s32 s5, $0x0;
	s5 =	sld [smem:$0x3FAD]  }
0x2b: {  	s6 =	sld [smem:$0x3FAE]  }
0x2c: {  	s7 =	sld [smem:$0x3FAF]  }
0x2d: {  	s3 =	simm.s32 $0x108;
	s8 =	sld [smem:$0x3FB0]  }
0x2e: {  	s3 =	simm.s32 @!p0 $0x1082;
	s9 =	sld [smem:$0x3FB1]  }
0x2f: {  	lr =	sadd.s32 s0, s3;
	s0 =	sld [smem:$0x3FA8]  }
0x30: {  	s3 =	sld [smem:$0x3FAB]  }
0x31: {  	[smem:$0x3FB4] =	sst s10  }
0x32: {  	s10 =	sld [smem:$0x3FB2];
	_ =	sdelay $0x3  }
0x33: {  	p0 =	seq.s32 s10, $0x1;
	s10 =	sld [smem:$0x3FB4];
	_ =	sdelay $0x3  }
0x34: {  	[smem:$0x3FB4] =	sst s10  }
0x35: {  	s10 =	sld [smem:$0x3FB3];
	_ =	sdelay $0x3  }
0x36: {  	p1 =	seq.s32 s10, $0x1;
	s10 =	sld [smem:$0x3FB4];
	_ =	sdelay $0x3  }
0x37: {  	[smem:$0x3FB4] =	sst s10  }
0x38: {  	s10 =	sld [smem:$0x3FB5]  }
0x39: {  	_ = 	snop;
	(pc) =	sbr.ind lr, $3  }
0x3a: {  	_ = 	snop  }
0x3b: {  	_ = 	snop  }
0x3c: {  	p2 =	seq.s32 s10, $0x1;
	s10 =	sld [smem:$0x3FB4]  }
0x3d: {  	_ =	shalt  }
0x3e: {  	_ =	shalt  }
0x3f: {  	_ =	shalt  }
0x40: {  	_ =	shalt  }
0x41: {  	_ =	shalt  }
0x42: {  	_ =	shalt  }
0x43: {  	_ =	shalt  }
0x44: {  	_ =	shalt  }
0x45: {  	_ =	shalt  }
0x46: {  	_ =	shalt  }
0x47: {  	_ =	shalt  }
0x48: {  	_ =	shalt  }
0x49: {  	_ =	shalt  }
0x4a: {  	_ =	shalt  }
0x4b: {  	_ =	shalt  }
0x4c: {  	_ =	shalt  }
0x4d: {  	_ =	shalt  }
0x4e: {  	_ =	shalt  }
0x4f: {  	_ =	shalt  }
0x50: {  	_ =	shalt  }
0x51: {  	_ =	shalt  }
0x52: {  	_ =	shalt  }
0x53: {  	_ =	shalt  }
0x54: {  	_ =	shalt  }
0x55: {  	_ =	shalt  }
0x56: {  	_ =	shalt  }
0x57: {  	_ =	shalt  }
0x58: {  	_ =	shalt  }
0x59: {  	_ =	shalt  }
0x5a: {  	_ =	shalt  }
0x5b: {  	_ =	shalt  }
0x5c: {  	_ =	shalt  }
0x5d: {  	_ =	shalt  }
0x5e: {  	_ =	shalt  }
0x5f: {  	_ =	shalt  }
0x60: {  	_ =	shalt  }
0x61: {  	_ =	shalt  }
0x62: {  	_ =	shalt  }
0x63: {  	_ =	shalt  }
0x64: {  	_ =	shalt  }
0x65: {  	_ =	shalt  }
0x66: {  	_ =	shalt  }
0x67: {  	_ =	shalt  }
0x68: {  	_ =	shalt  }
0x69: {  	_ =	shalt  }
0x6a: {  	_ =	shalt  }
0x6b: {  	_ =	shalt  }
0x6c: {  	_ =	shalt  }
0x6d: {  	_ =	shalt  }
0x6e: {  	_ =	shalt  }
0x6f: {  	_ =	shalt  }
0x70: {  	_ =	shalt  }
0x71: {  	_ =	shalt  }
0x72: {  	_ =	shalt  }
0x73: {  	_ =	shalt  }
0x74: {  	_ =	shalt  }
0x75: {  	_ =	shalt  }
0x76: {  	_ =	shalt  }
0x77: {  	_ =	shalt  }
0x78: {  	_ =	shalt  }
0x79: {  	_ =	shalt  }
0x7a: {  	_ =	shalt  }
0x7b: {  	_ =	shalt  }
0x7c: {  	_ =	shalt  }
0x7d: {  	_ =	shalt  }
0x7e: {  	_ =	shalt  }
0x7f: {  	_ =	shalt  }
0x80: {  	_ =	shalt  }
0x81: {  	_ =	shalt  }
0x82: {  	_ =	shalt  }
0x83: {  	_ =	shalt  }
0x84: {  	_ =	shalt  }
0x85: {  	_ =	shalt  }
0x86: {  	_ =	shalt  }
0x87: {  	_ =	shalt  }
.Lfunc_end0:
.L_simem_size_0:
called_computation.2_lowered:
.L_overlay_start_0:
0x88: {  	s2 =	sld [smem:$0x3FD9]  }
0x89: {  	s3 =	sld [smem:$0x3FFE];
	_ =	sdelay $0x1  }
0x8a: {  	s1 =	srdreg.scid  }
0x8b: {  	s0 =	sand.u32 $0x1, s1  }
0x8c: {  	s16 =	sshll.u32 s0, $0xA;
	s2 =	sadd.s32 s3, s2  }
0x8d: {  	s2 =	sadd.s32 s2, s16  }
0x8e: {  	[smem:$0x3FC0] =	sst s2  }
0x8f: {  	_ = 	snop  }
0x90: {  	(tm) =	ssettm $0x1  }
0x91: {  	s17 =	sld [smem:$0x3FFB];
	_ =	sdelay $0x3  }
0x92: {  	_ =	strace s17  }
0x93: {  	s2 =	sld [smem:$0x3FFC];
	_ =	sdelay $0x3  }
0x94: {  	_ =	strace s2  }
0x95: {  	s2 =	sld [smem:$0x3FFD];
	_ =	sdelay $0x3  }
0x96: {  	_ =	strace s2  }
0x97: {  	_ =	strace $0x8FFFFFFF  }
0x98: {  	s18 =	sld [smem:$0x3FDB];
	_ =	sdelay $0x1  }
0x99: {  	s19 =	simm.s32 $_scs_section_size  }
0x9a: {  	s4 =	simm.s32 $_size__tile_overlayer_lowered;
	s5 =	simm.s32 $_tile_overlayer_lowered  }
0x9b: {  	s22 =	simm.s32 $0x1BFF;
	s21 =	sshll.u32 s5, $0x1;
	s2 =	sadd.s32 s19, s18  }
0x9c: {  	s6 =	simm.s32 $0x0;
	s20 =	sshll.u32 s4, $0x1;
	s4 =	sadd.s32 s21, s2  }
0x9d: {  	[timem:s6], [sflag:s22] =	dma.local [hbm:s4], s20  }
0x9e: {  	_ =	swait.ge [sflag:s22], s20  }
0x9f: {  	s3 =	ssub.s32 $0x0, s20;
	[sflag:s22] =	ssyncset.done $0x0  }
0xa0: {  	[sflag:s22] =	ssyncadd.s32 s3;
	_ =	sdelay $0x1  }
0xa1: {  	s23 =	simm.s32 $0x1B8B  }
0xa2: {  	_ =	swait.ge [sflag:s23], $0x1  }
0xa3: {  	[sflag:s23] =	ssyncset.done $0x0  }
0xa4: {  	s25 =	simm.s32 $0x1B8E;
	s24 =	sld [smem:$0x3FFE];
	[sflag:s23] =	ssyncadd.s32 $0xFFFFFFFF  }
0xa5: {  	s26 =	simm.s32 $execute0_lowered;
	[smem:$0x3FD2] =	sst s25  }
0xa6: {  	s4 =	sshll.u32 s26, $0x1;
	_ =	strace $0x8000004C;
	[dreg:$0x1] =	wrdreg $0xFFFFFFFF  }
0xa7: {  	s28 =	simm.s32 $_size_execute0_lowered;
	s2 =	sadd.s32 s2, s4;
	[dreg:$0x0] =	wrdreg $0x0  }
0xa8: {  	s4 =	sshll.u32 s28, $0x1;
	[dreg:$0x2] =	wrdreg s2  }
0xa9: {  	[dreg:$0x3] =	wrdreg s4  }
0xaa: {  	[dreg:$0x4] =	wrdreg $0xC0  }
0xab: {  	_ =	task [dreg:s6], $0x5FFFF  }
0xac: {  	[dreg:$0x1] =	wrdreg $0xFFFFFFFF  }
0xad: {  	[dreg:$0x0] =	wrdreg $0x60  }
0xae: {  	[dreg:$0x2] =	wrdreg s24  }
0xaf: {  	[dreg:$0x3] =	wrdreg $0x88000  }
0xb0: {  	[dreg:$0x4] =	wrdreg $0x9  }
0xb1: {  	_ =	task.clear_ibuf [dreg:s6], $0x5FFFF;
	_ =	strace $0x9000004C  }
0xb2: {  	s29 =	simm.s32 $0x9;
	_ =	strace $0x8000004E  }
0xb3: {  	_ =	swait.ge [sflag:s29], $0x1  }
0xb4: {  	[sflag:s29] =	ssyncadd.s32 $0xFFFFFFFF  }
0xb5: {  	_ =	strace $0x9000004E  }
0xb6: {  	_ =	sfence  }
0xb7: {  	s30 =	sld [smem:$0x0];
	_ =	sdelay $0x2  }
0xb8: {  	s31 =	sshll.u32 s1, $0xD;
	s1 =	sshrl.u32 s1, $0x2  }
0xb9: {  	s3 =	sand.u32 $0x4000, s31;
	s1 =	sadd.s32 s1, s30  }
0xba: {  	s0 =	sor.u32 s3, s0;
	s1 =	sshll.u32 s1, $0x11  }
0xbb: {  	s0 =	sor.u32 s1, s0  }
0xbc: {  	s0 =	sadd.s32 $0x8F2B, s0  }
0xbd: {  	[sflag:s0] =	ssyncadd.remote.s32 $0x1  }
0xbe: {  	_ =	sfence.sel $0xFFFF  }
0xbf: {  	[dreg:$0x0] =	wrdreg $0xFFFFFFFF;
	(pc) =	sbr.abs _section_cstart, $3  }
0xc0: {  	[dreg:$0x1] =	wrdreg $0xFFFFFFFF  }
0xc1: {  	_ =	task.clear_ibuf [dreg:s6], $0x2FFFF;
	_ =	strace $0x9FFFFFFF  }
0xc2: {  	(tm) =	ssettm $0x7FFFFFFF  }
0xc3: {  	_ =	shalt  }
tec
execute0_lowered:
.L_overlay_start_1:
0x0: {  	(tag) =	ssettag $0x1  }
0x1: {  	s0 =	srdreg.scid;
	s1 =	rddreg [dreg:$0x0]  }
0x2: {  	s8 =	stileid.u32;
	s2 =	rddreg [dreg:$0x1]  }
0x3: {  	s3 =	simm.s32 $0x0;
	s14 =	simm.s32 $0x800;
	s15 =	simm.s32 $0x3  }
0x4: {  	s16 =	simm.s32 $0x400;
	s17 =	simm.s32 $0x80;
	s4 =	smul.u32 $0x5000, s8  }
0x5: {  	s18 =	simm.s32 $0x4800;
	s19 =	simm.s32 $0x1;
	s20 =	smul.u32 $0x14000, s8  }
0x6: {  	s28 =	simm.s32 $0x280;
	s0 =	sand.u32 $0x1, s0;
	s8 =	smul.u32 $0x50000, s8  }
0x7: {  	s29 =	simm.s32 $0x600;
	s30 =	simm.s32 $0x300;
	s5 =	smul.u32 $0x2800, s0  }
0x8: {  	s31 =	simm.s32 $0x680;
	[smem:$0x7FF] =	sst s3;
	s6 =	smul.u32 $0x140000, s0  }
0x9: {  	_ =	strace $0x8000004D;
	s0 =	ssub.s32 $0x2, s0;
	s21 =	sshrl.u32 s8, $0x2  }
0xa: {  	s22 =	sshrl.u32 s0, $0x1;
	s4 =	sadd.s32 s5, s4;
	s5 =	sadd.s32 s20, s6  }
0xb: {  	s10 =	sadd.s32 s21, s2;
	s0 =	ssub.s32 s0, s22;
	s20 =	simm.s32 $0x100  }
0xc: {  	s21 =	simm.s32 $0x2;
	s22 =	simm.s32 $0x480;
	s6 =	simm.s32 $0x780  }
0xd: {  	s7 =	sshrl.u32 s4, $0x3;
	s23 =	sadd.s32 $0x4000, s10;
	[dreg:$0x3] =	wrdreg s10  }
0xe: {  	s4 =	sadd.s32 $0x21800, s1;
	s24 =	sadd.s32 $0x8000, s10;
	[dreg:$0x4] =	wrdreg s23  }
0xf: {  	s5 =	sshrl.u32 s5, $0x3;
	s25 =	sadd.s32 $0xC000, s10;
	[dreg:$0x5] =	wrdreg s24  }
0x10: {  	s26 =	sadd.s32 $0x10000, s10;
	s0 =	smax.u32 s0, $0x1;
	[dreg:$0x6] =	wrdreg s25  }
0x11: {  	s7 =	sadd.s32 s7, s1;
	s1 =	sadd.s32 s5, s1;
	[dreg:$0x7] =	wrdreg s26  }
0x12: {  	[dreg:$0x9] =	wrdreg s0;
	s23 =	simm.s32 $0x180;
	s24 =	simm.s32 $0x500  }
0x13: {  	s25 =	simm.s32 $0x200;
	s26 =	simm.s32 $0x580;
	s0 =	simm.s32 $0x700  }
0x14: {  	s1 =	sadd.s32 $0x49800, s1;
	s12 =	sadd.s32 $0x3800, s7;
	s13 =	sadd.s32 $0x17800, s7  }
0x15: {  	v0 =	vimm.f32 $0.0e+00;
	s7 =	simm.s32 $0x0;
	[dreg:$0x8] =	wrdreg s1;
	s1 =	simm.s32 $0x380  }
.LBB2_1:
0x16: {  	s8 =	simm.s32 $0x0;
	s9 =	simm.s32 $0x200  }
.LBB2_2:
0x17: {  	p0 =	sne.s32 s9, $0xFE00;
	[tilespmem:s8+$0x870] =	vst v0  }
0x18: {  	[tilespmem:s8+$0x800] =	vst v0  }
0x19: {  	[tilespmem:s8+$0x810] =	vst v0  }
.Ltmp0:
0x1a: {  	[tilespmem:s8+$0x820] =	vst v0;
	(pc) =	sbr.rel @p0 .LBB2_2-.Ltmp0, $4  }
0x1b: {  	[tilespmem:s8+$0x830] =	vst v0  }
0x1c: {  	[tilespmem:s8+$0x840] =	vst v0  }
0x1d: {  	[tilespmem:s8+$0x850] =	vst v0  }
0x1e: {  	[tilespmem:s8+$0x860] =	vst v0;
	s8 =	sshra.s32 s9, $0x2;
	s9 =	sadd.s32 $0x200, s9  }
0x1f: {  	[tilespmem:s8+$0x870] =	vst v0  }
0x20: {  	[tilespmem:s8+$0x800] =	vst v0  }
0x21: {  	[tilespmem:s8+$0x810] =	vst v0  }
0x22: {  	[tilespmem:s8+$0x820] =	vst v0  }
0x23: {  	[tilespmem:s8+$0x830] =	vst v0  }
0x24: {  	[tilespmem:s8+$0x840] =	vst v0  }
0x25: {  	[tilespmem:s8+$0x850] =	vst v0  }
0x26: {  	[tilespmem:s8+$0x860] =	vst v0  }
0x27: {  	[spmem:s10] =	stream.linear.scatter [tilespmem:s14], [sflag:$0x3], $0x4000, $0x38;
	[tilespmem:$0x1C800] =	vst v63  }
0x28: {  	_ =	swait.ge [sflag:s15], $0x4000  }
0x29: {  	[sflag:s15] =	ssyncset.done $0x0  }
0x2a: {  	s5 =	rddreg [dreg:$0x4];
	[sflag:s15] =	ssyncadd.s32 $0xFFFFC000  }
0x2b: {  	[spmem:s5] =	stream.linear.scatter [tilespmem:s14], [sflag:$0x3], $0x4000, $0x38;
	[tilespmem:$0x1C800] =	vst v63  }
0x2c: {  	_ =	swait.ge [sflag:s15], $0x4000  }
0x2d: {  	[sflag:s15] =	ssyncset.done $0x0  }
0x2e: {  	s11 =	rddreg [dreg:$0x5];
	[sflag:s15] =	ssyncadd.s32 $0xFFFFC000  }
0x2f: {  	[spmem:s11] =	stream.linear.scatter [tilespmem:s14], [sflag:$0x3], $0x4000, $0x38;
	[tilespmem:$0x1C800] =	vst v63  }
0x30: {  	_ =	swait.ge [sflag:s15], $0x4000  }
0x31: {  	[sflag:s15] =	ssyncset.done $0x0  }
0x32: {  	s8 =	rddreg [dreg:$0x6];
	[sflag:s15] =	ssyncadd.s32 $0xFFFFC000  }
0x33: {  	[spmem:s8] =	stream.linear.scatter [tilespmem:s14], [sflag:$0x3], $0x4000, $0x38;
	[tilespmem:$0x1C800] =	vst v63  }
0x34: {  	_ =	swait.ge [sflag:s15], $0x4000  }
0x35: {  	[sflag:s15] =	ssyncset.done $0x0  }
0x36: {  	s9 =	rddreg [dreg:$0x7];
	[sflag:s15] =	ssyncadd.s32 $0xFFFFC000  }
0x37: {  	[spmem:s9] =	stream.linear.scatter [tilespmem:s14], [sflag:$0x3], $0x4000, $0x38;
	[tilespmem:$0x1C800] =	vst v63  }
0x38: {  	_ =	swait.ge [sflag:s15], $0x4000  }
0x39: {  	[sflag:s15] =	ssyncset.done $0x0  }
0x3a: {  	[sflag:s15] =	ssyncadd.s32 $0xFFFFC000  }
0x3b: {  	s10 =	sadd.s32 $0x0, s13;
	[bflag:$0x0] =	sbarrier.arrive $0xFFFF  }
0x3c: {  	[tilespmem:s3], [sflag:$0x3] =	stream.linear.gather [hbm4b:s10+s3], $0x400, $0x38;
	[tilespmem:$0x1C800] =	vst v63  }
0x3d: {  	_ =	swait.ge [sflag:s15], $0x400  }
0x3e: {  	[sflag:s15] =	ssyncset.done $0x0  }
0x3f: {  	s11 =	sadd.s32 $0x0, s12;
	[sflag:s15] =	ssyncadd.s32 $0xFFFFFC00  }
0x40: {  	[tilespmem:s16], [sflag:$0x3] =	stream.linear.gather [hbm4b:s11+s3], $0x400, $0x38;
	[tilespmem:$0x1C800] =	vst v63  }
0x41: {  	_ =	swait.ge [sflag:s15], $0x400  }
0x42: {  	[sflag:s15] =	ssyncset.done $0x0  }
0x43: {  	[sflag:s15] =	ssyncadd.s32 $0xFFFFFC00  }
0x44: {  	[tilespmem:s14], [sflag:$0x1] =	stream.indirect.gather [hbm4b:s4+s17], $0x80, s3, s17, $0xb8;
	[tilespmem:$0x1C800] =	vst v63  }
0x45: {  	_ = 	snop  }
0x46: {  	[tilespmem:s18], [sflag:$0x2] =	stream.indirect.gather [hbm4b:s4+s17], $0x80, s17, s17, $0xb8;
	[tilespmem:$0x1C800] =	vst v63  }
0x47: {  	_ =	swait.ge [sflag:s19], $0x4000  }
0x48: {  	[sflag:s19] =	ssyncset.done $0x0  }
0x49: {  	[sflag:s19] =	ssyncadd.s32 $0xFFFFC000  }
0x4a: {  	[spmem:s2] =	stream.indirect.scatter.add.f32 [tilespmem:s14], [sflag:$0x3], $0x80, s16, s17, $0xb8;
	[tilespmem:$0x1C800] =	vst v63  }
0x4b: {  	_ =	swait.ge [sflag:s15], $0x4000  }
0x4c: {  	[sflag:s15] =	ssyncset.done $0x0  }
0x4d: {  	[sflag:s15] =	ssyncadd.s32 $0xFFFFC000  }
0x4e: {  	[tilespmem:s14], [sflag:$0x1] =	stream.indirect.gather [hbm4b:s4+s17], $0x80, s20, s17, $0xb8;
	[tilespmem:$0x1C800] =	vst v63  }
0x4f: {  	_ =	swait.ge [sflag:s21], $0x4000  }
0x50: {  	[sflag:s21] =	ssyncset.done $0x0  }
0x51: {  	[sflag:s21] =	ssyncadd.s32 $0xFFFFC000  }
0x52: {  	[spmem:s2] =	stream.indirect.scatter.add.f32 [tilespmem:s18], [sflag:$0x3], $0x80, s22, s17, $0xb8;
	[tilespmem:$0x1C800] =	vst v63  }
0x53: {  	_ =	swait.ge [sflag:s15], $0x4000  }
0x54: {  	[sflag:s15] =	ssyncset.done $0x0  }
0x55: {  	[sflag:s15] =	ssyncadd.s32 $0xFFFFC000  }
0x56: {  	[tilespmem:s18], [sflag:$0x2] =	stream.indirect.gather [hbm4b:s4+s17], $0x80, s23, s17, $0xb8;
	[tilespmem:$0x1C800] =	vst v63  }
0x57: {  	_ =	swait.ge [sflag:s19], $0x4000  }
0x58: {  	[sflag:s19] =	ssyncset.done $0x0  }
0x59: {  	[sflag:s19] =	ssyncadd.s32 $0xFFFFC000  }
0x5a: {  	[spmem:s2] =	stream.indirect.scatter.add.f32 [tilespmem:s14], [sflag:$0x3], $0x80, s24, s17, $0xb8;
	[tilespmem:$0x1C800] =	vst v63  }
0x5b: {  	_ =	swait.ge [sflag:s15], $0x4000  }
0x5c: {  	[sflag:s15] =	ssyncset.done $0x0  }
0x5d: {  	[sflag:s15] =	ssyncadd.s32 $0xFFFFC000  }
0x5e: {  	[tilespmem:s14], [sflag:$0x1] =	stream.indirect.gather [hbm4b:s4+s17], $0x80, s25, s17, $0xb8;
	[tilespmem:$0x1C800] =	vst v63  }
0x5f: {  	_ =	swait.ge [sflag:s21], $0x4000  }
0x60: {  	[sflag:s21] =	ssyncset.done $0x0  }
0x61: {  	[sflag:s21] =	ssyncadd.s32 $0xFFFFC000  }
0x62: {  	[spmem:s2] =	stream.indirect.scatter.add.f32 [tilespmem:s18], [sflag:$0x3], $0x80, s26, s17, $0xb8;
	[tilespmem:$0x1C800] =	vst v63  }
0x63: {  	_ =	swait.ge [sflag:s15], $0x4000  }
0x64: {  	[sflag:s15] =	ssyncset.done $0x0  }
0x65: {  	[sflag:s15] =	ssyncadd.s32 $0xFFFFC000  }
0x66: {  	[tilespmem:s18], [sflag:$0x2] =	stream.indirect.gather [hbm4b:s4+s17], $0x80, s28, s17, $0xb8;
	[tilespmem:$0x1C800] =	vst v63  }
0x67: {  	_ =	swait.ge [sflag:s19], $0x4000  }
0x68: {  	[sflag:s19] =	ssyncset.done $0x0  }
0x69: {  	[sflag:s19] =	ssyncadd.s32 $0xFFFFC000  }
0x6a: {  	[spmem:s2] =	stream.indirect.scatter.add.f32 [tilespmem:s14], [sflag:$0x3], $0x80, s29, s17, $0xb8;
	[tilespmem:$0x1C800] =	vst v63  }
0x6b: {  	_ =	swait.ge [sflag:s15], $0x4000  }
0x6c: {  	[sflag:s15] =	ssyncset.done $0x0  }
0x6d: {  	[sflag:s15] =	ssyncadd.s32 $0xFFFFC000  }
0x6e: {  	[tilespmem:s14], [sflag:$0x1] =	stream.indirect.gather [hbm4b:s4+s17], $0x80, s30, s17, $0xb8;
	[tilespmem:$0x1C800] =	vst v63  }
0x6f: {  	_ =	swait.ge [sflag:s21], $0x4000  }
0x70: {  	[sflag:s21] =	ssyncset.done $0x0  }
0x71: {  	[sflag:s21] =	ssyncadd.s32 $0xFFFFC000  }
0x72: {  	[spmem:s2] =	stream.indirect.scatter.add.f32 [tilespmem:s18], [sflag:$0x3], $0x80, s31, s17, $0xb8;
	[tilespmem:$0x1C800] =	vst v63  }
0x73: {  	_ =	swait.ge [sflag:s15], $0x4000  }
0x74: {  	[sflag:s15] =	ssyncset.done $0x0  }
0x75: {  	[sflag:s15] =	ssyncadd.s32 $0xFFFFC000  }
0x76: {  	[tilespmem:s18], [sflag:$0x2] =	stream.indirect.gather [hbm4b:s4+s17], $0x80, s1, s17, $0xb8;
	[tilespmem:$0x1C800] =	vst v63  }
0x77: {  	_ =	swait.ge [sflag:s19], $0x4000  }
0x78: {  	[sflag:s19] =	ssyncset.done $0x0  }
0x79: {  	[sflag:s19] =	ssyncadd.s32 $0xFFFFC000  }
0x7a: {  	[spmem:s2] =	stream.indirect.scatter.add.f32 [tilespmem:s14], [sflag:$0x3], $0x80, s0, s17, $0xb8;
	[tilespmem:$0x1C800] =	vst v63  }
0x7b: {  	_ =	swait.ge [sflag:s15], $0x4000  }
0x7c: {  	[sflag:s15] =	ssyncset.done $0x0  }
0x7d: {  	[sflag:s15] =	ssyncadd.s32 $0xFFFFC000  }
0x7e: {  	_ =	swait.ge [sflag:s21], $0x4000  }
0x7f: {  	[sflag:s21] =	ssyncset.done $0x0  }
0x80: {  	[sflag:s21] =	ssyncadd.s32 $0xFFFFC000  }
0x81: {  	[spmem:s2] =	stream.indirect.scatter.add.f32 [tilespmem:s18], [sflag:$0x3], $0x80, s6, s17, $0xb8;
	[tilespmem:$0x1C800] =	vst v63  }
0x82: {  	_ =	swait.ge [sflag:s15], $0x4000  }
0x83: {  	s8 =	simm.s32 $0x80;
	s9 =	simm.s32 $0x100;
	[sflag:s15] =	ssyncset.done $0x0  }
.LBB2_4:
0x84: {  	s11 =	sadd.s32 s8, s13  }
0x85: {  	[sflag:s15] =	ssyncadd.s32 $0xFFFFC000;
	s5 =	smov.u32 s9;
	s10 =	sadd.s32 $0x80, s9  }
0x86: {  	[tilespmem:s3], [sflag:$0x3] =	stream.linear.gather [hbm4b:s11+s3], $0x400, $0x38;
	[tilespmem:$0x1C800] =	vst v63  }
0x87: {  	p0 =	sne.s32 s9, $0x480;
	_ =	swait.ge [sflag:s15], $0x400  }
0x88: {  	[sflag:s15] =	ssyncset.done $0x0  }
0x89: {  	s9 =	sadd.s32 s8, s12;
	s8 =	smov.u32 s5;
	[sflag:s15] =	ssyncadd.s32 $0xFFFFFC00  }
0x8a: {  	[tilespmem:s16], [sflag:$0x3] =	stream.linear.gather [hbm4b:s9+s3], $0x400, $0x38;
	[tilespmem:$0x1C800] =	vst v63  }
0x8b: {  	_ =	swait.ge [sflag:s15], $0x400  }
0x8c: {  	[sflag:s15] =	ssyncset.done $0x0  }
0x8d: {  	[sflag:s15] =	ssyncadd.s32 $0xFFFFFC00  }
0x8e: {  	[tilespmem:s14], [sflag:$0x1] =	stream.indirect.gather [hbm4b:s4+s17], $0x80, s3, s17, $0xb8;
	[tilespmem:$0x1C800] =	vst v63  }
0x8f: {  	_ = 	snop  }
0x90: {  	[tilespmem:s18], [sflag:$0x2] =	stream.indirect.gather [hbm4b:s4+s17], $0x80, s17, s17, $0xb8;
	[tilespmem:$0x1C800] =	vst v63  }
0x91: {  	_ =	swait.ge [sflag:s19], $0x4000  }
0x92: {  	[sflag:s19] =	ssyncset.done $0x0  }
0x93: {  	[sflag:s19] =	ssyncadd.s32 $0xFFFFC000  }
0x94: {  	[spmem:s2] =	stream.indirect.scatter.add.f32 [tilespmem:s14], [sflag:$0x3], $0x80, s16, s17, $0xb8;
	[tilespmem:$0x1C800] =	vst v63  }
0x95: {  	_ =	swait.ge [sflag:s15], $0x4000  }
0x96: {  	[sflag:s15] =	ssyncset.done $0x0  }
0x97: {  	[sflag:s15] =	ssyncadd.s32 $0xFFFFC000  }
0x98: {  	[tilespmem:s14], [sflag:$0x1] =	stream.indirect.gather [hbm4b:s4+s17], $0x80, s20, s17, $0xb8;
	[tilespmem:$0x1C800] =	vst v63  }
0x99: {  	_ =	swait.ge [sflag:s21], $0x4000  }
0x9a: {  	[sflag:s21] =	ssyncset.done $0x0  }
0x9b: {  	[sflag:s21] =	ssyncadd.s32 $0xFFFFC000  }
0x9c: {  	[spmem:s2] =	stream.indirect.scatter.add.f32 [tilespmem:s18], [sflag:$0x3], $0x80, s22, s17, $0xb8;
	[tilespmem:$0x1C800] =	vst v63  }
0x9d: {  	_ =	swait.ge [sflag:s15], $0x4000  }
0x9e: {  	[sflag:s15] =	ssyncset.done $0x0  }
0x9f: {  	[sflag:s15] =	ssyncadd.s32 $0xFFFFC000  }
0xa0: {  	[tilespmem:s18], [sflag:$0x2] =	stream.indirect.gather [hbm4b:s4+s17], $0x80, s23, s17, $0xb8;
	[tilespmem:$0x1C800] =	vst v63  }
0xa1: {  	_ =	swait.ge [sflag:s19], $0x4000  }
0xa2: {  	[sflag:s19] =	ssyncset.done $0x0  }
0xa3: {  	[sflag:s19] =	ssyncadd.s32 $0xFFFFC000  }
0xa4: {  	[spmem:s2] =	stream.indirect.scatter.add.f32 [tilespmem:s14], [sflag:$0x3], $0x80, s24, s17, $0xb8;
	[tilespmem:$0x1C800] =	vst v63  }
0xa5: {  	_ =	swait.ge [sflag:s15], $0x4000  }
0xa6: {  	[sflag:s15] =	ssyncset.done $0x0  }
0xa7: {  	[sflag:s15] =	ssyncadd.s32 $0xFFFFC000  }
0xa8: {  	[tilespmem:s14], [sflag:$0x1] =	stream.indirect.gather [hbm4b:s4+s17], $0x80, s25, s17, $0xb8;
	[tilespmem:$0x1C800] =	vst v63  }
0xa9: {  	_ =	swait.ge [sflag:s21], $0x4000  }
0xaa: {  	[sflag:s21] =	ssyncset.done $0x0  }
0xab: {  	[sflag:s21] =	ssyncadd.s32 $0xFFFFC000  }
0xac: {  	[spmem:s2] =	stream.indirect.scatter.add.f32 [tilespmem:s18], [sflag:$0x3], $0x80, s26, s17, $0xb8;
	[tilespmem:$0x1C800] =	vst v63  }
0xad: {  	_ =	swait.ge [sflag:s15], $0x4000  }
0xae: {  	[sflag:s15] =	ssyncset.done $0x0  }
0xaf: {  	[sflag:s15] =	ssyncadd.s32 $0xFFFFC000  }
0xb0: {  	[tilespmem:s18], [sflag:$0x2] =	stream.indirect.gather [hbm4b:s4+s17], $0x80, s28, s17, $0xb8;
	[tilespmem:$0x1C800] =	vst v63  }
0xb1: {  	_ =	swait.ge [sflag:s19], $0x4000  }
0xb2: {  	[sflag:s19] =	ssyncset.done $0x0  }
0xb3: {  	[sflag:s19] =	ssyncadd.s32 $0xFFFFC000  }
0xb4: {  	[spmem:s2] =	stream.indirect.scatter.add.f32 [tilespmem:s14], [sflag:$0x3], $0x80, s29, s17, $0xb8;
	[tilespmem:$0x1C800] =	vst v63  }
0xb5: {  	_ =	swait.ge [sflag:s15], $0x4000  }
0xb6: {  	[sflag:s15] =	ssyncset.done $0x0  }
0xb7: {  	[sflag:s15] =	ssyncadd.s32 $0xFFFFC000  }
0xb8: {  	[tilespmem:s14], [sflag:$0x1] =	stream.indirect.gather [hbm4b:s4+s17], $0x80, s30, s17, $0xb8;
	[tilespmem:$0x1C800] =	vst v63  }
0xb9: {  	_ =	swait.ge [sflag:s21], $0x4000  }
0xba: {  	[sflag:s21] =	ssyncset.done $0x0  }
0xbb: {  	[sflag:s21] =	ssyncadd.s32 $0xFFFFC000  }
0xbc: {  	[spmem:s2] =	stream.indirect.scatter.add.f32 [tilespmem:s18], [sflag:$0x3], $0x80, s31, s17, $0xb8;
	[tilespmem:$0x1C800] =	vst v63  }
0xbd: {  	_ =	swait.ge [sflag:s15], $0x4000  }
0xbe: {  	[sflag:s15] =	ssyncset.done $0x0  }
0xbf: {  	[sflag:s15] =	ssyncadd.s32 $0xFFFFC000  }
0xc0: {  	[tilespmem:s18], [sflag:$0x2] =	stream.indirect.gather [hbm4b:s4+s17], $0x80, s1, s17, $0xb8;
	[tilespmem:$0x1C800] =	vst v63  }
0xc1: {  	_ =	swait.ge [sflag:s19], $0x4000  }
0xc2: {  	[sflag:s19] =	ssyncset.done $0x0  }
0xc3: {  	[sflag:s19] =	ssyncadd.s32 $0xFFFFC000  }
0xc4: {  	[spmem:s2] =	stream.indirect.scatter.add.f32 [tilespmem:s14], [sflag:$0x3], $0x80, s0, s17, $0xb8;
	[tilespmem:$0x1C800] =	vst v63  }
0xc5: {  	_ =	swait.ge [sflag:s15], $0x4000  }
0xc6: {  	[sflag:s15] =	ssyncset.done $0x0  }
0xc7: {  	[sflag:s15] =	ssyncadd.s32 $0xFFFFC000  }
0xc8: {  	_ =	swait.ge [sflag:s21], $0x4000  }
.Ltmp1:
0xc9: {  	[sflag:s21] =	ssyncset.done $0x0;
	(pc) =	sbr.rel @p0 .LBB2_4-.Ltmp1, $4  }
0xca: {  	[sflag:s21] =	ssyncadd.s32 $0xFFFFC000  }
0xcb: {  	[spmem:s2] =	stream.indirect.scatter.add.f32 [tilespmem:s18], [sflag:$0x3], $0x80, s6, s17, $0xb8;
	[tilespmem:$0x1C800] =	vst v63  }
0xcc: {  	_ =	swait.ge [sflag:s15], $0x4000  }
0xcd: {  	s9 =	smov.u32 s10;
	[sflag:s15] =	ssyncset.done $0x0  }
0xce: {  	s5 =	sadd.s32 s8, s13;
	[sflag:s15] =	ssyncadd.s32 $0xFFFFC000  }
0xcf: {  	[tilespmem:s3], [sflag:$0x3] =	stream.linear.gather [hbm4b:s5+s3], $0x400, $0x38;
	[tilespmem:$0x1C800] =	vst v63  }
0xd0: {  	_ =	swait.ge [sflag:s15], $0x400  }
0xd1: {  	[sflag:s15] =	ssyncset.done $0x0  }
0xd2: {  	s9 =	sadd.s32 s8, s12;
	[sflag:s15] =	ssyncadd.s32 $0xFFFFFC00  }
0xd3: {  	[tilespmem:s16], [sflag:$0x3] =	stream.linear.gather [hbm4b:s9+s3], $0x400, $0x38;
	[tilespmem:$0x1C800] =	vst v63  }
0xd4: {  	_ =	swait.ge [sflag:s15], $0x400  }
0xd5: {  	[sflag:s15] =	ssyncset.done $0x0  }
0xd6: {  	[sflag:s15] =	ssyncadd.s32 $0xFFFFFC00  }
0xd7: {  	[tilespmem:s14], [sflag:$0x1] =	stream.indirect.gather [hbm4b:s4+s17], $0x80, s3, s17, $0xb8;
	[tilespmem:$0x1C800] =	vst v63  }
0xd8: {  	_ = 	snop  }
0xd9: {  	[tilespmem:s18], [sflag:$0x2] =	stream.indirect.gather [hbm4b:s4+s17], $0x80, s17, s17, $0xb8;
	[tilespmem:$0x1C800] =	vst v63  }
0xda: {  	_ =	swait.ge [sflag:s19], $0x4000  }
0xdb: {  	[sflag:s19] =	ssyncset.done $0x0  }
0xdc: {  	[sflag:s19] =	ssyncadd.s32 $0xFFFFC000  }
0xdd: {  	[spmem:s2] =	stream.indirect.scatter.add.f32 [tilespmem:s14], [sflag:$0x3], $0x80, s16, s17, $0xb8;
	[tilespmem:$0x1C800] =	vst v63  }
0xde: {  	_ =	swait.ge [sflag:s15], $0x4000  }
0xdf: {  	[sflag:s15] =	ssyncset.done $0x0  }
0xe0: {  	[sflag:s15] =	ssyncadd.s32 $0xFFFFC000  }
0xe1: {  	[tilespmem:s14], [sflag:$0x1] =	stream.indirect.gather [hbm4b:s4+s17], $0x80, s20, s17, $0xb8;
	[tilespmem:$0x1C800] =	vst v63  }
0xe2: {  	_ =	swait.ge [sflag:s21], $0x4000  }
0xe3: {  	[sflag:s21] =	ssyncset.done $0x0  }
0xe4: {  	[sflag:s21] =	ssyncadd.s32 $0xFFFFC000  }
0xe5: {  	[spmem:s2] =	stream.indirect.scatter.add.f32 [tilespmem:s18], [sflag:$0x3], $0x80, s22, s17, $0xb8;
	[tilespmem:$0x1C800] =	vst v63  }
0xe6: {  	_ =	swait.ge [sflag:s15], $0x4000  }
0xe7: {  	[sflag:s15] =	ssyncset.done $0x0  }
0xe8: {  	[sflag:s15] =	ssyncadd.s32 $0xFFFFC000  }
0xe9: {  	[tilespmem:s18], [sflag:$0x2] =	stream.indirect.gather [hbm4b:s4+s17], $0x80, s23, s17, $0xb8;
	[tilespmem:$0x1C800] =	vst v63  }
0xea: {  	_ =	swait.ge [sflag:s19], $0x4000  }
0xeb: {  	[sflag:s19] =	ssyncset.done $0x0  }
0xec: {  	[sflag:s19] =	ssyncadd.s32 $0xFFFFC000  }
0xed: {  	[spmem:s2] =	stream.indirect.scatter.add.f32 [tilespmem:s14], [sflag:$0x3], $0x80, s24, s17, $0xb8;
	[tilespmem:$0x1C800] =	vst v63  }
0xee: {  	_ =	swait.ge [sflag:s15], $0x4000  }
0xef: {  	[sflag:s15] =	ssyncset.done $0x0  }
0xf0: {  	[sflag:s15] =	ssyncadd.s32 $0xFFFFC000  }
0xf1: {  	[tilespmem:s14], [sflag:$0x1] =	stream.indirect.gather [hbm4b:s4+s17], $0x80, s25, s17, $0xb8;
	[tilespmem:$0x1C800] =	vst v63  }
0xf2: {  	_ =	swait.ge [sflag:s21], $0x4000  }
0xf3: {  	[sflag:s21] =	ssyncset.done $0x0  }
0xf4: {  	[sflag:s21] =	ssyncadd.s32 $0xFFFFC000  }
0xf5: {  	[spmem:s2] =	stream.indirect.scatter.add.f32 [tilespmem:s18], [sflag:$0x3], $0x80, s26, s17, $0xb8;
	[tilespmem:$0x1C800] =	vst v63  }
0xf6: {  	_ =	swait.ge [sflag:s15], $0x4000  }
0xf7: {  	[sflag:s15] =	ssyncset.done $0x0  }
0xf8: {  	[sflag:s15] =	ssyncadd.s32 $0xFFFFC000  }
0xf9: {  	[tilespmem:s18], [sflag:$0x2] =	stream.indirect.gather [hbm4b:s4+s17], $0x80, s28, s17, $0xb8;
	[tilespmem:$0x1C800] =	vst v63  }
0xfa: {  	_ =	swait.ge [sflag:s19], $0x4000  }
0xfb: {  	[sflag:s19] =	ssyncset.done $0x0  }
0xfc: {  	[sflag:s19] =	ssyncadd.s32 $0xFFFFC000  }
0xfd: {  	[spmem:s2] =	stream.indirect.scatter.add.f32 [tilespmem:s14], [sflag:$0x3], $0x80, s29, s17, $0xb8;
	[tilespmem:$0x1C800] =	vst v63  }
0xfe: {  	_ =	swait.ge [sflag:s15], $0x4000  }
0xff: {  	[sflag:s15] =	ssyncset.done $0x0  }
0x100: {  	[sflag:s15] =	ssyncadd.s32 $0xFFFFC000  }
0x101: {  	[tilespmem:s14], [sflag:$0x1] =	stream.indirect.gather [hbm4b:s4+s17], $0x80, s30, s17, $0xb8;
	[tilespmem:$0x1C800] =	vst v63  }
0x102: {  	_ =	swait.ge [sflag:s21], $0x4000  }
0x103: {  	[sflag:s21] =	ssyncset.done $0x0  }
0x104: {  	[sflag:s21] =	ssyncadd.s32 $0xFFFFC000  }
0x105: {  	[spmem:s2] =	stream.indirect.scatter.add.f32 [tilespmem:s18], [sflag:$0x3], $0x80, s31, s17, $0xb8;
	[tilespmem:$0x1C800] =	vst v63  }
0x106: {  	_ =	swait.ge [sflag:s15], $0x4000  }
0x107: {  	[sflag:s15] =	ssyncset.done $0x0  }
0x108: {  	[sflag:s15] =	ssyncadd.s32 $0xFFFFC000  }
0x109: {  	[tilespmem:s18], [sflag:$0x2] =	stream.indirect.gather [hbm4b:s4+s17], $0x80, s1, s17, $0xb8;
	[tilespmem:$0x1C800] =	vst v63  }
0x10a: {  	_ =	swait.ge [sflag:s19], $0x4000  }
0x10b: {  	[sflag:s19] =	ssyncset.done $0x0  }
0x10c: {  	[sflag:s19] =	ssyncadd.s32 $0xFFFFC000  }
0x10d: {  	[spmem:s2] =	stream.indirect.scatter.add.f32 [tilespmem:s14], [sflag:$0x3], $0x80, s0, s17, $0xb8;
	[tilespmem:$0x1C800] =	vst v63  }
0x10e: {  	_ =	swait.ge [sflag:s15], $0x4000  }
0x10f: {  	[sflag:s15] =	ssyncset.done $0x0  }
0x110: {  	[sflag:s15] =	ssyncadd.s32 $0xFFFFC000  }
0x111: {  	_ =	swait.ge [sflag:s21], $0x4000  }
0x112: {  	[sflag:s21] =	ssyncset.done $0x0  }
0x113: {  	[sflag:s21] =	ssyncadd.s32 $0xFFFFC000  }
0x114: {  	[spmem:s2] =	stream.indirect.scatter.add.f32 [tilespmem:s18], [sflag:$0x3], $0x80, s6, s17, $0xb8;
	[tilespmem:$0x1C800] =	vst v63  }
0x115: {  	_ =	swait.ge [sflag:s15], $0x4000  }
0x116: {  	[sflag:s15] =	ssyncset.done $0x0  }
0x117: {  	[sflag:s15] =	ssyncadd.s32 $0xFFFFC000  }
0x118: {  	s10 =	stileid.u32;
	[bflag:$0x0] =	sbarrier.arrive $0xFFFF  }
0x119: {  	s5 =	sshll.u32 s10, $0x6;
	s10 =	rddreg [dreg:$0x3]  }
0x11a: {  	s5 =	sor.u32 $0x1C03, s5;
	s9 =	rddreg [dreg:$0x8];
	s11 =	sshrl.u32 s10, $0x3  }
0x11b: {  	[hbm:s9], [sflag:s5] =	dma.local [spmem:s11], $0x2800  }
0x11c: {  	_ =	swait.ge [sflag:s15], $0x2800  }
0x11d: {  	s7 =	sadd.s32 $0x1, s7;
	s11 =	rddreg [dreg:$0x9]  }
0x11e: {  	p0 =	sne.s32 s7, s11  }
.Ltmp2:
0x11f: {  	_ = 	snop;
	(pc) =	sbr.rel @p0 .LBB2_1-.Ltmp2, $3  }
0x120: {  	_ =	sdelay $0x1  }
0x121: {  	[sflag:s15] =	ssyncset.done $0x0  }
0x122: {  	[sflag:s15] =	ssyncadd.s32 $0xFFFFD800  }
0x123: {  	_ =	sfence.sel $0x180000  }
0x124: {  	[bflag:$0x0] =	sbarrier.arrive $0xFFFF  }
0x125: {  	_ =	strace $0x9000004D  }
0x126: {  	s0 =	stileid.u32;
	[bflag:$0x2] =	sbarrier.arrive $0xFFFF  }
0x127: {  	p0 =	sne.s32 s0, $0x0;
	s0 =	rddreg [dreg:$0x2]  }
0x128: {  	s0 =	sadd.s32 @!p0 $0x100000, s0  }
0x129: {  	[sflag:s0] =	ssyncadd.tile.s32 @!p0 $0x1;
	_ =	shalt  }
.Lfunc_end2:
_tile_overlayer_lowered:
.L_overlay_start_2:
0x12a: {  	(tag) =	ssettag $0x2  }
0x12b: {  	s0 =	rddreg [dreg:$0x0];
	s2 =	stileid.u32  }
0x12c: {  	s1 =	rddreg [dreg:$0x1];
	p0 =	sne.s32 s2, $0x0  }
0x12d: {  	s3 =	rddreg [dreg:$0x2];
	[bflag:$0x3] =	sbarrier.arrive $0xFFFF;
	s2 =	simm.s32 @!p0 $0x1C03  }
0x12e: {  	[timem:s3], [sflag:s2] =	dma.local @!p0 [hbm:s0], s1  }
0x12f: {  	s0 =	simm.s32 @!p0 $0x3  }
0x130: {  	_ =	swait.ge @!p0 [sflag:s0], s1  }
0x131: {  	s1 =	ssub.s32 @!p0 $0x0, s1;
	[sflag:s0] =	ssyncset.done @!p0 $0x0  }
0x132: {  	[sflag:s0] =	ssyncadd.s32 @!p0 s1  }
0x133: {  	[bflag:$0x3] =	sbarrier.arrive $0xFFFF  }
0x134: {  	_ =	shalt  }

// kernel: kernel.19.cloned.1.call-start
scs
__scs_entry_jumppad:
0x0: {  	(pc) =	sbr.rel $0x88, $3  }
0x1: {  	(tag) =	ssettag $0x0;
	lr =	simm.s32 $0x1  }
0x2: {  	[smem:$0x3F99] =	sst lr;
	_ =	strace $0xD0000000  }
0x3: {  	_ = 	snop  }
0x4: {  	_ = 	snop  }
0x5: {  	_ = 	snop  }
0x6: {  	_ = 	snop  }
0x7: {  	_ = 	snop  }
__scs_overlays_trampoline_lowered:
0x8: {  	[smem:$0x3FA8] =	sst s0  }
0x9: {  	[smem:$0x3FA9] =	sst s1  }
0xa: {  	[smem:$0x3FAA] =	sst s2  }
0xb: {  	[smem:$0x3FAB] =	sst s3  }
0xc: {  	[smem:$0x3FAC] =	sst s4  }
0xd: {  	[smem:$0x3FAD] =	sst s5  }
0xe: {  	[smem:$0x3FAE] =	sst s6  }
0xf: {  	[smem:$0x3FAF] =	sst s7  }
0x10: {  	[smem:$0x3FB0] =	sst s8  }
0x11: {  	[smem:$0x3FB1] =	sst s9;
	s0 =	simm.s32 @!p0 $0x0  }
0x12: {  	s1 =	sld [smem:$0x3F97];
	s0 =	simm.s32 @p0 $0x1  }
0x13: {  	[smem:$0x3FB2] =	sst s0;
	s0 =	simm.s32 @!p1 $0x0  }
0x14: {  	s2 =	sld [smem:$0x3F96];
	s0 =	simm.s32 @p1 $0x1  }
0x15: {  	[smem:$0x3FB3] =	sst s0;
	s0 =	simm.s32 @!p2 $0x0  }
0x16: {  	s3 =	sld [smem:$0x3FDB];
	s0 =	simm.s32 @p2 $0x1  }
0x17: {  	s4 =	simm.s32 $0x1BF5;
	[smem:$0x3FB5] =	sst s0  }
0x18: {  	s0 =	sld [smem:$0x3F98];
	_ =	swait.ge [sflag:s4], $0x0  }
0x19: {  	s7 =	sld [smem:$0x3F99]  }
0x1a: {  	s8 =	sadd.s32 $0xFFFFE003, lr  }
0x1b: {  	s9 =	sadd.s32 $0xFFFFFEF7, lr;
	s5 =	simm.s32 $0xFFFFFFFF;
	p2 =	slt.u32 s8, $0xFFFFF086  }
0x1c: {  	p1 =	slt.u32 s9, $0xF7A;
	s5 =	simm.s32 @!p2 $0x0  }
0x1d: {  	s5 =	simm.s32 @p1 $0x1;
	p0 =	seq.s32 s7, s2  }
0x1e: {  	s7 =	smul.u32 @!p0 $0xF7A, s2;
	p2 =	seq.s32 @!p0 s5, $0x0  }
0x1f: {  	s9 =	smul.u32 $0xF7A, s1;
	s8 =	simm.s32 @!p0 $0x1BF5;
	p2 =	por !p2, p0  }
0x20: {  	[sflag:s8] =	ssyncset.s32 @!p0 $0xFFFFF086;
	s6 =	sadd.s32 @!p0 s3, s7;
	s7 =	simm.s32 @!p0 $0x108  }
0x21: {  	s3 =	sadd.s32 s3, s9;
	s6 =	sadd.s32 @!p0 $0x88, s6;
	s7 =	simm.s32 @p2 $0x1082  }
0x22: {  	[simem:s7], [sflag:s8] =	dma.local @!p0 [hbm:s6], $0xF7A  }
0x23: {  	s9 =	sor.u32 $0xD0000000, s2;
	s6 =	simm.s32 $0x108;
	_ =	swait.ge @!p0 [sflag:s8], $0x0  }
0x24: {  	s3 =	sadd.s32 $0x88, s3;
	s6 =	simm.s32 @!p1 $0x1082;
	[sflag:s4] =	ssyncset.s32 $0xFFFFF086  }
0x25: {  	[simem:s6], [sflag:s4] =	dma.local [hbm:s3], $0xF7A  }
0x26: {  	[smem:$0x3F99] =	sst s1;
	(tag) =	ssettag s2;
	_ =	strace s9  }
0x27: {  	s1 =	sld [smem:$0x3FA9]  }
0x28: {  	s2 =	sld [smem:$0x3FAA]  }
0x29: {  	s4 =	sld [smem:$0x3FAC]  }
0x2a: {  	p0 =	seq.s32 s5, $0x0;
	s5 =	sld [smem:$0x3FAD]  }
0x2b: {  	s6 =	sld [smem:$0x3FAE]  }
0x2c: {  	s7 =	sld [smem:$0x3FAF]  }
0x2d: {  	s3 =	simm.s32 $0x108;
	s8 =	sld [smem:$0x3FB0]  }
0x2e: {  	s3 =	simm.s32 @!p0 $0x1082;
	s9 =	sld [smem:$0x3FB1]  }
0x2f: {  	lr =	sadd.s32 s0, s3;
	s0 =	sld [smem:$0x3FA8]  }
0x30: {  	s3 =	sld [smem:$0x3FAB]  }
0x31: {  	[smem:$0x3FB4] =	sst s10  }
0x32: {  	s10 =	sld [smem:$0x3FB2];
	_ =	sdelay $0x3  }
0x33: {  	p0 =	seq.s32 s10, $0x1;
	s10 =	sld [smem:$0x3FB4];
	_ =	sdelay $0x3  }
0x34: {  	[smem:$0x3FB4] =	sst s10  }
0x35: {  	s10 =	sld [smem:$0x3FB3];
	_ =	sdelay $0x3  }
0x36: {  	p1 =	seq.s32 s10, $0x1;
	s10 =	sld [smem:$0x3FB4];
	_ =	sdelay $0x3  }
0x37: {  	[smem:$0x3FB4] =	sst s10  }
0x38: {  	s10 =	sld [smem:$0x3FB5]  }
0x39: {  	_ = 	snop;
	(pc) =	sbr.ind lr, $3  }
0x3a: {  	_ = 	snop  }
0x3b: {  	_ = 	snop  }
0x3c: {  	p2 =	seq.s32 s10, $0x1;
	s10 =	sld [smem:$0x3FB4]  }
0x3d: {  	_ =	shalt  }
0x3e: {  	_ =	shalt  }
0x3f: {  	_ =	shalt  }
0x40: {  	_ =	shalt  }
0x41: {  	_ =	shalt  }
0x42: {  	_ =	shalt  }
0x43: {  	_ =	shalt  }
0x44: {  	_ =	shalt  }
0x45: {  	_ =	shalt  }
0x46: {  	_ =	shalt  }
0x47: {  	_ =	shalt  }
0x48: {  	_ =	shalt  }
0x49: {  	_ =	shalt  }
0x4a: {  	_ =	shalt  }
0x4b: {  	_ =	shalt  }
0x4c: {  	_ =	shalt  }
0x4d: {  	_ =	shalt  }
0x4e: {  	_ =	shalt  }
0x4f: {  	_ =	shalt  }
0x50: {  	_ =	shalt  }
0x51: {  	_ =	shalt  }
0x52: {  	_ =	shalt  }
0x53: {  	_ =	shalt  }
0x54: {  	_ =	shalt  }
0x55: {  	_ =	shalt  }
0x56: {  	_ =	shalt  }
0x57: {  	_ =	shalt  }
0x58: {  	_ =	shalt  }
0x59: {  	_ =	shalt  }
0x5a: {  	_ =	shalt  }
0x5b: {  	_ =	shalt  }
0x5c: {  	_ =	shalt  }
0x5d: {  	_ =	shalt  }
0x5e: {  	_ =	shalt  }
0x5f: {  	_ =	shalt  }
0x60: {  	_ =	shalt  }
0x61: {  	_ =	shalt  }
0x62: {  	_ =	shalt  }
0x63: {  	_ =	shalt  }
0x64: {  	_ =	shalt  }
0x65: {  	_ =	shalt  }
0x66: {  	_ =	shalt  }
0x67: {  	_ =	shalt  }
0x68: {  	_ =	shalt  }
0x69: {  	_ =	shalt  }
0x6a: {  	_ =	shalt  }
0x6b: {  	_ =	shalt  }
0x6c: {  	_ =	shalt  }
0x6d: {  	_ =	shalt  }
0x6e: {  	_ =	shalt  }
0x6f: {  	_ =	shalt  }
0x70: {  	_ =	shalt  }
0x71: {  	_ =	shalt  }
0x72: {  	_ =	shalt  }
0x73: {  	_ =	shalt  }
0x74: {  	_ =	shalt  }
0x75: {  	_ =	shalt  }
0x76: {  	_ =	shalt  }
0x77: {  	_ =	shalt  }
0x78: {  	_ =	shalt  }
0x79: {  	_ =	shalt  }
0x7a: {  	_ =	shalt  }
0x7b: {  	_ =	shalt  }
0x7c: {  	_ =	shalt  }
0x7d: {  	_ =	shalt  }
0x7e: {  	_ =	shalt  }
0x7f: {  	_ =	shalt  }
0x80: {  	_ =	shalt  }
0x81: {  	_ =	shalt  }
0x82: {  	_ =	shalt  }
0x83: {  	_ =	shalt  }
0x84: {  	_ =	shalt  }
0x85: {  	_ =	shalt  }
0x86: {  	_ =	shalt  }
0x87: {  	_ =	shalt  }
.Lfunc_end0:
.L_simem_size_0:
called_computation.3_lowered:
.L_overlay_start_0:
0x88: {  	s2 =	sld [smem:$0x3FD9]  }
0x89: {  	s3 =	sld [smem:$0x3FFE];
	_ =	sdelay $0x1  }
0x8a: {  	s1 =	srdreg.scid  }
0x8b: {  	s0 =	sand.u32 $0x1, s1  }
0x8c: {  	s16 =	sshll.u32 s0, $0xA;
	s2 =	sadd.s32 s3, s2  }
0x8d: {  	s2 =	sadd.s32 s2, s16  }
0x8e: {  	[smem:$0x3FC0] =	sst s2  }
0x8f: {  	_ = 	snop  }
0x90: {  	(tm) =	ssettm $0x1  }
0x91: {  	s17 =	sld [smem:$0x3FFB];
	_ =	sdelay $0x3  }
0x92: {  	_ =	strace s17  }
0x93: {  	s2 =	sld [smem:$0x3FFC];
	_ =	sdelay $0x3  }
0x94: {  	_ =	strace s2  }
0x95: {  	s2 =	sld [smem:$0x3FFD];
	_ =	sdelay $0x3  }
0x96: {  	_ =	strace s2  }
0x97: {  	_ =	strace $0x8FFFFFFF  }
0x98: {  	s18 =	sld [smem:$0x3FDB];
	_ =	sdelay $0x1  }
0x99: {  	s19 =	simm.s32 $_scs_section_size  }
0x9a: {  	s4 =	simm.s32 $_size__tile_overlayer_lowered;
	s5 =	simm.s32 $_tile_overlayer_lowered  }
0x9b: {  	s22 =	simm.s32 $0x1BFF;
	s21 =	sshll.u32 s5, $0x1;
	s2 =	sadd.s32 s19, s18  }
0x9c: {  	s6 =	simm.s32 $0x0;
	s20 =	sshll.u32 s4, $0x1;
	s4 =	sadd.s32 s21, s2  }
0x9d: {  	[timem:s6], [sflag:s22] =	dma.local [hbm:s4], s20  }
0x9e: {  	_ =	swait.ge [sflag:s22], s20  }
0x9f: {  	s3 =	ssub.s32 $0x0, s20;
	[sflag:s22] =	ssyncset.done $0x0  }
0xa0: {  	[sflag:s22] =	ssyncadd.s32 s3;
	_ =	sdelay $0x1  }
0xa1: {  	s23 =	simm.s32 $0x1B8B  }
0xa2: {  	_ =	swait.ge [sflag:s23], $0x1  }
0xa3: {  	[sflag:s23] =	ssyncset.done $0x0  }
0xa4: {  	s25 =	simm.s32 $0x1B8E;
	s24 =	sld [smem:$0x3FFE];
	[sflag:s23] =	ssyncadd.s32 $0xFFFFFFFF  }
0xa5: {  	s26 =	simm.s32 $execute0_lowered;
	[smem:$0x3FD2] =	sst s25  }
0xa6: {  	s4 =	sshll.u32 s26, $0x1;
	_ =	strace $0x8000004F;
	[dreg:$0x1] =	wrdreg $0xFFFFFFFF  }
0xa7: {  	s28 =	simm.s32 $_size_execute0_lowered;
	s2 =	sadd.s32 s2, s4;
	[dreg:$0x0] =	wrdreg $0x0  }
0xa8: {  	s4 =	sshll.u32 s28, $0x1;
	[dreg:$0x2] =	wrdreg s2  }
0xa9: {  	[dreg:$0x3] =	wrdreg s4  }
0xaa: {  	[dreg:$0x4] =	wrdreg $0xC0  }
0xab: {  	_ =	task [dreg:s6], $0x5FFFF  }
0xac: {  	[dreg:$0x1] =	wrdreg $0xFFFFFFFF  }
0xad: {  	[dreg:$0x0] =	wrdreg $0x60  }
0xae: {  	[dreg:$0x2] =	wrdreg s24  }
0xaf: {  	[dreg:$0x3] =	wrdreg $0x88000  }
0xb0: {  	[dreg:$0x4] =	wrdreg $0x9  }
0xb1: {  	_ =	task.clear_ibuf [dreg:s6], $0x5FFFF;
	_ =	strace $0x9000004F  }
0xb2: {  	s29 =	simm.s32 $0x9;
	_ =	strace $0x80000051  }
0xb3: {  	_ =	swait.ge [sflag:s29], $0x1  }
0xb4: {  	[sflag:s29] =	ssyncadd.s32 $0xFFFFFFFF  }
0xb5: {  	_ =	strace $0x90000051  }
0xb6: {  	_ =	sfence  }
0xb7: {  	s30 =	sld [smem:$0x0];
	_ =	sdelay $0x2  }
0xb8: {  	s31 =	sshll.u32 s1, $0xD;
	s1 =	sshrl.u32 s1, $0x2  }
0xb9: {  	s3 =	sand.u32 $0x4000, s31;
	s1 =	sadd.s32 s1, s30  }
0xba: {  	s0 =	sor.u32 s3, s0;
	s1 =	sshll.u32 s1, $0x11  }
0xbb: {  	s0 =	sor.u32 s1, s0  }
0xbc: {  	s0 =	sadd.s32 $0x8F2B, s0  }
0xbd: {  	[sflag:s0] =	ssyncadd.remote.s32 $0x1  }
0xbe: {  	_ =	sfence.sel $0xFFFF  }
0xbf: {  	[dreg:$0x0] =	wrdreg $0xFFFFFFFF;
	(pc) =	sbr.abs _section_cstart, $3  }
0xc0: {  	[dreg:$0x1] =	wrdreg $0xFFFFFFFF  }
0xc1: {  	_ =	task.clear_ibuf [dreg:s6], $0x2FFFF;
	_ =	strace $0x9FFFFFFF  }
0xc2: {  	(tm) =	ssettm $0x7FFFFFFF  }
0xc3: {  	_ =	shalt  }
tec
execute0_lowered:
.L_overlay_start_1:
0x0: {  	(tag) =	ssettag $0x1  }
0x1: {  	s0 =	srdreg.scid;
	s1 =	rddreg [dreg:$0x0]  }
0x2: {  	s8 =	stileid.u32;
	s2 =	rddreg [dreg:$0x1]  }
0x3: {  	s3 =	simm.s32 $0x0;
	s14 =	simm.s32 $0x800;
	s15 =	simm.s32 $0x3  }
0x4: {  	s16 =	simm.s32 $0x400;
	s17 =	simm.s32 $0x80;
	s4 =	smul.u32 $0x5000, s8  }
0x5: {  	s18 =	simm.s32 $0x4800;
	s19 =	simm.s32 $0x1;
	s20 =	smul.u32 $0x14000, s8  }
0x6: {  	s28 =	simm.s32 $0x280;
	s0 =	sand.u32 $0x1, s0;
	s8 =	smul.u32 $0x50000, s8  }
0x7: {  	s29 =	simm.s32 $0x600;
	s30 =	simm.s32 $0x300;
	s5 =	smul.u32 $0x2800, s0  }
0x8: {  	s31 =	simm.s32 $0x680;
	[smem:$0x7FF] =	sst s3;
	s6 =	smul.u32 $0x140000, s0  }
0x9: {  	_ =	strace $0x80000050;
	s0 =	ssub.s32 $0x2, s0;
	s21 =	sshrl.u32 s8, $0x2  }
0xa: {  	s22 =	sshrl.u32 s0, $0x1;
	s4 =	sadd.s32 s5, s4;
	s5 =	sadd.s32 s20, s6  }
0xb: {  	s10 =	sadd.s32 s21, s2;
	s0 =	ssub.s32 s0, s22;
	s20 =	simm.s32 $0x100  }
0xc: {  	s21 =	simm.s32 $0x2;
	s22 =	simm.s32 $0x480;
	s6 =	simm.s32 $0x780  }
0xd: {  	s7 =	sshrl.u32 s4, $0x3;
	s23 =	sadd.s32 $0x4000, s10;
	[dreg:$0x3] =	wrdreg s10  }
0xe: {  	s4 =	sadd.s32 $0x21800, s1;
	s24 =	sadd.s32 $0x8000, s10;
	[dreg:$0x4] =	wrdreg s23  }
0xf: {  	s5 =	sshrl.u32 s5, $0x3;
	s25 =	sadd.s32 $0xC000, s10;
	[dreg:$0x5] =	wrdreg s24  }
0x10: {  	s26 =	sadd.s32 $0x10000, s10;
	s0 =	smax.u32 s0, $0x1;
	[dreg:$0x6] =	wrdreg s25  }
0x11: {  	s7 =	sadd.s32 s7, s1;
	s1 =	sadd.s32 s5, s1;
	[dreg:$0x7] =	wrdreg s26  }
0x12: {  	[dreg:$0x9] =	wrdreg s0;
	s23 =	simm.s32 $0x180;
	s24 =	simm.s32 $0x500  }
0x13: {  	s25 =	simm.s32 $0x200;
	s26 =	simm.s32 $0x580;
	s0 =	simm.s32 $0x700  }
0x14: {  	s1 =	sadd.s32 $0x49800, s1;
	s12 =	sadd.s32 $0x3800, s7;
	s13 =	sadd.s32 $0x17800, s7  }
0x15: {  	v0 =	vimm.f32 $0.0e+00;
	s7 =	simm.s32 $0x0;
	[dreg:$0x8] =	wrdreg s1;
	s1 =	simm.s32 $0x380  }
.LBB2_1:
0x16: {  	s8 =	simm.s32 $0x0;
	s9 =	simm.s32 $0x200  }
.LBB2_2:
0x17: {  	p0 =	sne.s32 s9, $0xFE00;
	[tilespmem:s8+$0x870] =	vst v0  }
0x18: {  	[tilespmem:s8+$0x800] =	vst v0  }
0x19: {  	[tilespmem:s8+$0x810] =	vst v0  }
.Ltmp0:
0x1a: {  	[tilespmem:s8+$0x820] =	vst v0;
	(pc) =	sbr.rel @p0 .LBB2_2-.Ltmp0, $4  }
0x1b: {  	[tilespmem:s8+$0x830] =	vst v0  }
0x1c: {  	[tilespmem:s8+$0x840] =	vst v0  }
0x1d: {  	[tilespmem:s8+$0x850] =	vst v0  }
0x1e: {  	[tilespmem:s8+$0x860] =	vst v0;
	s8 =	sshra.s32 s9, $0x2;
	s9 =	sadd.s32 $0x200, s9  }
0x1f: {  	[tilespmem:s8+$0x870] =	vst v0  }
0x20: {  	[tilespmem:s8+$0x800] =	vst v0  }
0x21: {  	[tilespmem:s8+$0x810] =	vst v0  }
0x22: {  	[tilespmem:s8+$0x820] =	vst v0  }
0x23: {  	[tilespmem:s8+$0x830] =	vst v0  }
0x24: {  	[tilespmem:s8+$0x840] =	vst v0  }
0x25: {  	[tilespmem:s8+$0x850] =	vst v0  }
0x26: {  	[tilespmem:s8+$0x860] =	vst v0  }
0x27: {  	[spmem:s10] =	stream.linear.scatter [tilespmem:s14], [sflag:$0x3], $0x4000, $0x38;
	[tilespmem:$0x1C800] =	vst v63  }
0x28: {  	_ =	swait.ge [sflag:s15], $0x4000  }
0x29: {  	[sflag:s15] =	ssyncset.done $0x0  }
0x2a: {  	s5 =	rddreg [dreg:$0x4];
	[sflag:s15] =	ssyncadd.s32 $0xFFFFC000  }
0x2b: {  	[spmem:s5] =	stream.linear.scatter [tilespmem:s14], [sflag:$0x3], $0x4000, $0x38;
	[tilespmem:$0x1C800] =	vst v63  }
0x2c: {  	_ =	swait.ge [sflag:s15], $0x4000  }
0x2d: {  	[sflag:s15] =	ssyncset.done $0x0  }
0x2e: {  	s11 =	rddreg [dreg:$0x5];
	[sflag:s15] =	ssyncadd.s32 $0xFFFFC000  }
0x2f: {  	[spmem:s11] =	stream.linear.scatter [tilespmem:s14], [sflag:$0x3], $0x4000, $0x38;
	[tilespmem:$0x1C800] =	vst v63  }
0x30: {  	_ =	swait.ge [sflag:s15], $0x4000  }
0x31: {  	[sflag:s15] =	ssyncset.done $0x0  }
0x32: {  	s8 =	rddreg [dreg:$0x6];
	[sflag:s15] =	ssyncadd.s32 $0xFFFFC000  }
0x33: {  	[spmem:s8] =	stream.linear.scatter [tilespmem:s14], [sflag:$0x3], $0x4000, $0x38;
	[tilespmem:$0x1C800] =	vst v63  }
0x34: {  	_ =	swait.ge [sflag:s15], $0x4000  }
0x35: {  	[sflag:s15] =	ssyncset.done $0x0  }
0x36: {  	s9 =	rddreg [dreg:$0x7];
	[sflag:s15] =	ssyncadd.s32 $0xFFFFC000  }
0x37: {  	[spmem:s9] =	stream.linear.scatter [tilespmem:s14], [sflag:$0x3], $0x4000, $0x38;
	[tilespmem:$0x1C800] =	vst v63  }
0x38: {  	_ =	swait.ge [sflag:s15], $0x4000  }
0x39: {  	[sflag:s15] =	ssyncset.done $0x0  }
0x3a: {  	[sflag:s15] =	ssyncadd.s32 $0xFFFFC000  }
0x3b: {  	s10 =	sadd.s32 $0x0, s13;
	[bflag:$0x0] =	sbarrier.arrive $0xFFFF  }
0x3c: {  	[tilespmem:s3], [sflag:$0x3] =	stream.linear.gather [hbm4b:s10+s3], $0x400, $0x38;
	[tilespmem:$0x1C800] =	vst v63  }
0x3d: {  	_ =	swait.ge [sflag:s15], $0x400  }
0x3e: {  	[sflag:s15] =	ssyncset.done $0x0  }
0x3f: {  	s11 =	sadd.s32 $0x0, s12;
	[sflag:s15] =	ssyncadd.s32 $0xFFFFFC00  }
0x40: {  	[tilespmem:s16], [sflag:$0x3] =	stream.linear.gather [hbm4b:s11+s3], $0x400, $0x38;
	[tilespmem:$0x1C800] =	vst v63  }
0x41: {  	_ =	swait.ge [sflag:s15], $0x400  }
0x42: {  	[sflag:s15] =	ssyncset.done $0x0  }
0x43: {  	[sflag:s15] =	ssyncadd.s32 $0xFFFFFC00  }
0x44: {  	[tilespmem:s14], [sflag:$0x1] =	stream.indirect.gather [hbm4b:s4+s17], $0x80, s3, s17, $0xb8;
	[tilespmem:$0x1C800] =	vst v63  }
0x45: {  	_ = 	snop  }
0x46: {  	[tilespmem:s18], [sflag:$0x2] =	stream.indirect.gather [hbm4b:s4+s17], $0x80, s17, s17, $0xb8;
	[tilespmem:$0x1C800] =	vst v63  }
0x47: {  	_ =	swait.ge [sflag:s19], $0x4000  }
0x48: {  	[sflag:s19] =	ssyncset.done $0x0  }
0x49: {  	[sflag:s19] =	ssyncadd.s32 $0xFFFFC000  }
0x4a: {  	[spmem:s2] =	stream.indirect.scatter.add.f32 [tilespmem:s14], [sflag:$0x3], $0x80, s16, s17, $0xb8;
	[tilespmem:$0x1C800] =	vst v63  }
0x4b: {  	_ =	swait.ge [sflag:s15], $0x4000  }
0x4c: {  	[sflag:s15] =	ssyncset.done $0x0  }
0x4d: {  	[sflag:s15] =	ssyncadd.s32 $0xFFFFC000  }
0x4e: {  	[tilespmem:s14], [sflag:$0x1] =	stream.indirect.gather [hbm4b:s4+s17], $0x80, s20, s17, $0xb8;
	[tilespmem:$0x1C800] =	vst v63  }
0x4f: {  	_ =	swait.ge [sflag:s21], $0x4000  }
0x50: {  	[sflag:s21] =	ssyncset.done $0x0  }
0x51: {  	[sflag:s21] =	ssyncadd.s32 $0xFFFFC000  }
0x52: {  	[spmem:s2] =	stream.indirect.scatter.add.f32 [tilespmem:s18], [sflag:$0x3], $0x80, s22, s17, $0xb8;
	[tilespmem:$0x1C800] =	vst v63  }
0x53: {  	_ =	swait.ge [sflag:s15], $0x4000  }
0x54: {  	[sflag:s15] =	ssyncset.done $0x0  }
0x55: {  	[sflag:s15] =	ssyncadd.s32 $0xFFFFC000  }
0x56: {  	[tilespmem:s18], [sflag:$0x2] =	stream.indirect.gather [hbm4b:s4+s17], $0x80, s23, s17, $0xb8;
	[tilespmem:$0x1C800] =	vst v63  }
0x57: {  	_ =	swait.ge [sflag:s19], $0x4000  }
0x58: {  	[sflag:s19] =	ssyncset.done $0x0  }
0x59: {  	[sflag:s19] =	ssyncadd.s32 $0xFFFFC000  }
0x5a: {  	[spmem:s2] =	stream.indirect.scatter.add.f32 [tilespmem:s14], [sflag:$0x3], $0x80, s24, s17, $0xb8;
	[tilespmem:$0x1C800] =	vst v63  }
0x5b: {  	_ =	swait.ge [sflag:s15], $0x4000  }
0x5c: {  	[sflag:s15] =	ssyncset.done $0x0  }
0x5d: {  	[sflag:s15] =	ssyncadd.s32 $0xFFFFC000  }
0x5e: {  	[tilespmem:s14], [sflag:$0x1] =	stream.indirect.gather [hbm4b:s4+s17], $0x80, s25, s17, $0xb8;
	[tilespmem:$0x1C800] =	vst v63  }
0x5f: {  	_ =	swait.ge [sflag:s21], $0x4000  }
0x60: {  	[sflag:s21] =	ssyncset.done $0x0  }
0x61: {  	[sflag:s21] =	ssyncadd.s32 $0xFFFFC000  }
0x62: {  	[spmem:s2] =	stream.indirect.scatter.add.f32 [tilespmem:s18], [sflag:$0x3], $0x80, s26, s17, $0xb8;
	[tilespmem:$0x1C800] =	vst v63  }
0x63: {  	_ =	swait.ge [sflag:s15], $0x4000  }
0x64: {  	[sflag:s15] =	ssyncset.done $0x0  }
0x65: {  	[sflag:s15] =	ssyncadd.s32 $0xFFFFC000  }
0x66: {  	[tilespmem:s18], [sflag:$0x2] =	stream.indirect.gather [hbm4b:s4+s17], $0x80, s28, s17, $0xb8;
	[tilespmem:$0x1C800] =	vst v63  }
0x67: {  	_ =	swait.ge [sflag:s19], $0x4000  }
0x68: {  	[sflag:s19] =	ssyncset.done $0x0  }
0x69: {  	[sflag:s19] =	ssyncadd.s32 $0xFFFFC000  }
0x6a: {  	[spmem:s2] =	stream.indirect.scatter.add.f32 [tilespmem:s14], [sflag:$0x3], $0x80, s29, s17, $0xb8;
	[tilespmem:$0x1C800] =	vst v63  }
0x6b: {  	_ =	swait.ge [sflag:s15], $0x4000  }
0x6c: {  	[sflag:s15] =	ssyncset.done $0x0  }
0x6d: {  	[sflag:s15] =	ssyncadd.s32 $0xFFFFC000  }
0x6e: {  	[tilespmem:s14], [sflag:$0x1] =	stream.indirect.gather [hbm4b:s4+s17], $0x80, s30, s17, $0xb8;
	[tilespmem:$0x1C800] =	vst v63  }
0x6f: {  	_ =	swait.ge [sflag:s21], $0x4000  }
0x70: {  	[sflag:s21] =	ssyncset.done $0x0  }
0x71: {  	[sflag:s21] =	ssyncadd.s32 $0xFFFFC000  }
0x72: {  	[spmem:s2] =	stream.indirect.scatter.add.f32 [tilespmem:s18], [sflag:$0x3], $0x80, s31, s17, $0xb8;
	[tilespmem:$0x1C800] =	vst v63  }
0x73: {  	_ =	swait.ge [sflag:s15], $0x4000  }
0x74: {  	[sflag:s15] =	ssyncset.done $0x0  }
0x75: {  	[sflag:s15] =	ssyncadd.s32 $0xFFFFC000  }
0x76: {  	[tilespmem:s18], [sflag:$0x2] =	stream.indirect.gather [hbm4b:s4+s17], $0x80, s1, s17, $0xb8;
	[tilespmem:$0x1C800] =	vst v63  }
0x77: {  	_ =	swait.ge [sflag:s19], $0x4000  }
0x78: {  	[sflag:s19] =	ssyncset.done $0x0  }
0x79: {  	[sflag:s19] =	ssyncadd.s32 $0xFFFFC000  }
0x7a: {  	[spmem:s2] =	stream.indirect.scatter.add.f32 [tilespmem:s14], [sflag:$0x3], $0x80, s0, s17, $0xb8;
	[tilespmem:$0x1C800] =	vst v63  }
0x7b: {  	_ =	swait.ge [sflag:s15], $0x4000  }
0x7c: {  	[sflag:s15] =	ssyncset.done $0x0  }
0x7d: {  	[sflag:s15] =	ssyncadd.s32 $0xFFFFC000  }
0x7e: {  	_ =	swait.ge [sflag:s21], $0x4000  }
0x7f: {  	[sflag:s21] =	ssyncset.done $0x0  }
0x80: {  	[sflag:s21] =	ssyncadd.s32 $0xFFFFC000  }
0x81: {  	[spmem:s2] =	stream.indirect.scatter.add.f32 [tilespmem:s18], [sflag:$0x3], $0x80, s6, s17, $0xb8;
	[tilespmem:$0x1C800] =	vst v63  }
0x82: {  	_ =	swait.ge [sflag:s15], $0x4000  }
0x83: {  	s8 =	simm.s32 $0x80;
	s9 =	simm.s32 $0x100;
	[sflag:s15] =	ssyncset.done $0x0  }
.LBB2_4:
0x84: {  	s11 =	sadd.s32 s8, s13  }
0x85: {  	[sflag:s15] =	ssyncadd.s32 $0xFFFFC000;
	s5 =	smov.u32 s9;
	s10 =	sadd.s32 $0x80, s9  }
0x86: {  	[tilespmem:s3], [sflag:$0x3] =	stream.linear.gather [hbm4b:s11+s3], $0x400, $0x38;
	[tilespmem:$0x1C800] =	vst v63  }
0x87: {  	p0 =	sne.s32 s9, $0x480;
	_ =	swait.ge [sflag:s15], $0x400  }
0x88: {  	[sflag:s15] =	ssyncset.done $0x0  }
0x89: {  	s9 =	sadd.s32 s8, s12;
	s8 =	smov.u32 s5;
	[sflag:s15] =	ssyncadd.s32 $0xFFFFFC00  }
0x8a: {  	[tilespmem:s16], [sflag:$0x3] =	stream.linear.gather [hbm4b:s9+s3], $0x400, $0x38;
	[tilespmem:$0x1C800] =	vst v63  }
0x8b: {  	_ =	swait.ge [sflag:s15], $0x400  }
0x8c: {  	[sflag:s15] =	ssyncset.done $0x0  }
0x8d: {  	[sflag:s15] =	ssyncadd.s32 $0xFFFFFC00  }
0x8e: {  	[tilespmem:s14], [sflag:$0x1] =	stream.indirect.gather [hbm4b:s4+s17], $0x80, s3, s17, $0xb8;
	[tilespmem:$0x1C800] =	vst v63  }
0x8f: {  	_ = 	snop  }
0x90: {  	[tilespmem:s18], [sflag:$0x2] =	stream.indirect.gather [hbm4b:s4+s17], $0x80, s17, s17, $0xb8;
	[tilespmem:$0x1C800] =	vst v63  }
0x91: {  	_ =	swait.ge [sflag:s19], $0x4000  }
0x92: {  	[sflag:s19] =	ssyncset.done $0x0  }
0x93: {  	[sflag:s19] =	ssyncadd.s32 $0xFFFFC000  }
0x94: {  	[spmem:s2] =	stream.indirect.scatter.add.f32 [tilespmem:s14], [sflag:$0x3], $0x80, s16, s17, $0xb8;
	[tilespmem:$0x1C800] =	vst v63  }
0x95: {  	_ =	swait.ge [sflag:s15], $0x4000  }
0x96: {  	[sflag:s15] =	ssyncset.done $0x0  }
0x97: {  	[sflag:s15] =	ssyncadd.s32 $0xFFFFC000  }
0x98: {  	[tilespmem:s14], [sflag:$0x1] =	stream.indirect.gather [hbm4b:s4+s17], $0x80, s20, s17, $0xb8;
	[tilespmem:$0x1C800] =	vst v63  }
0x99: {  	_ =	swait.ge [sflag:s21], $0x4000  }
0x9a: {  	[sflag:s21] =	ssyncset.done $0x0  }
0x9b: {  	[sflag:s21] =	ssyncadd.s32 $0xFFFFC000  }
0x9c: {  	[spmem:s2] =	stream.indirect.scatter.add.f32 [tilespmem:s18], [sflag:$0x3], $0x80, s22, s17, $0xb8;
	[tilespmem:$0x1C800] =	vst v63  }
0x9d: {  	_ =	swait.ge [sflag:s15], $0x4000  }
0x9e: {  	[sflag:s15] =	ssyncset.done $0x0  }
0x9f: {  	[sflag:s15] =	ssyncadd.s32 $0xFFFFC000  }
0xa0: {  	[tilespmem:s18], [sflag:$0x2] =	stream.indirect.gather [hbm4b:s4+s17], $0x80, s23, s17, $0xb8;
	[tilespmem:$0x1C800] =	vst v63  }
0xa1: {  	_ =	swait.ge [sflag:s19], $0x4000  }
0xa2: {  	[sflag:s19] =	ssyncset.done $0x0  }
0xa3: {  	[sflag:s19] =	ssyncadd.s32 $0xFFFFC000  }
0xa4: {  	[spmem:s2] =	stream.indirect.scatter.add.f32 [tilespmem:s14], [sflag:$0x3], $0x80, s24, s17, $0xb8;
	[tilespmem:$0x1C800] =	vst v63  }
0xa5: {  	_ =	swait.ge [sflag:s15], $0x4000  }
0xa6: {  	[sflag:s15] =	ssyncset.done $0x0  }
0xa7: {  	[sflag:s15] =	ssyncadd.s32 $0xFFFFC000  }
0xa8: {  	[tilespmem:s14], [sflag:$0x1] =	stream.indirect.gather [hbm4b:s4+s17], $0x80, s25, s17, $0xb8;
	[tilespmem:$0x1C800] =	vst v63  }
0xa9: {  	_ =	swait.ge [sflag:s21], $0x4000  }
0xaa: {  	[sflag:s21] =	ssyncset.done $0x0  }
0xab: {  	[sflag:s21] =	ssyncadd.s32 $0xFFFFC000  }
0xac: {  	[spmem:s2] =	stream.indirect.scatter.add.f32 [tilespmem:s18], [sflag:$0x3], $0x80, s26, s17, $0xb8;
	[tilespmem:$0x1C800] =	vst v63  }
0xad: {  	_ =	swait.ge [sflag:s15], $0x4000  }
0xae: {  	[sflag:s15] =	ssyncset.done $0x0  }
0xaf: {  	[sflag:s15] =	ssyncadd.s32 $0xFFFFC000  }
0xb0: {  	[tilespmem:s18], [sflag:$0x2] =	stream.indirect.gather [hbm4b:s4+s17], $0x80, s28, s17, $0xb8;
	[tilespmem:$0x1C800] =	vst v63  }
0xb1: {  	_ =	swait.ge [sflag:s19], $0x4000  }
0xb2: {  	[sflag:s19] =	ssyncset.done $0x0  }
0xb3: {  	[sflag:s19] =	ssyncadd.s32 $0xFFFFC000  }
0xb4: {  	[spmem:s2] =	stream.indirect.scatter.add.f32 [tilespmem:s14], [sflag:$0x3], $0x80, s29, s17, $0xb8;
	[tilespmem:$0x1C800] =	vst v63  }
0xb5: {  	_ =	swait.ge [sflag:s15], $0x4000  }
0xb6: {  	[sflag:s15] =	ssyncset.done $0x0  }
0xb7: {  	[sflag:s15] =	ssyncadd.s32 $0xFFFFC000  }
0xb8: {  	[tilespmem:s14], [sflag:$0x1] =	stream.indirect.gather [hbm4b:s4+s17], $0x80, s30, s17, $0xb8;
	[tilespmem:$0x1C800] =	vst v63  }
0xb9: {  	_ =	swait.ge [sflag:s21], $0x4000  }
0xba: {  	[sflag:s21] =	ssyncset.done $0x0  }
0xbb: {  	[sflag:s21] =	ssyncadd.s32 $0xFFFFC000  }
0xbc: {  	[spmem:s2] =	stream.indirect.scatter.add.f32 [tilespmem:s18], [sflag:$0x3], $0x80, s31, s17, $0xb8;
	[tilespmem:$0x1C800] =	vst v63  }
0xbd: {  	_ =	swait.ge [sflag:s15], $0x4000  }
0xbe: {  	[sflag:s15] =	ssyncset.done $0x0  }
0xbf: {  	[sflag:s15] =	ssyncadd.s32 $0xFFFFC000  }
0xc0: {  	[tilespmem:s18], [sflag:$0x2] =	stream.indirect.gather [hbm4b:s4+s17], $0x80, s1, s17, $0xb8;
	[tilespmem:$0x1C800] =	vst v63  }
0xc1: {  	_ =	swait.ge [sflag:s19], $0x4000  }
0xc2: {  	[sflag:s19] =	ssyncset.done $0x0  }
0xc3: {  	[sflag:s19] =	ssyncadd.s32 $0xFFFFC000  }
0xc4: {  	[spmem:s2] =	stream.indirect.scatter.add.f32 [tilespmem:s14], [sflag:$0x3], $0x80, s0, s17, $0xb8;
	[tilespmem:$0x1C800] =	vst v63  }
0xc5: {  	_ =	swait.ge [sflag:s15], $0x4000  }
0xc6: {  	[sflag:s15] =	ssyncset.done $0x0  }
0xc7: {  	[sflag:s15] =	ssyncadd.s32 $0xFFFFC000  }
0xc8: {  	_ =	swait.ge [sflag:s21], $0x4000  }
.Ltmp1:
0xc9: {  	[sflag:s21] =	ssyncset.done $0x0;
	(pc) =	sbr.rel @p0 .LBB2_4-.Ltmp1, $4  }
0xca: {  	[sflag:s21] =	ssyncadd.s32 $0xFFFFC000  }
0xcb: {  	[spmem:s2] =	stream.indirect.scatter.add.f32 [tilespmem:s18], [sflag:$0x3], $0x80, s6, s17, $0xb8;
	[tilespmem:$0x1C800] =	vst v63  }
0xcc: {  	_ =	swait.ge [sflag:s15], $0x4000  }
0xcd: {  	s9 =	smov.u32 s10;
	[sflag:s15] =	ssyncset.done $0x0  }
0xce: {  	s5 =	sadd.s32 s8, s13;
	[sflag:s15] =	ssyncadd.s32 $0xFFFFC000  }
0xcf: {  	[tilespmem:s3], [sflag:$0x3] =	stream.linear.gather [hbm4b:s5+s3], $0x400, $0x38;
	[tilespmem:$0x1C800] =	vst v63  }
0xd0: {  	_ =	swait.ge [sflag:s15], $0x400  }
0xd1: {  	[sflag:s15] =	ssyncset.done $0x0  }
0xd2: {  	s9 =	sadd.s32 s8, s12;
	[sflag:s15] =	ssyncadd.s32 $0xFFFFFC00  }
0xd3: {  	[tilespmem:s16], [sflag:$0x3] =	stream.linear.gather [hbm4b:s9+s3], $0x400, $0x38;
	[tilespmem:$0x1C800] =	vst v63  }
0xd4: {  	_ =	swait.ge [sflag:s15], $0x400  }
0xd5: {  	[sflag:s15] =	ssyncset.done $0x0  }
0xd6: {  	[sflag:s15] =	ssyncadd.s32 $0xFFFFFC00  }
0xd7: {  	[tilespmem:s14], [sflag:$0x1] =	stream.indirect.gather [hbm4b:s4+s17], $0x80, s3, s17, $0xb8;
	[tilespmem:$0x1C800] =	vst v63  }
0xd8: {  	_ = 	snop  }
0xd9: {  	[tilespmem:s18], [sflag:$0x2] =	stream.indirect.gather [hbm4b:s4+s17], $0x80, s17, s17, $0xb8;
	[tilespmem:$0x1C800] =	vst v63  }
0xda: {  	_ =	swait.ge [sflag:s19], $0x4000  }
0xdb: {  	[sflag:s19] =	ssyncset.done $0x0  }
0xdc: {  	[sflag:s19] =	ssyncadd.s32 $0xFFFFC000  }
0xdd: {  	[spmem:s2] =	stream.indirect.scatter.add.f32 [tilespmem:s14], [sflag:$0x3], $0x80, s16, s17, $0xb8;
	[tilespmem:$0x1C800] =	vst v63  }
0xde: {  	_ =	swait.ge [sflag:s15], $0x4000  }
0xdf: {  	[sflag:s15] =	ssyncset.done $0x0  }
0xe0: {  	[sflag:s15] =	ssyncadd.s32 $0xFFFFC000  }
0xe1: {  	[tilespmem:s14], [sflag:$0x1] =	stream.indirect.gather [hbm4b:s4+s17], $0x80, s20, s17, $0xb8;
	[tilespmem:$0x1C800] =	vst v63  }
0xe2: {  	_ =	swait.ge [sflag:s21], $0x4000  }
0xe3: {  	[sflag:s21] =	ssyncset.done $0x0  }
0xe4: {  	[sflag:s21] =	ssyncadd.s32 $0xFFFFC000  }
0xe5: {  	[spmem:s2] =	stream.indirect.scatter.add.f32 [tilespmem:s18], [sflag:$0x3], $0x80, s22, s17, $0xb8;
	[tilespmem:$0x1C800] =	vst v63  }
0xe6: {  	_ =	swait.ge [sflag:s15], $0x4000  }
0xe7: {  	[sflag:s15] =	ssyncset.done $0x0  }
0xe8: {  	[sflag:s15] =	ssyncadd.s32 $0xFFFFC000  }
0xe9: {  	[tilespmem:s18], [sflag:$0x2] =	stream.indirect.gather [hbm4b:s4+s17], $0x80, s23, s17, $0xb8;
	[tilespmem:$0x1C800] =	vst v63  }
0xea: {  	_ =	swait.ge [sflag:s19], $0x4000  }
0xeb: {  	[sflag:s19] =	ssyncset.done $0x0  }
0xec: {  	[sflag:s19] =	ssyncadd.s32 $0xFFFFC000  }
0xed: {  	[spmem:s2] =	stream.indirect.scatter.add.f32 [tilespmem:s14], [sflag:$0x3], $0x80, s24, s17, $0xb8;
	[tilespmem:$0x1C800] =	vst v63  }
0xee: {  	_ =	swait.ge [sflag:s15], $0x4000  }
0xef: {  	[sflag:s15] =	ssyncset.done $0x0  }
0xf0: {  	[sflag:s15] =	ssyncadd.s32 $0xFFFFC000  }
0xf1: {  	[tilespmem:s14], [sflag:$0x1] =	stream.indirect.gather [hbm4b:s4+s17], $0x80, s25, s17, $0xb8;
	[tilespmem:$0x1C800] =	vst v63  }
0xf2: {  	_ =	swait.ge [sflag:s21], $0x4000  }
0xf3: {  	[sflag:s21] =	ssyncset.done $0x0  }
0xf4: {  	[sflag:s21] =	ssyncadd.s32 $0xFFFFC000  }
0xf5: {  	[spmem:s2] =	stream.indirect.scatter.add.f32 [tilespmem:s18], [sflag:$0x3], $0x80, s26, s17, $0xb8;
	[tilespmem:$0x1C800] =	vst v63  }
0xf6: {  	_ =	swait.ge [sflag:s15], $0x4000  }
0xf7: {  	[sflag:s15] =	ssyncset.done $0x0  }
0xf8: {  	[sflag:s15] =	ssyncadd.s32 $0xFFFFC000  }
0xf9: {  	[tilespmem:s18], [sflag:$0x2] =	stream.indirect.gather [hbm4b:s4+s17], $0x80, s28, s17, $0xb8;
	[tilespmem:$0x1C800] =	vst v63  }
0xfa: {  	_ =	swait.ge [sflag:s19], $0x4000  }
0xfb: {  	[sflag:s19] =	ssyncset.done $0x0  }
0xfc: {  	[sflag:s19] =	ssyncadd.s32 $0xFFFFC000  }
0xfd: {  	[spmem:s2] =	stream.indirect.scatter.add.f32 [tilespmem:s14], [sflag:$0x3], $0x80, s29, s17, $0xb8;
	[tilespmem:$0x1C800] =	vst v63  }
0xfe: {  	_ =	swait.ge [sflag:s15], $0x4000  }
0xff: {  	[sflag:s15] =	ssyncset.done $0x0  }
0x100: {  	[sflag:s15] =	ssyncadd.s32 $0xFFFFC000  }
0x101: {  	[tilespmem:s14], [sflag:$0x1] =	stream.indirect.gather [hbm4b:s4+s17], $0x80, s30, s17, $0xb8;
	[tilespmem:$0x1C800] =	vst v63  }
0x102: {  	_ =	swait.ge [sflag:s21], $0x4000  }
0x103: {  	[sflag:s21] =	ssyncset.done $0x0  }
0x104: {  	[sflag:s21] =	ssyncadd.s32 $0xFFFFC000  }
0x105: {  	[spmem:s2] =	stream.indirect.scatter.add.f32 [tilespmem:s18], [sflag:$0x3], $0x80, s31, s17, $0xb8;
	[tilespmem:$0x1C800] =	vst v63  }
0x106: {  	_ =	swait.ge [sflag:s15], $0x4000  }
0x107: {  	[sflag:s15] =	ssyncset.done $0x0  }
0x108: {  	[sflag:s15] =	ssyncadd.s32 $0xFFFFC000  }
0x109: {  	[tilespmem:s18], [sflag:$0x2] =	stream.indirect.gather [hbm4b:s4+s17], $0x80, s1, s17, $0xb8;
	[tilespmem:$0x1C800] =	vst v63  }
0x10a: {  	_ =	swait.ge [sflag:s19], $0x4000  }
0x10b: {  	[sflag:s19] =	ssyncset.done $0x0  }
0x10c: {  	[sflag:s19] =	ssyncadd.s32 $0xFFFFC000  }
0x10d: {  	[spmem:s2] =	stream.indirect.scatter.add.f32 [tilespmem:s14], [sflag:$0x3], $0x80, s0, s17, $0xb8;
	[tilespmem:$0x1C800] =	vst v63  }
0x10e: {  	_ =	swait.ge [sflag:s15], $0x4000  }
0x10f: {  	[sflag:s15] =	ssyncset.done $0x0  }
0x110: {  	[sflag:s15] =	ssyncadd.s32 $0xFFFFC000  }
0x111: {  	_ =	swait.ge [sflag:s21], $0x4000  }
0x112: {  	[sflag:s21] =	ssyncset.done $0x0  }
0x113: {  	[sflag:s21] =	ssyncadd.s32 $0xFFFFC000  }
0x114: {  	[spmem:s2] =	stream.indirect.scatter.add.f32 [tilespmem:s18], [sflag:$0x3], $0x80, s6, s17, $0xb8;
	[tilespmem:$0x1C800] =	vst v63  }
0x115: {  	_ =	swait.ge [sflag:s15], $0x4000  }
0x116: {  	[sflag:s15] =	ssyncset.done $0x0  }
0x117: {  	[sflag:s15] =	ssyncadd.s32 $0xFFFFC000  }
0x118: {  	s10 =	stileid.u32;
	[bflag:$0x0] =	sbarrier.arrive $0xFFFF  }
0x119: {  	s5 =	sshll.u32 s10, $0x6;
	s10 =	rddreg [dreg:$0x3]  }
0x11a: {  	s5 =	sor.u32 $0x1C03, s5;
	s9 =	rddreg [dreg:$0x8];
	s11 =	sshrl.u32 s10, $0x3  }
0x11b: {  	[hbm:s9], [sflag:s5] =	dma.local [spmem:s11], $0x2800  }
0x11c: {  	_ =	swait.ge [sflag:s15], $0x2800  }
0x11d: {  	s7 =	sadd.s32 $0x1, s7;
	s11 =	rddreg [dreg:$0x9]  }
0x11e: {  	p0 =	sne.s32 s7, s11  }
.Ltmp2:
0x11f: {  	_ = 	snop;
	(pc) =	sbr.rel @p0 .LBB2_1-.Ltmp2, $3  }
0x120: {  	_ =	sdelay $0x1  }
0x121: {  	[sflag:s15] =	ssyncset.done $0x0  }
0x122: {  	[sflag:s15] =	ssyncadd.s32 $0xFFFFD800  }
0x123: {  	_ =	sfence.sel $0x180000  }
0x124: {  	[bflag:$0x0] =	sbarrier.arrive $0xFFFF  }
0x125: {  	_ =	strace $0x90000050  }
0x126: {  	s0 =	stileid.u32;
	[bflag:$0x2] =	sbarrier.arrive $0xFFFF  }
0x127: {  	p0 =	sne.s32 s0, $0x0;
	s0 =	rddreg [dreg:$0x2]  }
0x128: {  	s0 =	sadd.s32 @!p0 $0x100000, s0  }
0x129: {  	[sflag:s0] =	ssyncadd.tile.s32 @!p0 $0x1;
	_ =	shalt  }
.Lfunc_end2:
_tile_overlayer_lowered:
.L_overlay_start_2:
0x12a: {  	(tag) =	ssettag $0x2  }
0x12b: {  	s0 =	rddreg [dreg:$0x0];
	s2 =	stileid.u32  }
0x12c: {  	s1 =	rddreg [dreg:$0x1];
	p0 =	sne.s32 s2, $0x0  }
0x12d: {  	s3 =	rddreg [dreg:$0x2];
	[bflag:$0x3] =	sbarrier.arrive $0xFFFF;
	s2 =	simm.s32 @!p0 $0x1C03  }
0x12e: {  	[timem:s3], [sflag:s2] =	dma.local @!p0 [hbm:s0], s1  }
0x12f: {  	s0 =	simm.s32 @!p0 $0x3  }
0x130: {  	_ =	swait.ge @!p0 [sflag:s0], s1  }
0x131: {  	s1 =	ssub.s32 @!p0 $0x0, s1;
	[sflag:s0] =	ssyncset.done @!p0 $0x0  }
0x132: {  	[sflag:s0] =	ssyncadd.s32 @!p0 s1  }
0x133: {  	[bflag:$0x3] =	sbarrier.arrive $0xFFFF  }
0x134: {  	_ =	shalt  }

</sc_bundles>
